<compile_context>
chip_gen: v7x
topology: tpu7x:2x2x1
jax: 0.10.2.dev20260603
libtpu: 0.0.44.dev20260713+nightly
codegen_flags: <defaults>
</compile_context>

<pallas_src>
import functools

import jax
import jax.numpy as jnp
from jax import lax
from jax.experimental import pallas as pl
from jax.experimental.pallas import tpu as pltpu
from jax.experimental.pallas import tpu_sc as plsc

_NC = 2
_NS = 16
_NW = _NC * _NS



def _mm_bias_body(x_ref, w_ref, b_ref, o_ref):
    o_ref[...] = (
        jnp.dot(x_ref[...], w_ref[...], preferred_element_type=jnp.float32)
        + b_ref[...]
    )


def _mm_bias(x, w, b, bm=1000):
    m, k = x.shape
    n = w.shape[1]
    return pl.pallas_call(
        _mm_bias_body,
        grid=(m // bm,),
        in_specs=[
            pl.BlockSpec((bm, k), lambda i: (i, 0)),
            pl.BlockSpec((k, n), lambda i: (0, 0)),
            pl.BlockSpec((1, n), lambda i: (0, 0)),
        ],
        out_specs=pl.BlockSpec((bm, n), lambda i: (i, 0)),
        out_shape=jax.ShapeDtypeStruct((m, n), jnp.float32),
    )(x, w, b.reshape(1, -1))


def _mm2_bias_body(xa_ref, xb_ref, wa_ref, wb_ref, b_ref, o_ref):
    o_ref[...] = (
        jnp.dot(xa_ref[...], wa_ref[...], preferred_element_type=jnp.float32)
        + jnp.dot(xb_ref[...], wb_ref[...], preferred_element_type=jnp.float32)
        + b_ref[...]
    )


def _mm2_bias(xa, xb, wa, wb, b, bm=1000):
    m, ka = xa.shape
    n = wa.shape[1]
    kb = xb.shape[1]
    return pl.pallas_call(
        _mm2_bias_body,
        grid=(m // bm,),
        in_specs=[
            pl.BlockSpec((bm, ka), lambda i: (i, 0)),
            pl.BlockSpec((bm, kb), lambda i: (i, 0)),
            pl.BlockSpec((ka, n), lambda i: (0, 0)),
            pl.BlockSpec((kb, n), lambda i: (0, 0)),
            pl.BlockSpec((1, n), lambda i: (0, 0)),
        ],
        out_specs=pl.BlockSpec((bm, n), lambda i: (i, 0)),
        out_shape=jax.ShapeDtypeStruct((m, n), jnp.float32),
    )(xa, xb, wa, wb, b.reshape(1, -1))



def _lstm_pair_body(chunk, g, pf_ref, pb_ref, wf_ref, wb_ref,
                    of_ref, ob_ref, st_ref):
    i = pl.program_id(0)

    @pl.when(i == 0)
    def _():
        st_ref[...] = jnp.zeros_like(st_ref)

    wf = wf_ref[...]
    wb = wb_ref[...]

    def gates(gv, c):
        ig = jax.nn.sigmoid(gv[:, 0:128])
        fg = jax.nn.sigmoid(gv[:, 128:256])
        gg = jnp.tanh(gv[:, 256:384])
        og = jax.nn.sigmoid(gv[:, 384:512])
        c = fg * c + ig * gg
        h = og * jnp.tanh(c)
        return h, c

    def step(t, carry):
        hf, cf, hb, cb = carry
        gf = jnp.dot(hf.astype(jnp.bfloat16), wf,
                     preferred_element_type=jnp.float32) \
            + pf_ref[pl.ds(t, 1), :]
        gb = jnp.dot(hb.astype(jnp.bfloat16), wb,
                     preferred_element_type=jnp.float32) \
            + pb_ref[pl.ds(chunk - 1 - t, 1), :]
        hf, cf = gates(gf, cf)
        hb, cb = gates(gb, cb)
        of_ref[pl.ds(t, 1), :] = hf
        ob_ref[pl.ds(chunk - 1 - t, 1), :] = hb
        return hf, cf, hb, cb

    init = (st_ref[0:1, :], st_ref[1:2, :], st_ref[2:3, :], st_ref[3:4, :])
    hf, cf, hb, cb = lax.fori_loop(0, chunk, step, init)
    st_ref[0:1, :] = hf
    st_ref[1:2, :] = cf
    st_ref[2:3, :] = hb
    st_ref[3:4, :] = cb


def _lstm_pair(p_all, whh_f_t, whh_b_t, chunk=1000):
    t_len = p_all.shape[0]
    g = t_len // chunk
    body = functools.partial(_lstm_pair_body, chunk, g)
    return pl.pallas_call(
        body,
        grid=(g,),
        in_specs=[
            pl.BlockSpec((chunk, 512), lambda i: (i, 0)),
            pl.BlockSpec((chunk, 512), lambda i, _g=g: (_g - 1 - i, 1)),
            pl.BlockSpec((128, 512), lambda i: (0, 0)),
            pl.BlockSpec((128, 512), lambda i: (0, 0)),
        ],
        out_specs=[
            pl.BlockSpec((chunk, 128), lambda i: (i, 0)),
            pl.BlockSpec((chunk, 128), lambda i, _g=g: (_g - 1 - i, 0)),
        ],
        out_shape=[
            jax.ShapeDtypeStruct((t_len, 128), jnp.float32),
            jax.ShapeDtypeStruct((t_len, 128), jnp.float32),
        ],
        scratch_shapes=[pltpu.VMEM((8, 128), jnp.float32)],
    )(p_all, p_all, whh_f_t.astype(jnp.bfloat16),
      whh_b_t.astype(jnp.bfloat16))



def _dis_from_degp(dp_ref):
    deg = dp_ref[0] + dp_ref[1]
    return jnp.where(deg > 0, lax.rsqrt(jnp.maximum(deg, 1e-12)), 0.0)


def _u1_body(f1_ref, b1_ref, dp_ref, wa_ref, wb_ref, o_ref):
    dis = _dis_from_degp(dp_ref)
    h = (jnp.dot(f1_ref[...], wa_ref[...], preferred_element_type=jnp.float32)
         + jnp.dot(b1_ref[...], wb_ref[...], preferred_element_type=jnp.float32))
    o_ref[...] = h * dis


def _u1(f1, b1, degp, wa, wb):
    n = f1.shape[0]
    d = wa.shape[1]
    return pl.pallas_call(
        _u1_body,
        out_shape=jax.ShapeDtypeStruct((n, d), jnp.float32),
    )(f1, b1, degp, wa, wb)


def _bn_next_body(d_in, ap_ref, dp_ref, bg_ref, bnw_ref, bnb_ref, w_ref,
                  bo_ref, o_ref):
    dis = _dis_from_degp(dp_ref)
    gv = (ap_ref[0, :, 0:d_in] + ap_ref[1, :, 0:d_in]) * dis + bg_ref[...]
    m = jnp.mean(gv, axis=0, keepdims=True)
    dv = gv - m
    v = jnp.mean(dv * dv, axis=0, keepdims=True)
    gn = dv * lax.rsqrt(v + 1e-5) * bnw_ref[...] + bnb_ref[...]
    r = jnp.maximum(gn, 0.0)
    o_ref[...] = (
        jnp.dot(r, w_ref[...], preferred_element_type=jnp.float32)
        + bo_ref[...]
    )


def _bn_next(ap, degp, bg, bnw, bnb, w, bo, scale_dis):
    n = ap.shape[1]
    d = w.shape[1]
    d_in = bg.shape[0]
    if scale_dis:
        body = functools.partial(_bn_next_scaled_body, d_in)
    else:
        body = functools.partial(_bn_next_body, d_in)
    return pl.pallas_call(
        body,
        out_shape=jax.ShapeDtypeStruct((n, d), jnp.float32),
    )(ap, degp, bg.reshape(1, -1), bnw.reshape(1, -1), bnb.reshape(1, -1),
      w, bo.reshape(1, -1))


def _bn_next_scaled_body(d_in, ap_ref, dp_ref, bg_ref, bnw_ref, bnb_ref,
                         w_ref, bo_ref, o_ref):
    dis = _dis_from_degp(dp_ref)
    gv = (ap_ref[0, :, 0:d_in] + ap_ref[1, :, 0:d_in]) * dis + bg_ref[...]
    m = jnp.mean(gv, axis=0, keepdims=True)
    dv = gv - m
    v = jnp.mean(dv * dv, axis=0, keepdims=True)
    gn = dv * lax.rsqrt(v + 1e-5) * bnw_ref[...] + bnb_ref[...]
    r = jnp.maximum(gn, 0.0)
    o_ref[...] = (
        jnp.dot(r, w_ref[...], preferred_element_type=jnp.float32)
        + bo_ref[...]
    ) * dis



def _sc_mesh():
    return plsc.VectorSubcoreMesh(core_axis_name="c", subcore_axis_name="s",
                                  num_cores=_NC, num_subcores=_NS)


def _row_split(n_nodes):
    per = (n_nodes // (8 * _NS)) * 8
    tail = n_nodes - _NS * per
    return per, tail


def _zero_shared(sh_ref, z_hbm, n_nodes, sid):
    per, tail = _row_split(n_nodes)
    base = sid * per
    nfull = per // 128
    rem = per - nfull * 128
    for k in range(nfull):
        pltpu.sync_copy(z_hbm, sh_ref.at[pl.ds(base + k * 128, 128)])
    if rem:
        pltpu.sync_copy(z_hbm.at[pl.ds(0, rem)],
                        sh_ref.at[pl.ds(base + nfull * 128, rem)])
    if tail:
        @pl.when(sid == 0)
        def _():
            pltpu.sync_copy(z_hbm.at[pl.ds(0, tail)],
                            sh_ref.at[pl.ds(_NS * per, tail)])


def _writeback_shared(sh_ref, out_hbm, n_nodes, cid, sid):
    per, tail = _row_split(n_nodes)
    base = sid * per
    pltpu.sync_copy(sh_ref.at[pl.ds(base, per)],
                    out_hbm.at[cid, pl.ds(base, per)])
    if tail:
        @pl.when(sid == 0)
        def _():
            pltpu.sync_copy(sh_ref.at[pl.ds(_NS * per, tail)],
                            out_hbm.at[cid, pl.ds(_NS * per, tail)])


def _deg_body(n_pad, ept, ch, col_hbm, out_hbm, deg_v, col_v, sh_ref,
              buf_v, acc_v):
    cid = lax.axis_index("c")
    sid = lax.axis_index("s")
    wid = sid * _NC + cid
    zero16 = jnp.zeros((16,), jnp.float32)
    one16 = jnp.ones((16,), jnp.float32)

    def zero_body(i, _):
        deg_v[pl.ds(i * 16, 16)] = zero16
        return 0

    lax.fori_loop(0, n_pad // 16, zero_body, 0)

    nch = ept // ch

    def chunk_body(c, _):
        pltpu.sync_copy(col_hbm.at[pl.ds(wid * ept + c * ch, ch)], col_v)

        def it(k, _2):
            idx16 = col_v[pl.ds(k * 16, 16)]
            plsc.addupdate_scatter(deg_v, [idx16], one16)
            return 0

        lax.fori_loop(0, ch // 16, it, 0)
        return 0

    lax.fori_loop(0, nch, chunk_body, 0)

    pltpu.sync_copy(deg_v, sh_ref.at[sid])
    plsc.subcore_barrier()
    rows = n_pad // _NS
    base = sid * rows

    def zero2(i, _):
        acc_v[pl.ds(i * 16, 16)] = zero16
        return 0

    lax.fori_loop(0, rows // 16, zero2, 0)
    for j in range(_NS):
        pltpu.sync_copy(sh_ref.at[j, pl.ds(base, rows)], buf_v)

        def addb(i, _):
            acc_v[pl.ds(i * 16, 16)] = (acc_v[pl.ds(i * 16, 16)]
                                        + buf_v[pl.ds(i * 16, 16)])
            return 0

        lax.fori_loop(0, rows // 16, addb, 0)
    pltpu.sync_copy(acc_v, out_hbm.at[cid, pl.ds(base, rows)])


def _sc_degree(col, n_nodes):
    e = col.shape[0]
    ept = e // _NW
    ch = 4000
    n_pad = ((n_nodes + 2047) // 2048) * 2048
    body = functools.partial(_deg_body, n_pad, ept, ch)
    f = pl.kernel(
        body,
        out_type=jax.ShapeDtypeStruct((_NC, n_pad), jnp.float32),
        mesh=_sc_mesh(),
        compiler_params=pltpu.CompilerParams(needs_layout_passes=False),
        scratch_types=[
            pltpu.VMEM((n_pad,), jnp.float32),
            pltpu.VMEM((ch,), jnp.int32),
            pltpu.VMEM_SHARED((_NS, n_pad), jnp.float32),
            pltpu.VMEM((n_pad // _NS,), jnp.float32),
            pltpu.VMEM((n_pad // _NS,), jnp.float32),
        ],
    )
    return f(col)


_NBUF = 2
_CHB = 16


def _agg_body(n_nodes, d, ept, u_hbm, row_hbm, col_hbm, z_hbm, out_hbm,
              sh_ref, ri_c, ci_c, rows0, rows1, cb0, cb1, ic_r,
              sem0, sem1):
    cid = lax.axis_index("c")
    sid = lax.axis_index("s")
    wid = sid * _NC + cid
    rows_bufs = [rows0, rows1]
    cb_bufs = [cb0, cb1]
    sems = [sem0, sem1]
    _zero_shared(sh_ref, z_hbm, n_nodes, sid)
    plsc.subcore_barrier()

    ebase = wid * ept
    ch = _CHB * 128
    nb = ept // 128
    rem = ept - nb * 128
    ngroups = nb // _NBUF
    nch_full = nb // _CHB
    g_per_ch = _CHB // _NBUF
    g_tail_start = nch_full * g_per_ch
    tail_edges = ept - nch_full * ch

    def group(g, _):
        @pl.when(jnp.logical_and(g % g_per_ch == 0, g < g_tail_start))
        def _():
            c = g // g_per_ch
            pltpu.sync_copy(row_hbm.at[pl.ds(ebase + c * ch, ch)],
                            ri_c.at[pl.ds(0, ch)])
            pltpu.sync_copy(col_hbm.at[pl.ds(ebase + c * ch, ch)],
                            ci_c.at[pl.ds(0, ch)])

        if tail_edges > 0 and g_tail_start < ngroups + 1:
            @pl.when(g == g_tail_start)
            def _():
                pltpu.sync_copy(
                    row_hbm.at[pl.ds(ebase + nch_full * ch, tail_edges)],
                    ri_c.at[pl.ds(0, tail_edges)])
                pltpu.sync_copy(
                    col_hbm.at[pl.ds(ebase + nch_full * ch, tail_edges)],
                    ci_c.at[pl.ds(0, tail_edges)])

        bl0 = (g % g_per_ch) * _NBUF
        gdescs = []
        for j in range(_NBUF):
            bl = bl0 + j
            for k in range(8):
                cb_bufs[j][pl.ds(k * 16, 16)] = \
                    ci_c[pl.ds(bl * 128 + k * 16, 16)]
            gdescs.append(pltpu.async_copy(
                u_hbm.at[ri_c.at[pl.ds(bl * 128, 128)]],
                rows_bufs[j], sems[j]))
        sdescs = []
        for j in range(_NBUF):
            gdescs[j].wait()
            sdescs.append(pltpu.async_copy(
                rows_bufs[j], sh_ref.at[cb_bufs[j]], sems[j], add=True))
        for j in range(_NBUF):
            sdescs[j].wait()
        return 0

    lax.fori_loop(0, ngroups, group, 0)
    if rem:
        tb = nb - nch_full * _CHB
        off = tb * 128
        for k in range(rem // 16):
            ic_r[pl.ds(k * 16, 16)] = ci_c[pl.ds(off + k * 16, 16)]
        pltpu.async_copy(u_hbm.at[ri_c.at[pl.ds(off, rem)]],
                         rows0.at[pl.ds(0, rem)], sem0).wait()
        pltpu.sync_copy(rows0.at[pl.ds(0, rem)], sh_ref.at[ic_r], add=True)
    plsc.subcore_barrier()
    _writeback_shared(sh_ref, out_hbm, n_nodes, cid, sid)


def _sc_aggregate(u, row, col):
    n_nodes, d = u.shape
    e = row.shape[0]
    ept = e // _NW
    z_blk = jnp.zeros((128, d), jnp.float32)
    ch = _CHB * 128
    body = functools.partial(_agg_body, n_nodes, d, ept)
    f = pl.kernel(
        body,
        out_type=jax.ShapeDtypeStruct((_NC, n_nodes, d), jnp.float32),
        mesh=_sc_mesh(),
        scratch_types=[
            pltpu.VMEM_SHARED((n_nodes, d), jnp.float32),
            pltpu.VMEM((ch,), jnp.int32),
            pltpu.VMEM((ch,), jnp.int32),
            pltpu.VMEM((128, d), jnp.float32),
            pltpu.VMEM((128, d), jnp.float32),
            pltpu.VMEM((128,), jnp.int32),
            pltpu.VMEM((128,), jnp.int32),
            pltpu.VMEM((32,), jnp.int32),
            pltpu.SemaphoreType.DMA,
            pltpu.SemaphoreType.DMA,
        ],
    )
    return f(u, row, col, z_blk)


def _edge_out_body(n_nodes, ept, ch, zr_hbm, zc_hbm, row_hbm, col_hbm,
                   o0_hbm, o1_hbm, zr_v, zc_v, row_v, col_v, o0_v, o1_v):
    cid = lax.axis_index("c")
    sid = lax.axis_index("s")
    wid = sid * _NC + cid
    ebase = wid * ept
    pltpu.sync_copy(zr_hbm, zr_v)
    pltpu.sync_copy(zc_hbm, zc_v)

    nch = ept // ch

    def chunk_body(c, _):
        cbase = ebase + c * ch
        pltpu.sync_copy(row_hbm.at[pl.ds(cbase, ch)], row_v)
        pltpu.sync_copy(col_hbm.at[pl.ds(cbase, ch)], col_v)

        def it(k, _2):
            r2 = row_v[pl.ds(k * 16, 16)] * 2
            c2 = col_v[pl.ds(k * 16, 16)] * 2
            a0 = plsc.load_gather(zr_v, [r2])
            a1 = plsc.load_gather(zr_v, [r2 + 1])
            b0 = plsc.load_gather(zc_v, [c2])
            b1 = plsc.load_gather(zc_v, [c2 + 1])
            o0_v[pl.ds(k * 16, 16)] = a0 + b0
            o1_v[pl.ds(k * 16, 16)] = a1 + b1
            return 0

        lax.fori_loop(0, ch // 16, it, 0)
        pltpu.sync_copy(o0_v, o0_hbm.at[pl.ds(cbase, ch)])
        pltpu.sync_copy(o1_v, o1_hbm.at[pl.ds(cbase, ch)])
        return 0

    lax.fori_loop(0, nch, chunk_body, 0)


def _sc_edge_out(zr, zc, row, col):
    table_len = zr.shape[0]
    e = row.shape[0]
    ept = e // _NW
    ch = 4000
    body = functools.partial(_edge_out_body, table_len, ept, ch)
    f = pl.kernel(
        body,
        out_type=(
            jax.ShapeDtypeStruct((e,), jnp.float32),
            jax.ShapeDtypeStruct((e,), jnp.float32),
        ),
        mesh=_sc_mesh(),
        compiler_params=pltpu.CompilerParams(needs_layout_passes=False),
        scratch_types=[
            pltpu.VMEM((table_len,), jnp.float32),
            pltpu.VMEM((table_len,), jnp.float32),
            pltpu.VMEM((ch,), jnp.int32),
            pltpu.VMEM((ch,), jnp.int32),
            pltpu.VMEM((ch,), jnp.float32),
            pltpu.VMEM((ch,), jnp.float32),
        ],
    )
    return f(zr, zc, row, col)





def kernel(x, edge_index, params):
    p = params
    n_nodes = x.shape[0]
    row = edge_index[0]
    col = edge_index[1]

    w0 = jnp.concatenate([p['Wih_l0f'].T, p['Wih_l0b'].T], axis=1)
    bias0 = jnp.concatenate([p['bih_l0f'] + p['bhh_l0f'],
                             p['bih_l0b'] + p['bhh_l0b']])
    p0 = _mm_bias(x, w0, bias0)
    f0, b0 = _lstm_pair(p0, p['Whh_l0f'].T, p['Whh_l0b'].T)

    w1 = jnp.concatenate([p['Wih_l1f'].T, p['Wih_l1b'].T], axis=1)
    bias1 = jnp.concatenate([p['bih_l1f'] + p['bhh_l1f'],
                             p['bih_l1b'] + p['bhh_l1b']])
    p1 = _mm2_bias(f0, b0, w1[:128], w1[128:], bias1)
    f1, b1 = _lstm_pair(p1, p['Whh_l1f'].T, p['Whh_l1b'].T)

    degp = _sc_degree(col, n_nodes)
    degp = degp[:, :n_nodes, None]

    u1 = _u1(f1, b1, degp, p['W_g1'][:128], p['W_g1'][128:])
    ag1 = _sc_aggregate(u1, row, col)
    wg2p = jnp.zeros((128, 128), jnp.float32).at[:, 0:64].set(p['W_g2'])
    u2 = _bn_next(ag1, degp, p['b_g1'], p['bn1_w'], p['bn1_b'],
                  wg2p, jnp.zeros((128,), jnp.float32), scale_dis=True)
    ag2 = _sc_aggregate(u2, row, col)

    wp = jnp.zeros((64, 128), jnp.float32)
    wp = wp.at[:, 0:2].set(p['W_out'][:64])
    wp = wp.at[:, 64:66].set(p['W_out'][64:])
    bp = jnp.zeros((128,), jnp.float32).at[0:2].set(p['b_out'])
    zpack = _bn_next(ag2, degp, p['b_g2'], p['bn2_w'], p['bn2_b'],
                     wp, bp, scale_dis=False)
    zr = zpack[:, 0:2].reshape(-1)
    zc = zpack[:, 64:66].reshape(-1)
    o0, o1 = _sc_edge_out(zr, zc, row, col)
    return jnp.stack([o0, o1], axis=1)

# --- scband reference (transcript-rebuilt; emitter-appended) ---
"""Pipeline reference for scband-conversation-gcn-26637387170410 (READ-ONLY COPY).

The authoritative reference and input builder live on the scoring server;
editing this copy changes nothing except your own understanding.
"""

import jax, jax.numpy as jnp
import numpy as np


def _lstm_dir(x, Wih, Whh, bih, bhh, reverse):
    H = Whh.shape[1]
    def step(carry, xt):
        h, c = carry
        g = Wih @ xt + Whh @ h + bih + bhh
        i, f, gg, o = jnp.split(g, 4)
        i = jax.nn.sigmoid(i)
        f = jax.nn.sigmoid(f)
        gg = jnp.tanh(gg)
        o = jax.nn.sigmoid(o)
        c = f * c + i * gg
        h = o * jnp.tanh(c)
        return (h, c), h
    init = (jnp.zeros((H,), x.dtype), jnp.zeros((H,), x.dtype))
    _, hs = jax.lax.scan(step, init, x, reverse=reverse)
    return hs


def _bilstm(x, p, l):
    f = _lstm_dir(x, p['Wih_' + l + 'f'], p['Whh_' + l + 'f'], p['bih_' + l + 'f'], p['bhh_' + l + 'f'], False)
    b = _lstm_dir(x, p['Wih_' + l + 'b'], p['Whh_' + l + 'b'], p['bih_' + l + 'b'], p['bhh_' + l + 'b'], True)
    return jnp.concatenate([f, b], axis=1)


def _gcn_conv(x, row, col, W, b):
    N = x.shape[0]
    h = x @ W
    ones = jnp.ones((row.shape[0],), x.dtype)
    deg = jnp.zeros((N,), x.dtype).at[col].add(ones)
    dis = jnp.where(deg > 0, jax.lax.rsqrt(jnp.maximum(deg, 1e-12)), 0.0)
    norm = dis[row] * dis[col]
    msg = h[row] * norm[:, None]
    out = jnp.zeros_like(h).at[col].add(msg)
    return out + b


def _bn(x, w, b):
    m = jnp.mean(x, axis=0)
    v = jnp.var(x, axis=0)
    return (x - m) * jax.lax.rsqrt(v + 1e-5) * w + b


def _forward(x, params, edge_index):
    p = params
    h = _bilstm(x, p, 'l0')
    h = _bilstm(h, p, 'l1')
    row, col = edge_index[0], edge_index[1]
    g = _gcn_conv(h, row, col, p['W_g1'], p['b_g1'])
    g = jax.nn.relu(_bn(g, p['bn1_w'], p['bn1_b']))
    g = _gcn_conv(g, row, col, p['W_g2'], p['b_g2'])
    z = jax.nn.relu(_bn(g, p['bn2_w'], p['bn2_b']))
    e = jnp.concatenate([z[row], z[col]], axis=1)
    return e @ p['W_out'] + p['b_out']


def setup_inputs(seed: int = 0):
    key = jax.random.key(seed)
    ks = jax.random.split(key, 32)
    N, E = 10000, 640000
    x = jax.random.normal(ks[0], (N, 768), dtype=jnp.float32)
    edge_index = jax.random.randint(ks[1], (2, E), 0, N, dtype=jnp.int32)

    def _p(k, shape):
        return jax.random.normal(k, shape, dtype=jnp.float32) * 0.05

    params = {
        'Wih_l0f': _p(ks[2], (512, 768)), 'Whh_l0f': _p(ks[3], (512, 128)),
        'bih_l0f': _p(ks[4], (512,)), 'bhh_l0f': _p(ks[5], (512,)),
        'Wih_l0b': _p(ks[6], (512, 768)), 'Whh_l0b': _p(ks[7], (512, 128)),
        'bih_l0b': _p(ks[8], (512,)), 'bhh_l0b': _p(ks[9], (512,)),
        'Wih_l1f': _p(ks[10], (512, 256)), 'Whh_l1f': _p(ks[11], (512, 128)),
        'bih_l1f': _p(ks[12], (512,)), 'bhh_l1f': _p(ks[13], (512,)),
        'Wih_l1b': _p(ks[14], (512, 256)), 'Whh_l1b': _p(ks[15], (512, 128)),
        'bih_l1b': _p(ks[16], (512,)), 'bhh_l1b': _p(ks[17], (512,)),
        'W_g1': _p(ks[18], (256, 128)), 'b_g1': _p(ks[19], (128,)),
        'bn1_w': jnp.ones((128,), jnp.float32), 'bn1_b': jnp.zeros((128,), jnp.float32),
        'W_g2': _p(ks[20], (128, 64)), 'b_g2': _p(ks[21], (64,)),
        'bn2_w': jnp.ones((64,), jnp.float32), 'bn2_b': jnp.zeros((64,), jnp.float32),
        'W_out': _p(ks[22], (128, 2)), 'b_out': _p(ks[23], (2,)),
    }
    return {'x': x, 'edge_index': edge_index, 'params': params}


def reference(x, edge_index, params):
    return _forward(x, params, edge_index)

if __name__ == "__main__":
    import jax
    _d = setup_inputs()
    print(jax.jit(kernel)(*tuple(_d.values())))

</pallas_src>

<mosaic_0001>
#map = affine_map<(d0, d1) -> (0)>
module attributes {stable_mosaic.version = 14 : i64} {
  func.func @_edge_out_body(%arg0: i32, %arg1: i32, %arg2: memref<20000xf32, #tpu.memory_space<hbm>>, %arg3: memref<20000xf32, #tpu.memory_space<hbm>>, %arg4: memref<640000xi32, #tpu.memory_space<hbm>>, %arg5: memref<640000xi32, #tpu.memory_space<hbm>>, %arg6: memref<640000xf32, #tpu.memory_space<hbm>>, %arg7: memref<640000xf32, #tpu.memory_space<hbm>>, %arg8: memref<20000xf32, #tpu.memory_space<vmem>>, %arg9: memref<20000xf32, #tpu.memory_space<vmem>>, %arg10: memref<4000xi32, #tpu.memory_space<vmem>>, %arg11: memref<4000xi32, #tpu.memory_space<vmem>>, %arg12: memref<4000xf32, #tpu.memory_space<vmem>>, %arg13: memref<4000xf32, #tpu.memory_space<vmem>>) attributes {dimension_semantics = [#tpu.dimension_semantics<core_parallel>, #tpu.dimension_semantics<subcore_parallel>], iteration_bounds = array<i64: 2, 16>, scalar_prefetch = 0 : i64, scratch_operands = 6 : i64, tpu.core_type = #tpu.core_type<sc_vector_subcore>, window_params = [{transform_indices = #map}, {transform_indices = #map}, {transform_indices = #map}, {transform_indices = #map}, {transform_indices = #map}, {transform_indices = #map}]} {
    %mul3A = arith.constant 2 : i32
    %mul3A_0 = arith.muli %arg1, %mul3A : i32
    %add3A = arith.addi %mul3A_0, %arg0 : i32
    %mul3A_1 = arith.constant 20000 : i32
    %mul3A_2 = arith.muli %add3A, %mul3A_1 : i32
    "tpu.region"() ({
      %run_scoped3A = tpu.sem_alloc : memref<!tpu.dma_semaphore, #tpu.memory_space<semaphore_mem>>
      tpu.enqueue_dma source(%arg2 : memref<20000xf32, #tpu.memory_space<hbm>>) target(%arg8 : memref<20000xf32, #tpu.memory_space<vmem>>) target_semaphore(%run_scoped3A : memref<!tpu.dma_semaphore, #tpu.memory_space<semaphore_mem>>)
      tpu.wait_dma2 semaphore(%run_scoped3A : memref<!tpu.dma_semaphore, #tpu.memory_space<semaphore_mem>>) src(%arg2 : memref<20000xf32, #tpu.memory_space<hbm>>) dst(%arg8 : memref<20000xf32, #tpu.memory_space<vmem>>)
      tpu.yield
    }) : () -> ()
    "tpu.region"() ({
      %run_scoped3A = tpu.sem_alloc : memref<!tpu.dma_semaphore, #tpu.memory_space<semaphore_mem>>
      tpu.enqueue_dma source(%arg3 : memref<20000xf32, #tpu.memory_space<hbm>>) target(%arg9 : memref<20000xf32, #tpu.memory_space<vmem>>) target_semaphore(%run_scoped3A : memref<!tpu.dma_semaphore, #tpu.memory_space<semaphore_mem>>)
      tpu.wait_dma2 semaphore(%run_scoped3A : memref<!tpu.dma_semaphore, #tpu.memory_space<semaphore_mem>>) src(%arg3 : memref<20000xf32, #tpu.memory_space<hbm>>) dst(%arg9 : memref<20000xf32, #tpu.memory_space<vmem>>)
      tpu.yield
    }) : () -> ()
    %scan3A = arith.constant 0 : i32
    %scan3A_3 = arith.constant 0 : i32
    %scan3A_4 = arith.constant 5 : i32
    %scan3A_5 = arith.addi %scan3A_3, %scan3A_4 : i32
    %scan3A_6 = arith.constant 1 : i32
    %scan3A_7 = scf.for %scan3A_9 = %scan3A_3 to %scan3A_5 step %scan3A_6 iter_args(%scan3A_10 = %scan3A) -> (i32)  : i32 {
      %mul3A_11 = arith.constant 4000 : i32
      %mul3A_12 = arith.muli %scan3A_9, %mul3A_11 : i32
      %add3A_13 = arith.addi %mul3A_2, %mul3A_12 : i32
      "tpu.region"() ({
        %run_scoped3A = tpu.sem_alloc : memref<!tpu.dma_semaphore, #tpu.memory_space<semaphore_mem>>
        %dma_start3A = tpu.memref_slice %arg4[%add3A_13] : memref<640000xi32, #tpu.memory_space<hbm>> -> memref<4000xi32, #tpu.memory_space<hbm>>
        %dma_start3A_22 = tpu.memref_slice %arg4[%add3A_13] : memref<640000xi32, #tpu.memory_space<hbm>> -> memref<4000xi32, #tpu.memory_space<hbm>>
        tpu.enqueue_dma source(%dma_start3A_22 : memref<4000xi32, #tpu.memory_space<hbm>>) target(%arg10 : memref<4000xi32, #tpu.memory_space<vmem>>) target_semaphore(%run_scoped3A : memref<!tpu.dma_semaphore, #tpu.memory_space<semaphore_mem>>)
        %dma_wait3A = tpu.memref_slice %arg4[%add3A_13] : memref<640000xi32, #tpu.memory_space<hbm>> -> memref<4000xi32, #tpu.memory_space<hbm>>
        %dma_wait3A_23 = tpu.memref_slice %arg4[%add3A_13] : memref<640000xi32, #tpu.memory_space<hbm>> -> memref<4000xi32, #tpu.memory_space<hbm>>
        tpu.wait_dma2 semaphore(%run_scoped3A : memref<!tpu.dma_semaphore, #tpu.memory_space<semaphore_mem>>) src(%dma_wait3A_23 : memref<4000xi32, #tpu.memory_space<hbm>>) dst(%arg10 : memref<4000xi32, #tpu.memory_space<vmem>>)
        tpu.yield
      }) : () -> ()
      "tpu.region"() ({
        %run_scoped3A = tpu.sem_alloc : memref<!tpu.dma_semaphore, #tpu.memory_space<semaphore_mem>>
        %dma_start3A = tpu.memref_slice %arg5[%add3A_13] : memref<640000xi32, #tpu.memory_space<hbm>> -> memref<4000xi32, #tpu.memory_space<hbm>>
        %dma_start3A_22 = tpu.memref_slice %arg5[%add3A_13] : memref<640000xi32, #tpu.memory_space<hbm>> -> memref<4000xi32, #tpu.memory_space<hbm>>
        tpu.enqueue_dma source(%dma_start3A_22 : memref<4000xi32, #tpu.memory_space<hbm>>) target(%arg11 : memref<4000xi32, #tpu.memory_space<vmem>>) target_semaphore(%run_scoped3A : memref<!tpu.dma_semaphore, #tpu.memory_space<semaphore_mem>>)
        %dma_wait3A = tpu.memref_slice %arg5[%add3A_13] : memref<640000xi32, #tpu.memory_space<hbm>> -> memref<4000xi32, #tpu.memory_space<hbm>>
        %dma_wait3A_23 = tpu.memref_slice %arg5[%add3A_13] : memref<640000xi32, #tpu.memory_space<hbm>> -> memref<4000xi32, #tpu.memory_space<hbm>>
        tpu.wait_dma2 semaphore(%run_scoped3A : memref<!tpu.dma_semaphore, #tpu.memory_space<semaphore_mem>>) src(%dma_wait3A_23 : memref<4000xi32, #tpu.memory_space<hbm>>) dst(%arg11 : memref<4000xi32, #tpu.memory_space<vmem>>)
        tpu.yield
      }) : () -> ()
      %scan3A_14 = arith.constant 0 : i32
      %scan3A_15 = arith.constant 0 : i32
      %scan3A_16 = arith.constant 250 : i32
      %scan3A_17 = arith.addi %scan3A_15, %scan3A_16 : i32
      %scan3A_18 = arith.constant 1 : i32
      %scan3A_19 = scf.for %scan3A_22 = %scan3A_15 to %scan3A_17 step %scan3A_18 iter_args(%scan3A_23 = %scan3A_14) -> (i32)  : i32 {
        %mul3A_24 = arith.constant 16 : i32
        %mul3A_25 = arith.muli %scan3A_22, %mul3A_24 : i32
        %get3A = arith.index_cast %mul3A_25 : i32 to index
        %get3A_26 = tpu.vector_load %arg10[%get3A] {strides = array<i32>} : memref<4000xi32, #tpu.memory_space<vmem>>, vector<16xi32>,
        %mul3A_27 = arith.constant 2 : i32
        %mul3A_28 = vector.broadcast %mul3A_27 : i32 to vector<16xi32>
        %mul3A_29 = arith.muli %get3A_26, %mul3A_28 : vector<16xi32>
        %mul3A_30 = arith.constant 16 : i32
        %mul3A_31 = arith.muli %scan3A_22, %mul3A_30 : i32
        %get3A_32 = arith.index_cast %mul3A_31 : i32 to index
        %get3A_33 = tpu.vector_load %arg11[%get3A_32] {strides = array<i32>} : memref<4000xi32, #tpu.memory_space<vmem>>, vector<16xi32>,
        %mul3A_34 = arith.constant 2 : i32
        %mul3A_35 = vector.broadcast %mul3A_34 : i32 to vector<16xi32>
        %mul3A_36 = arith.muli %get3A_33, %mul3A_35 : vector<16xi32>
        %gather3A = tpu.vector_load_idx %arg8[%mul3A_29] : memref<20000xf32, #tpu.memory_space<vmem>>[vector<16xi32>], vector<16xf32>,
        %add3A_37 = arith.constant 1 : i32
        %add3A_38 = vector.broadcast %add3A_37 : i32 to vector<16xi32>
        %add3A_39 = arith.addi %mul3A_29, %add3A_38 : vector<16xi32>
        %gather3A_40 = tpu.vector_load_idx %arg8[%add3A_39] : memref<20000xf32, #tpu.memory_space<vmem>>[vector<16xi32>], vector<16xf32>,
        %gather3A_41 = tpu.vector_load_idx %arg9[%mul3A_36] : memref<20000xf32, #tpu.memory_space<vmem>>[vector<16xi32>], vector<16xf32>,
        %add3A_42 = arith.constant 1 : i32
        %add3A_43 = vector.broadcast %add3A_42 : i32 to vector<16xi32>
        %add3A_44 = arith.addi %mul3A_36, %add3A_43 : vector<16xi32>
        %gather3A_45 = tpu.vector_load_idx %arg9[%add3A_44] : memref<20000xf32, #tpu.memory_space<vmem>>[vector<16xi32>], vector<16xf32>,
        %add3A_46 = arith.addf %gather3A, %gather3A_41 : vector<16xf32>
        %mul3A_47 = arith.constant 16 : i32
        %mul3A_48 = arith.muli %scan3A_22, %mul3A_47 : i32
        %swap3A = arith.index_cast %mul3A_48 : i32 to index
        %swap3A_49 = tpu.vector_load %arg12[%swap3A] {strides = array<i32>} : memref<4000xf32, #tpu.memory_space<vmem>>, vector<16xf32>,
        tpu.vector_store %arg12[%swap3A], %add3A_46 {strides = array<i32>} : memref<4000xf32, #tpu.memory_space<vmem>>, vector<16xf32>,
        %add3A_50 = arith.addf %gather3A_40, %gather3A_45 : vector<16xf32>
        %mul3A_51 = arith.constant 16 : i32
        %mul3A_52 = arith.muli %scan3A_22, %mul3A_51 : i32
        %swap3A_53 = arith.index_cast %mul3A_52 : i32 to index
        %swap3A_54 = tpu.vector_load %arg13[%swap3A_53] {strides = array<i32>} : memref<4000xf32, #tpu.memory_space<vmem>>, vector<16xf32>,
        tpu.vector_store %arg13[%swap3A_53], %add3A_50 {strides = array<i32>} : memref<4000xf32, #tpu.memory_space<vmem>>, vector<16xf32>,
        %scan3A_55 = arith.constant 0 : i32
        scf.yield %scan3A_55 : i32
      }
      %scan3A_20 = arith.constant 250 : i32
      "tpu.region"() ({
        %run_scoped3A = tpu.sem_alloc : memref<!tpu.dma_semaphore, #tpu.memory_space<semaphore_mem>>
        %dma_start3A = tpu.memref_slice %arg6[%add3A_13] : memref<640000xf32, #tpu.memory_space<hbm>> -> memref<4000xf32, #tpu.memory_space<hbm>>
        %dma_start3A_22 = tpu.memref_slice %arg6[%add3A_13] : memref<640000xf32, #tpu.memory_space<hbm>> -> memref<4000xf32, #tpu.memory_space<hbm>>
        tpu.enqueue_dma source(%arg12 : memref<4000xf32, #tpu.memory_space<vmem>>) target(%dma_start3A_22 : memref<4000xf32, #tpu.memory_space<hbm>>) target_semaphore(%run_scoped3A : memref<!tpu.dma_semaphore, #tpu.memory_space<semaphore_mem>>)
        %dma_wait3A = tpu.memref_slice %arg6[%add3A_13] : memref<640000xf32, #tpu.memory_space<hbm>> -> memref<4000xf32, #tpu.memory_space<hbm>>
        %dma_wait3A_23 = tpu.memref_slice %arg6[%add3A_13] : memref<640000xf32, #tpu.memory_space<hbm>> -> memref<4000xf32, #tpu.memory_space<hbm>>
        tpu.wait_dma2 semaphore(%run_scoped3A : memref<!tpu.dma_semaphore, #tpu.memory_space<semaphore_mem>>) src(%arg12 : memref<4000xf32, #tpu.memory_space<vmem>>) dst(%dma_wait3A_23 : memref<4000xf32, #tpu.memory_space<hbm>>)
        tpu.yield
      }) : () -> ()
      "tpu.region"() ({
        %run_scoped3A = tpu.sem_alloc : memref<!tpu.dma_semaphore, #tpu.memory_space<semaphore_mem>>
        %dma_start3A = tpu.memref_slice %arg7[%add3A_13] : memref<640000xf32, #tpu.memory_space<hbm>> -> memref<4000xf32, #tpu.memory_space<hbm>>
        %dma_start3A_22 = tpu.memref_slice %arg7[%add3A_13] : memref<640000xf32, #tpu.memory_space<hbm>> -> memref<4000xf32, #tpu.memory_space<hbm>>
        tpu.enqueue_dma source(%arg13 : memref<4000xf32, #tpu.memory_space<vmem>>) target(%dma_start3A_22 : memref<4000xf32, #tpu.memory_space<hbm>>) target_semaphore(%run_scoped3A : memref<!tpu.dma_semaphore, #tpu.memory_space<semaphore_mem>>)
        %dma_wait3A = tpu.memref_slice %arg7[%add3A_13] : memref<640000xf32, #tpu.memory_space<hbm>> -> memref<4000xf32, #tpu.memory_space<hbm>>
        %dma_wait3A_23 = tpu.memref_slice %arg7[%add3A_13] : memref<640000xf32, #tpu.memory_space<hbm>> -> memref<4000xf32, #tpu.memory_space<hbm>>
        tpu.wait_dma2 semaphore(%run_scoped3A : memref<!tpu.dma_semaphore, #tpu.memory_space<semaphore_mem>>) src(%arg13 : memref<4000xf32, #tpu.memory_space<vmem>>) dst(%dma_wait3A_23 : memref<4000xf32, #tpu.memory_space<hbm>>)
        tpu.yield
      }) : () -> ()
      %scan3A_21 = arith.constant 0 : i32
      scf.yield %scan3A_21 : i32
    }
    %scan3A_8 = arith.constant 5 : i32
    return
  }
}

#map = affine_map<(d0, d1) -> (0, 0)>
#map1 = affine_map<(d0, d1) -> (0)>
#map2 = affine_map<(d0, d1) -> (0, 0, 0)>
module attributes {stable_mosaic.version = 14 : i64} {
  func.func @_agg_body(%arg0: i32, %arg1: i32, %arg2: memref<10000x128xf32, #tpu.memory_space<hbm>>, %arg3: memref<640000xi32, #tpu.memory_space<hbm>>, %arg4: memref<640000xi32, #tpu.memory_space<hbm>>, %arg5: memref<128x128xf32, #tpu.memory_space<hbm>>, %arg6: memref<2x10000x128xf32, #tpu.memory_space<hbm>>, %arg7: memref<10000x128xf32, #tpu.memory_space<vmem_shared>>, %arg8: memref<2048xi32, #tpu.memory_space<vmem>>, %arg9: memref<2048xi32, #tpu.memory_space<vmem>>, %arg10: memref<128x128xf32, #tpu.memory_space<vmem>>, %arg11: memref<128x128xf32, #tpu.memory_space<vmem>>, %arg12: memref<128xi32, #tpu.memory_space<vmem>>, %arg13: memref<128xi32, #tpu.memory_space<vmem>>, %arg14: memref<32xi32, #tpu.memory_space<vmem>>, %arg15: memref<!tpu.dma_semaphore, #tpu.memory_space<semaphore_mem>>, %arg16: memref<!tpu.dma_semaphore, #tpu.memory_space<semaphore_mem>>) attributes {dimension_semantics = [#tpu.dimension_semantics<core_parallel>, #tpu.dimension_semantics<subcore_parallel>], iteration_bounds = array<i64: 2, 16>, scalar_prefetch = 0 : i64, scratch_operands = 10 : i64, tpu.core_type = #tpu.core_type<sc_vector_subcore>, window_params = [{transform_indices = #map}, {transform_indices = #map1}, {transform_indices = #map1}, {transform_indices = #map}, {transform_indices = #map2}]} {
    %mul3A = arith.constant 2 : i32
    %mul3A_0 = arith.muli %arg1, %mul3A : i32
    %add3A = arith.addi %mul3A_0, %arg0 : i32
    %mul3A_1 = arith.constant 624 : i32
    %mul3A_2 = arith.muli %arg1, %mul3A_1 : i32
    %add3A_3 = arith.constant 0 : i32
    %add3A_4 = arith.addi %mul3A_2, %add3A_3 : i32
    "tpu.region"() ({
      %run_scoped3A = tpu.sem_alloc : memref<!tpu.dma_semaphore, #tpu.memory_space<semaphore_mem>>
      %dma_start3A_57 = arith.constant 0 : i32
      %dma_start3A_58 = tpu.memref_slice %arg7[%add3A_4, %dma_start3A_57] : memref<10000x128xf32, #tpu.memory_space<vmem_shared>> -> memref<128x128xf32, #tpu.memory_space<vmem_shared>>
      tpu.enqueue_dma source(%arg5 : memref<128x128xf32, #tpu.memory_space<hbm>>) target(%dma_start3A_58 : memref<128x128xf32, #tpu.memory_space<vmem_shared>>) target_semaphore(%run_scoped3A : memref<!tpu.dma_semaphore, #tpu.memory_space<semaphore_mem>>)
      %dma_wait3A_59 = arith.constant 0 : i32
      %dma_wait3A_60 = tpu.memref_slice %arg7[%add3A_4, %dma_wait3A_59] : memref<10000x128xf32, #tpu.memory_space<vmem_shared>> -> memref<128x128xf32, #tpu.memory_space<vmem_shared>>
      tpu.wait_dma2 semaphore(%run_scoped3A : memref<!tpu.dma_semaphore, #tpu.memory_space<semaphore_mem>>) src(%arg5 : memref<128x128xf32, #tpu.memory_space<hbm>>) dst(%dma_wait3A_60 : memref<128x128xf32, #tpu.memory_space<vmem_shared>>)
      tpu.yield
    }) : () -> ()
    %add3A_5 = arith.constant 128 : i32
    %add3A_6 = arith.addi %mul3A_2, %add3A_5 : i32
    "tpu.region"() ({
      %run_scoped3A = tpu.sem_alloc : memref<!tpu.dma_semaphore, #tpu.memory_space<semaphore_mem>>
      %dma_start3A_57 = arith.constant 0 : i32
      %dma_start3A_58 = tpu.memref_slice %arg7[%add3A_6, %dma_start3A_57] : memref<10000x128xf32, #tpu.memory_space<vmem_shared>> -> memref<128x128xf32, #tpu.memory_space<vmem_shared>>
      tpu.enqueue_dma source(%arg5 : memref<128x128xf32, #tpu.memory_space<hbm>>) target(%dma_start3A_58 : memref<128x128xf32, #tpu.memory_space<vmem_shared>>) target_semaphore(%run_scoped3A : memref<!tpu.dma_semaphore, #tpu.memory_space<semaphore_mem>>)
      %dma_wait3A_59 = arith.constant 0 : i32
      %dma_wait3A_60 = tpu.memref_slice %arg7[%add3A_6, %dma_wait3A_59] : memref<10000x128xf32, #tpu.memory_space<vmem_shared>> -> memref<128x128xf32, #tpu.memory_space<vmem_shared>>
      tpu.wait_dma2 semaphore(%run_scoped3A : memref<!tpu.dma_semaphore, #tpu.memory_space<semaphore_mem>>) src(%arg5 : memref<128x128xf32, #tpu.memory_space<hbm>>) dst(%dma_wait3A_60 : memref<128x128xf32, #tpu.memory_space<vmem_shared>>)
      tpu.yield
    }) : () -> ()
    %add3A_7 = arith.constant 256 : i32
    %add3A_8 = arith.addi %mul3A_2, %add3A_7 : i32
    "tpu.region"() ({
      %run_scoped3A = tpu.sem_alloc : memref<!tpu.dma_semaphore, #tpu.memory_space<semaphore_mem>>
      %dma_start3A_57 = arith.constant 0 : i32
      %dma_start3A_58 = tpu.memref_slice %arg7[%add3A_8, %dma_start3A_57] : memref<10000x128xf32, #tpu.memory_space<vmem_shared>> -> memref<128x128xf32, #tpu.memory_space<vmem_shared>>
      tpu.enqueue_dma source(%arg5 : memref<128x128xf32, #tpu.memory_space<hbm>>) target(%dma_start3A_58 : memref<128x128xf32, #tpu.memory_space<vmem_shared>>) target_semaphore(%run_scoped3A : memref<!tpu.dma_semaphore, #tpu.memory_space<semaphore_mem>>)
      %dma_wait3A_59 = arith.constant 0 : i32
      %dma_wait3A_60 = tpu.memref_slice %arg7[%add3A_8, %dma_wait3A_59] : memref<10000x128xf32, #tpu.memory_space<vmem_shared>> -> memref<128x128xf32, #tpu.memory_space<vmem_shared>>
      tpu.wait_dma2 semaphore(%run_scoped3A : memref<!tpu.dma_semaphore, #tpu.memory_space<semaphore_mem>>) src(%arg5 : memref<128x128xf32, #tpu.memory_space<hbm>>) dst(%dma_wait3A_60 : memref<128x128xf32, #tpu.memory_space<vmem_shared>>)
      tpu.yield
    }) : () -> ()
    %add3A_9 = arith.constant 384 : i32
    %add3A_10 = arith.addi %mul3A_2, %add3A_9 : i32
    "tpu.region"() ({
      %run_scoped3A = tpu.sem_alloc : memref<!tpu.dma_semaphore, #tpu.memory_space<semaphore_mem>>
      %dma_start3A_57 = arith.constant 0 : i32
      %dma_start3A_58 = tpu.memref_slice %arg7[%add3A_10, %dma_start3A_57] : memref<10000x128xf32, #tpu.memory_space<vmem_shared>> -> memref<128x128xf32, #tpu.memory_space<vmem_shared>>
      tpu.enqueue_dma source(%arg5 : memref<128x128xf32, #tpu.memory_space<hbm>>) target(%dma_start3A_58 : memref<128x128xf32, #tpu.memory_space<vmem_shared>>) target_semaphore(%run_scoped3A : memref<!tpu.dma_semaphore, #tpu.memory_space<semaphore_mem>>)
      %dma_wait3A_59 = arith.constant 0 : i32
      %dma_wait3A_60 = tpu.memref_slice %arg7[%add3A_10, %dma_wait3A_59] : memref<10000x128xf32, #tpu.memory_space<vmem_shared>> -> memref<128x128xf32, #tpu.memory_space<vmem_shared>>
      tpu.wait_dma2 semaphore(%run_scoped3A : memref<!tpu.dma_semaphore, #tpu.memory_space<semaphore_mem>>) src(%arg5 : memref<128x128xf32, #tpu.memory_space<hbm>>) dst(%dma_wait3A_60 : memref<128x128xf32, #tpu.memory_space<vmem_shared>>)
      tpu.yield
    }) : () -> ()
    %add3A_11 = arith.constant 512 : i32
    %add3A_12 = arith.addi %mul3A_2, %add3A_11 : i32
    "tpu.region"() ({
      %run_scoped3A = tpu.sem_alloc : memref<!tpu.dma_semaphore, #tpu.memory_space<semaphore_mem>>
      %dma_start3A_57 = arith.constant 0 : i32
      %dma_start3A_58 = tpu.memref_slice %arg7[%add3A_12, %dma_start3A_57] : memref<10000x128xf32, #tpu.memory_space<vmem_shared>> -> memref<112x128xf32, #tpu.memory_space<vmem_shared>>
      %dma_start3A_59 = arith.constant 0 : i32
      %dma_start3A_60 = arith.constant 0 : i32
      %dma_start3A_61 = tpu.memref_slice %arg5[%dma_start3A_59, %dma_start3A_60] : memref<128x128xf32, #tpu.memory_space<hbm>> -> memref<112x128xf32, #tpu.memory_space<hbm>>
      tpu.enqueue_dma source(%dma_start3A_61 : memref<112x128xf32, #tpu.memory_space<hbm>>) target(%dma_start3A_58 : memref<112x128xf32, #tpu.memory_space<vmem_shared>>) target_semaphore(%run_scoped3A : memref<!tpu.dma_semaphore, #tpu.memory_space<semaphore_mem>>)
      %dma_wait3A_62 = arith.constant 0 : i32
      %dma_wait3A_63 = tpu.memref_slice %arg7[%add3A_12, %dma_wait3A_62] : memref<10000x128xf32, #tpu.memory_space<vmem_shared>> -> memref<112x128xf32, #tpu.memory_space<vmem_shared>>
      %dma_wait3A_64 = arith.constant 0 : i32
      %dma_wait3A_65 = arith.constant 0 : i32
      %dma_wait3A_66 = tpu.memref_slice %arg5[%dma_wait3A_64, %dma_wait3A_65] : memref<128x128xf32, #tpu.memory_space<hbm>> -> memref<112x128xf32, #tpu.memory_space<hbm>>
      tpu.wait_dma2 semaphore(%run_scoped3A : memref<!tpu.dma_semaphore, #tpu.memory_space<semaphore_mem>>) src(%dma_wait3A_66 : memref<112x128xf32, #tpu.memory_space<hbm>>) dst(%dma_wait3A_63 : memref<112x128xf32, #tpu.memory_space<vmem_shared>>)
      tpu.yield
    }) : () -> ()
    %eq3A = arith.constant 0 : i32
    %eq3A_13 = arith.cmpi eq, %arg1, %eq3A : i32
    %convert_element_type3A = arith.extui %eq3A_13 : i1 to i32
    %cond3A = arith.constant 0 : i32
    %cond3A_14 = arith.cmpi ne, %convert_element_type3A, %cond3A : i32
    scf.if %cond3A_14 {
      "tpu.region"() ({
        %run_scoped3A = tpu.sem_alloc : memref<!tpu.dma_semaphore, #tpu.memory_space<semaphore_mem>>
        %dma_start3A_57 = arith.constant 9984 : i32
        %dma_start3A_58 = arith.constant 0 : i32
        %dma_start3A_59 = tpu.memref_slice %arg7[%dma_start3A_57, %dma_start3A_58] : memref<10000x128xf32, #tpu.memory_space<vmem_shared>> -> memref<16x128xf32, #tpu.memory_space<vmem_shared>>
        %dma_start3A_60 = arith.constant 0 : i32
        %dma_start3A_61 = arith.constant 0 : i32
        %dma_start3A_62 = tpu.memref_slice %arg5[%dma_start3A_60, %dma_start3A_61] : memref<128x128xf32, #tpu.memory_space<hbm>> -> memref<16x128xf32, #tpu.memory_space<hbm>>
        tpu.enqueue_dma source(%dma_start3A_62 : memref<16x128xf32, #tpu.memory_space<hbm>>) target(%dma_start3A_59 : memref<16x128xf32, #tpu.memory_space<vmem_shared>>) target_semaphore(%run_scoped3A : memref<!tpu.dma_semaphore, #tpu.memory_space<semaphore_mem>>)
        %dma_wait3A_63 = arith.constant 9984 : i32
        %dma_wait3A_64 = arith.constant 0 : i32
        %dma_wait3A_65 = tpu.memref_slice %arg7[%dma_wait3A_63, %dma_wait3A_64] : memref<10000x128xf32, #tpu.memory_space<vmem_shared>> -> memref<16x128xf32, #tpu.memory_space<vmem_shared>>
        %dma_wait3A_66 = arith.constant 0 : i32
        %dma_wait3A_67 = arith.constant 0 : i32
        %dma_wait3A_68 = tpu.memref_slice %arg5[%dma_wait3A_66, %dma_wait3A_67] : memref<128x128xf32, #tpu.memory_space<hbm>> -> memref<16x128xf32, #tpu.memory_space<hbm>>
        tpu.wait_dma2 semaphore(%run_scoped3A : memref<!tpu.dma_semaphore, #tpu.memory_space<semaphore_mem>>) src(%dma_wait3A_68 : memref<16x128xf32, #tpu.memory_space<hbm>>) dst(%dma_wait3A_65 : memref<16x128xf32, #tpu.memory_space<vmem_shared>>)
        tpu.yield
      }) : () -> ()
    } else {
    }
    %barrier3A = arith.constant 0 : index
    tpu.barrier barrier_id(%barrier3A)
    %mul3A_15 = arith.constant 20000 : i32
    %mul3A_16 = arith.muli %add3A, %mul3A_15 : i32
    %scan3A = arith.constant 0 : i32
    %scan3A_17 = arith.constant 0 : i32
    %scan3A_18 = arith.constant 78 : i32
    %scan3A_19 = arith.addi %scan3A_17, %scan3A_18 : i32
    %scan3A_20 = arith.constant 1 : i32
    %scan3A_21 = scf.for %scan3A_57 = %scan3A_17 to %scan3A_19 step %scan3A_20 iter_args(%scan3A_58 = %scan3A) -> (i32)  : i32 {
      %jit3A = arith.constant 8 : i32
      %eq3A_59 = arith.constant 0 : i32
      %eq3A_60 = arith.cmpi eq, %jit3A, %eq3A_59 : i32
      %jit3A_61 = arith.constant 1 : i32
      %select_n3A = arith.select %eq3A_60, %jit3A_61, %jit3A : i32
      %rem3A = arith.remsi %scan3A_57, %select_n3A : i32
      %ne3A = arith.constant 0 : i32
      %ne3A_62 = arith.cmpi ne, %rem3A, %ne3A : i32
      %lt3A = arith.constant 0 : i32
      %lt3A_63 = arith.cmpi slt, %rem3A, %lt3A : i32
      %lt3A_64 = arith.constant 0 : i32
      %lt3A_65 = arith.cmpi slt, %select_n3A, %lt3A_64 : i32
      %ne3A_66 = arith.xori %lt3A_63, %lt3A_65 : i1
      %and3A = arith.andi %ne3A_66, %ne3A_62 : i1
      %add3A_67 = arith.addi %rem3A, %select_n3A : i32
      %select_n3A_68 = arith.select %and3A, %add3A_67, %rem3A : i32
      %eq3A_69 = arith.constant 0 : i32
      %eq3A_70 = arith.cmpi eq, %select_n3A_68, %eq3A_69 : i32
      %lt3A_71 = arith.constant 72 : i32
      %lt3A_72 = arith.cmpi slt, %scan3A_57, %lt3A_71 : i32
      %and3A_73 = arith.andi %eq3A_70, %lt3A_72 : i1
      %convert_element_type3A_74 = arith.extui %and3A_73 : i1 to i32
      %cond3A_75 = arith.constant 0 : i32
      %cond3A_76 = arith.cmpi ne, %convert_element_type3A_74, %cond3A_75 : i32
      scf.if %cond3A_76 {
        %jit3A_313 = arith.constant 8 : i32
        %div3A = arith.divsi %scan3A_57, %jit3A_313 : i32
        %sign3A = arith.constant 0 : i32
        %sign3A_314 = arith.cmpi sgt, %scan3A_57, %sign3A : i32
        %sign3A_315 = arith.extui %sign3A_314 : i1 to i32
        %sign3A_316 = arith.constant 0 : i32
        %sign3A_317 = arith.cmpi slt, %scan3A_57, %sign3A_316 : i32
        %sign3A_318 = arith.extui %sign3A_317 : i1 to i32
        %sign3A_319 = arith.subi %sign3A_315, %sign3A_318 : i32
        %sign3A_320 = arith.constant 0 : i32
        %sign3A_321 = arith.cmpi sgt, %jit3A_313, %sign3A_320 : i32
        %sign3A_322 = arith.extui %sign3A_321 : i1 to i32
        %sign3A_323 = arith.constant 0 : i32
        %sign3A_324 = arith.cmpi slt, %jit3A_313, %sign3A_323 : i32
        %sign3A_325 = arith.extui %sign3A_324 : i1 to i32
        %sign3A_326 = arith.subi %sign3A_322, %sign3A_325 : i32
        %ne3A_327 = arith.cmpi ne, %sign3A_319, %sign3A_326 : i32
        %rem3A_328 = arith.remsi %scan3A_57, %jit3A_313 : i32
        %ne3A_329 = arith.constant 0 : i32
        %ne3A_330 = arith.cmpi ne, %rem3A_328, %ne3A_329 : i32
        %and3A_331 = arith.andi %ne3A_327, %ne3A_330 : i1
        %sub3A = arith.constant 1 : i32
        %sub3A_332 = arith.subi %div3A, %sub3A : i32
        %select_n3A_333 = arith.select %and3A_331, %sub3A_332, %div3A : i32
        %mul3A_334 = arith.constant 2048 : i32
        %mul3A_335 = arith.muli %select_n3A_333, %mul3A_334 : i32
        %add3A_336 = arith.addi %mul3A_16, %mul3A_335 : i32
        "tpu.region"() ({
          %run_scoped3A = tpu.sem_alloc : memref<!tpu.dma_semaphore, #tpu.memory_space<semaphore_mem>>
          %dma_start3A_340 = arith.constant 0 : i32
          %dma_start3A_341 = tpu.memref_slice %arg8[%dma_start3A_340] : memref<2048xi32, #tpu.memory_space<vmem>> -> memref<2048xi32, #tpu.memory_space<vmem>>
          %dma_start3A_342 = tpu.memref_slice %arg3[%add3A_336] : memref<640000xi32, #tpu.memory_space<hbm>> -> memref<2048xi32, #tpu.memory_space<hbm>>
          %dma_start3A_343 = arith.constant 0 : i32
          %dma_start3A_344 = tpu.memref_slice %arg8[%dma_start3A_343] : memref<2048xi32, #tpu.memory_space<vmem>> -> memref<2048xi32, #tpu.memory_space<vmem>>
          %dma_start3A_345 = tpu.memref_slice %arg3[%add3A_336] : memref<640000xi32, #tpu.memory_space<hbm>> -> memref<2048xi32, #tpu.memory_space<hbm>>
          tpu.enqueue_dma source(%dma_start3A_345 : memref<2048xi32, #tpu.memory_space<hbm>>) target(%dma_start3A_344 : memref<2048xi32, #tpu.memory_space<vmem>>) target_semaphore(%run_scoped3A : memref<!tpu.dma_semaphore, #tpu.memory_space<semaphore_mem>>)
          %dma_wait3A_346 = arith.constant 0 : i32
          %dma_wait3A_347 = tpu.memref_slice %arg8[%dma_wait3A_346] : memref<2048xi32, #tpu.memory_space<vmem>> -> memref<2048xi32, #tpu.memory_space<vmem>>
          %dma_wait3A_348 = tpu.memref_slice %arg3[%add3A_336] : memref<640000xi32, #tpu.memory_space<hbm>> -> memref<2048xi32, #tpu.memory_space<hbm>>
          %dma_wait3A_349 = arith.constant 0 : i32
          %dma_wait3A_350 = tpu.memref_slice %arg8[%dma_wait3A_349] : memref<2048xi32, #tpu.memory_space<vmem>> -> memref<2048xi32, #tpu.memory_space<vmem>>
          %dma_wait3A_351 = tpu.memref_slice %arg3[%add3A_336] : memref<640000xi32, #tpu.memory_space<hbm>> -> memref<2048xi32, #tpu.memory_space<hbm>>
          tpu.wait_dma2 semaphore(%run_scoped3A : memref<!tpu.dma_semaphore, #tpu.memory_space<semaphore_mem>>) src(%dma_wait3A_351 : memref<2048xi32, #tpu.memory_space<hbm>>) dst(%dma_wait3A_350 : memref<2048xi32, #tpu.memory_space<vmem>>)
          tpu.yield
        }) : () -> ()
        %mul3A_337 = arith.constant 2048 : i32
        %mul3A_338 = arith.muli %select_n3A_333, %mul3A_337 : i32
        %add3A_339 = arith.addi %mul3A_16, %mul3A_338 : i32
        "tpu.region"() ({
          %run_scoped3A = tpu.sem_alloc : memref<!tpu.dma_semaphore, #tpu.memory_space<semaphore_mem>>
          %dma_start3A_340 = arith.constant 0 : i32
          %dma_start3A_341 = tpu.memref_slice %arg9[%dma_start3A_340] : memref<2048xi32, #tpu.memory_space<vmem>> -> memref<2048xi32, #tpu.memory_space<vmem>>
          %dma_start3A_342 = tpu.memref_slice %arg4[%add3A_339] : memref<640000xi32, #tpu.memory_space<hbm>> -> memref<2048xi32, #tpu.memory_space<hbm>>
          %dma_start3A_343 = arith.constant 0 : i32
          %dma_start3A_344 = tpu.memref_slice %arg9[%dma_start3A_343] : memref<2048xi32, #tpu.memory_space<vmem>> -> memref<2048xi32, #tpu.memory_space<vmem>>
          %dma_start3A_345 = tpu.memref_slice %arg4[%add3A_339] : memref<640000xi32, #tpu.memory_space<hbm>> -> memref<2048xi32, #tpu.memory_space<hbm>>
          tpu.enqueue_dma source(%dma_start3A_345 : memref<2048xi32, #tpu.memory_space<hbm>>) target(%dma_start3A_344 : memref<2048xi32, #tpu.memory_space<vmem>>) target_semaphore(%run_scoped3A : memref<!tpu.dma_semaphore, #tpu.memory_space<semaphore_mem>>)
          %dma_wait3A_346 = arith.constant 0 : i32
          %dma_wait3A_347 = tpu.memref_slice %arg9[%dma_wait3A_346] : memref<2048xi32, #tpu.memory_space<vmem>> -> memref<2048xi32, #tpu.memory_space<vmem>>
          %dma_wait3A_348 = tpu.memref_slice %arg4[%add3A_339] : memref<640000xi32, #tpu.memory_space<hbm>> -> memref<2048xi32, #tpu.memory_space<hbm>>
          %dma_wait3A_349 = arith.constant 0 : i32
          %dma_wait3A_350 = tpu.memref_slice %arg9[%dma_wait3A_349] : memref<2048xi32, #tpu.memory_space<vmem>> -> memref<2048xi32, #tpu.memory_space<vmem>>
          %dma_wait3A_351 = tpu.memref_slice %arg4[%add3A_339] : memref<640000xi32, #tpu.memory_space<hbm>> -> memref<2048xi32, #tpu.memory_space<hbm>>
          tpu.wait_dma2 semaphore(%run_scoped3A : memref<!tpu.dma_semaphore, #tpu.memory_space<semaphore_mem>>) src(%dma_wait3A_351 : memref<2048xi32, #tpu.memory_space<hbm>>) dst(%dma_wait3A_350 : memref<2048xi32, #tpu.memory_space<vmem>>)
          tpu.yield
        }) : () -> ()
      } else {
      }
      %eq3A_77 = arith.constant 72 : i32
      %eq3A_78 = arith.cmpi eq, %scan3A_57, %eq3A_77 : i32
      %convert_element_type3A_79 = arith.extui %eq3A_78 : i1 to i32
      %cond3A_80 = arith.constant 0 : i32
      %cond3A_81 = arith.cmpi ne, %convert_element_type3A_79, %cond3A_80 : i32
      scf.if %cond3A_81 {
        %add3A_313 = arith.constant 18432 : i32
        %add3A_314 = arith.addi %mul3A_16, %add3A_313 : i32
        "tpu.region"() ({
          %run_scoped3A = tpu.sem_alloc : memref<!tpu.dma_semaphore, #tpu.memory_space<semaphore_mem>>
          %dma_start3A_317 = arith.constant 0 : i32
          %dma_start3A_318 = tpu.memref_slice %arg8[%dma_start3A_317] : memref<2048xi32, #tpu.memory_space<vmem>> -> memref<1568xi32, #tpu.memory_space<vmem>>
          %dma_start3A_319 = tpu.memref_slice %arg3[%add3A_314] : memref<640000xi32, #tpu.memory_space<hbm>> -> memref<1568xi32, #tpu.memory_space<hbm>>
          %dma_start3A_320 = arith.constant 0 : i32
          %dma_start3A_321 = tpu.memref_slice %arg8[%dma_start3A_320] : memref<2048xi32, #tpu.memory_space<vmem>> -> memref<1568xi32, #tpu.memory_space<vmem>>
          %dma_start3A_322 = tpu.memref_slice %arg3[%add3A_314] : memref<640000xi32, #tpu.memory_space<hbm>> -> memref<1568xi32, #tpu.memory_space<hbm>>
          tpu.enqueue_dma source(%dma_start3A_322 : memref<1568xi32, #tpu.memory_space<hbm>>) target(%dma_start3A_321 : memref<1568xi32, #tpu.memory_space<vmem>>) target_semaphore(%run_scoped3A : memref<!tpu.dma_semaphore, #tpu.memory_space<semaphore_mem>>)
          %dma_wait3A_323 = arith.constant 0 : i32
          %dma_wait3A_324 = tpu.memref_slice %arg8[%dma_wait3A_323] : memref<2048xi32, #tpu.memory_space<vmem>> -> memref<1568xi32, #tpu.memory_space<vmem>>
          %dma_wait3A_325 = tpu.memref_slice %arg3[%add3A_314] : memref<640000xi32, #tpu.memory_space<hbm>> -> memref<1568xi32, #tpu.memory_space<hbm>>
          %dma_wait3A_326 = arith.constant 0 : i32
          %dma_wait3A_327 = tpu.memref_slice %arg8[%dma_wait3A_326] : memref<2048xi32, #tpu.memory_space<vmem>> -> memref<1568xi32, #tpu.memory_space<vmem>>
          %dma_wait3A_328 = tpu.memref_slice %arg3[%add3A_314] : memref<640000xi32, #tpu.memory_space<hbm>> -> memref<1568xi32, #tpu.memory_space<hbm>>
          tpu.wait_dma2 semaphore(%run_scoped3A : memref<!tpu.dma_semaphore, #tpu.memory_space<semaphore_mem>>) src(%dma_wait3A_328 : memref<1568xi32, #tpu.memory_space<hbm>>) dst(%dma_wait3A_327 : memref<1568xi32, #tpu.memory_space<vmem>>)
          tpu.yield
        }) : () -> ()
        %add3A_315 = arith.constant 18432 : i32
        %add3A_316 = arith.addi %mul3A_16, %add3A_315 : i32
        "tpu.region"() ({
          %run_scoped3A = tpu.sem_alloc : memref<!tpu.dma_semaphore, #tpu.memory_space<semaphore_mem>>
          %dma_start3A_317 = arith.constant 0 : i32
          %dma_start3A_318 = tpu.memref_slice %arg9[%dma_start3A_317] : memref<2048xi32, #tpu.memory_space<vmem>> -> memref<1568xi32, #tpu.memory_space<vmem>>
          %dma_start3A_319 = tpu.memref_slice %arg4[%add3A_316] : memref<640000xi32, #tpu.memory_space<hbm>> -> memref<1568xi32, #tpu.memory_space<hbm>>
          %dma_start3A_320 = arith.constant 0 : i32
          %dma_start3A_321 = tpu.memref_slice %arg9[%dma_start3A_320] : memref<2048xi32, #tpu.memory_space<vmem>> -> memref<1568xi32, #tpu.memory_space<vmem>>
          %dma_start3A_322 = tpu.memref_slice %arg4[%add3A_316] : memref<640000xi32, #tpu.memory_space<hbm>> -> memref<1568xi32, #tpu.memory_space<hbm>>
          tpu.enqueue_dma source(%dma_start3A_322 : memref<1568xi32, #tpu.memory_space<hbm>>) target(%dma_start3A_321 : memref<1568xi32, #tpu.memory_space<vmem>>) target_semaphore(%run_scoped3A : memref<!tpu.dma_semaphore, #tpu.memory_space<semaphore_mem>>)
          %dma_wait3A_323 = arith.constant 0 : i32
          %dma_wait3A_324 = tpu.memref_slice %arg9[%dma_wait3A_323] : memref<2048xi32, #tpu.memory_space<vmem>> -> memref<1568xi32, #tpu.memory_space<vmem>>
          %dma_wait3A_325 = tpu.memref_slice %arg4[%add3A_316] : memref<640000xi32, #tpu.memory_space<hbm>> -> memref<1568xi32, #tpu.memory_space<hbm>>
          %dma_wait3A_326 = arith.constant 0 : i32
          %dma_wait3A_327 = tpu.memref_slice %arg9[%dma_wait3A_326] : memref<2048xi32, #tpu.memory_space<vmem>> -> memref<1568xi32, #tpu.memory_space<vmem>>
          %dma_wait3A_328 = tpu.memref_slice %arg4[%add3A_316] : memref<640000xi32, #tpu.memory_space<hbm>> -> memref<1568xi32, #tpu.memory_space<hbm>>
          tpu.wait_dma2 semaphore(%run_scoped3A : memref<!tpu.dma_semaphore, #tpu.memory_space<semaphore_mem>>) src(%dma_wait3A_328 : memref<1568xi32, #tpu.memory_space<hbm>>) dst(%dma_wait3A_327 : memref<1568xi32, #tpu.memory_space<vmem>>)
          tpu.yield
        }) : () -> ()
      } else {
      }
      %jit3A_82 = arith.constant 8 : i32
      %eq3A_83 = arith.constant 0 : i32
      %eq3A_84 = arith.cmpi eq, %jit3A_82, %eq3A_83 : i32
      %jit3A_85 = arith.constant 1 : i32
      %select_n3A_86 = arith.select %eq3A_84, %jit3A_85, %jit3A_82 : i32
      %rem3A_87 = arith.remsi %scan3A_57, %select_n3A_86 : i32
      %ne3A_88 = arith.constant 0 : i32
      %ne3A_89 = arith.cmpi ne, %rem3A_87, %ne3A_88 : i32
      %lt3A_90 = arith.constant 0 : i32
      %lt3A_91 = arith.cmpi slt, %rem3A_87, %lt3A_90 : i32
      %lt3A_92 = arith.constant 0 : i32
      %lt3A_93 = arith.cmpi slt, %select_n3A_86, %lt3A_92 : i32
      %ne3A_94 = arith.xori %lt3A_91, %lt3A_93 : i1
      %and3A_95 = arith.andi %ne3A_94, %ne3A_89 : i1
      %add3A_96 = arith.addi %rem3A_87, %select_n3A_86 : i32
      %select_n3A_97 = arith.select %and3A_95, %add3A_96, %rem3A_87 : i32
      %mul3A_98 = arith.constant 2 : i32
      %mul3A_99 = arith.muli %select_n3A_97, %mul3A_98 : i32
      %add3A_100 = arith.constant 0 : i32
      %add3A_101 = arith.addi %mul3A_99, %add3A_100 : i32
      %mul3A_102 = arith.constant 128 : i32
      %mul3A_103 = arith.muli %add3A_101, %mul3A_102 : i32
      %add3A_104 = arith.constant 0 : i32
      %add3A_105 = arith.addi %mul3A_103, %add3A_104 : i32
      %get3A_106 = arith.index_cast %add3A_105 : i32 to index
      %get3A_107 = tpu.vector_load %arg9[%get3A_106] {strides = array<i32>} : memref<2048xi32, #tpu.memory_space<vmem>>, vector<16xi32>,
      %get3A_108 = vector.shape_cast %get3A_107 : vector<16xi32> to vector<16xi32>
      %swap3A_109 = arith.constant 0 : index
      %swap3A_110 = tpu.vector_load %arg12[%swap3A_109] {strides = array<i32>} : memref<128xi32, #tpu.memory_space<vmem>>, vector<16xi32>,
      %swap3A_111 = vector.shape_cast %swap3A_110 : vector<16xi32> to vector<16xi32>
      %swap3A_112 = vector.shape_cast %get3A_108 : vector<16xi32> to vector<16xi32>
      tpu.vector_store %arg12[%swap3A_109], %swap3A_112 {strides = array<i32>} : memref<128xi32, #tpu.memory_space<vmem>>, vector<16xi32>,
      %mul3A_113 = arith.constant 128 : i32
      %mul3A_114 = arith.muli %add3A_101, %mul3A_113 : i32
      %add3A_115 = arith.constant 16 : i32
      %add3A_116 = arith.addi %mul3A_114, %add3A_115 : i32
      %get3A_117 = arith.index_cast %add3A_116 : i32 to index
      %get3A_118 = tpu.vector_load %arg9[%get3A_117] {strides = array<i32>} : memref<2048xi32, #tpu.memory_space<vmem>>, vector<16xi32>,
      %get3A_119 = vector.shape_cast %get3A_118 : vector<16xi32> to vector<16xi32>
      %swap3A_120 = arith.constant 16 : index
      %swap3A_121 = tpu.vector_load %arg12[%swap3A_120] {strides = array<i32>} : memref<128xi32, #tpu.memory_space<vmem>>, vector<16xi32>,
      %swap3A_122 = vector.shape_cast %swap3A_121 : vector<16xi32> to vector<16xi32>
      %swap3A_123 = vector.shape_cast %get3A_119 : vector<16xi32> to vector<16xi32>
      tpu.vector_store %arg12[%swap3A_120], %swap3A_123 {strides = array<i32>} : memref<128xi32, #tpu.memory_space<vmem>>, vector<16xi32>,
      %mul3A_124 = arith.constant 128 : i32
      %mul3A_125 = arith.muli %add3A_101, %mul3A_124 : i32
      %add3A_126 = arith.constant 32 : i32
      %add3A_127 = arith.addi %mul3A_125, %add3A_126 : i32
      %get3A_128 = arith.index_cast %add3A_127 : i32 to index
      %get3A_129 = tpu.vector_load %arg9[%get3A_128] {strides = array<i32>} : memref<2048xi32, #tpu.memory_space<vmem>>, vector<16xi32>,
      %get3A_130 = vector.shape_cast %get3A_129 : vector<16xi32> to vector<16xi32>
      %swap3A_131 = arith.constant 32 : index
      %swap3A_132 = tpu.vector_load %arg12[%swap3A_131] {strides = array<i32>} : memref<128xi32, #tpu.memory_space<vmem>>, vector<16xi32>,
      %swap3A_133 = vector.shape_cast %swap3A_132 : vector<16xi32> to vector<16xi32>
      %swap3A_134 = vector.shape_cast %get3A_130 : vector<16xi32> to vector<16xi32>
      tpu.vector_store %arg12[%swap3A_131], %swap3A_134 {strides = array<i32>} : memref<128xi32, #tpu.memory_space<vmem>>, vector<16xi32>,
      %mul3A_135 = arith.constant 128 : i32
      %mul3A_136 = arith.muli %add3A_101, %mul3A_135 : i32
      %add3A_137 = arith.constant 48 : i32
      %add3A_138 = arith.addi %mul3A_136, %add3A_137 : i32
      %get3A_139 = arith.index_cast %add3A_138 : i32 to index
      %get3A_140 = tpu.vector_load %arg9[%get3A_139] {strides = array<i32>} : memref<2048xi32, #tpu.memory_space<vmem>>, vector<16xi32>,
      %get3A_141 = vector.shape_cast %get3A_140 : vector<16xi32> to vector<16xi32>
      %swap3A_142 = arith.constant 48 : index
      %swap3A_143 = tpu.vector_load %arg12[%swap3A_142] {strides = array<i32>} : memref<128xi32, #tpu.memory_space<vmem>>, vector<16xi32>,
      %swap3A_144 = vector.shape_cast %swap3A_143 : vector<16xi32> to vector<16xi32>
      %swap3A_145 = vector.shape_cast %get3A_141 : vector<16xi32> to vector<16xi32>
      tpu.vector_store %arg12[%swap3A_142], %swap3A_145 {strides = array<i32>} : memref<128xi32, #tpu.memory_space<vmem>>, vector<16xi32>,
      %mul3A_146 = arith.constant 128 : i32
      %mul3A_147 = arith.muli %add3A_101, %mul3A_146 : i32
      %add3A_148 = arith.constant 64 : i32
      %add3A_149 = arith.addi %mul3A_147, %add3A_148 : i32
      %get3A_150 = arith.index_cast %add3A_149 : i32 to index
      %get3A_151 = tpu.vector_load %arg9[%get3A_150] {strides = array<i32>} : memref<2048xi32, #tpu.memory_space<vmem>>, vector<16xi32>,
      %get3A_152 = vector.shape_cast %get3A_151 : vector<16xi32> to vector<16xi32>
      %swap3A_153 = arith.constant 64 : index
      %swap3A_154 = tpu.vector_load %arg12[%swap3A_153] {strides = array<i32>} : memref<128xi32, #tpu.memory_space<vmem>>, vector<16xi32>,
      %swap3A_155 = vector.shape_cast %swap3A_154 : vector<16xi32> to vector<16xi32>
      %swap3A_156 = vector.shape_cast %get3A_152 : vector<16xi32> to vector<16xi32>
      tpu.vector_store %arg12[%swap3A_153], %swap3A_156 {strides = array<i32>} : memref<128xi32, #tpu.memory_space<vmem>>, vector<16xi32>,
      %mul3A_157 = arith.constant 128 : i32
      %mul3A_158 = arith.muli %add3A_101, %mul3A_157 : i32
      %add3A_159 = arith.constant 80 : i32
      %add3A_160 = arith.addi %mul3A_158, %add3A_159 : i32
      %get3A_161 = arith.index_cast %add3A_160 : i32 to index
      %get3A_162 = tpu.vector_load %arg9[%get3A_161] {strides = array<i32>} : memref<2048xi32, #tpu.memory_space<vmem>>, vector<16xi32>,
      %get3A_163 = vector.shape_cast %get3A_162 : vector<16xi32> to vector<16xi32>
      %swap3A_164 = arith.constant 80 : index
      %swap3A_165 = tpu.vector_load %arg12[%swap3A_164] {strides = array<i32>} : memref<128xi32, #tpu.memory_space<vmem>>, vector<16xi32>,
      %swap3A_166 = vector.shape_cast %swap3A_165 : vector<16xi32> to vector<16xi32>
      %swap3A_167 = vector.shape_cast %get3A_163 : vector<16xi32> to vector<16xi32>
      tpu.vector_store %arg12[%swap3A_164], %swap3A_167 {strides = array<i32>} : memref<128xi32, #tpu.memory_space<vmem>>, vector<16xi32>,
      %mul3A_168 = arith.constant 128 : i32
      %mul3A_169 = arith.muli %add3A_101, %mul3A_168 : i32
      %add3A_170 = arith.constant 96 : i32
      %add3A_171 = arith.addi %mul3A_169, %add3A_170 : i32
      %get3A_172 = arith.index_cast %add3A_171 : i32 to index
      %get3A_173 = tpu.vector_load %arg9[%get3A_172] {strides = array<i32>} : memref<2048xi32, #tpu.memory_space<vmem>>, vector<16xi32>,
      %get3A_174 = vector.shape_cast %get3A_173 : vector<16xi32> to vector<16xi32>
      %swap3A_175 = arith.constant 96 : index
      %swap3A_176 = tpu.vector_load %arg12[%swap3A_175] {strides = array<i32>} : memref<128xi32, #tpu.memory_space<vmem>>, vector<16xi32>,
      %swap3A_177 = vector.shape_cast %swap3A_176 : vector<16xi32> to vector<16xi32>
      %swap3A_178 = vector.shape_cast %get3A_174 : vector<16xi32> to vector<16xi32>
      tpu.vector_store %arg12[%swap3A_175], %swap3A_178 {strides = array<i32>} : memref<128xi32, #tpu.memory_space<vmem>>, vector<16xi32>,
      %mul3A_179 = arith.constant 128 : i32
      %mul3A_180 = arith.muli %add3A_101, %mul3A_179 : i32
      %add3A_181 = arith.constant 112 : i32
      %add3A_182 = arith.addi %mul3A_180, %add3A_181 : i32
      %get3A_183 = arith.index_cast %add3A_182 : i32 to index
      %get3A_184 = tpu.vector_load %arg9[%get3A_183] {strides = array<i32>} : memref<2048xi32, #tpu.memory_space<vmem>>, vector<16xi32>,
      %get3A_185 = vector.shape_cast %get3A_184 : vector<16xi32> to vector<16xi32>
      %swap3A_186 = arith.constant 112 : index
      %swap3A_187 = tpu.vector_load %arg12[%swap3A_186] {strides = array<i32>} : memref<128xi32, #tpu.memory_space<vmem>>, vector<16xi32>,
      %swap3A_188 = vector.shape_cast %swap3A_187 : vector<16xi32> to vector<16xi32>
      %swap3A_189 = vector.shape_cast %get3A_185 : vector<16xi32> to vector<16xi32>
      tpu.vector_store %arg12[%swap3A_186], %swap3A_189 {strides = array<i32>} : memref<128xi32, #tpu.memory_space<vmem>>, vector<16xi32>,
      %mul3A_190 = arith.constant 128 : i32
      %mul3A_191 = arith.muli %add3A_101, %mul3A_190 : i32
      %dma_start3A_192 = tpu.memref_slice %arg8[%mul3A_191] : memref<2048xi32, #tpu.memory_space<vmem>> -> memref<128xi32, #tpu.memory_space<vmem>>
      %dma_start3A_193 = arith.constant 0 : i32
      %dma_start3A_194 = arith.constant 0 : i32
      %dma_start3A_195 = tpu.memref_slice %arg2[%dma_start3A_193, %dma_start3A_194] : memref<10000x128xf32, #tpu.memory_space<hbm>> -> memref<10000x128xf32, #tpu.memory_space<hbm>>
      tpu.enqueue_indirect_dma source(%dma_start3A_195 : memref<10000x128xf32, #tpu.memory_space<hbm>>) target(%arg10 : memref<128x128xf32, #tpu.memory_space<vmem>>) offsets(%dma_start3A_192 : memref<128xi32, #tpu.memory_space<vmem>>) semaphore(%arg15 : memref<!tpu.dma_semaphore, #tpu.memory_space<semaphore_mem>>)
      %add3A_196 = arith.constant 1 : i32
      %add3A_197 = arith.addi %mul3A_99, %add3A_196 : i32
      %mul3A_198 = arith.constant 128 : i32
      %mul3A_199 = arith.muli %add3A_197, %mul3A_198 : i32
      %add3A_200 = arith.constant 0 : i32
      %add3A_201 = arith.addi %mul3A_199, %add3A_200 : i32
      %get3A_202 = arith.index_cast %add3A_201 : i32 to index
      %get3A_203 = tpu.vector_load %arg9[%get3A_202] {strides = array<i32>} : memref<2048xi32, #tpu.memory_space<vmem>>, vector<16xi32>,
      %get3A_204 = vector.shape_cast %get3A_203 : vector<16xi32> to vector<16xi32>
      %swap3A_205 = arith.constant 0 : index
      %swap3A_206 = tpu.vector_load %arg13[%swap3A_205] {strides = array<i32>} : memref<128xi32, #tpu.memory_space<vmem>>, vector<16xi32>,
      %swap3A_207 = vector.shape_cast %swap3A_206 : vector<16xi32> to vector<16xi32>
      %swap3A_208 = vector.shape_cast %get3A_204 : vector<16xi32> to vector<16xi32>
      tpu.vector_store %arg13[%swap3A_205], %swap3A_208 {strides = array<i32>} : memref<128xi32, #tpu.memory_space<vmem>>, vector<16xi32>,
      %mul3A_209 = arith.constant 128 : i32
      %mul3A_210 = arith.muli %add3A_197, %mul3A_209 : i32
      %add3A_211 = arith.constant 16 : i32
      %add3A_212 = arith.addi %mul3A_210, %add3A_211 : i32
      %get3A_213 = arith.index_cast %add3A_212 : i32 to index
      %get3A_214 = tpu.vector_load %arg9[%get3A_213] {strides = array<i32>} : memref<2048xi32, #tpu.memory_space<vmem>>, vector<16xi32>,
      %get3A_215 = vector.shape_cast %get3A_214 : vector<16xi32> to vector<16xi32>
      %swap3A_216 = arith.constant 16 : index
      %swap3A_217 = tpu.vector_load %arg13[%swap3A_216] {strides = array<i32>} : memref<128xi32, #tpu.memory_space<vmem>>, vector<16xi32>,
      %swap3A_218 = vector.shape_cast %swap3A_217 : vector<16xi32> to vector<16xi32>
      %swap3A_219 = vector.shape_cast %get3A_215 : vector<16xi32> to vector<16xi32>
      tpu.vector_store %arg13[%swap3A_216], %swap3A_219 {strides = array<i32>} : memref<128xi32, #tpu.memory_space<vmem>>, vector<16xi32>,
      %mul3A_220 = arith.constant 128 : i32
      %mul3A_221 = arith.muli %add3A_197, %mul3A_220 : i32
      %add3A_222 = arith.constant 32 : i32
      %add3A_223 = arith.addi %mul3A_221, %add3A_222 : i32
      %get3A_224 = arith.index_cast %add3A_223 : i32 to index
      %get3A_225 = tpu.vector_load %arg9[%get3A_224] {strides = array<i32>} : memref<2048xi32, #tpu.memory_space<vmem>>, vector<16xi32>,
      %get3A_226 = vector.shape_cast %get3A_225 : vector<16xi32> to vector<16xi32>
      %swap3A_227 = arith.constant 32 : index
      %swap3A_228 = tpu.vector_load %arg13[%swap3A_227] {strides = array<i32>} : memref<128xi32, #tpu.memory_space<vmem>>, vector<16xi32>,
      %swap3A_229 = vector.shape_cast %swap3A_228 : vector<16xi32> to vector<16xi32>
      %swap3A_230 = vector.shape_cast %get3A_226 : vector<16xi32> to vector<16xi32>
      tpu.vector_store %arg13[%swap3A_227], %swap3A_230 {strides = array<i32>} : memref<128xi32, #tpu.memory_space<vmem>>, vector<16xi32>,
      %mul3A_231 = arith.constant 128 : i32
      %mul3A_232 = arith.muli %add3A_197, %mul3A_231 : i32
      %add3A_233 = arith.constant 48 : i32
      %add3A_234 = arith.addi %mul3A_232, %add3A_233 : i32
      %get3A_235 = arith.index_cast %add3A_234 : i32 to index
      %get3A_236 = tpu.vector_load %arg9[%get3A_235] {strides = array<i32>} : memref<2048xi32, #tpu.memory_space<vmem>>, vector<16xi32>,
      %get3A_237 = vector.shape_cast %get3A_236 : vector<16xi32> to vector<16xi32>
      %swap3A_238 = arith.constant 48 : index
      %swap3A_239 = tpu.vector_load %arg13[%swap3A_238] {strides = array<i32>} : memref<128xi32, #tpu.memory_space<vmem>>, vector<16xi32>,
      %swap3A_240 = vector.shape_cast %swap3A_239 : vector<16xi32> to vector<16xi32>
      %swap3A_241 = vector.shape_cast %get3A_237 : vector<16xi32> to vector<16xi32>
      tpu.vector_store %arg13[%swap3A_238], %swap3A_241 {strides = array<i32>} : memref<128xi32, #tpu.memory_space<vmem>>, vector<16xi32>,
      %mul3A_242 = arith.constant 128 : i32
      %mul3A_243 = arith.muli %add3A_197, %mul3A_242 : i32
      %add3A_244 = arith.constant 64 : i32
      %add3A_245 = arith.addi %mul3A_243, %add3A_244 : i32
      %get3A_246 = arith.index_cast %add3A_245 : i32 to index
      %get3A_247 = tpu.vector_load %arg9[%get3A_246] {strides = array<i32>} : memref<2048xi32, #tpu.memory_space<vmem>>, vector<16xi32>,
      %get3A_248 = vector.shape_cast %get3A_247 : vector<16xi32> to vector<16xi32>
      %swap3A_249 = arith.constant 64 : index
      %swap3A_250 = tpu.vector_load %arg13[%swap3A_249] {strides = array<i32>} : memref<128xi32, #tpu.memory_space<vmem>>, vector<16xi32>,
      %swap3A_251 = vector.shape_cast %swap3A_250 : vector<16xi32> to vector<16xi32>
      %swap3A_252 = vector.shape_cast %get3A_248 : vector<16xi32> to vector<16xi32>
      tpu.vector_store %arg13[%swap3A_249], %swap3A_252 {strides = array<i32>} : memref<128xi32, #tpu.memory_space<vmem>>, vector<16xi32>,
      %mul3A_253 = arith.constant 128 : i32
      %mul3A_254 = arith.muli %add3A_197, %mul3A_253 : i32
      %add3A_255 = arith.constant 80 : i32
      %add3A_256 = arith.addi %mul3A_254, %add3A_255 : i32
      %get3A_257 = arith.index_cast %add3A_256 : i32 to index
      %get3A_258 = tpu.vector_load %arg9[%get3A_257] {strides = array<i32>} : memref<2048xi32, #tpu.memory_space<vmem>>, vector<16xi32>,
      %get3A_259 = vector.shape_cast %get3A_258 : vector<16xi32> to vector<16xi32>
      %swap3A_260 = arith.constant 80 : index
      %swap3A_261 = tpu.vector_load %arg13[%swap3A_260] {strides = array<i32>} : memref<128xi32, #tpu.memory_space<vmem>>, vector<16xi32>,
      %swap3A_262 = vector.shape_cast %swap3A_261 : vector<16xi32> to vector<16xi32>
      %swap3A_263 = vector.shape_cast %get3A_259 : vector<16xi32> to vector<16xi32>
      tpu.vector_store %arg13[%swap3A_260], %swap3A_263 {strides = array<i32>} : memref<128xi32, #tpu.memory_space<vmem>>, vector<16xi32>,
      %mul3A_264 = arith.constant 128 : i32
      %mul3A_265 = arith.muli %add3A_197, %mul3A_264 : i32
      %add3A_266 = arith.constant 96 : i32
      %add3A_267 = arith.addi %mul3A_265, %add3A_266 : i32
      %get3A_268 = arith.index_cast %add3A_267 : i32 to index
      %get3A_269 = tpu.vector_load %arg9[%get3A_268] {strides = array<i32>} : memref<2048xi32, #tpu.memory_space<vmem>>, vector<16xi32>,
      %get3A_270 = vector.shape_cast %get3A_269 : vector<16xi32> to vector<16xi32>
      %swap3A_271 = arith.constant 96 : index
      %swap3A_272 = tpu.vector_load %arg13[%swap3A_271] {strides = array<i32>} : memref<128xi32, #tpu.memory_space<vmem>>, vector<16xi32>,
      %swap3A_273 = vector.shape_cast %swap3A_272 : vector<16xi32> to vector<16xi32>
      %swap3A_274 = vector.shape_cast %get3A_270 : vector<16xi32> to vector<16xi32>
      tpu.vector_store %arg13[%swap3A_271], %swap3A_274 {strides = array<i32>} : memref<128xi32, #tpu.memory_space<vmem>>, vector<16xi32>,
      %mul3A_275 = arith.constant 128 : i32
      %mul3A_276 = arith.muli %add3A_197, %mul3A_275 : i32
      %add3A_277 = arith.constant 112 : i32
      %add3A_278 = arith.addi %mul3A_276, %add3A_277 : i32
      %get3A_279 = arith.index_cast %add3A_278 : i32 to index
      %get3A_280 = tpu.vector_load %arg9[%get3A_279] {strides = array<i32>} : memref<2048xi32, #tpu.memory_space<vmem>>, vector<16xi32>,
      %get3A_281 = vector.shape_cast %get3A_280 : vector<16xi32> to vector<16xi32>
      %swap3A_282 = arith.constant 112 : index
      %swap3A_283 = tpu.vector_load %arg13[%swap3A_282] {strides = array<i32>} : memref<128xi32, #tpu.memory_space<vmem>>, vector<16xi32>,
      %swap3A_284 = vector.shape_cast %swap3A_283 : vector<16xi32> to vector<16xi32>
      %swap3A_285 = vector.shape_cast %get3A_281 : vector<16xi32> to vector<16xi32>
      tpu.vector_store %arg13[%swap3A_282], %swap3A_285 {strides = array<i32>} : memref<128xi32, #tpu.memory_space<vmem>>, vector<16xi32>,
      %mul3A_286 = arith.constant 128 : i32
      %mul3A_287 = arith.muli %add3A_197, %mul3A_286 : i32
      %dma_start3A_288 = tpu.memref_slice %arg8[%mul3A_287] : memref<2048xi32, #tpu.memory_space<vmem>> -> memref<128xi32, #tpu.memory_space<vmem>>
      %dma_start3A_289 = arith.constant 0 : i32
      %dma_start3A_290 = arith.constant 0 : i32
      %dma_start3A_291 = tpu.memref_slice %arg2[%dma_start3A_289, %dma_start3A_290] : memref<10000x128xf32, #tpu.memory_space<hbm>> -> memref<10000x128xf32, #tpu.memory_space<hbm>>
      tpu.enqueue_indirect_dma source(%dma_start3A_291 : memref<10000x128xf32, #tpu.memory_space<hbm>>) target(%arg11 : memref<128x128xf32, #tpu.memory_space<vmem>>) offsets(%dma_start3A_288 : memref<128xi32, #tpu.memory_space<vmem>>) semaphore(%arg16 : memref<!tpu.dma_semaphore, #tpu.memory_space<semaphore_mem>>)
      %dma_wait3A_292 = tpu.memref_slice %arg8[%mul3A_191] : memref<2048xi32, #tpu.memory_space<vmem>> -> memref<128xi32, #tpu.memory_space<vmem>>
      %dma_wait3A_293 = arith.constant 0 : i32
      %dma_wait3A_294 = arith.constant 0 : i32
      %dma_wait3A_295 = tpu.memref_slice %arg2[%dma_wait3A_293, %dma_wait3A_294] : memref<10000x128xf32, #tpu.memory_space<hbm>> -> memref<10000x128xf32, #tpu.memory_space<hbm>>
      tpu.wait_indirect_dma semaphore(%arg15 : memref<!tpu.dma_semaphore, #tpu.memory_space<semaphore_mem>>) src(%dma_wait3A_295 : memref<10000x128xf32, #tpu.memory_space<hbm>>) dst(%arg10 : memref<128x128xf32, #tpu.memory_space<vmem>>)
      %dma_start3A_296 = arith.constant 0 : i32
      %dma_start3A_297 = arith.constant 0 : i32
      %dma_start3A_298 = tpu.memref_slice %arg7[%dma_start3A_296, %dma_start3A_297] : memref<10000x128xf32, #tpu.memory_space<vmem_shared>> -> memref<10000x128xf32, #tpu.memory_space<vmem_shared>>
      tpu.enqueue_indirect_dma source(%arg10 : memref<128x128xf32, #tpu.memory_space<vmem>>) target(%dma_start3A_298 : memref<10000x128xf32, #tpu.memory_space<vmem_shared>>) offsets(%arg12 : memref<128xi32, #tpu.memory_space<vmem>>) semaphore(%arg15 : memref<!tpu.dma_semaphore, #tpu.memory_space<semaphore_mem>>) {add = true}
      %dma_wait3A_299 = tpu.memref_slice %arg8[%mul3A_287] : memref<2048xi32, #tpu.memory_space<vmem>> -> memref<128xi32, #tpu.memory_space<vmem>>
      %dma_wait3A_300 = arith.constant 0 : i32
      %dma_wait3A_301 = arith.constant 0 : i32
      %dma_wait3A_302 = tpu.memref_slice %arg2[%dma_wait3A_300, %dma_wait3A_301] : memref<10000x128xf32, #tpu.memory_space<hbm>> -> memref<10000x128xf32, #tpu.memory_space<hbm>>
      tpu.wait_indirect_dma semaphore(%arg16 : memref<!tpu.dma_semaphore, #tpu.memory_space<semaphore_mem>>) src(%dma_wait3A_302 : memref<10000x128xf32, #tpu.memory_space<hbm>>) dst(%arg11 : memref<128x128xf32, #tpu.memory_space<vmem>>)
      %dma_start3A_303 = arith.constant 0 : i32
      %dma_start3A_304 = arith.constant 0 : i32
      %dma_start3A_305 = tpu.memref_slice %arg7[%dma_start3A_303, %dma_start3A_304] : memref<10000x128xf32, #tpu.memory_space<vmem_shared>> -> memref<10000x128xf32, #tpu.memory_space<vmem_shared>>
      tpu.enqueue_indirect_dma source(%arg11 : memref<128x128xf32, #tpu.memory_space<vmem>>) target(%dma_start3A_305 : memref<10000x128xf32, #tpu.memory_space<vmem_shared>>) offsets(%arg13 : memref<128xi32, #tpu.memory_space<vmem>>) semaphore(%arg16 : memref<!tpu.dma_semaphore, #tpu.memory_space<semaphore_mem>>) {add = true}
      %dma_wait3A_306 = arith.constant 0 : i32
      %dma_wait3A_307 = arith.constant 0 : i32
      %dma_wait3A_308 = tpu.memref_slice %arg7[%dma_wait3A_306, %dma_wait3A_307] : memref<10000x128xf32, #tpu.memory_space<vmem_shared>> -> memref<10000x128xf32, #tpu.memory_space<vmem_shared>>
      tpu.wait_indirect_dma semaphore(%arg15 : memref<!tpu.dma_semaphore, #tpu.memory_space<semaphore_mem>>) src(%arg10 : memref<128x128xf32, #tpu.memory_space<vmem>>) dst(%dma_wait3A_308 : memref<10000x128xf32, #tpu.memory_space<vmem_shared>>)
      %dma_wait3A_309 = arith.constant 0 : i32
      %dma_wait3A_310 = arith.constant 0 : i32
      %dma_wait3A_311 = tpu.memref_slice %arg7[%dma_wait3A_309, %dma_wait3A_310] : memref<10000x128xf32, #tpu.memory_space<vmem_shared>> -> memref<10000x128xf32, #tpu.memory_space<vmem_shared>>
      tpu.wait_indirect_dma semaphore(%arg16 : memref<!tpu.dma_semaphore, #tpu.memory_space<semaphore_mem>>) src(%arg11 : memref<128x128xf32, #tpu.memory_space<vmem>>) dst(%dma_wait3A_311 : memref<10000x128xf32, #tpu.memory_space<vmem_shared>>)
      %scan3A_312 = arith.constant 0 : i32
      scf.yield %scan3A_312 : i32
    }
    %scan3A_22 = arith.constant 78 : i32
    %get3A = arith.constant 1536 : index
    %get3A_23 = tpu.vector_load %arg9[%get3A] {strides = array<i32>} : memref<2048xi32, #tpu.memory_space<vmem>>, vector<16xi32>,
    %get3A_24 = vector.shape_cast %get3A_23 : vector<16xi32> to vector<16xi32>
    %swap3A = arith.constant 0 : index
    %swap3A_25 = tpu.vector_load %arg14[%swap3A] {strides = array<i32>} : memref<32xi32, #tpu.memory_space<vmem>>, vector<16xi32>,
    %swap3A_26 = vector.shape_cast %swap3A_25 : vector<16xi32> to vector<16xi32>
    %swap3A_27 = vector.shape_cast %get3A_24 : vector<16xi32> to vector<16xi32>
    tpu.vector_store %arg14[%swap3A], %swap3A_27 {strides = array<i32>} : memref<32xi32, #tpu.memory_space<vmem>>, vector<16xi32>,
    %get3A_28 = arith.constant 1552 : index
    %get3A_29 = tpu.vector_load %arg9[%get3A_28] {strides = array<i32>} : memref<2048xi32, #tpu.memory_space<vmem>>, vector<16xi32>,
    %get3A_30 = vector.shape_cast %get3A_29 : vector<16xi32> to vector<16xi32>
    %swap3A_31 = arith.constant 16 : index
    %swap3A_32 = tpu.vector_load %arg14[%swap3A_31] {strides = array<i32>} : memref<32xi32, #tpu.memory_space<vmem>>, vector<16xi32>,
    %swap3A_33 = vector.shape_cast %swap3A_32 : vector<16xi32> to vector<16xi32>
    %swap3A_34 = vector.shape_cast %get3A_30 : vector<16xi32> to vector<16xi32>
    tpu.vector_store %arg14[%swap3A_31], %swap3A_34 {strides = array<i32>} : memref<32xi32, #tpu.memory_space<vmem>>, vector<16xi32>,
    %dma_start3A = arith.constant 0 : i32
    %dma_start3A_35 = arith.constant 0 : i32
    %dma_start3A_36 = tpu.memref_slice %arg10[%dma_start3A, %dma_start3A_35] : memref<128x128xf32, #tpu.memory_space<vmem>> -> memref<32x128xf32, #tpu.memory_space<vmem>>
    %dma_start3A_37 = arith.constant 1536 : i32
    %dma_start3A_38 = tpu.memref_slice %arg8[%dma_start3A_37] : memref<2048xi32, #tpu.memory_space<vmem>> -> memref<32xi32, #tpu.memory_space<vmem>>
    %dma_start3A_39 = arith.constant 0 : i32
    %dma_start3A_40 = arith.constant 0 : i32
    %dma_start3A_41 = tpu.memref_slice %arg2[%dma_start3A_39, %dma_start3A_40] : memref<10000x128xf32, #tpu.memory_space<hbm>> -> memref<10000x128xf32, #tpu.memory_space<hbm>>
    tpu.enqueue_indirect_dma source(%dma_start3A_41 : memref<10000x128xf32, #tpu.memory_space<hbm>>) target(%dma_start3A_36 : memref<32x128xf32, #tpu.memory_space<vmem>>) offsets(%dma_start3A_38 : memref<32xi32, #tpu.memory_space<vmem>>) semaphore(%arg15 : memref<!tpu.dma_semaphore, #tpu.memory_space<semaphore_mem>>)
    %dma_wait3A = arith.constant 0 : i32
    %dma_wait3A_42 = arith.constant 0 : i32
    %dma_wait3A_43 = tpu.memref_slice %arg10[%dma_wait3A, %dma_wait3A_42] : memref<128x128xf32, #tpu.memory_space<vmem>> -> memref<32x128xf32, #tpu.memory_space<vmem>>
    %dma_wait3A_44 = arith.constant 1536 : i32
    %dma_wait3A_45 = tpu.memref_slice %arg8[%dma_wait3A_44] : memref<2048xi32, #tpu.memory_space<vmem>> -> memref<32xi32, #tpu.memory_space<vmem>>
    %dma_wait3A_46 = arith.constant 0 : i32
    %dma_wait3A_47 = arith.constant 0 : i32
    %dma_wait3A_48 = tpu.memref_slice %arg2[%dma_wait3A_46, %dma_wait3A_47] : memref<10000x128xf32, #tpu.memory_space<hbm>> -> memref<10000x128xf32, #tpu.memory_space<hbm>>
    tpu.wait_indirect_dma semaphore(%arg15 : memref<!tpu.dma_semaphore, #tpu.memory_space<semaphore_mem>>) src(%dma_wait3A_48 : memref<10000x128xf32, #tpu.memory_space<hbm>>) dst(%dma_wait3A_43 : memref<32x128xf32, #tpu.memory_space<vmem>>)
    "tpu.region"() ({
      %run_scoped3A = tpu.sem_alloc : memref<!tpu.dma_semaphore, #tpu.memory_space<semaphore_mem>>
      %dma_start3A_57 = arith.constant 0 : i32
      %dma_start3A_58 = arith.constant 0 : i32
      %dma_start3A_59 = tpu.memref_slice %arg10[%dma_start3A_57, %dma_start3A_58] : memref<128x128xf32, #tpu.memory_space<vmem>> -> memref<32x128xf32, #tpu.memory_space<vmem>>
      %dma_start3A_60 = arith.constant 0 : i32
      %dma_start3A_61 = arith.constant 0 : i32
      %dma_start3A_62 = tpu.memref_slice %arg7[%dma_start3A_60, %dma_start3A_61] : memref<10000x128xf32, #tpu.memory_space<vmem_shared>> -> memref<10000x128xf32, #tpu.memory_space<vmem_shared>>
      tpu.enqueue_indirect_dma source(%dma_start3A_59 : memref<32x128xf32, #tpu.memory_space<vmem>>) target(%dma_start3A_62 : memref<10000x128xf32, #tpu.memory_space<vmem_shared>>) offsets(%arg14 : memref<32xi32, #tpu.memory_space<vmem>>) semaphore(%run_scoped3A : memref<!tpu.dma_semaphore, #tpu.memory_space<semaphore_mem>>) {add = true}
      %dma_wait3A_63 = arith.constant 0 : i32
      %dma_wait3A_64 = arith.constant 0 : i32
      %dma_wait3A_65 = tpu.memref_slice %arg10[%dma_wait3A_63, %dma_wait3A_64] : memref<128x128xf32, #tpu.memory_space<vmem>> -> memref<32x128xf32, #tpu.memory_space<vmem>>
      %dma_wait3A_66 = arith.constant 0 : i32
      %dma_wait3A_67 = arith.constant 0 : i32
      %dma_wait3A_68 = tpu.memref_slice %arg7[%dma_wait3A_66, %dma_wait3A_67] : memref<10000x128xf32, #tpu.memory_space<vmem_shared>> -> memref<10000x128xf32, #tpu.memory_space<vmem_shared>>
      tpu.wait_indirect_dma semaphore(%run_scoped3A : memref<!tpu.dma_semaphore, #tpu.memory_space<semaphore_mem>>) src(%dma_wait3A_65 : memref<32x128xf32, #tpu.memory_space<vmem>>) dst(%dma_wait3A_68 : memref<10000x128xf32, #tpu.memory_space<vmem_shared>>)
      tpu.yield
    }) : () -> ()
    %barrier3A_49 = arith.constant 0 : index
    tpu.barrier barrier_id(%barrier3A_49)
    %mul3A_50 = arith.constant 624 : i32
    %mul3A_51 = arith.muli %arg1, %mul3A_50 : i32
    "tpu.region"() ({
      %run_scoped3A = tpu.sem_alloc : memref<!tpu.dma_semaphore, #tpu.memory_space<semaphore_mem>>
      %dma_start3A_57 = arith.constant 0 : i32
      %dma_start3A_58 = tpu.memref_slice %arg6[%arg0, %mul3A_51, %dma_start3A_57] : memref<2x10000x128xf32, #tpu.memory_space<hbm>> -> memref<1x624x128xf32, #tpu.memory_space<hbm>>
      %dma_start3A_59 = tpu.memref_squeeze %dma_start3A_58 : memref<1x624x128xf32, #tpu.memory_space<hbm>> -> memref<624x128xf32, #tpu.memory_space<hbm>>
      %dma_start3A_60 = arith.constant 0 : i32
      %dma_start3A_61 = tpu.memref_slice %arg7[%mul3A_51, %dma_start3A_60] : memref<10000x128xf32, #tpu.memory_space<vmem_shared>> -> memref<624x128xf32, #tpu.memory_space<vmem_shared>>
      tpu.enqueue_dma source(%dma_start3A_61 : memref<624x128xf32, #tpu.memory_space<vmem_shared>>) target(%dma_start3A_59 : memref<624x128xf32, #tpu.memory_space<hbm>>) target_semaphore(%run_scoped3A : memref<!tpu.dma_semaphore, #tpu.memory_space<semaphore_mem>>)
      %dma_wait3A_62 = arith.constant 0 : i32
      %dma_wait3A_63 = tpu.memref_slice %arg6[%arg0, %mul3A_51, %dma_wait3A_62] : memref<2x10000x128xf32, #tpu.memory_space<hbm>> -> memref<1x624x128xf32, #tpu.memory_space<hbm>>
      %dma_wait3A_64 = tpu.memref_squeeze %dma_wait3A_63 : memref<1x624x128xf32, #tpu.memory_space<hbm>> -> memref<624x128xf32, #tpu.memory_space<hbm>>
      %dma_wait3A_65 = arith.constant 0 : i32
      %dma_wait3A_66 = tpu.memref_slice %arg7[%mul3A_51, %dma_wait3A_65] : memref<10000x128xf32, #tpu.memory_space<vmem_shared>> -> memref<624x128xf32, #tpu.memory_space<vmem_shared>>
      tpu.wait_dma2 semaphore(%run_scoped3A : memref<!tpu.dma_semaphore, #tpu.memory_space<semaphore_mem>>) src(%dma_wait3A_66 : memref<624x128xf32, #tpu.memory_space<vmem_shared>>) dst(%dma_wait3A_64 : memref<624x128xf32, #tpu.memory_space<hbm>>)
      tpu.yield
    }) : () -> ()
    %eq3A_52 = arith.constant 0 : i32
    %eq3A_53 = arith.cmpi eq, %arg1, %eq3A_52 : i32
    %convert_element_type3A_54 = arith.extui %eq3A_53 : i1 to i32
    %cond3A_55 = arith.constant 0 : i32
    %cond3A_56 = arith.cmpi ne, %convert_element_type3A_54, %cond3A_55 : i32
    scf.if %cond3A_56 {
      "tpu.region"() ({
        %run_scoped3A = tpu.sem_alloc : memref<!tpu.dma_semaphore, #tpu.memory_space<semaphore_mem>>
        %dma_start3A_57 = arith.constant 9984 : i32
        %dma_start3A_58 = arith.constant 0 : i32
        %dma_start3A_59 = tpu.memref_slice %arg6[%arg0, %dma_start3A_57, %dma_start3A_58] : memref<2x10000x128xf32, #tpu.memory_space<hbm>> -> memref<1x16x128xf32, #tpu.memory_space<hbm>>
        %dma_start3A_60 = tpu.memref_squeeze %dma_start3A_59 : memref<1x16x128xf32, #tpu.memory_space<hbm>> -> memref<16x128xf32, #tpu.memory_space<hbm>>
        %dma_start3A_61 = arith.constant 9984 : i32
        %dma_start3A_62 = arith.constant 0 : i32
        %dma_start3A_63 = tpu.memref_slice %arg7[%dma_start3A_61, %dma_start3A_62] : memref<10000x128xf32, #tpu.memory_space<vmem_shared>> -> memref<16x128xf32, #tpu.memory_space<vmem_shared>>
        tpu.enqueue_dma source(%dma_start3A_63 : memref<16x128xf32, #tpu.memory_space<vmem_shared>>) target(%dma_start3A_60 : memref<16x128xf32, #tpu.memory_space<hbm>>) target_semaphore(%run_scoped3A : memref<!tpu.dma_semaphore, #tpu.memory_space<semaphore_mem>>)
        %dma_wait3A_64 = arith.constant 9984 : i32
        %dma_wait3A_65 = arith.constant 0 : i32
        %dma_wait3A_66 = tpu.memref_slice %arg6[%arg0, %dma_wait3A_64, %dma_wait3A_65] : memref<2x10000x128xf32, #tpu.memory_space<hbm>> -> memref<1x16x128xf32, #tpu.memory_space<hbm>>
        %dma_wait3A_67 = tpu.memref_squeeze %dma_wait3A_66 : memref<1x16x128xf32, #tpu.memory_space<hbm>> -> memref<16x128xf32, #tpu.memory_space<hbm>>
        %dma_wait3A_68 = arith.constant 9984 : i32
        %dma_wait3A_69 = arith.constant 0 : i32
        %dma_wait3A_70 = tpu.memref_slice %arg7[%dma_wait3A_68, %dma_wait3A_69] : memref<10000x128xf32, #tpu.memory_space<vmem_shared>> -> memref<16x128xf32, #tpu.memory_space<vmem_shared>>
        tpu.wait_dma2 semaphore(%run_scoped3A : memref<!tpu.dma_semaphore, #tpu.memory_space<semaphore_mem>>) src(%dma_wait3A_70 : memref<16x128xf32, #tpu.memory_space<vmem_shared>>) dst(%dma_wait3A_67 : memref<16x128xf32, #tpu.memory_space<hbm>>)
        tpu.yield
      }) : () -> ()
    } else {
    }
    return
  }
}

#map = affine_map<(d0, d1) -> (0)>
#map1 = affine_map<(d0, d1) -> (0, 0)>
module attributes {stable_mosaic.version = 14 : i64} {
  func.func @_deg_body(%arg0: i32, %arg1: i32, %arg2: memref<640000xi32, #tpu.memory_space<hbm>>, %arg3: memref<2x10240xf32, #tpu.memory_space<hbm>>, %arg4: memref<10240xf32, #tpu.memory_space<vmem>>, %arg5: memref<4000xi32, #tpu.memory_space<vmem>>, %arg6: memref<16x10240xf32, #tpu.memory_space<vmem_shared>>, %arg7: memref<640xf32, #tpu.memory_space<vmem>>, %arg8: memref<640xf32, #tpu.memory_space<vmem>>) attributes {dimension_semantics = [#tpu.dimension_semantics<core_parallel>, #tpu.dimension_semantics<subcore_parallel>], iteration_bounds = array<i64: 2, 16>, scalar_prefetch = 0 : i64, scratch_operands = 5 : i64, tpu.core_type = #tpu.core_type<sc_vector_subcore>, window_params = [{transform_indices = #map}, {transform_indices = #map1}]} {
    %mul3A = arith.constant 2 : i32
    %mul3A_0 = arith.muli %arg1, %mul3A : i32
    %add3A = arith.addi %mul3A_0, %arg0 : i32
    %broadcast_in_dim3A = arith.constant 0.000000e+00 : f32
    %broadcast_in_dim3A_1 = vector.broadcast %broadcast_in_dim3A : f32 to vector<16xf32>
    %broadcast_in_dim3A_2 = arith.constant 1.000000e+00 : f32
    %broadcast_in_dim3A_3 = vector.broadcast %broadcast_in_dim3A_2 : f32 to vector<16xf32>
    %scan3A = arith.constant 0 : i32
    %scan3A_4 = arith.constant 0 : i32
    %scan3A_5 = arith.constant 640 : i32
    %scan3A_6 = arith.addi %scan3A_4, %scan3A_5 : i32
    %scan3A_7 = arith.constant 1 : i32
    %scan3A_8 = scf.for %scan3A_153 = %scan3A_4 to %scan3A_6 step %scan3A_7 iter_args(%scan3A_154 = %scan3A) -> (i32)  : i32 {
      %mul3A_155 = arith.constant 16 : i32
      %mul3A_156 = arith.muli %scan3A_153, %mul3A_155 : i32
      %swap3A = arith.index_cast %mul3A_156 : i32 to index
      %swap3A_157 = tpu.vector_load %arg4[%swap3A] {strides = array<i32>} : memref<10240xf32, #tpu.memory_space<vmem>>, vector<16xf32>,
      tpu.vector_store %arg4[%swap3A], %broadcast_in_dim3A_1 {strides = array<i32>} : memref<10240xf32, #tpu.memory_space<vmem>>, vector<16xf32>,
      %scan3A_158 = arith.constant 0 : i32
      scf.yield %scan3A_158 : i32
    }
    %scan3A_9 = arith.constant 640 : i32
    %scan3A_10 = arith.constant 0 : i32
    %scan3A_11 = arith.constant 0 : i32
    %scan3A_12 = arith.constant 5 : i32
    %scan3A_13 = arith.addi %scan3A_11, %scan3A_12 : i32
    %scan3A_14 = arith.constant 1 : i32
    %scan3A_15 = scf.for %scan3A_153 = %scan3A_11 to %scan3A_13 step %scan3A_14 iter_args(%scan3A_154 = %scan3A_10) -> (i32)  : i32 {
      %mul3A_155 = arith.constant 20000 : i32
      %mul3A_156 = arith.muli %add3A, %mul3A_155 : i32
      %mul3A_157 = arith.constant 4000 : i32
      %mul3A_158 = arith.muli %scan3A_153, %mul3A_157 : i32
      %add3A_159 = arith.addi %mul3A_156, %mul3A_158 : i32
      "tpu.region"() ({
        %run_scoped3A_168 = tpu.sem_alloc : memref<!tpu.dma_semaphore, #tpu.memory_space<semaphore_mem>>
        %dma_start3A = tpu.memref_slice %arg2[%add3A_159] : memref<640000xi32, #tpu.memory_space<hbm>> -> memref<4000xi32, #tpu.memory_space<hbm>>
        %dma_start3A_169 = tpu.memref_slice %arg2[%add3A_159] : memref<640000xi32, #tpu.memory_space<hbm>> -> memref<4000xi32, #tpu.memory_space<hbm>>
        tpu.enqueue_dma source(%dma_start3A_169 : memref<4000xi32, #tpu.memory_space<hbm>>) target(%arg5 : memref<4000xi32, #tpu.memory_space<vmem>>) target_semaphore(%run_scoped3A_168 : memref<!tpu.dma_semaphore, #tpu.memory_space<semaphore_mem>>)
        %dma_wait3A = tpu.memref_slice %arg2[%add3A_159] : memref<640000xi32, #tpu.memory_space<hbm>> -> memref<4000xi32, #tpu.memory_space<hbm>>
        %dma_wait3A_170 = tpu.memref_slice %arg2[%add3A_159] : memref<640000xi32, #tpu.memory_space<hbm>> -> memref<4000xi32, #tpu.memory_space<hbm>>
        tpu.wait_dma2 semaphore(%run_scoped3A_168 : memref<!tpu.dma_semaphore, #tpu.memory_space<semaphore_mem>>) src(%dma_wait3A_170 : memref<4000xi32, #tpu.memory_space<hbm>>) dst(%arg5 : memref<4000xi32, #tpu.memory_space<vmem>>)
        tpu.yield
      }) : () -> ()
      %scan3A_160 = arith.constant 0 : i32
      %scan3A_161 = arith.constant 0 : i32
      %scan3A_162 = arith.constant 250 : i32
      %scan3A_163 = arith.addi %scan3A_161, %scan3A_162 : i32
      %scan3A_164 = arith.constant 1 : i32
      %scan3A_165 = scf.for %scan3A_168 = %scan3A_161 to %scan3A_163 step %scan3A_164 iter_args(%scan3A_169 = %scan3A_160) -> (i32)  : i32 {
        %mul3A_170 = arith.constant 16 : i32
        %mul3A_171 = arith.muli %scan3A_168, %mul3A_170 : i32
        %get3A = arith.index_cast %mul3A_171 : i32 to index
        %get3A_172 = tpu.vector_load %arg5[%get3A] {strides = array<i32>} : memref<4000xi32, #tpu.memory_space<vmem>>, vector<16xi32>,
        tpu.vector_store_idx %arg4[%get3A_172], %broadcast_in_dim3A_3 {add = true} : memref<10240xf32, #tpu.memory_space<vmem>>[vector<16xi32>], vector<16xf32>,
        %scan3A_173 = arith.constant 0 : i32
        scf.yield %scan3A_173 : i32
      }
      %scan3A_166 = arith.constant 250 : i32
      %scan3A_167 = arith.constant 0 : i32
      scf.yield %scan3A_167 : i32
    }
    %scan3A_16 = arith.constant 5 : i32
    "tpu.region"() ({
      %run_scoped3A_153 = tpu.sem_alloc : memref<!tpu.dma_semaphore, #tpu.memory_space<semaphore_mem>>
      %dma_start3A = arith.constant 0 : i32
      %dma_start3A_154 = tpu.memref_slice %arg6[%arg1, %dma_start3A] : memref<16x10240xf32, #tpu.memory_space<vmem_shared>> -> memref<1x10240xf32, #tpu.memory_space<vmem_shared>>
      %dma_start3A_155 = tpu.memref_squeeze %dma_start3A_154 : memref<1x10240xf32, #tpu.memory_space<vmem_shared>> -> memref<10240xf32, #tpu.memory_space<vmem_shared>>
      %dma_start3A_156 = arith.constant 0 : i32
      %dma_start3A_157 = tpu.memref_slice %arg6[%arg1, %dma_start3A_156] : memref<16x10240xf32, #tpu.memory_space<vmem_shared>> -> memref<1x10240xf32, #tpu.memory_space<vmem_shared>>
      %dma_start3A_158 = tpu.memref_squeeze %dma_start3A_157 : memref<1x10240xf32, #tpu.memory_space<vmem_shared>> -> memref<10240xf32, #tpu.memory_space<vmem_shared>>
      tpu.enqueue_dma source(%arg4 : memref<10240xf32, #tpu.memory_space<vmem>>) target(%dma_start3A_158 : memref<10240xf32, #tpu.memory_space<vmem_shared>>) target_semaphore(%run_scoped3A_153 : memref<!tpu.dma_semaphore, #tpu.memory_space<semaphore_mem>>)
      %dma_wait3A = arith.constant 0 : i32
      %dma_wait3A_159 = tpu.memref_slice %arg6[%arg1, %dma_wait3A] : memref<16x10240xf32, #tpu.memory_space<vmem_shared>> -> memref<1x10240xf32, #tpu.memory_space<vmem_shared>>
      %dma_wait3A_160 = tpu.memref_squeeze %dma_wait3A_159 : memref<1x10240xf32, #tpu.memory_space<vmem_shared>> -> memref<10240xf32, #tpu.memory_space<vmem_shared>>
      %dma_wait3A_161 = arith.constant 0 : i32
      %dma_wait3A_162 = tpu.memref_slice %arg6[%arg1, %dma_wait3A_161] : memref<16x10240xf32, #tpu.memory_space<vmem_shared>> -> memref<1x10240xf32, #tpu.memory_space<vmem_shared>>
      %dma_wait3A_163 = tpu.memref_squeeze %dma_wait3A_162 : memref<1x10240xf32, #tpu.memory_space<vmem_shared>> -> memref<10240xf32, #tpu.memory_space<vmem_shared>>
      tpu.wait_dma2 semaphore(%run_scoped3A_153 : memref<!tpu.dma_semaphore, #tpu.memory_space<semaphore_mem>>) src(%arg4 : memref<10240xf32, #tpu.memory_space<vmem>>) dst(%dma_wait3A_163 : memref<10240xf32, #tpu.memory_space<vmem_shared>>)
      tpu.yield
    }) : () -> ()
    %barrier3A = arith.constant 0 : index
    tpu.barrier barrier_id(%barrier3A)
    %mul3A_17 = arith.constant 640 : i32
    %mul3A_18 = arith.muli %arg1, %mul3A_17 : i32
    %scan3A_19 = arith.constant 0 : i32
    %scan3A_20 = arith.constant 0 : i32
    %scan3A_21 = arith.constant 40 : i32
    %scan3A_22 = arith.addi %scan3A_20, %scan3A_21 : i32
    %scan3A_23 = arith.constant 1 : i32
    %scan3A_24 = scf.for %scan3A_153 = %scan3A_20 to %scan3A_22 step %scan3A_23 iter_args(%scan3A_154 = %scan3A_19) -> (i32)  : i32 {
      %mul3A_155 = arith.constant 16 : i32
      %mul3A_156 = arith.muli %scan3A_153, %mul3A_155 : i32
      %swap3A = arith.index_cast %mul3A_156 : i32 to index
      %swap3A_157 = tpu.vector_load %arg8[%swap3A] {strides = array<i32>} : memref<640xf32, #tpu.memory_space<vmem>>, vector<16xf32>,
      tpu.vector_store %arg8[%swap3A], %broadcast_in_dim3A_1 {strides = array<i32>} : memref<640xf32, #tpu.memory_space<vmem>>, vector<16xf32>,
      %scan3A_158 = arith.constant 0 : i32
      scf.yield %scan3A_158 : i32
    }
    %scan3A_25 = arith.constant 40 : i32
    %run_scoped3A = arith.constant 0 : i32
    "tpu.region"() ({
      %run_scoped3A_153 = tpu.sem_alloc : memref<!tpu.dma_semaphore, #tpu.memory_space<semaphore_mem>>
      %dma_start3A = tpu.memref_slice %arg6[%run_scoped3A, %mul3A_18] : memref<16x10240xf32, #tpu.memory_space<vmem_shared>> -> memref<1x640xf32, #tpu.memory_space<vmem_shared>>
      %dma_start3A_154 = tpu.memref_squeeze %dma_start3A : memref<1x640xf32, #tpu.memory_space<vmem_shared>> -> memref<640xf32, #tpu.memory_space<vmem_shared>>
      %dma_start3A_155 = tpu.memref_slice %arg6[%run_scoped3A, %mul3A_18] : memref<16x10240xf32, #tpu.memory_space<vmem_shared>> -> memref<1x640xf32, #tpu.memory_space<vmem_shared>>
      %dma_start3A_156 = tpu.memref_squeeze %dma_start3A_155 : memref<1x640xf32, #tpu.memory_space<vmem_shared>> -> memref<640xf32, #tpu.memory_space<vmem_shared>>
      tpu.enqueue_dma source(%dma_start3A_156 : memref<640xf32, #tpu.memory_space<vmem_shared>>) target(%arg7 : memref<640xf32, #tpu.memory_space<vmem>>) target_semaphore(%run_scoped3A_153 : memref<!tpu.dma_semaphore, #tpu.memory_space<semaphore_mem>>)
      %dma_wait3A = tpu.memref_slice %arg6[%run_scoped3A, %mul3A_18] : memref<16x10240xf32, #tpu.memory_space<vmem_shared>> -> memref<1x640xf32, #tpu.memory_space<vmem_shared>>
      %dma_wait3A_157 = tpu.memref_squeeze %dma_wait3A : memref<1x640xf32, #tpu.memory_space<vmem_shared>> -> memref<640xf32, #tpu.memory_space<vmem_shared>>
      %dma_wait3A_158 = tpu.memref_slice %arg6[%run_scoped3A, %mul3A_18] : memref<16x10240xf32, #tpu.memory_space<vmem_shared>> -> memref<1x640xf32, #tpu.memory_space<vmem_shared>>
      %dma_wait3A_159 = tpu.memref_squeeze %dma_wait3A_158 : memref<1x640xf32, #tpu.memory_space<vmem_shared>> -> memref<640xf32, #tpu.memory_space<vmem_shared>>
      tpu.wait_dma2 semaphore(%run_scoped3A_153 : memref<!tpu.dma_semaphore, #tpu.memory_space<semaphore_mem>>) src(%dma_wait3A_159 : memref<640xf32, #tpu.memory_space<vmem_shared>>) dst(%arg7 : memref<640xf32, #tpu.memory_space<vmem>>)
      tpu.yield
    }) : () -> ()
    %scan3A_26 = arith.constant 0 : i32
    %scan3A_27 = arith.constant 0 : i32
    %scan3A_28 = arith.constant 40 : i32
    %scan3A_29 = arith.addi %scan3A_27, %scan3A_28 : i32
    %scan3A_30 = arith.constant 1 : i32
    %scan3A_31 = scf.for %scan3A_153 = %scan3A_27 to %scan3A_29 step %scan3A_30 iter_args(%scan3A_154 = %scan3A_26) -> (i32)  : i32 {
      %mul3A_155 = arith.constant 16 : i32
      %mul3A_156 = arith.muli %scan3A_153, %mul3A_155 : i32
      %get3A = arith.index_cast %mul3A_156 : i32 to index
      %get3A_157 = tpu.vector_load %arg8[%get3A] {strides = array<i32>} : memref<640xf32, #tpu.memory_space<vmem>>, vector<16xf32>,
      %mul3A_158 = arith.constant 16 : i32
      %mul3A_159 = arith.muli %scan3A_153, %mul3A_158 : i32
      %get3A_160 = arith.index_cast %mul3A_159 : i32 to index
      %get3A_161 = tpu.vector_load %arg7[%get3A_160] {strides = array<i32>} : memref<640xf32, #tpu.memory_space<vmem>>, vector<16xf32>,
      %add3A_162 = arith.addf %get3A_157, %get3A_161 : vector<16xf32>
      %mul3A_163 = arith.constant 16 : i32
      %mul3A_164 = arith.muli %scan3A_153, %mul3A_163 : i32
      %swap3A = arith.index_cast %mul3A_164 : i32 to index
      %swap3A_165 = tpu.vector_load %arg8[%swap3A] {strides = array<i32>} : memref<640xf32, #tpu.memory_space<vmem>>, vector<16xf32>,
      tpu.vector_store %arg8[%swap3A], %add3A_162 {strides = array<i32>} : memref<640xf32, #tpu.memory_space<vmem>>, vector<16xf32>,
      %scan3A_166 = arith.constant 0 : i32
      scf.yield %scan3A_166 : i32
    }
    %scan3A_32 = arith.constant 40 : i32
    %run_scoped3A_33 = arith.constant 1 : i32
    "tpu.region"() ({
      %run_scoped3A_153 = tpu.sem_alloc : memref<!tpu.dma_semaphore, #tpu.memory_space<semaphore_mem>>
      %dma_start3A = tpu.memref_slice %arg6[%run_scoped3A_33, %mul3A_18] : memref<16x10240xf32, #tpu.memory_space<vmem_shared>> -> memref<1x640xf32, #tpu.memory_space<vmem_shared>>
      %dma_start3A_154 = tpu.memref_squeeze %dma_start3A : memref<1x640xf32, #tpu.memory_space<vmem_shared>> -> memref<640xf32, #tpu.memory_space<vmem_shared>>
      %dma_start3A_155 = tpu.memref_slice %arg6[%run_scoped3A_33, %mul3A_18] : memref<16x10240xf32, #tpu.memory_space<vmem_shared>> -> memref<1x640xf32, #tpu.memory_space<vmem_shared>>
      %dma_start3A_156 = tpu.memref_squeeze %dma_start3A_155 : memref<1x640xf32, #tpu.memory_space<vmem_shared>> -> memref<640xf32, #tpu.memory_space<vmem_shared>>
      tpu.enqueue_dma source(%dma_start3A_156 : memref<640xf32, #tpu.memory_space<vmem_shared>>) target(%arg7 : memref<640xf32, #tpu.memory_space<vmem>>) target_semaphore(%run_scoped3A_153 : memref<!tpu.dma_semaphore, #tpu.memory_space<semaphore_mem>>)
      %dma_wait3A = tpu.memref_slice %arg6[%run_scoped3A_33, %mul3A_18] : memref<16x10240xf32, #tpu.memory_space<vmem_shared>> -> memref<1x640xf32, #tpu.memory_space<vmem_shared>>
      %dma_wait3A_157 = tpu.memref_squeeze %dma_wait3A : memref<1x640xf32, #tpu.memory_space<vmem_shared>> -> memref<640xf32, #tpu.memory_space<vmem_shared>>
      %dma_wait3A_158 = tpu.memref_slice %arg6[%run_scoped3A_33, %mul3A_18] : memref<16x10240xf32, #tpu.memory_space<vmem_shared>> -> memref<1x640xf32, #tpu.memory_space<vmem_shared>>
      %dma_wait3A_159 = tpu.memref_squeeze %dma_wait3A_158 : memref<1x640xf32, #tpu.memory_space<vmem_shared>> -> memref<640xf32, #tpu.memory_space<vmem_shared>>
      tpu.wait_dma2 semaphore(%run_scoped3A_153 : memref<!tpu.dma_semaphore, #tpu.memory_space<semaphore_mem>>) src(%dma_wait3A_159 : memref<640xf32, #tpu.memory_space<vmem_shared>>) dst(%arg7 : memref<640xf32, #tpu.memory_space<vmem>>)
      tpu.yield
    }) : () -> ()
    %scan3A_34 = arith.constant 0 : i32
    %scan3A_35 = arith.constant 0 : i32
    %scan3A_36 = arith.constant 40 : i32
    %scan3A_37 = arith.addi %scan3A_35, %scan3A_36 : i32
    %scan3A_38 = arith.constant 1 : i32
    %scan3A_39 = scf.for %scan3A_153 = %scan3A_35 to %scan3A_37 step %scan3A_38 iter_args(%scan3A_154 = %scan3A_34) -> (i32)  : i32 {
      %mul3A_155 = arith.constant 16 : i32
      %mul3A_156 = arith.muli %scan3A_153, %mul3A_155 : i32
      %get3A = arith.index_cast %mul3A_156 : i32 to index
      %get3A_157 = tpu.vector_load %arg8[%get3A] {strides = array<i32>} : memref<640xf32, #tpu.memory_space<vmem>>, vector<16xf32>,
      %mul3A_158 = arith.constant 16 : i32
      %mul3A_159 = arith.muli %scan3A_153, %mul3A_158 : i32
      %get3A_160 = arith.index_cast %mul3A_159 : i32 to index
      %get3A_161 = tpu.vector_load %arg7[%get3A_160] {strides = array<i32>} : memref<640xf32, #tpu.memory_space<vmem>>, vector<16xf32>,
      %add3A_162 = arith.addf %get3A_157, %get3A_161 : vector<16xf32>
      %mul3A_163 = arith.constant 16 : i32
      %mul3A_164 = arith.muli %scan3A_153, %mul3A_163 : i32
      %swap3A = arith.index_cast %mul3A_164 : i32 to index
      %swap3A_165 = tpu.vector_load %arg8[%swap3A] {strides = array<i32>} : memref<640xf32, #tpu.memory_space<vmem>>, vector<16xf32>,
      tpu.vector_store %arg8[%swap3A], %add3A_162 {strides = array<i32>} : memref<640xf32, #tpu.memory_space<vmem>>, vector<16xf32>,
      %scan3A_166 = arith.constant 0 : i32
      scf.yield %scan3A_166 : i32
    }
    %scan3A_40 = arith.constant 40 : i32
    %run_scoped3A_41 = arith.constant 2 : i32
    "tpu.region"() ({
      %run_scoped3A_153 = tpu.sem_alloc : memref<!tpu.dma_semaphore, #tpu.memory_space<semaphore_mem>>
      %dma_start3A = tpu.memref_slice %arg6[%run_scoped3A_41, %mul3A_18] : memref<16x10240xf32, #tpu.memory_space<vmem_shared>> -> memref<1x640xf32, #tpu.memory_space<vmem_shared>>
      %dma_start3A_154 = tpu.memref_squeeze %dma_start3A : memref<1x640xf32, #tpu.memory_space<vmem_shared>> -> memref<640xf32, #tpu.memory_space<vmem_shared>>
      %dma_start3A_155 = tpu.memref_slice %arg6[%run_scoped3A_41, %mul3A_18] : memref<16x10240xf32, #tpu.memory_space<vmem_shared>> -> memref<1x640xf32, #tpu.memory_space<vmem_shared>>
      %dma_start3A_156 = tpu.memref_squeeze %dma_start3A_155 : memref<1x640xf32, #tpu.memory_space<vmem_shared>> -> memref<640xf32, #tpu.memory_space<vmem_shared>>
      tpu.enqueue_dma source(%dma_start3A_156 : memref<640xf32, #tpu.memory_space<vmem_shared>>) target(%arg7 : memref<640xf32, #tpu.memory_space<vmem>>) target_semaphore(%run_scoped3A_153 : memref<!tpu.dma_semaphore, #tpu.memory_space<semaphore_mem>>)
      %dma_wait3A = tpu.memref_slice %arg6[%run_scoped3A_41, %mul3A_18] : memref<16x10240xf32, #tpu.memory_space<vmem_shared>> -> memref<1x640xf32, #tpu.memory_space<vmem_shared>>
      %dma_wait3A_157 = tpu.memref_squeeze %dma_wait3A : memref<1x640xf32, #tpu.memory_space<vmem_shared>> -> memref<640xf32, #tpu.memory_space<vmem_shared>>
      %dma_wait3A_158 = tpu.memref_slice %arg6[%run_scoped3A_41, %mul3A_18] : memref<16x10240xf32, #tpu.memory_space<vmem_shared>> -> memref<1x640xf32, #tpu.memory_space<vmem_shared>>
      %dma_wait3A_159 = tpu.memref_squeeze %dma_wait3A_158 : memref<1x640xf32, #tpu.memory_space<vmem_shared>> -> memref<640xf32, #tpu.memory_space<vmem_shared>>
      tpu.wait_dma2 semaphore(%run_scoped3A_153 : memref<!tpu.dma_semaphore, #tpu.memory_space<semaphore_mem>>) src(%dma_wait3A_159 : memref<640xf32, #tpu.memory_space<vmem_shared>>) dst(%arg7 : memref<640xf32, #tpu.memory_space<vmem>>)
      tpu.yield
    }) : () -> ()
    %scan3A_42 = arith.constant 0 : i32
    %scan3A_43 = arith.constant 0 : i32
    %scan3A_44 = arith.constant 40 : i32
    %scan3A_45 = arith.addi %scan3A_43, %scan3A_44 : i32
    %scan3A_46 = arith.constant 1 : i32
    %scan3A_47 = scf.for %scan3A_153 = %scan3A_43 to %scan3A_45 step %scan3A_46 iter_args(%scan3A_154 = %scan3A_42) -> (i32)  : i32 {
      %mul3A_155 = arith.constant 16 : i32
      %mul3A_156 = arith.muli %scan3A_153, %mul3A_155 : i32
      %get3A = arith.index_cast %mul3A_156 : i32 to index
      %get3A_157 = tpu.vector_load %arg8[%get3A] {strides = array<i32>} : memref<640xf32, #tpu.memory_space<vmem>>, vector<16xf32>,
      %mul3A_158 = arith.constant 16 : i32
      %mul3A_159 = arith.muli %scan3A_153, %mul3A_158 : i32
      %get3A_160 = arith.index_cast %mul3A_159 : i32 to index
      %get3A_161 = tpu.vector_load %arg7[%get3A_160] {strides = array<i32>} : memref<640xf32, #tpu.memory_space<vmem>>, vector<16xf32>,
      %add3A_162 = arith.addf %get3A_157, %get3A_161 : vector<16xf32>
      %mul3A_163 = arith.constant 16 : i32
      %mul3A_164 = arith.muli %scan3A_153, %mul3A_163 : i32
      %swap3A = arith.index_cast %mul3A_164 : i32 to index
      %swap3A_165 = tpu.vector_load %arg8[%swap3A] {strides = array<i32>} : memref<640xf32, #tpu.memory_space<vmem>>, vector<16xf32>,
      tpu.vector_store %arg8[%swap3A], %add3A_162 {strides = array<i32>} : memref<640xf32, #tpu.memory_space<vmem>>, vector<16xf32>,
      %scan3A_166 = arith.constant 0 : i32
      scf.yield %scan3A_166 : i32
    }
    %scan3A_48 = arith.constant 40 : i32
    %run_scoped3A_49 = arith.constant 3 : i32
    "tpu.region"() ({
      %run_scoped3A_153 = tpu.sem_alloc : memref<!tpu.dma_semaphore, #tpu.memory_space<semaphore_mem>>
      %dma_start3A = tpu.memref_slice %arg6[%run_scoped3A_49, %mul3A_18] : memref<16x10240xf32, #tpu.memory_space<vmem_shared>> -> memref<1x640xf32, #tpu.memory_space<vmem_shared>>
      %dma_start3A_154 = tpu.memref_squeeze %dma_start3A : memref<1x640xf32, #tpu.memory_space<vmem_shared>> -> memref<640xf32, #tpu.memory_space<vmem_shared>>
      %dma_start3A_155 = tpu.memref_slice %arg6[%run_scoped3A_49, %mul3A_18] : memref<16x10240xf32, #tpu.memory_space<vmem_shared>> -> memref<1x640xf32, #tpu.memory_space<vmem_shared>>
      %dma_start3A_156 = tpu.memref_squeeze %dma_start3A_155 : memref<1x640xf32, #tpu.memory_space<vmem_shared>> -> memref<640xf32, #tpu.memory_space<vmem_shared>>
      tpu.enqueue_dma source(%dma_start3A_156 : memref<640xf32, #tpu.memory_space<vmem_shared>>) target(%arg7 : memref<640xf32, #tpu.memory_space<vmem>>) target_semaphore(%run_scoped3A_153 : memref<!tpu.dma_semaphore, #tpu.memory_space<semaphore_mem>>)
      %dma_wait3A = tpu.memref_slice %arg6[%run_scoped3A_49, %mul3A_18] : memref<16x10240xf32, #tpu.memory_space<vmem_shared>> -> memref<1x640xf32, #tpu.memory_space<vmem_shared>>
      %dma_wait3A_157 = tpu.memref_squeeze %dma_wait3A : memref<1x640xf32, #tpu.memory_space<vmem_shared>> -> memref<640xf32, #tpu.memory_space<vmem_shared>>
      %dma_wait3A_158 = tpu.memref_slice %arg6[%run_scoped3A_49, %mul3A_18] : memref<16x10240xf32, #tpu.memory_space<vmem_shared>> -> memref<1x640xf32, #tpu.memory_space<vmem_shared>>
      %dma_wait3A_159 = tpu.memref_squeeze %dma_wait3A_158 : memref<1x640xf32, #tpu.memory_space<vmem_shared>> -> memref<640xf32, #tpu.memory_space<vmem_shared>>
      tpu.wait_dma2 semaphore(%run_scoped3A_153 : memref<!tpu.dma_semaphore, #tpu.memory_space<semaphore_mem>>) src(%dma_wait3A_159 : memref<640xf32, #tpu.memory_space<vmem_shared>>) dst(%arg7 : memref<640xf32, #tpu.memory_space<vmem>>)
      tpu.yield
    }) : () -> ()
    %scan3A_50 = arith.constant 0 : i32
    %scan3A_51 = arith.constant 0 : i32
    %scan3A_52 = arith.constant 40 : i32
    %scan3A_53 = arith.addi %scan3A_51, %scan3A_52 : i32
    %scan3A_54 = arith.constant 1 : i32
    %scan3A_55 = scf.for %scan3A_153 = %scan3A_51 to %scan3A_53 step %scan3A_54 iter_args(%scan3A_154 = %scan3A_50) -> (i32)  : i32 {
      %mul3A_155 = arith.constant 16 : i32
      %mul3A_156 = arith.muli %scan3A_153, %mul3A_155 : i32
      %get3A = arith.index_cast %mul3A_156 : i32 to index
      %get3A_157 = tpu.vector_load %arg8[%get3A] {strides = array<i32>} : memref<640xf32, #tpu.memory_space<vmem>>, vector<16xf32>,
      %mul3A_158 = arith.constant 16 : i32
      %mul3A_159 = arith.muli %scan3A_153, %mul3A_158 : i32
      %get3A_160 = arith.index_cast %mul3A_159 : i32 to index
      %get3A_161 = tpu.vector_load %arg7[%get3A_160] {strides = array<i32>} : memref<640xf32, #tpu.memory_space<vmem>>, vector<16xf32>,
      %add3A_162 = arith.addf %get3A_157, %get3A_161 : vector<16xf32>
      %mul3A_163 = arith.constant 16 : i32
      %mul3A_164 = arith.muli %scan3A_153, %mul3A_163 : i32
      %swap3A = arith.index_cast %mul3A_164 : i32 to index
      %swap3A_165 = tpu.vector_load %arg8[%swap3A] {strides = array<i32>} : memref<640xf32, #tpu.memory_space<vmem>>, vector<16xf32>,
      tpu.vector_store %arg8[%swap3A], %add3A_162 {strides = array<i32>} : memref<640xf32, #tpu.memory_space<vmem>>, vector<16xf32>,
      %scan3A_166 = arith.constant 0 : i32
      scf.yield %scan3A_166 : i32
    }
    %scan3A_56 = arith.constant 40 : i32
    %run_scoped3A_57 = arith.constant 4 : i32
    "tpu.region"() ({
      %run_scoped3A_153 = tpu.sem_alloc : memref<!tpu.dma_semaphore, #tpu.memory_space<semaphore_mem>>
      %dma_start3A = tpu.memref_slice %arg6[%run_scoped3A_57, %mul3A_18] : memref<16x10240xf32, #tpu.memory_space<vmem_shared>> -> memref<1x640xf32, #tpu.memory_space<vmem_shared>>
      %dma_start3A_154 = tpu.memref_squeeze %dma_start3A : memref<1x640xf32, #tpu.memory_space<vmem_shared>> -> memref<640xf32, #tpu.memory_space<vmem_shared>>
      %dma_start3A_155 = tpu.memref_slice %arg6[%run_scoped3A_57, %mul3A_18] : memref<16x10240xf32, #tpu.memory_space<vmem_shared>> -> memref<1x640xf32, #tpu.memory_space<vmem_shared>>
      %dma_start3A_156 = tpu.memref_squeeze %dma_start3A_155 : memref<1x640xf32, #tpu.memory_space<vmem_shared>> -> memref<640xf32, #tpu.memory_space<vmem_shared>>
      tpu.enqueue_dma source(%dma_start3A_156 : memref<640xf32, #tpu.memory_space<vmem_shared>>) target(%arg7 : memref<640xf32, #tpu.memory_space<vmem>>) target_semaphore(%run_scoped3A_153 : memref<!tpu.dma_semaphore, #tpu.memory_space<semaphore_mem>>)
      %dma_wait3A = tpu.memref_slice %arg6[%run_scoped3A_57, %mul3A_18] : memref<16x10240xf32, #tpu.memory_space<vmem_shared>> -> memref<1x640xf32, #tpu.memory_space<vmem_shared>>
      %dma_wait3A_157 = tpu.memref_squeeze %dma_wait3A : memref<1x640xf32, #tpu.memory_space<vmem_shared>> -> memref<640xf32, #tpu.memory_space<vmem_shared>>
      %dma_wait3A_158 = tpu.memref_slice %arg6[%run_scoped3A_57, %mul3A_18] : memref<16x10240xf32, #tpu.memory_space<vmem_shared>> -> memref<1x640xf32, #tpu.memory_space<vmem_shared>>
      %dma_wait3A_159 = tpu.memref_squeeze %dma_wait3A_158 : memref<1x640xf32, #tpu.memory_space<vmem_shared>> -> memref<640xf32, #tpu.memory_space<vmem_shared>>
      tpu.wait_dma2 semaphore(%run_scoped3A_153 : memref<!tpu.dma_semaphore, #tpu.memory_space<semaphore_mem>>) src(%dma_wait3A_159 : memref<640xf32, #tpu.memory_space<vmem_shared>>) dst(%arg7 : memref<640xf32, #tpu.memory_space<vmem>>)
      tpu.yield
    }) : () -> ()
    %scan3A_58 = arith.constant 0 : i32
    %scan3A_59 = arith.constant 0 : i32
    %scan3A_60 = arith.constant 40 : i32
    %scan3A_61 = arith.addi %scan3A_59, %scan3A_60 : i32
    %scan3A_62 = arith.constant 1 : i32
    %scan3A_63 = scf.for %scan3A_153 = %scan3A_59 to %scan3A_61 step %scan3A_62 iter_args(%scan3A_154 = %scan3A_58) -> (i32)  : i32 {
      %mul3A_155 = arith.constant 16 : i32
      %mul3A_156 = arith.muli %scan3A_153, %mul3A_155 : i32
      %get3A = arith.index_cast %mul3A_156 : i32 to index
      %get3A_157 = tpu.vector_load %arg8[%get3A] {strides = array<i32>} : memref<640xf32, #tpu.memory_space<vmem>>, vector<16xf32>,
      %mul3A_158 = arith.constant 16 : i32
      %mul3A_159 = arith.muli %scan3A_153, %mul3A_158 : i32
      %get3A_160 = arith.index_cast %mul3A_159 : i32 to index
      %get3A_161 = tpu.vector_load %arg7[%get3A_160] {strides = array<i32>} : memref<640xf32, #tpu.memory_space<vmem>>, vector<16xf32>,
      %add3A_162 = arith.addf %get3A_157, %get3A_161 : vector<16xf32>
      %mul3A_163 = arith.constant 16 : i32
      %mul3A_164 = arith.muli %scan3A_153, %mul3A_163 : i32
      %swap3A = arith.index_cast %mul3A_164 : i32 to index
      %swap3A_165 = tpu.vector_load %arg8[%swap3A] {strides = array<i32>} : memref<640xf32, #tpu.memory_space<vmem>>, vector<16xf32>,
      tpu.vector_store %arg8[%swap3A], %add3A_162 {strides = array<i32>} : memref<640xf32, #tpu.memory_space<vmem>>, vector<16xf32>,
      %scan3A_166 = arith.constant 0 : i32
      scf.yield %scan3A_166 : i32
    }
    %scan3A_64 = arith.constant 40 : i32
    %run_scoped3A_65 = arith.constant 5 : i32
    "tpu.region"() ({
      %run_scoped3A_153 = tpu.sem_alloc : memref<!tpu.dma_semaphore, #tpu.memory_space<semaphore_mem>>
      %dma_start3A = tpu.memref_slice %arg6[%run_scoped3A_65, %mul3A_18] : memref<16x10240xf32, #tpu.memory_space<vmem_shared>> -> memref<1x640xf32, #tpu.memory_space<vmem_shared>>
      %dma_start3A_154 = tpu.memref_squeeze %dma_start3A : memref<1x640xf32, #tpu.memory_space<vmem_shared>> -> memref<640xf32, #tpu.memory_space<vmem_shared>>
      %dma_start3A_155 = tpu.memref_slice %arg6[%run_scoped3A_65, %mul3A_18] : memref<16x10240xf32, #tpu.memory_space<vmem_shared>> -> memref<1x640xf32, #tpu.memory_space<vmem_shared>>
      %dma_start3A_156 = tpu.memref_squeeze %dma_start3A_155 : memref<1x640xf32, #tpu.memory_space<vmem_shared>> -> memref<640xf32, #tpu.memory_space<vmem_shared>>
      tpu.enqueue_dma source(%dma_start3A_156 : memref<640xf32, #tpu.memory_space<vmem_shared>>) target(%arg7 : memref<640xf32, #tpu.memory_space<vmem>>) target_semaphore(%run_scoped3A_153 : memref<!tpu.dma_semaphore, #tpu.memory_space<semaphore_mem>>)
      %dma_wait3A = tpu.memref_slice %arg6[%run_scoped3A_65, %mul3A_18] : memref<16x10240xf32, #tpu.memory_space<vmem_shared>> -> memref<1x640xf32, #tpu.memory_space<vmem_shared>>
      %dma_wait3A_157 = tpu.memref_squeeze %dma_wait3A : memref<1x640xf32, #tpu.memory_space<vmem_shared>> -> memref<640xf32, #tpu.memory_space<vmem_shared>>
      %dma_wait3A_158 = tpu.memref_slice %arg6[%run_scoped3A_65, %mul3A_18] : memref<16x10240xf32, #tpu.memory_space<vmem_shared>> -> memref<1x640xf32, #tpu.memory_space<vmem_shared>>
      %dma_wait3A_159 = tpu.memref_squeeze %dma_wait3A_158 : memref<1x640xf32, #tpu.memory_space<vmem_shared>> -> memref<640xf32, #tpu.memory_space<vmem_shared>>
      tpu.wait_dma2 semaphore(%run_scoped3A_153 : memref<!tpu.dma_semaphore, #tpu.memory_space<semaphore_mem>>) src(%dma_wait3A_159 : memref<640xf32, #tpu.memory_space<vmem_shared>>) dst(%arg7 : memref<640xf32, #tpu.memory_space<vmem>>)
      tpu.yield
    }) : () -> ()
    %scan3A_66 = arith.constant 0 : i32
    %scan3A_67 = arith.constant 0 : i32
    %scan3A_68 = arith.constant 40 : i32
    %scan3A_69 = arith.addi %scan3A_67, %scan3A_68 : i32
    %scan3A_70 = arith.constant 1 : i32
    %scan3A_71 = scf.for %scan3A_153 = %scan3A_67 to %scan3A_69 step %scan3A_70 iter_args(%scan3A_154 = %scan3A_66) -> (i32)  : i32 {
      %mul3A_155 = arith.constant 16 : i32
      %mul3A_156 = arith.muli %scan3A_153, %mul3A_155 : i32
      %get3A = arith.index_cast %mul3A_156 : i32 to index
      %get3A_157 = tpu.vector_load %arg8[%get3A] {strides = array<i32>} : memref<640xf32, #tpu.memory_space<vmem>>, vector<16xf32>,
      %mul3A_158 = arith.constant 16 : i32
      %mul3A_159 = arith.muli %scan3A_153, %mul3A_158 : i32
      %get3A_160 = arith.index_cast %mul3A_159 : i32 to index
      %get3A_161 = tpu.vector_load %arg7[%get3A_160] {strides = array<i32>} : memref<640xf32, #tpu.memory_space<vmem>>, vector<16xf32>,
      %add3A_162 = arith.addf %get3A_157, %get3A_161 : vector<16xf32>
      %mul3A_163 = arith.constant 16 : i32
      %mul3A_164 = arith.muli %scan3A_153, %mul3A_163 : i32
      %swap3A = arith.index_cast %mul3A_164 : i32 to index
      %swap3A_165 = tpu.vector_load %arg8[%swap3A] {strides = array<i32>} : memref<640xf32, #tpu.memory_space<vmem>>, vector<16xf32>,
      tpu.vector_store %arg8[%swap3A], %add3A_162 {strides = array<i32>} : memref<640xf32, #tpu.memory_space<vmem>>, vector<16xf32>,
      %scan3A_166 = arith.constant 0 : i32
      scf.yield %scan3A_166 : i32
    }
    %scan3A_72 = arith.constant 40 : i32
    %run_scoped3A_73 = arith.constant 6 : i32
    "tpu.region"() ({
      %run_scoped3A_153 = tpu.sem_alloc : memref<!tpu.dma_semaphore, #tpu.memory_space<semaphore_mem>>
      %dma_start3A = tpu.memref_slice %arg6[%run_scoped3A_73, %mul3A_18] : memref<16x10240xf32, #tpu.memory_space<vmem_shared>> -> memref<1x640xf32, #tpu.memory_space<vmem_shared>>
      %dma_start3A_154 = tpu.memref_squeeze %dma_start3A : memref<1x640xf32, #tpu.memory_space<vmem_shared>> -> memref<640xf32, #tpu.memory_space<vmem_shared>>
      %dma_start3A_155 = tpu.memref_slice %arg6[%run_scoped3A_73, %mul3A_18] : memref<16x10240xf32, #tpu.memory_space<vmem_shared>> -> memref<1x640xf32, #tpu.memory_space<vmem_shared>>
      %dma_start3A_156 = tpu.memref_squeeze %dma_start3A_155 : memref<1x640xf32, #tpu.memory_space<vmem_shared>> -> memref<640xf32, #tpu.memory_space<vmem_shared>>
      tpu.enqueue_dma source(%dma_start3A_156 : memref<640xf32, #tpu.memory_space<vmem_shared>>) target(%arg7 : memref<640xf32, #tpu.memory_space<vmem>>) target_semaphore(%run_scoped3A_153 : memref<!tpu.dma_semaphore, #tpu.memory_space<semaphore_mem>>)
      %dma_wait3A = tpu.memref_slice %arg6[%run_scoped3A_73, %mul3A_18] : memref<16x10240xf32, #tpu.memory_space<vmem_shared>> -> memref<1x640xf32, #tpu.memory_space<vmem_shared>>
      %dma_wait3A_157 = tpu.memref_squeeze %dma_wait3A : memref<1x640xf32, #tpu.memory_space<vmem_shared>> -> memref<640xf32, #tpu.memory_space<vmem_shared>>
      %dma_wait3A_158 = tpu.memref_slice %arg6[%run_scoped3A_73, %mul3A_18] : memref<16x10240xf32, #tpu.memory_space<vmem_shared>> -> memref<1x640xf32, #tpu.memory_space<vmem_shared>>
      %dma_wait3A_159 = tpu.memref_squeeze %dma_wait3A_158 : memref<1x640xf32, #tpu.memory_space<vmem_shared>> -> memref<640xf32, #tpu.memory_space<vmem_shared>>
      tpu.wait_dma2 semaphore(%run_scoped3A_153 : memref<!tpu.dma_semaphore, #tpu.memory_space<semaphore_mem>>) src(%dma_wait3A_159 : memref<640xf32, #tpu.memory_space<vmem_shared>>) dst(%arg7 : memref<640xf32, #tpu.memory_space<vmem>>)
      tpu.yield
    }) : () -> ()
    %scan3A_74 = arith.constant 0 : i32
    %scan3A_75 = arith.constant 0 : i32
    %scan3A_76 = arith.constant 40 : i32
    %scan3A_77 = arith.addi %scan3A_75, %scan3A_76 : i32
    %scan3A_78 = arith.constant 1 : i32
    %scan3A_79 = scf.for %scan3A_153 = %scan3A_75 to %scan3A_77 step %scan3A_78 iter_args(%scan3A_154 = %scan3A_74) -> (i32)  : i32 {
      %mul3A_155 = arith.constant 16 : i32
      %mul3A_156 = arith.muli %scan3A_153, %mul3A_155 : i32
      %get3A = arith.index_cast %mul3A_156 : i32 to index
      %get3A_157 = tpu.vector_load %arg8[%get3A] {strides = array<i32>} : memref<640xf32, #tpu.memory_space<vmem>>, vector<16xf32>,
      %mul3A_158 = arith.constant 16 : i32
      %mul3A_159 = arith.muli %scan3A_153, %mul3A_158 : i32
      %get3A_160 = arith.index_cast %mul3A_159 : i32 to index
      %get3A_161 = tpu.vector_load %arg7[%get3A_160] {strides = array<i32>} : memref<640xf32, #tpu.memory_space<vmem>>, vector<16xf32>,
      %add3A_162 = arith.addf %get3A_157, %get3A_161 : vector<16xf32>
      %mul3A_163 = arith.constant 16 : i32
      %mul3A_164 = arith.muli %scan3A_153, %mul3A_163 : i32
      %swap3A = arith.index_cast %mul3A_164 : i32 to index
      %swap3A_165 = tpu.vector_load %arg8[%swap3A] {strides = array<i32>} : memref<640xf32, #tpu.memory_space<vmem>>, vector<16xf32>,
      tpu.vector_store %arg8[%swap3A], %add3A_162 {strides = array<i32>} : memref<640xf32, #tpu.memory_space<vmem>>, vector<16xf32>,
      %scan3A_166 = arith.constant 0 : i32
      scf.yield %scan3A_166 : i32
    }
    %scan3A_80 = arith.constant 40 : i32
    %run_scoped3A_81 = arith.constant 7 : i32
    "tpu.region"() ({
      %run_scoped3A_153 = tpu.sem_alloc : memref<!tpu.dma_semaphore, #tpu.memory_space<semaphore_mem>>
      %dma_start3A = tpu.memref_slice %arg6[%run_scoped3A_81, %mul3A_18] : memref<16x10240xf32, #tpu.memory_space<vmem_shared>> -> memref<1x640xf32, #tpu.memory_space<vmem_shared>>
      %dma_start3A_154 = tpu.memref_squeeze %dma_start3A : memref<1x640xf32, #tpu.memory_space<vmem_shared>> -> memref<640xf32, #tpu.memory_space<vmem_shared>>
      %dma_start3A_155 = tpu.memref_slice %arg6[%run_scoped3A_81, %mul3A_18] : memref<16x10240xf32, #tpu.memory_space<vmem_shared>> -> memref<1x640xf32, #tpu.memory_space<vmem_shared>>
      %dma_start3A_156 = tpu.memref_squeeze %dma_start3A_155 : memref<1x640xf32, #tpu.memory_space<vmem_shared>> -> memref<640xf32, #tpu.memory_space<vmem_shared>>
      tpu.enqueue_dma source(%dma_start3A_156 : memref<640xf32, #tpu.memory_space<vmem_shared>>) target(%arg7 : memref<640xf32, #tpu.memory_space<vmem>>) target_semaphore(%run_scoped3A_153 : memref<!tpu.dma_semaphore, #tpu.memory_space<semaphore_mem>>)
      %dma_wait3A = tpu.memref_slice %arg6[%run_scoped3A_81, %mul3A_18] : memref<16x10240xf32, #tpu.memory_space<vmem_shared>> -> memref<1x640xf32, #tpu.memory_space<vmem_shared>>
      %dma_wait3A_157 = tpu.memref_squeeze %dma_wait3A : memref<1x640xf32, #tpu.memory_space<vmem_shared>> -> memref<640xf32, #tpu.memory_space<vmem_shared>>
      %dma_wait3A_158 = tpu.memref_slice %arg6[%run_scoped3A_81, %mul3A_18] : memref<16x10240xf32, #tpu.memory_space<vmem_shared>> -> memref<1x640xf32, #tpu.memory_space<vmem_shared>>
      %dma_wait3A_159 = tpu.memref_squeeze %dma_wait3A_158 : memref<1x640xf32, #tpu.memory_space<vmem_shared>> -> memref<640xf32, #tpu.memory_space<vmem_shared>>
      tpu.wait_dma2 semaphore(%run_scoped3A_153 : memref<!tpu.dma_semaphore, #tpu.memory_space<semaphore_mem>>) src(%dma_wait3A_159 : memref<640xf32, #tpu.memory_space<vmem_shared>>) dst(%arg7 : memref<640xf32, #tpu.memory_space<vmem>>)
      tpu.yield
    }) : () -> ()
    %scan3A_82 = arith.constant 0 : i32
    %scan3A_83 = arith.constant 0 : i32
    %scan3A_84 = arith.constant 40 : i32
    %scan3A_85 = arith.addi %scan3A_83, %scan3A_84 : i32
    %scan3A_86 = arith.constant 1 : i32
    %scan3A_87 = scf.for %scan3A_153 = %scan3A_83 to %scan3A_85 step %scan3A_86 iter_args(%scan3A_154 = %scan3A_82) -> (i32)  : i32 {
      %mul3A_155 = arith.constant 16 : i32
      %mul3A_156 = arith.muli %scan3A_153, %mul3A_155 : i32
      %get3A = arith.index_cast %mul3A_156 : i32 to index
      %get3A_157 = tpu.vector_load %arg8[%get3A] {strides = array<i32>} : memref<640xf32, #tpu.memory_space<vmem>>, vector<16xf32>,
      %mul3A_158 = arith.constant 16 : i32
      %mul3A_159 = arith.muli %scan3A_153, %mul3A_158 : i32
      %get3A_160 = arith.index_cast %mul3A_159 : i32 to index
      %get3A_161 = tpu.vector_load %arg7[%get3A_160] {strides = array<i32>} : memref<640xf32, #tpu.memory_space<vmem>>, vector<16xf32>,
      %add3A_162 = arith.addf %get3A_157, %get3A_161 : vector<16xf32>
      %mul3A_163 = arith.constant 16 : i32
      %mul3A_164 = arith.muli %scan3A_153, %mul3A_163 : i32
      %swap3A = arith.index_cast %mul3A_164 : i32 to index
      %swap3A_165 = tpu.vector_load %arg8[%swap3A] {strides = array<i32>} : memref<640xf32, #tpu.memory_space<vmem>>, vector<16xf32>,
      tpu.vector_store %arg8[%swap3A], %add3A_162 {strides = array<i32>} : memref<640xf32, #tpu.memory_space<vmem>>, vector<16xf32>,
      %scan3A_166 = arith.constant 0 : i32
      scf.yield %scan3A_166 : i32
    }
    %scan3A_88 = arith.constant 40 : i32
    %run_scoped3A_89 = arith.constant 8 : i32
    "tpu.region"() ({
      %run_scoped3A_153 = tpu.sem_alloc : memref<!tpu.dma_semaphore, #tpu.memory_space<semaphore_mem>>
      %dma_start3A = tpu.memref_slice %arg6[%run_scoped3A_89, %mul3A_18] : memref<16x10240xf32, #tpu.memory_space<vmem_shared>> -> memref<1x640xf32, #tpu.memory_space<vmem_shared>>
      %dma_start3A_154 = tpu.memref_squeeze %dma_start3A : memref<1x640xf32, #tpu.memory_space<vmem_shared>> -> memref<640xf32, #tpu.memory_space<vmem_shared>>
      %dma_start3A_155 = tpu.memref_slice %arg6[%run_scoped3A_89, %mul3A_18] : memref<16x10240xf32, #tpu.memory_space<vmem_shared>> -> memref<1x640xf32, #tpu.memory_space<vmem_shared>>
      %dma_start3A_156 = tpu.memref_squeeze %dma_start3A_155 : memref<1x640xf32, #tpu.memory_space<vmem_shared>> -> memref<640xf32, #tpu.memory_space<vmem_shared>>
      tpu.enqueue_dma source(%dma_start3A_156 : memref<640xf32, #tpu.memory_space<vmem_shared>>) target(%arg7 : memref<640xf32, #tpu.memory_space<vmem>>) target_semaphore(%run_scoped3A_153 : memref<!tpu.dma_semaphore, #tpu.memory_space<semaphore_mem>>)
      %dma_wait3A = tpu.memref_slice %arg6[%run_scoped3A_89, %mul3A_18] : memref<16x10240xf32, #tpu.memory_space<vmem_shared>> -> memref<1x640xf32, #tpu.memory_space<vmem_shared>>
      %dma_wait3A_157 = tpu.memref_squeeze %dma_wait3A : memref<1x640xf32, #tpu.memory_space<vmem_shared>> -> memref<640xf32, #tpu.memory_space<vmem_shared>>
      %dma_wait3A_158 = tpu.memref_slice %arg6[%run_scoped3A_89, %mul3A_18] : memref<16x10240xf32, #tpu.memory_space<vmem_shared>> -> memref<1x640xf32, #tpu.memory_space<vmem_shared>>
      %dma_wait3A_159 = tpu.memref_squeeze %dma_wait3A_158 : memref<1x640xf32, #tpu.memory_space<vmem_shared>> -> memref<640xf32, #tpu.memory_space<vmem_shared>>
      tpu.wait_dma2 semaphore(%run_scoped3A_153 : memref<!tpu.dma_semaphore, #tpu.memory_space<semaphore_mem>>) src(%dma_wait3A_159 : memref<640xf32, #tpu.memory_space<vmem_shared>>) dst(%arg7 : memref<640xf32, #tpu.memory_space<vmem>>)
      tpu.yield
    }) : () -> ()
    %scan3A_90 = arith.constant 0 : i32
    %scan3A_91 = arith.constant 0 : i32
    %scan3A_92 = arith.constant 40 : i32
    %scan3A_93 = arith.addi %scan3A_91, %scan3A_92 : i32
    %scan3A_94 = arith.constant 1 : i32
    %scan3A_95 = scf.for %scan3A_153 = %scan3A_91 to %scan3A_93 step %scan3A_94 iter_args(%scan3A_154 = %scan3A_90) -> (i32)  : i32 {
      %mul3A_155 = arith.constant 16 : i32
      %mul3A_156 = arith.muli %scan3A_153, %mul3A_155 : i32
      %get3A = arith.index_cast %mul3A_156 : i32 to index
      %get3A_157 = tpu.vector_load %arg8[%get3A] {strides = array<i32>} : memref<640xf32, #tpu.memory_space<vmem>>, vector<16xf32>,
      %mul3A_158 = arith.constant 16 : i32
      %mul3A_159 = arith.muli %scan3A_153, %mul3A_158 : i32
      %get3A_160 = arith.index_cast %mul3A_159 : i32 to index
      %get3A_161 = tpu.vector_load %arg7[%get3A_160] {strides = array<i32>} : memref<640xf32, #tpu.memory_space<vmem>>, vector<16xf32>,
      %add3A_162 = arith.addf %get3A_157, %get3A_161 : vector<16xf32>
      %mul3A_163 = arith.constant 16 : i32
      %mul3A_164 = arith.muli %scan3A_153, %mul3A_163 : i32
      %swap3A = arith.index_cast %mul3A_164 : i32 to index
      %swap3A_165 = tpu.vector_load %arg8[%swap3A] {strides = array<i32>} : memref<640xf32, #tpu.memory_space<vmem>>, vector<16xf32>,
      tpu.vector_store %arg8[%swap3A], %add3A_162 {strides = array<i32>} : memref<640xf32, #tpu.memory_space<vmem>>, vector<16xf32>,
      %scan3A_166 = arith.constant 0 : i32
      scf.yield %scan3A_166 : i32
    }
    %scan3A_96 = arith.constant 40 : i32
    %run_scoped3A_97 = arith.constant 9 : i32
    "tpu.region"() ({
      %run_scoped3A_153 = tpu.sem_alloc : memref<!tpu.dma_semaphore, #tpu.memory_space<semaphore_mem>>
      %dma_start3A = tpu.memref_slice %arg6[%run_scoped3A_97, %mul3A_18] : memref<16x10240xf32, #tpu.memory_space<vmem_shared>> -> memref<1x640xf32, #tpu.memory_space<vmem_shared>>
      %dma_start3A_154 = tpu.memref_squeeze %dma_start3A : memref<1x640xf32, #tpu.memory_space<vmem_shared>> -> memref<640xf32, #tpu.memory_space<vmem_shared>>
      %dma_start3A_155 = tpu.memref_slice %arg6[%run_scoped3A_97, %mul3A_18] : memref<16x10240xf32, #tpu.memory_space<vmem_shared>> -> memref<1x640xf32, #tpu.memory_space<vmem_shared>>
      %dma_start3A_156 = tpu.memref_squeeze %dma_start3A_155 : memref<1x640xf32, #tpu.memory_space<vmem_shared>> -> memref<640xf32, #tpu.memory_space<vmem_shared>>
      tpu.enqueue_dma source(%dma_start3A_156 : memref<640xf32, #tpu.memory_space<vmem_shared>>) target(%arg7 : memref<640xf32, #tpu.memory_space<vmem>>) target_semaphore(%run_scoped3A_153 : memref<!tpu.dma_semaphore, #tpu.memory_space<semaphore_mem>>)
      %dma_wait3A = tpu.memref_slice %arg6[%run_scoped3A_97, %mul3A_18] : memref<16x10240xf32, #tpu.memory_space<vmem_shared>> -> memref<1x640xf32, #tpu.memory_space<vmem_shared>>
      %dma_wait3A_157 = tpu.memref_squeeze %dma_wait3A : memref<1x640xf32, #tpu.memory_space<vmem_shared>> -> memref<640xf32, #tpu.memory_space<vmem_shared>>
      %dma_wait3A_158 = tpu.memref_slice %arg6[%run_scoped3A_97, %mul3A_18] : memref<16x10240xf32, #tpu.memory_space<vmem_shared>> -> memref<1x640xf32, #tpu.memory_space<vmem_shared>>
      %dma_wait3A_159 = tpu.memref_squeeze %dma_wait3A_158 : memref<1x640xf32, #tpu.memory_space<vmem_shared>> -> memref<640xf32, #tpu.memory_space<vmem_shared>>
      tpu.wait_dma2 semaphore(%run_scoped3A_153 : memref<!tpu.dma_semaphore, #tpu.memory_space<semaphore_mem>>) src(%dma_wait3A_159 : memref<640xf32, #tpu.memory_space<vmem_shared>>) dst(%arg7 : memref<640xf32, #tpu.memory_space<vmem>>)
      tpu.yield
    }) : () -> ()
    %scan3A_98 = arith.constant 0 : i32
    %scan3A_99 = arith.constant 0 : i32
    %scan3A_100 = arith.constant 40 : i32
    %scan3A_101 = arith.addi %scan3A_99, %scan3A_100 : i32
    %scan3A_102 = arith.constant 1 : i32
    %scan3A_103 = scf.for %scan3A_153 = %scan3A_99 to %scan3A_101 step %scan3A_102 iter_args(%scan3A_154 = %scan3A_98) -> (i32)  : i32 {
      %mul3A_155 = arith.constant 16 : i32
      %mul3A_156 = arith.muli %scan3A_153, %mul3A_155 : i32
      %get3A = arith.index_cast %mul3A_156 : i32 to index
      %get3A_157 = tpu.vector_load %arg8[%get3A] {strides = array<i32>} : memref<640xf32, #tpu.memory_space<vmem>>, vector<16xf32>,
      %mul3A_158 = arith.constant 16 : i32
      %mul3A_159 = arith.muli %scan3A_153, %mul3A_158 : i32
      %get3A_160 = arith.index_cast %mul3A_159 : i32 to index
      %get3A_161 = tpu.vector_load %arg7[%get3A_160] {strides = array<i32>} : memref<640xf32, #tpu.memory_space<vmem>>, vector<16xf32>,
      %add3A_162 = arith.addf %get3A_157, %get3A_161 : vector<16xf32>
      %mul3A_163 = arith.constant 16 : i32
      %mul3A_164 = arith.muli %scan3A_153, %mul3A_163 : i32
      %swap3A = arith.index_cast %mul3A_164 : i32 to index
      %swap3A_165 = tpu.vector_load %arg8[%swap3A] {strides = array<i32>} : memref<640xf32, #tpu.memory_space<vmem>>, vector<16xf32>,
      tpu.vector_store %arg8[%swap3A], %add3A_162 {strides = array<i32>} : memref<640xf32, #tpu.memory_space<vmem>>, vector<16xf32>,
      %scan3A_166 = arith.constant 0 : i32
      scf.yield %scan3A_166 : i32
    }
    %scan3A_104 = arith.constant 40 : i32
    %run_scoped3A_105 = arith.constant 10 : i32
    "tpu.region"() ({
      %run_scoped3A_153 = tpu.sem_alloc : memref<!tpu.dma_semaphore, #tpu.memory_space<semaphore_mem>>
      %dma_start3A = tpu.memref_slice %arg6[%run_scoped3A_105, %mul3A_18] : memref<16x10240xf32, #tpu.memory_space<vmem_shared>> -> memref<1x640xf32, #tpu.memory_space<vmem_shared>>
      %dma_start3A_154 = tpu.memref_squeeze %dma_start3A : memref<1x640xf32, #tpu.memory_space<vmem_shared>> -> memref<640xf32, #tpu.memory_space<vmem_shared>>
      %dma_start3A_155 = tpu.memref_slice %arg6[%run_scoped3A_105, %mul3A_18] : memref<16x10240xf32, #tpu.memory_space<vmem_shared>> -> memref<1x640xf32, #tpu.memory_space<vmem_shared>>
      %dma_start3A_156 = tpu.memref_squeeze %dma_start3A_155 : memref<1x640xf32, #tpu.memory_space<vmem_shared>> -> memref<640xf32, #tpu.memory_space<vmem_shared>>
      tpu.enqueue_dma source(%dma_start3A_156 : memref<640xf32, #tpu.memory_space<vmem_shared>>) target(%arg7 : memref<640xf32, #tpu.memory_space<vmem>>) target_semaphore(%run_scoped3A_153 : memref<!tpu.dma_semaphore, #tpu.memory_space<semaphore_mem>>)
      %dma_wait3A = tpu.memref_slice %arg6[%run_scoped3A_105, %mul3A_18] : memref<16x10240xf32, #tpu.memory_space<vmem_shared>> -> memref<1x640xf32, #tpu.memory_space<vmem_shared>>
      %dma_wait3A_157 = tpu.memref_squeeze %dma_wait3A : memref<1x640xf32, #tpu.memory_space<vmem_shared>> -> memref<640xf32, #tpu.memory_space<vmem_shared>>
      %dma_wait3A_158 = tpu.memref_slice %arg6[%run_scoped3A_105, %mul3A_18] : memref<16x10240xf32, #tpu.memory_space<vmem_shared>> -> memref<1x640xf32, #tpu.memory_space<vmem_shared>>
      %dma_wait3A_159 = tpu.memref_squeeze %dma_wait3A_158 : memref<1x640xf32, #tpu.memory_space<vmem_shared>> -> memref<640xf32, #tpu.memory_space<vmem_shared>>
      tpu.wait_dma2 semaphore(%run_scoped3A_153 : memref<!tpu.dma_semaphore, #tpu.memory_space<semaphore_mem>>) src(%dma_wait3A_159 : memref<640xf32, #tpu.memory_space<vmem_shared>>) dst(%arg7 : memref<640xf32, #tpu.memory_space<vmem>>)
      tpu.yield
    }) : () -> ()
    %scan3A_106 = arith.constant 0 : i32
    %scan3A_107 = arith.constant 0 : i32
    %scan3A_108 = arith.constant 40 : i32
    %scan3A_109 = arith.addi %scan3A_107, %scan3A_108 : i32
    %scan3A_110 = arith.constant 1 : i32
    %scan3A_111 = scf.for %scan3A_153 = %scan3A_107 to %scan3A_109 step %scan3A_110 iter_args(%scan3A_154 = %scan3A_106) -> (i32)  : i32 {
      %mul3A_155 = arith.constant 16 : i32
      %mul3A_156 = arith.muli %scan3A_153, %mul3A_155 : i32
      %get3A = arith.index_cast %mul3A_156 : i32 to index
      %get3A_157 = tpu.vector_load %arg8[%get3A] {strides = array<i32>} : memref<640xf32, #tpu.memory_space<vmem>>, vector<16xf32>,
      %mul3A_158 = arith.constant 16 : i32
      %mul3A_159 = arith.muli %scan3A_153, %mul3A_158 : i32
      %get3A_160 = arith.index_cast %mul3A_159 : i32 to index
      %get3A_161 = tpu.vector_load %arg7[%get3A_160] {strides = array<i32>} : memref<640xf32, #tpu.memory_space<vmem>>, vector<16xf32>,
      %add3A_162 = arith.addf %get3A_157, %get3A_161 : vector<16xf32>
      %mul3A_163 = arith.constant 16 : i32
      %mul3A_164 = arith.muli %scan3A_153, %mul3A_163 : i32
      %swap3A = arith.index_cast %mul3A_164 : i32 to index
      %swap3A_165 = tpu.vector_load %arg8[%swap3A] {strides = array<i32>} : memref<640xf32, #tpu.memory_space<vmem>>, vector<16xf32>,
      tpu.vector_store %arg8[%swap3A], %add3A_162 {strides = array<i32>} : memref<640xf32, #tpu.memory_space<vmem>>, vector<16xf32>,
      %scan3A_166 = arith.constant 0 : i32
      scf.yield %scan3A_166 : i32
    }
    %scan3A_112 = arith.constant 40 : i32
    %run_scoped3A_113 = arith.constant 11 : i32
    "tpu.region"() ({
      %run_scoped3A_153 = tpu.sem_alloc : memref<!tpu.dma_semaphore, #tpu.memory_space<semaphore_mem>>
      %dma_start3A = tpu.memref_slice %arg6[%run_scoped3A_113, %mul3A_18] : memref<16x10240xf32, #tpu.memory_space<vmem_shared>> -> memref<1x640xf32, #tpu.memory_space<vmem_shared>>
      %dma_start3A_154 = tpu.memref_squeeze %dma_start3A : memref<1x640xf32, #tpu.memory_space<vmem_shared>> -> memref<640xf32, #tpu.memory_space<vmem_shared>>
      %dma_start3A_155 = tpu.memref_slice %arg6[%run_scoped3A_113, %mul3A_18] : memref<16x10240xf32, #tpu.memory_space<vmem_shared>> -> memref<1x640xf32, #tpu.memory_space<vmem_shared>>
      %dma_start3A_156 = tpu.memref_squeeze %dma_start3A_155 : memref<1x640xf32, #tpu.memory_space<vmem_shared>> -> memref<640xf32, #tpu.memory_space<vmem_shared>>
      tpu.enqueue_dma source(%dma_start3A_156 : memref<640xf32, #tpu.memory_space<vmem_shared>>) target(%arg7 : memref<640xf32, #tpu.memory_space<vmem>>) target_semaphore(%run_scoped3A_153 : memref<!tpu.dma_semaphore, #tpu.memory_space<semaphore_mem>>)
      %dma_wait3A = tpu.memref_slice %arg6[%run_scoped3A_113, %mul3A_18] : memref<16x10240xf32, #tpu.memory_space<vmem_shared>> -> memref<1x640xf32, #tpu.memory_space<vmem_shared>>
      %dma_wait3A_157 = tpu.memref_squeeze %dma_wait3A : memref<1x640xf32, #tpu.memory_space<vmem_shared>> -> memref<640xf32, #tpu.memory_space<vmem_shared>>
      %dma_wait3A_158 = tpu.memref_slice %arg6[%run_scoped3A_113, %mul3A_18] : memref<16x10240xf32, #tpu.memory_space<vmem_shared>> -> memref<1x640xf32, #tpu.memory_space<vmem_shared>>
      %dma_wait3A_159 = tpu.memref_squeeze %dma_wait3A_158 : memref<1x640xf32, #tpu.memory_space<vmem_shared>> -> memref<640xf32, #tpu.memory_space<vmem_shared>>
      tpu.wait_dma2 semaphore(%run_scoped3A_153 : memref<!tpu.dma_semaphore, #tpu.memory_space<semaphore_mem>>) src(%dma_wait3A_159 : memref<640xf32, #tpu.memory_space<vmem_shared>>) dst(%arg7 : memref<640xf32, #tpu.memory_space<vmem>>)
      tpu.yield
    }) : () -> ()
    %scan3A_114 = arith.constant 0 : i32
    %scan3A_115 = arith.constant 0 : i32
    %scan3A_116 = arith.constant 40 : i32
    %scan3A_117 = arith.addi %scan3A_115, %scan3A_116 : i32
    %scan3A_118 = arith.constant 1 : i32
    %scan3A_119 = scf.for %scan3A_153 = %scan3A_115 to %scan3A_117 step %scan3A_118 iter_args(%scan3A_154 = %scan3A_114) -> (i32)  : i32 {
      %mul3A_155 = arith.constant 16 : i32
      %mul3A_156 = arith.muli %scan3A_153, %mul3A_155 : i32
      %get3A = arith.index_cast %mul3A_156 : i32 to index
      %get3A_157 = tpu.vector_load %arg8[%get3A] {strides = array<i32>} : memref<640xf32, #tpu.memory_space<vmem>>, vector<16xf32>,
      %mul3A_158 = arith.constant 16 : i32
      %mul3A_159 = arith.muli %scan3A_153, %mul3A_158 : i32
      %get3A_160 = arith.index_cast %mul3A_159 : i32 to index
      %get3A_161 = tpu.vector_load %arg7[%get3A_160] {strides = array<i32>} : memref<640xf32, #tpu.memory_space<vmem>>, vector<16xf32>,
      %add3A_162 = arith.addf %get3A_157, %get3A_161 : vector<16xf32>
      %mul3A_163 = arith.constant 16 : i32
      %mul3A_164 = arith.muli %scan3A_153, %mul3A_163 : i32
      %swap3A = arith.index_cast %mul3A_164 : i32 to index
      %swap3A_165 = tpu.vector_load %arg8[%swap3A] {strides = array<i32>} : memref<640xf32, #tpu.memory_space<vmem>>, vector<16xf32>,
      tpu.vector_store %arg8[%swap3A], %add3A_162 {strides = array<i32>} : memref<640xf32, #tpu.memory_space<vmem>>, vector<16xf32>,
      %scan3A_166 = arith.constant 0 : i32
      scf.yield %scan3A_166 : i32
    }
    %scan3A_120 = arith.constant 40 : i32
    %run_scoped3A_121 = arith.constant 12 : i32
    "tpu.region"() ({
      %run_scoped3A_153 = tpu.sem_alloc : memref<!tpu.dma_semaphore, #tpu.memory_space<semaphore_mem>>
      %dma_start3A = tpu.memref_slice %arg6[%run_scoped3A_121, %mul3A_18] : memref<16x10240xf32, #tpu.memory_space<vmem_shared>> -> memref<1x640xf32, #tpu.memory_space<vmem_shared>>
      %dma_start3A_154 = tpu.memref_squeeze %dma_start3A : memref<1x640xf32, #tpu.memory_space<vmem_shared>> -> memref<640xf32, #tpu.memory_space<vmem_shared>>
      %dma_start3A_155 = tpu.memref_slice %arg6[%run_scoped3A_121, %mul3A_18] : memref<16x10240xf32, #tpu.memory_space<vmem_shared>> -> memref<1x640xf32, #tpu.memory_space<vmem_shared>>
      %dma_start3A_156 = tpu.memref_squeeze %dma_start3A_155 : memref<1x640xf32, #tpu.memory_space<vmem_shared>> -> memref<640xf32, #tpu.memory_space<vmem_shared>>
      tpu.enqueue_dma source(%dma_start3A_156 : memref<640xf32, #tpu.memory_space<vmem_shared>>) target(%arg7 : memref<640xf32, #tpu.memory_space<vmem>>) target_semaphore(%run_scoped3A_153 : memref<!tpu.dma_semaphore, #tpu.memory_space<semaphore_mem>>)
      %dma_wait3A = tpu.memref_slice %arg6[%run_scoped3A_121, %mul3A_18] : memref<16x10240xf32, #tpu.memory_space<vmem_shared>> -> memref<1x640xf32, #tpu.memory_space<vmem_shared>>
      %dma_wait3A_157 = tpu.memref_squeeze %dma_wait3A : memref<1x640xf32, #tpu.memory_space<vmem_shared>> -> memref<640xf32, #tpu.memory_space<vmem_shared>>
      %dma_wait3A_158 = tpu.memref_slice %arg6[%run_scoped3A_121, %mul3A_18] : memref<16x10240xf32, #tpu.memory_space<vmem_shared>> -> memref<1x640xf32, #tpu.memory_space<vmem_shared>>
      %dma_wait3A_159 = tpu.memref_squeeze %dma_wait3A_158 : memref<1x640xf32, #tpu.memory_space<vmem_shared>> -> memref<640xf32, #tpu.memory_space<vmem_shared>>
      tpu.wait_dma2 semaphore(%run_scoped3A_153 : memref<!tpu.dma_semaphore, #tpu.memory_space<semaphore_mem>>) src(%dma_wait3A_159 : memref<640xf32, #tpu.memory_space<vmem_shared>>) dst(%arg7 : memref<640xf32, #tpu.memory_space<vmem>>)
      tpu.yield
    }) : () -> ()
    %scan3A_122 = arith.constant 0 : i32
    %scan3A_123 = arith.constant 0 : i32
    %scan3A_124 = arith.constant 40 : i32
    %scan3A_125 = arith.addi %scan3A_123, %scan3A_124 : i32
    %scan3A_126 = arith.constant 1 : i32
    %scan3A_127 = scf.for %scan3A_153 = %scan3A_123 to %scan3A_125 step %scan3A_126 iter_args(%scan3A_154 = %scan3A_122) -> (i32)  : i32 {
      %mul3A_155 = arith.constant 16 : i32
      %mul3A_156 = arith.muli %scan3A_153, %mul3A_155 : i32
      %get3A = arith.index_cast %mul3A_156 : i32 to index
      %get3A_157 = tpu.vector_load %arg8[%get3A] {strides = array<i32>} : memref<640xf32, #tpu.memory_space<vmem>>, vector<16xf32>,
      %mul3A_158 = arith.constant 16 : i32
      %mul3A_159 = arith.muli %scan3A_153, %mul3A_158 : i32
      %get3A_160 = arith.index_cast %mul3A_159 : i32 to index
      %get3A_161 = tpu.vector_load %arg7[%get3A_160] {strides = array<i32>} : memref<640xf32, #tpu.memory_space<vmem>>, vector<16xf32>,
      %add3A_162 = arith.addf %get3A_157, %get3A_161 : vector<16xf32>
      %mul3A_163 = arith.constant 16 : i32
      %mul3A_164 = arith.muli %scan3A_153, %mul3A_163 : i32
      %swap3A = arith.index_cast %mul3A_164 : i32 to index
      %swap3A_165 = tpu.vector_load %arg8[%swap3A] {strides = array<i32>} : memref<640xf32, #tpu.memory_space<vmem>>, vector<16xf32>,
      tpu.vector_store %arg8[%swap3A], %add3A_162 {strides = array<i32>} : memref<640xf32, #tpu.memory_space<vmem>>, vector<16xf32>,
      %scan3A_166 = arith.constant 0 : i32
      scf.yield %scan3A_166 : i32
    }
    %scan3A_128 = arith.constant 40 : i32
    %run_scoped3A_129 = arith.constant 13 : i32
    "tpu.region"() ({
      %run_scoped3A_153 = tpu.sem_alloc : memref<!tpu.dma_semaphore, #tpu.memory_space<semaphore_mem>>
      %dma_start3A = tpu.memref_slice %arg6[%run_scoped3A_129, %mul3A_18] : memref<16x10240xf32, #tpu.memory_space<vmem_shared>> -> memref<1x640xf32, #tpu.memory_space<vmem_shared>>
      %dma_start3A_154 = tpu.memref_squeeze %dma_start3A : memref<1x640xf32, #tpu.memory_space<vmem_shared>> -> memref<640xf32, #tpu.memory_space<vmem_shared>>
      %dma_start3A_155 = tpu.memref_slice %arg6[%run_scoped3A_129, %mul3A_18] : memref<16x10240xf32, #tpu.memory_space<vmem_shared>> -> memref<1x640xf32, #tpu.memory_space<vmem_shared>>
      %dma_start3A_156 = tpu.memref_squeeze %dma_start3A_155 : memref<1x640xf32, #tpu.memory_space<vmem_shared>> -> memref<640xf32, #tpu.memory_space<vmem_shared>>
      tpu.enqueue_dma source(%dma_start3A_156 : memref<640xf32, #tpu.memory_space<vmem_shared>>) target(%arg7 : memref<640xf32, #tpu.memory_space<vmem>>) target_semaphore(%run_scoped3A_153 : memref<!tpu.dma_semaphore, #tpu.memory_space<semaphore_mem>>)
      %dma_wait3A = tpu.memref_slice %arg6[%run_scoped3A_129, %mul3A_18] : memref<16x10240xf32, #tpu.memory_space<vmem_shared>> -> memref<1x640xf32, #tpu.memory_space<vmem_shared>>
      %dma_wait3A_157 = tpu.memref_squeeze %dma_wait3A : memref<1x640xf32, #tpu.memory_space<vmem_shared>> -> memref<640xf32, #tpu.memory_space<vmem_shared>>
      %dma_wait3A_158 = tpu.memref_slice %arg6[%run_scoped3A_129, %mul3A_18] : memref<16x10240xf32, #tpu.memory_space<vmem_shared>> -> memref<1x640xf32, #tpu.memory_space<vmem_shared>>
      %dma_wait3A_159 = tpu.memref_squeeze %dma_wait3A_158 : memref<1x640xf32, #tpu.memory_space<vmem_shared>> -> memref<640xf32, #tpu.memory_space<vmem_shared>>
      tpu.wait_dma2 semaphore(%run_scoped3A_153 : memref<!tpu.dma_semaphore, #tpu.memory_space<semaphore_mem>>) src(%dma_wait3A_159 : memref<640xf32, #tpu.memory_space<vmem_shared>>) dst(%arg7 : memref<640xf32, #tpu.memory_space<vmem>>)
      tpu.yield
    }) : () -> ()
    %scan3A_130 = arith.constant 0 : i32
    %scan3A_131 = arith.constant 0 : i32
    %scan3A_132 = arith.constant 40 : i32
    %scan3A_133 = arith.addi %scan3A_131, %scan3A_132 : i32
    %scan3A_134 = arith.constant 1 : i32
    %scan3A_135 = scf.for %scan3A_153 = %scan3A_131 to %scan3A_133 step %scan3A_134 iter_args(%scan3A_154 = %scan3A_130) -> (i32)  : i32 {
      %mul3A_155 = arith.constant 16 : i32
      %mul3A_156 = arith.muli %scan3A_153, %mul3A_155 : i32
      %get3A = arith.index_cast %mul3A_156 : i32 to index
      %get3A_157 = tpu.vector_load %arg8[%get3A] {strides = array<i32>} : memref<640xf32, #tpu.memory_space<vmem>>, vector<16xf32>,
      %mul3A_158 = arith.constant 16 : i32
      %mul3A_159 = arith.muli %scan3A_153, %mul3A_158 : i32
      %get3A_160 = arith.index_cast %mul3A_159 : i32 to index
      %get3A_161 = tpu.vector_load %arg7[%get3A_160] {strides = array<i32>} : memref<640xf32, #tpu.memory_space<vmem>>, vector<16xf32>,
      %add3A_162 = arith.addf %get3A_157, %get3A_161 : vector<16xf32>
      %mul3A_163 = arith.constant 16 : i32
      %mul3A_164 = arith.muli %scan3A_153, %mul3A_163 : i32
      %swap3A = arith.index_cast %mul3A_164 : i32 to index
      %swap3A_165 = tpu.vector_load %arg8[%swap3A] {strides = array<i32>} : memref<640xf32, #tpu.memory_space<vmem>>, vector<16xf32>,
      tpu.vector_store %arg8[%swap3A], %add3A_162 {strides = array<i32>} : memref<640xf32, #tpu.memory_space<vmem>>, vector<16xf32>,
      %scan3A_166 = arith.constant 0 : i32
      scf.yield %scan3A_166 : i32
    }
    %scan3A_136 = arith.constant 40 : i32
    %run_scoped3A_137 = arith.constant 14 : i32
    "tpu.region"() ({
      %run_scoped3A_153 = tpu.sem_alloc : memref<!tpu.dma_semaphore, #tpu.memory_space<semaphore_mem>>
      %dma_start3A = tpu.memref_slice %arg6[%run_scoped3A_137, %mul3A_18] : memref<16x10240xf32, #tpu.memory_space<vmem_shared>> -> memref<1x640xf32, #tpu.memory_space<vmem_shared>>
      %dma_start3A_154 = tpu.memref_squeeze %dma_start3A : memref<1x640xf32, #tpu.memory_space<vmem_shared>> -> memref<640xf32, #tpu.memory_space<vmem_shared>>
      %dma_start3A_155 = tpu.memref_slice %arg6[%run_scoped3A_137, %mul3A_18] : memref<16x10240xf32, #tpu.memory_space<vmem_shared>> -> memref<1x640xf32, #tpu.memory_space<vmem_shared>>
      %dma_start3A_156 = tpu.memref_squeeze %dma_start3A_155 : memref<1x640xf32, #tpu.memory_space<vmem_shared>> -> memref<640xf32, #tpu.memory_space<vmem_shared>>
      tpu.enqueue_dma source(%dma_start3A_156 : memref<640xf32, #tpu.memory_space<vmem_shared>>) target(%arg7 : memref<640xf32, #tpu.memory_space<vmem>>) target_semaphore(%run_scoped3A_153 : memref<!tpu.dma_semaphore, #tpu.memory_space<semaphore_mem>>)
      %dma_wait3A = tpu.memref_slice %arg6[%run_scoped3A_137, %mul3A_18] : memref<16x10240xf32, #tpu.memory_space<vmem_shared>> -> memref<1x640xf32, #tpu.memory_space<vmem_shared>>
      %dma_wait3A_157 = tpu.memref_squeeze %dma_wait3A : memref<1x640xf32, #tpu.memory_space<vmem_shared>> -> memref<640xf32, #tpu.memory_space<vmem_shared>>
      %dma_wait3A_158 = tpu.memref_slice %arg6[%run_scoped3A_137, %mul3A_18] : memref<16x10240xf32, #tpu.memory_space<vmem_shared>> -> memref<1x640xf32, #tpu.memory_space<vmem_shared>>
      %dma_wait3A_159 = tpu.memref_squeeze %dma_wait3A_158 : memref<1x640xf32, #tpu.memory_space<vmem_shared>> -> memref<640xf32, #tpu.memory_space<vmem_shared>>
      tpu.wait_dma2 semaphore(%run_scoped3A_153 : memref<!tpu.dma_semaphore, #tpu.memory_space<semaphore_mem>>) src(%dma_wait3A_159 : memref<640xf32, #tpu.memory_space<vmem_shared>>) dst(%arg7 : memref<640xf32, #tpu.memory_space<vmem>>)
      tpu.yield
    }) : () -> ()
    %scan3A_138 = arith.constant 0 : i32
    %scan3A_139 = arith.constant 0 : i32
    %scan3A_140 = arith.constant 40 : i32
    %scan3A_141 = arith.addi %scan3A_139, %scan3A_140 : i32
    %scan3A_142 = arith.constant 1 : i32
    %scan3A_143 = scf.for %scan3A_153 = %scan3A_139 to %scan3A_141 step %scan3A_142 iter_args(%scan3A_154 = %scan3A_138) -> (i32)  : i32 {
      %mul3A_155 = arith.constant 16 : i32
      %mul3A_156 = arith.muli %scan3A_153, %mul3A_155 : i32
      %get3A = arith.index_cast %mul3A_156 : i32 to index
      %get3A_157 = tpu.vector_load %arg8[%get3A] {strides = array<i32>} : memref<640xf32, #tpu.memory_space<vmem>>, vector<16xf32>,
      %mul3A_158 = arith.constant 16 : i32
      %mul3A_159 = arith.muli %scan3A_153, %mul3A_158 : i32
      %get3A_160 = arith.index_cast %mul3A_159 : i32 to index
      %get3A_161 = tpu.vector_load %arg7[%get3A_160] {strides = array<i32>} : memref<640xf32, #tpu.memory_space<vmem>>, vector<16xf32>,
      %add3A_162 = arith.addf %get3A_157, %get3A_161 : vector<16xf32>
      %mul3A_163 = arith.constant 16 : i32
      %mul3A_164 = arith.muli %scan3A_153, %mul3A_163 : i32
      %swap3A = arith.index_cast %mul3A_164 : i32 to index
      %swap3A_165 = tpu.vector_load %arg8[%swap3A] {strides = array<i32>} : memref<640xf32, #tpu.memory_space<vmem>>, vector<16xf32>,
      tpu.vector_store %arg8[%swap3A], %add3A_162 {strides = array<i32>} : memref<640xf32, #tpu.memory_space<vmem>>, vector<16xf32>,
      %scan3A_166 = arith.constant 0 : i32
      scf.yield %scan3A_166 : i32
    }
    %scan3A_144 = arith.constant 40 : i32
    %run_scoped3A_145 = arith.constant 15 : i32
    "tpu.region"() ({
      %run_scoped3A_153 = tpu.sem_alloc : memref<!tpu.dma_semaphore, #tpu.memory_space<semaphore_mem>>
      %dma_start3A = tpu.memref_slice %arg6[%run_scoped3A_145, %mul3A_18] : memref<16x10240xf32, #tpu.memory_space<vmem_shared>> -> memref<1x640xf32, #tpu.memory_space<vmem_shared>>
      %dma_start3A_154 = tpu.memref_squeeze %dma_start3A : memref<1x640xf32, #tpu.memory_space<vmem_shared>> -> memref<640xf32, #tpu.memory_space<vmem_shared>>
      %dma_start3A_155 = tpu.memref_slice %arg6[%run_scoped3A_145, %mul3A_18] : memref<16x10240xf32, #tpu.memory_space<vmem_shared>> -> memref<1x640xf32, #tpu.memory_space<vmem_shared>>
      %dma_start3A_156 = tpu.memref_squeeze %dma_start3A_155 : memref<1x640xf32, #tpu.memory_space<vmem_shared>> -> memref<640xf32, #tpu.memory_space<vmem_shared>>
      tpu.enqueue_dma source(%dma_start3A_156 : memref<640xf32, #tpu.memory_space<vmem_shared>>) target(%arg7 : memref<640xf32, #tpu.memory_space<vmem>>) target_semaphore(%run_scoped3A_153 : memref<!tpu.dma_semaphore, #tpu.memory_space<semaphore_mem>>)
      %dma_wait3A = tpu.memref_slice %arg6[%run_scoped3A_145, %mul3A_18] : memref<16x10240xf32, #tpu.memory_space<vmem_shared>> -> memref<1x640xf32, #tpu.memory_space<vmem_shared>>
      %dma_wait3A_157 = tpu.memref_squeeze %dma_wait3A : memref<1x640xf32, #tpu.memory_space<vmem_shared>> -> memref<640xf32, #tpu.memory_space<vmem_shared>>
      %dma_wait3A_158 = tpu.memref_slice %arg6[%run_scoped3A_145, %mul3A_18] : memref<16x10240xf32, #tpu.memory_space<vmem_shared>> -> memref<1x640xf32, #tpu.memory_space<vmem_shared>>
      %dma_wait3A_159 = tpu.memref_squeeze %dma_wait3A_158 : memref<1x640xf32, #tpu.memory_space<vmem_shared>> -> memref<640xf32, #tpu.memory_space<vmem_shared>>
      tpu.wait_dma2 semaphore(%run_scoped3A_153 : memref<!tpu.dma_semaphore, #tpu.memory_space<semaphore_mem>>) src(%dma_wait3A_159 : memref<640xf32, #tpu.memory_space<vmem_shared>>) dst(%arg7 : memref<640xf32, #tpu.memory_space<vmem>>)
      tpu.yield
    }) : () -> ()
    %scan3A_146 = arith.constant 0 : i32
    %scan3A_147 = arith.constant 0 : i32
    %scan3A_148 = arith.constant 40 : i32
    %scan3A_149 = arith.addi %scan3A_147, %scan3A_148 : i32
    %scan3A_150 = arith.constant 1 : i32
    %scan3A_151 = scf.for %scan3A_153 = %scan3A_147 to %scan3A_149 step %scan3A_150 iter_args(%scan3A_154 = %scan3A_146) -> (i32)  : i32 {
      %mul3A_155 = arith.constant 16 : i32
      %mul3A_156 = arith.muli %scan3A_153, %mul3A_155 : i32
      %get3A = arith.index_cast %mul3A_156 : i32 to index
      %get3A_157 = tpu.vector_load %arg8[%get3A] {strides = array<i32>} : memref<640xf32, #tpu.memory_space<vmem>>, vector<16xf32>,
      %mul3A_158 = arith.constant 16 : i32
      %mul3A_159 = arith.muli %scan3A_153, %mul3A_158 : i32
      %get3A_160 = arith.index_cast %mul3A_159 : i32 to index
      %get3A_161 = tpu.vector_load %arg7[%get3A_160] {strides = array<i32>} : memref<640xf32, #tpu.memory_space<vmem>>, vector<16xf32>,
      %add3A_162 = arith.addf %get3A_157, %get3A_161 : vector<16xf32>
      %mul3A_163 = arith.constant 16 : i32
      %mul3A_164 = arith.muli %scan3A_153, %mul3A_163 : i32
      %swap3A = arith.index_cast %mul3A_164 : i32 to index
      %swap3A_165 = tpu.vector_load %arg8[%swap3A] {strides = array<i32>} : memref<640xf32, #tpu.memory_space<vmem>>, vector<16xf32>,
      tpu.vector_store %arg8[%swap3A], %add3A_162 {strides = array<i32>} : memref<640xf32, #tpu.memory_space<vmem>>, vector<16xf32>,
      %scan3A_166 = arith.constant 0 : i32
      scf.yield %scan3A_166 : i32
    }
    %scan3A_152 = arith.constant 40 : i32
    "tpu.region"() ({
      %run_scoped3A_153 = tpu.sem_alloc : memref<!tpu.dma_semaphore, #tpu.memory_space<semaphore_mem>>
      %dma_start3A = tpu.memref_slice %arg3[%arg0, %mul3A_18] : memref<2x10240xf32, #tpu.memory_space<hbm>> -> memref<1x640xf32, #tpu.memory_space<hbm>>
      %dma_start3A_154 = tpu.memref_squeeze %dma_start3A : memref<1x640xf32, #tpu.memory_space<hbm>> -> memref<640xf32, #tpu.memory_space<hbm>>
      %dma_start3A_155 = tpu.memref_slice %arg3[%arg0, %mul3A_18] : memref<2x10240xf32, #tpu.memory_space<hbm>> -> memref<1x640xf32, #tpu.memory_space<hbm>>
      %dma_start3A_156 = tpu.memref_squeeze %dma_start3A_155 : memref<1x640xf32, #tpu.memory_space<hbm>> -> memref<640xf32, #tpu.memory_space<hbm>>
      tpu.enqueue_dma source(%arg8 : memref<640xf32, #tpu.memory_space<vmem>>) target(%dma_start3A_156 : memref<640xf32, #tpu.memory_space<hbm>>) target_semaphore(%run_scoped3A_153 : memref<!tpu.dma_semaphore, #tpu.memory_space<semaphore_mem>>)
      %dma_wait3A = tpu.memref_slice %arg3[%arg0, %mul3A_18] : memref<2x10240xf32, #tpu.memory_space<hbm>> -> memref<1x640xf32, #tpu.memory_space<hbm>>
      %dma_wait3A_157 = tpu.memref_squeeze %dma_wait3A : memref<1x640xf32, #tpu.memory_space<hbm>> -> memref<640xf32, #tpu.memory_space<hbm>>
      %dma_wait3A_158 = tpu.memref_slice %arg3[%arg0, %mul3A_18] : memref<2x10240xf32, #tpu.memory_space<hbm>> -> memref<1x640xf32, #tpu.memory_space<hbm>>
      %dma_wait3A_159 = tpu.memref_squeeze %dma_wait3A_158 : memref<1x640xf32, #tpu.memory_space<hbm>> -> memref<640xf32, #tpu.memory_space<hbm>>
      tpu.wait_dma2 semaphore(%run_scoped3A_153 : memref<!tpu.dma_semaphore, #tpu.memory_space<semaphore_mem>>) src(%arg8 : memref<640xf32, #tpu.memory_space<vmem>>) dst(%dma_wait3A_159 : memref<640xf32, #tpu.memory_space<hbm>>)
      tpu.yield
    }) : () -> ()
    return
  }
}

#map = affine_map<(d0, d1) -> (0, 0)>
#map1 = affine_map<(d0, d1) -> (0)>
#map2 = affine_map<(d0, d1) -> (0, 0, 0)>
module attributes {stable_mosaic.version = 14 : i64} {
  func.func @_agg_body(%arg0: i32, %arg1: i32, %arg2: memref<10000x128xf32, #tpu.memory_space<hbm>>, %arg3: memref<640000xi32, #tpu.memory_space<hbm>>, %arg4: memref<640000xi32, #tpu.memory_space<hbm>>, %arg5: memref<128x128xf32, #tpu.memory_space<hbm>>, %arg6: memref<2x10000x128xf32, #tpu.memory_space<hbm>>, %arg7: memref<10000x128xf32, #tpu.memory_space<vmem_shared>>, %arg8: memref<2048xi32, #tpu.memory_space<vmem>>, %arg9: memref<2048xi32, #tpu.memory_space<vmem>>, %arg10: memref<128x128xf32, #tpu.memory_space<vmem>>, %arg11: memref<128x128xf32, #tpu.memory_space<vmem>>, %arg12: memref<128xi32, #tpu.memory_space<vmem>>, %arg13: memref<128xi32, #tpu.memory_space<vmem>>, %arg14: memref<32xi32, #tpu.memory_space<vmem>>, %arg15: memref<!tpu.dma_semaphore, #tpu.memory_space<semaphore_mem>>, %arg16: memref<!tpu.dma_semaphore, #tpu.memory_space<semaphore_mem>>) attributes {dimension_semantics = [#tpu.dimension_semantics<core_parallel>, #tpu.dimension_semantics<subcore_parallel>], iteration_bounds = array<i64: 2, 16>, scalar_prefetch = 0 : i64, scratch_operands = 10 : i64, tpu.core_type = #tpu.core_type<sc_vector_subcore>, window_params = [{transform_indices = #map}, {transform_indices = #map1}, {transform_indices = #map1}, {transform_indices = #map}, {transform_indices = #map2}]} {
    %mul3A = arith.constant 2 : i32
    %mul3A_0 = arith.muli %arg1, %mul3A : i32
    %add3A = arith.addi %mul3A_0, %arg0 : i32
    %mul3A_1 = arith.constant 624 : i32
    %mul3A_2 = arith.muli %arg1, %mul3A_1 : i32
    %add3A_3 = arith.constant 0 : i32
    %add3A_4 = arith.addi %mul3A_2, %add3A_3 : i32
    "tpu.region"() ({
      %run_scoped3A = tpu.sem_alloc : memref<!tpu.dma_semaphore, #tpu.memory_space<semaphore_mem>>
      %dma_start3A_57 = arith.constant 0 : i32
      %dma_start3A_58 = tpu.memref_slice %arg7[%add3A_4, %dma_start3A_57] : memref<10000x128xf32, #tpu.memory_space<vmem_shared>> -> memref<128x128xf32, #tpu.memory_space<vmem_shared>>
      tpu.enqueue_dma source(%arg5 : memref<128x128xf32, #tpu.memory_space<hbm>>) target(%dma_start3A_58 : memref<128x128xf32, #tpu.memory_space<vmem_shared>>) target_semaphore(%run_scoped3A : memref<!tpu.dma_semaphore, #tpu.memory_space<semaphore_mem>>)
      %dma_wait3A_59 = arith.constant 0 : i32
      %dma_wait3A_60 = tpu.memref_slice %arg7[%add3A_4, %dma_wait3A_59] : memref<10000x128xf32, #tpu.memory_space<vmem_shared>> -> memref<128x128xf32, #tpu.memory_space<vmem_shared>>
      tpu.wait_dma2 semaphore(%run_scoped3A : memref<!tpu.dma_semaphore, #tpu.memory_space<semaphore_mem>>) src(%arg5 : memref<128x128xf32, #tpu.memory_space<hbm>>) dst(%dma_wait3A_60 : memref<128x128xf32, #tpu.memory_space<vmem_shared>>)
      tpu.yield
    }) : () -> ()
    %add3A_5 = arith.constant 128 : i32
    %add3A_6 = arith.addi %mul3A_2, %add3A_5 : i32
    "tpu.region"() ({
      %run_scoped3A = tpu.sem_alloc : memref<!tpu.dma_semaphore, #tpu.memory_space<semaphore_mem>>
      %dma_start3A_57 = arith.constant 0 : i32
      %dma_start3A_58 = tpu.memref_slice %arg7[%add3A_6, %dma_start3A_57] : memref<10000x128xf32, #tpu.memory_space<vmem_shared>> -> memref<128x128xf32, #tpu.memory_space<vmem_shared>>
      tpu.enqueue_dma source(%arg5 : memref<128x128xf32, #tpu.memory_space<hbm>>) target(%dma_start3A_58 : memref<128x128xf32, #tpu.memory_space<vmem_shared>>) target_semaphore(%run_scoped3A : memref<!tpu.dma_semaphore, #tpu.memory_space<semaphore_mem>>)
      %dma_wait3A_59 = arith.constant 0 : i32
      %dma_wait3A_60 = tpu.memref_slice %arg7[%add3A_6, %dma_wait3A_59] : memref<10000x128xf32, #tpu.memory_space<vmem_shared>> -> memref<128x128xf32, #tpu.memory_space<vmem_shared>>
      tpu.wait_dma2 semaphore(%run_scoped3A : memref<!tpu.dma_semaphore, #tpu.memory_space<semaphore_mem>>) src(%arg5 : memref<128x128xf32, #tpu.memory_space<hbm>>) dst(%dma_wait3A_60 : memref<128x128xf32, #tpu.memory_space<vmem_shared>>)
      tpu.yield
    }) : () -> ()
    %add3A_7 = arith.constant 256 : i32
    %add3A_8 = arith.addi %mul3A_2, %add3A_7 : i32
    "tpu.region"() ({
      %run_scoped3A = tpu.sem_alloc : memref<!tpu.dma_semaphore, #tpu.memory_space<semaphore_mem>>
      %dma_start3A_57 = arith.constant 0 : i32
      %dma_start3A_58 = tpu.memref_slice %arg7[%add3A_8, %dma_start3A_57] : memref<10000x128xf32, #tpu.memory_space<vmem_shared>> -> memref<128x128xf32, #tpu.memory_space<vmem_shared>>
      tpu.enqueue_dma source(%arg5 : memref<128x128xf32, #tpu.memory_space<hbm>>) target(%dma_start3A_58 : memref<128x128xf32, #tpu.memory_space<vmem_shared>>) target_semaphore(%run_scoped3A : memref<!tpu.dma_semaphore, #tpu.memory_space<semaphore_mem>>)
      %dma_wait3A_59 = arith.constant 0 : i32
      %dma_wait3A_60 = tpu.memref_slice %arg7[%add3A_8, %dma_wait3A_59] : memref<10000x128xf32, #tpu.memory_space<vmem_shared>> -> memref<128x128xf32, #tpu.memory_space<vmem_shared>>
      tpu.wait_dma2 semaphore(%run_scoped3A : memref<!tpu.dma_semaphore, #tpu.memory_space<semaphore_mem>>) src(%arg5 : memref<128x128xf32, #tpu.memory_space<hbm>>) dst(%dma_wait3A_60 : memref<128x128xf32, #tpu.memory_space<vmem_shared>>)
      tpu.yield
    }) : () -> ()
    %add3A_9 = arith.constant 384 : i32
    %add3A_10 = arith.addi %mul3A_2, %add3A_9 : i32
    "tpu.region"() ({
      %run_scoped3A = tpu.sem_alloc : memref<!tpu.dma_semaphore, #tpu.memory_space<semaphore_mem>>
      %dma_start3A_57 = arith.constant 0 : i32
      %dma_start3A_58 = tpu.memref_slice %arg7[%add3A_10, %dma_start3A_57] : memref<10000x128xf32, #tpu.memory_space<vmem_shared>> -> memref<128x128xf32, #tpu.memory_space<vmem_shared>>
      tpu.enqueue_dma source(%arg5 : memref<128x128xf32, #tpu.memory_space<hbm>>) target(%dma_start3A_58 : memref<128x128xf32, #tpu.memory_space<vmem_shared>>) target_semaphore(%run_scoped3A : memref<!tpu.dma_semaphore, #tpu.memory_space<semaphore_mem>>)
      %dma_wait3A_59 = arith.constant 0 : i32
      %dma_wait3A_60 = tpu.memref_slice %arg7[%add3A_10, %dma_wait3A_59] : memref<10000x128xf32, #tpu.memory_space<vmem_shared>> -> memref<128x128xf32, #tpu.memory_space<vmem_shared>>
      tpu.wait_dma2 semaphore(%run_scoped3A : memref<!tpu.dma_semaphore, #tpu.memory_space<semaphore_mem>>) src(%arg5 : memref<128x128xf32, #tpu.memory_space<hbm>>) dst(%dma_wait3A_60 : memref<128x128xf32, #tpu.memory_space<vmem_shared>>)
      tpu.yield
    }) : () -> ()
    %add3A_11 = arith.constant 512 : i32
    %add3A_12 = arith.addi %mul3A_2, %add3A_11 : i32
    "tpu.region"() ({
      %run_scoped3A = tpu.sem_alloc : memref<!tpu.dma_semaphore, #tpu.memory_space<semaphore_mem>>
      %dma_start3A_57 = arith.constant 0 : i32
      %dma_start3A_58 = tpu.memref_slice %arg7[%add3A_12, %dma_start3A_57] : memref<10000x128xf32, #tpu.memory_space<vmem_shared>> -> memref<112x128xf32, #tpu.memory_space<vmem_shared>>
      %dma_start3A_59 = arith.constant 0 : i32
      %dma_start3A_60 = arith.constant 0 : i32
      %dma_start3A_61 = tpu.memref_slice %arg5[%dma_start3A_59, %dma_start3A_60] : memref<128x128xf32, #tpu.memory_space<hbm>> -> memref<112x128xf32, #tpu.memory_space<hbm>>
      tpu.enqueue_dma source(%dma_start3A_61 : memref<112x128xf32, #tpu.memory_space<hbm>>) target(%dma_start3A_58 : memref<112x128xf32, #tpu.memory_space<vmem_shared>>) target_semaphore(%run_scoped3A : memref<!tpu.dma_semaphore, #tpu.memory_space<semaphore_mem>>)
      %dma_wait3A_62 = arith.constant 0 : i32
      %dma_wait3A_63 = tpu.memref_slice %arg7[%add3A_12, %dma_wait3A_62] : memref<10000x128xf32, #tpu.memory_space<vmem_shared>> -> memref<112x128xf32, #tpu.memory_space<vmem_shared>>
      %dma_wait3A_64 = arith.constant 0 : i32
      %dma_wait3A_65 = arith.constant 0 : i32
      %dma_wait3A_66 = tpu.memref_slice %arg5[%dma_wait3A_64, %dma_wait3A_65] : memref<128x128xf32, #tpu.memory_space<hbm>> -> memref<112x128xf32, #tpu.memory_space<hbm>>
      tpu.wait_dma2 semaphore(%run_scoped3A : memref<!tpu.dma_semaphore, #tpu.memory_space<semaphore_mem>>) src(%dma_wait3A_66 : memref<112x128xf32, #tpu.memory_space<hbm>>) dst(%dma_wait3A_63 : memref<112x128xf32, #tpu.memory_space<vmem_shared>>)
      tpu.yield
    }) : () -> ()
    %eq3A = arith.constant 0 : i32
    %eq3A_13 = arith.cmpi eq, %arg1, %eq3A : i32
    %convert_element_type3A = arith.extui %eq3A_13 : i1 to i32
    %cond3A = arith.constant 0 : i32
    %cond3A_14 = arith.cmpi ne, %convert_element_type3A, %cond3A : i32
    scf.if %cond3A_14 {
      "tpu.region"() ({
        %run_scoped3A = tpu.sem_alloc : memref<!tpu.dma_semaphore, #tpu.memory_space<semaphore_mem>>
        %dma_start3A_57 = arith.constant 9984 : i32
        %dma_start3A_58 = arith.constant 0 : i32
        %dma_start3A_59 = tpu.memref_slice %arg7[%dma_start3A_57, %dma_start3A_58] : memref<10000x128xf32, #tpu.memory_space<vmem_shared>> -> memref<16x128xf32, #tpu.memory_space<vmem_shared>>
        %dma_start3A_60 = arith.constant 0 : i32
        %dma_start3A_61 = arith.constant 0 : i32
        %dma_start3A_62 = tpu.memref_slice %arg5[%dma_start3A_60, %dma_start3A_61] : memref<128x128xf32, #tpu.memory_space<hbm>> -> memref<16x128xf32, #tpu.memory_space<hbm>>
        tpu.enqueue_dma source(%dma_start3A_62 : memref<16x128xf32, #tpu.memory_space<hbm>>) target(%dma_start3A_59 : memref<16x128xf32, #tpu.memory_space<vmem_shared>>) target_semaphore(%run_scoped3A : memref<!tpu.dma_semaphore, #tpu.memory_space<semaphore_mem>>)
        %dma_wait3A_63 = arith.constant 9984 : i32
        %dma_wait3A_64 = arith.constant 0 : i32
        %dma_wait3A_65 = tpu.memref_slice %arg7[%dma_wait3A_63, %dma_wait3A_64] : memref<10000x128xf32, #tpu.memory_space<vmem_shared>> -> memref<16x128xf32, #tpu.memory_space<vmem_shared>>
        %dma_wait3A_66 = arith.constant 0 : i32
        %dma_wait3A_67 = arith.constant 0 : i32
        %dma_wait3A_68 = tpu.memref_slice %arg5[%dma_wait3A_66, %dma_wait3A_67] : memref<128x128xf32, #tpu.memory_space<hbm>> -> memref<16x128xf32, #tpu.memory_space<hbm>>
        tpu.wait_dma2 semaphore(%run_scoped3A : memref<!tpu.dma_semaphore, #tpu.memory_space<semaphore_mem>>) src(%dma_wait3A_68 : memref<16x128xf32, #tpu.memory_space<hbm>>) dst(%dma_wait3A_65 : memref<16x128xf32, #tpu.memory_space<vmem_shared>>)
        tpu.yield
      }) : () -> ()
    } else {
    }
    %barrier3A = arith.constant 0 : index
    tpu.barrier barrier_id(%barrier3A)
    %mul3A_15 = arith.constant 20000 : i32
    %mul3A_16 = arith.muli %add3A, %mul3A_15 : i32
    %scan3A = arith.constant 0 : i32
    %scan3A_17 = arith.constant 0 : i32
    %scan3A_18 = arith.constant 78 : i32
    %scan3A_19 = arith.addi %scan3A_17, %scan3A_18 : i32
    %scan3A_20 = arith.constant 1 : i32
    %scan3A_21 = scf.for %scan3A_57 = %scan3A_17 to %scan3A_19 step %scan3A_20 iter_args(%scan3A_58 = %scan3A) -> (i32)  : i32 {
      %jit3A = arith.constant 8 : i32
      %eq3A_59 = arith.constant 0 : i32
      %eq3A_60 = arith.cmpi eq, %jit3A, %eq3A_59 : i32
      %jit3A_61 = arith.constant 1 : i32
      %select_n3A = arith.select %eq3A_60, %jit3A_61, %jit3A : i32
      %rem3A = arith.remsi %scan3A_57, %select_n3A : i32
      %ne3A = arith.constant 0 : i32
      %ne3A_62 = arith.cmpi ne, %rem3A, %ne3A : i32
      %lt3A = arith.constant 0 : i32
      %lt3A_63 = arith.cmpi slt, %rem3A, %lt3A : i32
      %lt3A_64 = arith.constant 0 : i32
      %lt3A_65 = arith.cmpi slt, %select_n3A, %lt3A_64 : i32
      %ne3A_66 = arith.xori %lt3A_63, %lt3A_65 : i1
      %and3A = arith.andi %ne3A_66, %ne3A_62 : i1
      %add3A_67 = arith.addi %rem3A, %select_n3A : i32
      %select_n3A_68 = arith.select %and3A, %add3A_67, %rem3A : i32
      %eq3A_69 = arith.constant 0 : i32
      %eq3A_70 = arith.cmpi eq, %select_n3A_68, %eq3A_69 : i32
      %lt3A_71 = arith.constant 72 : i32
      %lt3A_72 = arith.cmpi slt, %scan3A_57, %lt3A_71 : i32
      %and3A_73 = arith.andi %eq3A_70, %lt3A_72 : i1
      %convert_element_type3A_74 = arith.extui %and3A_73 : i1 to i32
      %cond3A_75 = arith.constant 0 : i32
      %cond3A_76 = arith.cmpi ne, %convert_element_type3A_74, %cond3A_75 : i32
      scf.if %cond3A_76 {
        %jit3A_313 = arith.constant 8 : i32
        %div3A = arith.divsi %scan3A_57, %jit3A_313 : i32
        %sign3A = arith.constant 0 : i32
        %sign3A_314 = arith.cmpi sgt, %scan3A_57, %sign3A : i32
        %sign3A_315 = arith.extui %sign3A_314 : i1 to i32
        %sign3A_316 = arith.constant 0 : i32
        %sign3A_317 = arith.cmpi slt, %scan3A_57, %sign3A_316 : i32
        %sign3A_318 = arith.extui %sign3A_317 : i1 to i32
        %sign3A_319 = arith.subi %sign3A_315, %sign3A_318 : i32
        %sign3A_320 = arith.constant 0 : i32
        %sign3A_321 = arith.cmpi sgt, %jit3A_313, %sign3A_320 : i32
        %sign3A_322 = arith.extui %sign3A_321 : i1 to i32
        %sign3A_323 = arith.constant 0 : i32
        %sign3A_324 = arith.cmpi slt, %jit3A_313, %sign3A_323 : i32
        %sign3A_325 = arith.extui %sign3A_324 : i1 to i32
        %sign3A_326 = arith.subi %sign3A_322, %sign3A_325 : i32
        %ne3A_327 = arith.cmpi ne, %sign3A_319, %sign3A_326 : i32
        %rem3A_328 = arith.remsi %scan3A_57, %jit3A_313 : i32
        %ne3A_329 = arith.constant 0 : i32
        %ne3A_330 = arith.cmpi ne, %rem3A_328, %ne3A_329 : i32
        %and3A_331 = arith.andi %ne3A_327, %ne3A_330 : i1
        %sub3A = arith.constant 1 : i32
        %sub3A_332 = arith.subi %div3A, %sub3A : i32
        %select_n3A_333 = arith.select %and3A_331, %sub3A_332, %div3A : i32
        %mul3A_334 = arith.constant 2048 : i32
        %mul3A_335 = arith.muli %select_n3A_333, %mul3A_334 : i32
        %add3A_336 = arith.addi %mul3A_16, %mul3A_335 : i32
        "tpu.region"() ({
          %run_scoped3A = tpu.sem_alloc : memref<!tpu.dma_semaphore, #tpu.memory_space<semaphore_mem>>
          %dma_start3A_340 = arith.constant 0 : i32
          %dma_start3A_341 = tpu.memref_slice %arg8[%dma_start3A_340] : memref<2048xi32, #tpu.memory_space<vmem>> -> memref<2048xi32, #tpu.memory_space<vmem>>
          %dma_start3A_342 = tpu.memref_slice %arg3[%add3A_336] : memref<640000xi32, #tpu.memory_space<hbm>> -> memref<2048xi32, #tpu.memory_space<hbm>>
          %dma_start3A_343 = arith.constant 0 : i32
          %dma_start3A_344 = tpu.memref_slice %arg8[%dma_start3A_343] : memref<2048xi32, #tpu.memory_space<vmem>> -> memref<2048xi32, #tpu.memory_space<vmem>>
          %dma_start3A_345 = tpu.memref_slice %arg3[%add3A_336] : memref<640000xi32, #tpu.memory_space<hbm>> -> memref<2048xi32, #tpu.memory_space<hbm>>
          tpu.enqueue_dma source(%dma_start3A_345 : memref<2048xi32, #tpu.memory_space<hbm>>) target(%dma_start3A_344 : memref<2048xi32, #tpu.memory_space<vmem>>) target_semaphore(%run_scoped3A : memref<!tpu.dma_semaphore, #tpu.memory_space<semaphore_mem>>)
          %dma_wait3A_346 = arith.constant 0 : i32
          %dma_wait3A_347 = tpu.memref_slice %arg8[%dma_wait3A_346] : memref<2048xi32, #tpu.memory_space<vmem>> -> memref<2048xi32, #tpu.memory_space<vmem>>
          %dma_wait3A_348 = tpu.memref_slice %arg3[%add3A_336] : memref<640000xi32, #tpu.memory_space<hbm>> -> memref<2048xi32, #tpu.memory_space<hbm>>
          %dma_wait3A_349 = arith.constant 0 : i32
          %dma_wait3A_350 = tpu.memref_slice %arg8[%dma_wait3A_349] : memref<2048xi32, #tpu.memory_space<vmem>> -> memref<2048xi32, #tpu.memory_space<vmem>>
          %dma_wait3A_351 = tpu.memref_slice %arg3[%add3A_336] : memref<640000xi32, #tpu.memory_space<hbm>> -> memref<2048xi32, #tpu.memory_space<hbm>>
          tpu.wait_dma2 semaphore(%run_scoped3A : memref<!tpu.dma_semaphore, #tpu.memory_space<semaphore_mem>>) src(%dma_wait3A_351 : memref<2048xi32, #tpu.memory_space<hbm>>) dst(%dma_wait3A_350 : memref<2048xi32, #tpu.memory_space<vmem>>)
          tpu.yield
        }) : () -> ()
        %mul3A_337 = arith.constant 2048 : i32
        %mul3A_338 = arith.muli %select_n3A_333, %mul3A_337 : i32
        %add3A_339 = arith.addi %mul3A_16, %mul3A_338 : i32
        "tpu.region"() ({
          %run_scoped3A = tpu.sem_alloc : memref<!tpu.dma_semaphore, #tpu.memory_space<semaphore_mem>>
          %dma_start3A_340 = arith.constant 0 : i32
          %dma_start3A_341 = tpu.memref_slice %arg9[%dma_start3A_340] : memref<2048xi32, #tpu.memory_space<vmem>> -> memref<2048xi32, #tpu.memory_space<vmem>>
          %dma_start3A_342 = tpu.memref_slice %arg4[%add3A_339] : memref<640000xi32, #tpu.memory_space<hbm>> -> memref<2048xi32, #tpu.memory_space<hbm>>
          %dma_start3A_343 = arith.constant 0 : i32
          %dma_start3A_344 = tpu.memref_slice %arg9[%dma_start3A_343] : memref<2048xi32, #tpu.memory_space<vmem>> -> memref<2048xi32, #tpu.memory_space<vmem>>
          %dma_start3A_345 = tpu.memref_slice %arg4[%add3A_339] : memref<640000xi32, #tpu.memory_space<hbm>> -> memref<2048xi32, #tpu.memory_space<hbm>>
          tpu.enqueue_dma source(%dma_start3A_345 : memref<2048xi32, #tpu.memory_space<hbm>>) target(%dma_start3A_344 : memref<2048xi32, #tpu.memory_space<vmem>>) target_semaphore(%run_scoped3A : memref<!tpu.dma_semaphore, #tpu.memory_space<semaphore_mem>>)
          %dma_wait3A_346 = arith.constant 0 : i32
          %dma_wait3A_347 = tpu.memref_slice %arg9[%dma_wait3A_346] : memref<2048xi32, #tpu.memory_space<vmem>> -> memref<2048xi32, #tpu.memory_space<vmem>>
          %dma_wait3A_348 = tpu.memref_slice %arg4[%add3A_339] : memref<640000xi32, #tpu.memory_space<hbm>> -> memref<2048xi32, #tpu.memory_space<hbm>>
          %dma_wait3A_349 = arith.constant 0 : i32
          %dma_wait3A_350 = tpu.memref_slice %arg9[%dma_wait3A_349] : memref<2048xi32, #tpu.memory_space<vmem>> -> memref<2048xi32, #tpu.memory_space<vmem>>
          %dma_wait3A_351 = tpu.memref_slice %arg4[%add3A_339] : memref<640000xi32, #tpu.memory_space<hbm>> -> memref<2048xi32, #tpu.memory_space<hbm>>
          tpu.wait_dma2 semaphore(%run_scoped3A : memref<!tpu.dma_semaphore, #tpu.memory_space<semaphore_mem>>) src(%dma_wait3A_351 : memref<2048xi32, #tpu.memory_space<hbm>>) dst(%dma_wait3A_350 : memref<2048xi32, #tpu.memory_space<vmem>>)
          tpu.yield
        }) : () -> ()
      } else {
      }
      %eq3A_77 = arith.constant 72 : i32
      %eq3A_78 = arith.cmpi eq, %scan3A_57, %eq3A_77 : i32
      %convert_element_type3A_79 = arith.extui %eq3A_78 : i1 to i32
      %cond3A_80 = arith.constant 0 : i32
      %cond3A_81 = arith.cmpi ne, %convert_element_type3A_79, %cond3A_80 : i32
      scf.if %cond3A_81 {
        %add3A_313 = arith.constant 18432 : i32
        %add3A_314 = arith.addi %mul3A_16, %add3A_313 : i32
        "tpu.region"() ({
          %run_scoped3A = tpu.sem_alloc : memref<!tpu.dma_semaphore, #tpu.memory_space<semaphore_mem>>
          %dma_start3A_317 = arith.constant 0 : i32
          %dma_start3A_318 = tpu.memref_slice %arg8[%dma_start3A_317] : memref<2048xi32, #tpu.memory_space<vmem>> -> memref<1568xi32, #tpu.memory_space<vmem>>
          %dma_start3A_319 = tpu.memref_slice %arg3[%add3A_314] : memref<640000xi32, #tpu.memory_space<hbm>> -> memref<1568xi32, #tpu.memory_space<hbm>>
          %dma_start3A_320 = arith.constant 0 : i32
          %dma_start3A_321 = tpu.memref_slice %arg8[%dma_start3A_320] : memref<2048xi32, #tpu.memory_space<vmem>> -> memref<1568xi32, #tpu.memory_space<vmem>>
          %dma_start3A_322 = tpu.memref_slice %arg3[%add3A_314] : memref<640000xi32, #tpu.memory_space<hbm>> -> memref<1568xi32, #tpu.memory_space<hbm>>
          tpu.enqueue_dma source(%dma_start3A_322 : memref<1568xi32, #tpu.memory_space<hbm>>) target(%dma_start3A_321 : memref<1568xi32, #tpu.memory_space<vmem>>) target_semaphore(%run_scoped3A : memref<!tpu.dma_semaphore, #tpu.memory_space<semaphore_mem>>)
          %dma_wait3A_323 = arith.constant 0 : i32
          %dma_wait3A_324 = tpu.memref_slice %arg8[%dma_wait3A_323] : memref<2048xi32, #tpu.memory_space<vmem>> -> memref<1568xi32, #tpu.memory_space<vmem>>
          %dma_wait3A_325 = tpu.memref_slice %arg3[%add3A_314] : memref<640000xi32, #tpu.memory_space<hbm>> -> memref<1568xi32, #tpu.memory_space<hbm>>
          %dma_wait3A_326 = arith.constant 0 : i32
          %dma_wait3A_327 = tpu.memref_slice %arg8[%dma_wait3A_326] : memref<2048xi32, #tpu.memory_space<vmem>> -> memref<1568xi32, #tpu.memory_space<vmem>>
          %dma_wait3A_328 = tpu.memref_slice %arg3[%add3A_314] : memref<640000xi32, #tpu.memory_space<hbm>> -> memref<1568xi32, #tpu.memory_space<hbm>>
          tpu.wait_dma2 semaphore(%run_scoped3A : memref<!tpu.dma_semaphore, #tpu.memory_space<semaphore_mem>>) src(%dma_wait3A_328 : memref<1568xi32, #tpu.memory_space<hbm>>) dst(%dma_wait3A_327 : memref<1568xi32, #tpu.memory_space<vmem>>)
          tpu.yield
        }) : () -> ()
        %add3A_315 = arith.constant 18432 : i32
        %add3A_316 = arith.addi %mul3A_16, %add3A_315 : i32
        "tpu.region"() ({
          %run_scoped3A = tpu.sem_alloc : memref<!tpu.dma_semaphore, #tpu.memory_space<semaphore_mem>>
          %dma_start3A_317 = arith.constant 0 : i32
          %dma_start3A_318 = tpu.memref_slice %arg9[%dma_start3A_317] : memref<2048xi32, #tpu.memory_space<vmem>> -> memref<1568xi32, #tpu.memory_space<vmem>>
          %dma_start3A_319 = tpu.memref_slice %arg4[%add3A_316] : memref<640000xi32, #tpu.memory_space<hbm>> -> memref<1568xi32, #tpu.memory_space<hbm>>
          %dma_start3A_320 = arith.constant 0 : i32
          %dma_start3A_321 = tpu.memref_slice %arg9[%dma_start3A_320] : memref<2048xi32, #tpu.memory_space<vmem>> -> memref<1568xi32, #tpu.memory_space<vmem>>
          %dma_start3A_322 = tpu.memref_slice %arg4[%add3A_316] : memref<640000xi32, #tpu.memory_space<hbm>> -> memref<1568xi32, #tpu.memory_space<hbm>>
          tpu.enqueue_dma source(%dma_start3A_322 : memref<1568xi32, #tpu.memory_space<hbm>>) target(%dma_start3A_321 : memref<1568xi32, #tpu.memory_space<vmem>>) target_semaphore(%run_scoped3A : memref<!tpu.dma_semaphore, #tpu.memory_space<semaphore_mem>>)
          %dma_wait3A_323 = arith.constant 0 : i32
          %dma_wait3A_324 = tpu.memref_slice %arg9[%dma_wait3A_323] : memref<2048xi32, #tpu.memory_space<vmem>> -> memref<1568xi32, #tpu.memory_space<vmem>>
          %dma_wait3A_325 = tpu.memref_slice %arg4[%add3A_316] : memref<640000xi32, #tpu.memory_space<hbm>> -> memref<1568xi32, #tpu.memory_space<hbm>>
          %dma_wait3A_326 = arith.constant 0 : i32
          %dma_wait3A_327 = tpu.memref_slice %arg9[%dma_wait3A_326] : memref<2048xi32, #tpu.memory_space<vmem>> -> memref<1568xi32, #tpu.memory_space<vmem>>
          %dma_wait3A_328 = tpu.memref_slice %arg4[%add3A_316] : memref<640000xi32, #tpu.memory_space<hbm>> -> memref<1568xi32, #tpu.memory_space<hbm>>
          tpu.wait_dma2 semaphore(%run_scoped3A : memref<!tpu.dma_semaphore, #tpu.memory_space<semaphore_mem>>) src(%dma_wait3A_328 : memref<1568xi32, #tpu.memory_space<hbm>>) dst(%dma_wait3A_327 : memref<1568xi32, #tpu.memory_space<vmem>>)
          tpu.yield
        }) : () -> ()
      } else {
      }
      %jit3A_82 = arith.constant 8 : i32
      %eq3A_83 = arith.constant 0 : i32
      %eq3A_84 = arith.cmpi eq, %jit3A_82, %eq3A_83 : i32
      %jit3A_85 = arith.constant 1 : i32
      %select_n3A_86 = arith.select %eq3A_84, %jit3A_85, %jit3A_82 : i32
      %rem3A_87 = arith.remsi %scan3A_57, %select_n3A_86 : i32
      %ne3A_88 = arith.constant 0 : i32
      %ne3A_89 = arith.cmpi ne, %rem3A_87, %ne3A_88 : i32
      %lt3A_90 = arith.constant 0 : i32
      %lt3A_91 = arith.cmpi slt, %rem3A_87, %lt3A_90 : i32
      %lt3A_92 = arith.constant 0 : i32
      %lt3A_93 = arith.cmpi slt, %select_n3A_86, %lt3A_92 : i32
      %ne3A_94 = arith.xori %lt3A_91, %lt3A_93 : i1
      %and3A_95 = arith.andi %ne3A_94, %ne3A_89 : i1
      %add3A_96 = arith.addi %rem3A_87, %select_n3A_86 : i32
      %select_n3A_97 = arith.select %and3A_95, %add3A_96, %rem3A_87 : i32
      %mul3A_98 = arith.constant 2 : i32
      %mul3A_99 = arith.muli %select_n3A_97, %mul3A_98 : i32
      %add3A_100 = arith.constant 0 : i32
      %add3A_101 = arith.addi %mul3A_99, %add3A_100 : i32
      %mul3A_102 = arith.constant 128 : i32
      %mul3A_103 = arith.muli %add3A_101, %mul3A_102 : i32
      %add3A_104 = arith.constant 0 : i32
      %add3A_105 = arith.addi %mul3A_103, %add3A_104 : i32
      %get3A_106 = arith.index_cast %add3A_105 : i32 to index
      %get3A_107 = tpu.vector_load %arg9[%get3A_106] {strides = array<i32>} : memref<2048xi32, #tpu.memory_space<vmem>>, vector<16xi32>,
      %get3A_108 = vector.shape_cast %get3A_107 : vector<16xi32> to vector<16xi32>
      %swap3A_109 = arith.constant 0 : index
      %swap3A_110 = tpu.vector_load %arg12[%swap3A_109] {strides = array<i32>} : memref<128xi32, #tpu.memory_space<vmem>>, vector<16xi32>,
      %swap3A_111 = vector.shape_cast %swap3A_110 : vector<16xi32> to vector<16xi32>
      %swap3A_112 = vector.shape_cast %get3A_108 : vector<16xi32> to vector<16xi32>
      tpu.vector_store %arg12[%swap3A_109], %swap3A_112 {strides = array<i32>} : memref<128xi32, #tpu.memory_space<vmem>>, vector<16xi32>,
      %mul3A_113 = arith.constant 128 : i32
      %mul3A_114 = arith.muli %add3A_101, %mul3A_113 : i32
      %add3A_115 = arith.constant 16 : i32
      %add3A_116 = arith.addi %mul3A_114, %add3A_115 : i32
      %get3A_117 = arith.index_cast %add3A_116 : i32 to index
      %get3A_118 = tpu.vector_load %arg9[%get3A_117] {strides = array<i32>} : memref<2048xi32, #tpu.memory_space<vmem>>, vector<16xi32>,
      %get3A_119 = vector.shape_cast %get3A_118 : vector<16xi32> to vector<16xi32>
      %swap3A_120 = arith.constant 16 : index
      %swap3A_121 = tpu.vector_load %arg12[%swap3A_120] {strides = array<i32>} : memref<128xi32, #tpu.memory_space<vmem>>, vector<16xi32>,
      %swap3A_122 = vector.shape_cast %swap3A_121 : vector<16xi32> to vector<16xi32>
      %swap3A_123 = vector.shape_cast %get3A_119 : vector<16xi32> to vector<16xi32>
      tpu.vector_store %arg12[%swap3A_120], %swap3A_123 {strides = array<i32>} : memref<128xi32, #tpu.memory_space<vmem>>, vector<16xi32>,
      %mul3A_124 = arith.constant 128 : i32
      %mul3A_125 = arith.muli %add3A_101, %mul3A_124 : i32
      %add3A_126 = arith.constant 32 : i32
      %add3A_127 = arith.addi %mul3A_125, %add3A_126 : i32
      %get3A_128 = arith.index_cast %add3A_127 : i32 to index
      %get3A_129 = tpu.vector_load %arg9[%get3A_128] {strides = array<i32>} : memref<2048xi32, #tpu.memory_space<vmem>>, vector<16xi32>,
      %get3A_130 = vector.shape_cast %get3A_129 : vector<16xi32> to vector<16xi32>
      %swap3A_131 = arith.constant 32 : index
      %swap3A_132 = tpu.vector_load %arg12[%swap3A_131] {strides = array<i32>} : memref<128xi32, #tpu.memory_space<vmem>>, vector<16xi32>,
      %swap3A_133 = vector.shape_cast %swap3A_132 : vector<16xi32> to vector<16xi32>
      %swap3A_134 = vector.shape_cast %get3A_130 : vector<16xi32> to vector<16xi32>
      tpu.vector_store %arg12[%swap3A_131], %swap3A_134 {strides = array<i32>} : memref<128xi32, #tpu.memory_space<vmem>>, vector<16xi32>,
      %mul3A_135 = arith.constant 128 : i32
      %mul3A_136 = arith.muli %add3A_101, %mul3A_135 : i32
      %add3A_137 = arith.constant 48 : i32
      %add3A_138 = arith.addi %mul3A_136, %add3A_137 : i32
      %get3A_139 = arith.index_cast %add3A_138 : i32 to index
      %get3A_140 = tpu.vector_load %arg9[%get3A_139] {strides = array<i32>} : memref<2048xi32, #tpu.memory_space<vmem>>, vector<16xi32>,
      %get3A_141 = vector.shape_cast %get3A_140 : vector<16xi32> to vector<16xi32>
      %swap3A_142 = arith.constant 48 : index
      %swap3A_143 = tpu.vector_load %arg12[%swap3A_142] {strides = array<i32>} : memref<128xi32, #tpu.memory_space<vmem>>, vector<16xi32>,
      %swap3A_144 = vector.shape_cast %swap3A_143 : vector<16xi32> to vector<16xi32>
      %swap3A_145 = vector.shape_cast %get3A_141 : vector<16xi32> to vector<16xi32>
      tpu.vector_store %arg12[%swap3A_142], %swap3A_145 {strides = array<i32>} : memref<128xi32, #tpu.memory_space<vmem>>, vector<16xi32>,
      %mul3A_146 = arith.constant 128 : i32
      %mul3A_147 = arith.muli %add3A_101, %mul3A_146 : i32
      %add3A_148 = arith.constant 64 : i32
      %add3A_149 = arith.addi %mul3A_147, %add3A_148 : i32
      %get3A_150 = arith.index_cast %add3A_149 : i32 to index
      %get3A_151 = tpu.vector_load %arg9[%get3A_150] {strides = array<i32>} : memref<2048xi32, #tpu.memory_space<vmem>>, vector<16xi32>,
      %get3A_152 = vector.shape_cast %get3A_151 : vector<16xi32> to vector<16xi32>
      %swap3A_153 = arith.constant 64 : index
      %swap3A_154 = tpu.vector_load %arg12[%swap3A_153] {strides = array<i32>} : memref<128xi32, #tpu.memory_space<vmem>>, vector<16xi32>,
      %swap3A_155 = vector.shape_cast %swap3A_154 : vector<16xi32> to vector<16xi32>
      %swap3A_156 = vector.shape_cast %get3A_152 : vector<16xi32> to vector<16xi32>
      tpu.vector_store %arg12[%swap3A_153], %swap3A_156 {strides = array<i32>} : memref<128xi32, #tpu.memory_space<vmem>>, vector<16xi32>,
      %mul3A_157 = arith.constant 128 : i32
      %mul3A_158 = arith.muli %add3A_101, %mul3A_157 : i32
      %add3A_159 = arith.constant 80 : i32
      %add3A_160 = arith.addi %mul3A_158, %add3A_159 : i32
      %get3A_161 = arith.index_cast %add3A_160 : i32 to index
      %get3A_162 = tpu.vector_load %arg9[%get3A_161] {strides = array<i32>} : memref<2048xi32, #tpu.memory_space<vmem>>, vector<16xi32>,
      %get3A_163 = vector.shape_cast %get3A_162 : vector<16xi32> to vector<16xi32>
      %swap3A_164 = arith.constant 80 : index
      %swap3A_165 = tpu.vector_load %arg12[%swap3A_164] {strides = array<i32>} : memref<128xi32, #tpu.memory_space<vmem>>, vector<16xi32>,
      %swap3A_166 = vector.shape_cast %swap3A_165 : vector<16xi32> to vector<16xi32>
      %swap3A_167 = vector.shape_cast %get3A_163 : vector<16xi32> to vector<16xi32>
      tpu.vector_store %arg12[%swap3A_164], %swap3A_167 {strides = array<i32>} : memref<128xi32, #tpu.memory_space<vmem>>, vector<16xi32>,
      %mul3A_168 = arith.constant 128 : i32
      %mul3A_169 = arith.muli %add3A_101, %mul3A_168 : i32
      %add3A_170 = arith.constant 96 : i32
      %add3A_171 = arith.addi %mul3A_169, %add3A_170 : i32
      %get3A_172 = arith.index_cast %add3A_171 : i32 to index
      %get3A_173 = tpu.vector_load %arg9[%get3A_172] {strides = array<i32>} : memref<2048xi32, #tpu.memory_space<vmem>>, vector<16xi32>,
      %get3A_174 = vector.shape_cast %get3A_173 : vector<16xi32> to vector<16xi32>
      %swap3A_175 = arith.constant 96 : index
      %swap3A_176 = tpu.vector_load %arg12[%swap3A_175] {strides = array<i32>} : memref<128xi32, #tpu.memory_space<vmem>>, vector<16xi32>,
      %swap3A_177 = vector.shape_cast %swap3A_176 : vector<16xi32> to vector<16xi32>
      %swap3A_178 = vector.shape_cast %get3A_174 : vector<16xi32> to vector<16xi32>
      tpu.vector_store %arg12[%swap3A_175], %swap3A_178 {strides = array<i32>} : memref<128xi32, #tpu.memory_space<vmem>>, vector<16xi32>,
      %mul3A_179 = arith.constant 128 : i32
      %mul3A_180 = arith.muli %add3A_101, %mul3A_179 : i32
      %add3A_181 = arith.constant 112 : i32
      %add3A_182 = arith.addi %mul3A_180, %add3A_181 : i32
      %get3A_183 = arith.index_cast %add3A_182 : i32 to index
      %get3A_184 = tpu.vector_load %arg9[%get3A_183] {strides = array<i32>} : memref<2048xi32, #tpu.memory_space<vmem>>, vector<16xi32>,
      %get3A_185 = vector.shape_cast %get3A_184 : vector<16xi32> to vector<16xi32>
      %swap3A_186 = arith.constant 112 : index
      %swap3A_187 = tpu.vector_load %arg12[%swap3A_186] {strides = array<i32>} : memref<128xi32, #tpu.memory_space<vmem>>, vector<16xi32>,
      %swap3A_188 = vector.shape_cast %swap3A_187 : vector<16xi32> to vector<16xi32>
      %swap3A_189 = vector.shape_cast %get3A_185 : vector<16xi32> to vector<16xi32>
      tpu.vector_store %arg12[%swap3A_186], %swap3A_189 {strides = array<i32>} : memref<128xi32, #tpu.memory_space<vmem>>, vector<16xi32>,
      %mul3A_190 = arith.constant 128 : i32
      %mul3A_191 = arith.muli %add3A_101, %mul3A_190 : i32
      %dma_start3A_192 = tpu.memref_slice %arg8[%mul3A_191] : memref<2048xi32, #tpu.memory_space<vmem>> -> memref<128xi32, #tpu.memory_space<vmem>>
      %dma_start3A_193 = arith.constant 0 : i32
      %dma_start3A_194 = arith.constant 0 : i32
      %dma_start3A_195 = tpu.memref_slice %arg2[%dma_start3A_193, %dma_start3A_194] : memref<10000x128xf32, #tpu.memory_space<hbm>> -> memref<10000x128xf32, #tpu.memory_space<hbm>>
      tpu.enqueue_indirect_dma source(%dma_start3A_195 : memref<10000x128xf32, #tpu.memory_space<hbm>>) target(%arg10 : memref<128x128xf32, #tpu.memory_space<vmem>>) offsets(%dma_start3A_192 : memref<128xi32, #tpu.memory_space<vmem>>) semaphore(%arg15 : memref<!tpu.dma_semaphore, #tpu.memory_space<semaphore_mem>>)
      %add3A_196 = arith.constant 1 : i32
      %add3A_197 = arith.addi %mul3A_99, %add3A_196 : i32
      %mul3A_198 = arith.constant 128 : i32
      %mul3A_199 = arith.muli %add3A_197, %mul3A_198 : i32
      %add3A_200 = arith.constant 0 : i32
      %add3A_201 = arith.addi %mul3A_199, %add3A_200 : i32
      %get3A_202 = arith.index_cast %add3A_201 : i32 to index
      %get3A_203 = tpu.vector_load %arg9[%get3A_202] {strides = array<i32>} : memref<2048xi32, #tpu.memory_space<vmem>>, vector<16xi32>,
      %get3A_204 = vector.shape_cast %get3A_203 : vector<16xi32> to vector<16xi32>
      %swap3A_205 = arith.constant 0 : index
      %swap3A_206 = tpu.vector_load %arg13[%swap3A_205] {strides = array<i32>} : memref<128xi32, #tpu.memory_space<vmem>>, vector<16xi32>,
      %swap3A_207 = vector.shape_cast %swap3A_206 : vector<16xi32> to vector<16xi32>
      %swap3A_208 = vector.shape_cast %get3A_204 : vector<16xi32> to vector<16xi32>
      tpu.vector_store %arg13[%swap3A_205], %swap3A_208 {strides = array<i32>} : memref<128xi32, #tpu.memory_space<vmem>>, vector<16xi32>,
      %mul3A_209 = arith.constant 128 : i32
      %mul3A_210 = arith.muli %add3A_197, %mul3A_209 : i32
      %add3A_211 = arith.constant 16 : i32
      %add3A_212 = arith.addi %mul3A_210, %add3A_211 : i32
      %get3A_213 = arith.index_cast %add3A_212 : i32 to index
      %get3A_214 = tpu.vector_load %arg9[%get3A_213] {strides = array<i32>} : memref<2048xi32, #tpu.memory_space<vmem>>, vector<16xi32>,
      %get3A_215 = vector.shape_cast %get3A_214 : vector<16xi32> to vector<16xi32>
      %swap3A_216 = arith.constant 16 : index
      %swap3A_217 = tpu.vector_load %arg13[%swap3A_216] {strides = array<i32>} : memref<128xi32, #tpu.memory_space<vmem>>, vector<16xi32>,
      %swap3A_218 = vector.shape_cast %swap3A_217 : vector<16xi32> to vector<16xi32>
      %swap3A_219 = vector.shape_cast %get3A_215 : vector<16xi32> to vector<16xi32>
      tpu.vector_store %arg13[%swap3A_216], %swap3A_219 {strides = array<i32>} : memref<128xi32, #tpu.memory_space<vmem>>, vector<16xi32>,
      %mul3A_220 = arith.constant 128 : i32
      %mul3A_221 = arith.muli %add3A_197, %mul3A_220 : i32
      %add3A_222 = arith.constant 32 : i32
      %add3A_223 = arith.addi %mul3A_221, %add3A_222 : i32
      %get3A_224 = arith.index_cast %add3A_223 : i32 to index
      %get3A_225 = tpu.vector_load %arg9[%get3A_224] {strides = array<i32>} : memref<2048xi32, #tpu.memory_space<vmem>>, vector<16xi32>,
      %get3A_226 = vector.shape_cast %get3A_225 : vector<16xi32> to vector<16xi32>
      %swap3A_227 = arith.constant 32 : index
      %swap3A_228 = tpu.vector_load %arg13[%swap3A_227] {strides = array<i32>} : memref<128xi32, #tpu.memory_space<vmem>>, vector<16xi32>,
      %swap3A_229 = vector.shape_cast %swap3A_228 : vector<16xi32> to vector<16xi32>
      %swap3A_230 = vector.shape_cast %get3A_226 : vector<16xi32> to vector<16xi32>
      tpu.vector_store %arg13[%swap3A_227], %swap3A_230 {strides = array<i32>} : memref<128xi32, #tpu.memory_space<vmem>>, vector<16xi32>,
      %mul3A_231 = arith.constant 128 : i32
      %mul3A_232 = arith.muli %add3A_197, %mul3A_231 : i32
      %add3A_233 = arith.constant 48 : i32
      %add3A_234 = arith.addi %mul3A_232, %add3A_233 : i32
      %get3A_235 = arith.index_cast %add3A_234 : i32 to index
      %get3A_236 = tpu.vector_load %arg9[%get3A_235] {strides = array<i32>} : memref<2048xi32, #tpu.memory_space<vmem>>, vector<16xi32>,
      %get3A_237 = vector.shape_cast %get3A_236 : vector<16xi32> to vector<16xi32>
      %swap3A_238 = arith.constant 48 : index
      %swap3A_239 = tpu.vector_load %arg13[%swap3A_238] {strides = array<i32>} : memref<128xi32, #tpu.memory_space<vmem>>, vector<16xi32>,
      %swap3A_240 = vector.shape_cast %swap3A_239 : vector<16xi32> to vector<16xi32>
      %swap3A_241 = vector.shape_cast %get3A_237 : vector<16xi32> to vector<16xi32>
      tpu.vector_store %arg13[%swap3A_238], %swap3A_241 {strides = array<i32>} : memref<128xi32, #tpu.memory_space<vmem>>, vector<16xi32>,
      %mul3A_242 = arith.constant 128 : i32
      %mul3A_243 = arith.muli %add3A_197, %mul3A_242 : i32
      %add3A_244 = arith.constant 64 : i32
      %add3A_245 = arith.addi %mul3A_243, %add3A_244 : i32
      %get3A_246 = arith.index_cast %add3A_245 : i32 to index
      %get3A_247 = tpu.vector_load %arg9[%get3A_246] {strides = array<i32>} : memref<2048xi32, #tpu.memory_space<vmem>>, vector<16xi32>,
      %get3A_248 = vector.shape_cast %get3A_247 : vector<16xi32> to vector<16xi32>
      %swap3A_249 = arith.constant 64 : index
      %swap3A_250 = tpu.vector_load %arg13[%swap3A_249] {strides = array<i32>} : memref<128xi32, #tpu.memory_space<vmem>>, vector<16xi32>,
      %swap3A_251 = vector.shape_cast %swap3A_250 : vector<16xi32> to vector<16xi32>
      %swap3A_252 = vector.shape_cast %get3A_248 : vector<16xi32> to vector<16xi32>
      tpu.vector_store %arg13[%swap3A_249], %swap3A_252 {strides = array<i32>} : memref<128xi32, #tpu.memory_space<vmem>>, vector<16xi32>,
      %mul3A_253 = arith.constant 128 : i32
      %mul3A_254 = arith.muli %add3A_197, %mul3A_253 : i32
      %add3A_255 = arith.constant 80 : i32
      %add3A_256 = arith.addi %mul3A_254, %add3A_255 : i32
      %get3A_257 = arith.index_cast %add3A_256 : i32 to index
      %get3A_258 = tpu.vector_load %arg9[%get3A_257] {strides = array<i32>} : memref<2048xi32, #tpu.memory_space<vmem>>, vector<16xi32>,
      %get3A_259 = vector.shape_cast %get3A_258 : vector<16xi32> to vector<16xi32>
      %swap3A_260 = arith.constant 80 : index
      %swap3A_261 = tpu.vector_load %arg13[%swap3A_260] {strides = array<i32>} : memref<128xi32, #tpu.memory_space<vmem>>, vector<16xi32>,
      %swap3A_262 = vector.shape_cast %swap3A_261 : vector<16xi32> to vector<16xi32>
      %swap3A_263 = vector.shape_cast %get3A_259 : vector<16xi32> to vector<16xi32>
      tpu.vector_store %arg13[%swap3A_260], %swap3A_263 {strides = array<i32>} : memref<128xi32, #tpu.memory_space<vmem>>, vector<16xi32>,
      %mul3A_264 = arith.constant 128 : i32
      %mul3A_265 = arith.muli %add3A_197, %mul3A_264 : i32
      %add3A_266 = arith.constant 96 : i32
      %add3A_267 = arith.addi %mul3A_265, %add3A_266 : i32
      %get3A_268 = arith.index_cast %add3A_267 : i32 to index
      %get3A_269 = tpu.vector_load %arg9[%get3A_268] {strides = array<i32>} : memref<2048xi32, #tpu.memory_space<vmem>>, vector<16xi32>,
      %get3A_270 = vector.shape_cast %get3A_269 : vector<16xi32> to vector<16xi32>
      %swap3A_271 = arith.constant 96 : index
      %swap3A_272 = tpu.vector_load %arg13[%swap3A_271] {strides = array<i32>} : memref<128xi32, #tpu.memory_space<vmem>>, vector<16xi32>,
      %swap3A_273 = vector.shape_cast %swap3A_272 : vector<16xi32> to vector<16xi32>
      %swap3A_274 = vector.shape_cast %get3A_270 : vector<16xi32> to vector<16xi32>
      tpu.vector_store %arg13[%swap3A_271], %swap3A_274 {strides = array<i32>} : memref<128xi32, #tpu.memory_space<vmem>>, vector<16xi32>,
      %mul3A_275 = arith.constant 128 : i32
      %mul3A_276 = arith.muli %add3A_197, %mul3A_275 : i32
      %add3A_277 = arith.constant 112 : i32
      %add3A_278 = arith.addi %mul3A_276, %add3A_277 : i32
      %get3A_279 = arith.index_cast %add3A_278 : i32 to index
      %get3A_280 = tpu.vector_load %arg9[%get3A_279] {strides = array<i32>} : memref<2048xi32, #tpu.memory_space<vmem>>, vector<16xi32>,
      %get3A_281 = vector.shape_cast %get3A_280 : vector<16xi32> to vector<16xi32>
      %swap3A_282 = arith.constant 112 : index
      %swap3A_283 = tpu.vector_load %arg13[%swap3A_282] {strides = array<i32>} : memref<128xi32, #tpu.memory_space<vmem>>, vector<16xi32>,
      %swap3A_284 = vector.shape_cast %swap3A_283 : vector<16xi32> to vector<16xi32>
      %swap3A_285 = vector.shape_cast %get3A_281 : vector<16xi32> to vector<16xi32>
      tpu.vector_store %arg13[%swap3A_282], %swap3A_285 {strides = array<i32>} : memref<128xi32, #tpu.memory_space<vmem>>, vector<16xi32>,
      %mul3A_286 = arith.constant 128 : i32
      %mul3A_287 = arith.muli %add3A_197, %mul3A_286 : i32
      %dma_start3A_288 = tpu.memref_slice %arg8[%mul3A_287] : memref<2048xi32, #tpu.memory_space<vmem>> -> memref<128xi32, #tpu.memory_space<vmem>>
      %dma_start3A_289 = arith.constant 0 : i32
      %dma_start3A_290 = arith.constant 0 : i32
      %dma_start3A_291 = tpu.memref_slice %arg2[%dma_start3A_289, %dma_start3A_290] : memref<10000x128xf32, #tpu.memory_space<hbm>> -> memref<10000x128xf32, #tpu.memory_space<hbm>>
      tpu.enqueue_indirect_dma source(%dma_start3A_291 : memref<10000x128xf32, #tpu.memory_space<hbm>>) target(%arg11 : memref<128x128xf32, #tpu.memory_space<vmem>>) offsets(%dma_start3A_288 : memref<128xi32, #tpu.memory_space<vmem>>) semaphore(%arg16 : memref<!tpu.dma_semaphore, #tpu.memory_space<semaphore_mem>>)
      %dma_wait3A_292 = tpu.memref_slice %arg8[%mul3A_191] : memref<2048xi32, #tpu.memory_space<vmem>> -> memref<128xi32, #tpu.memory_space<vmem>>
      %dma_wait3A_293 = arith.constant 0 : i32
      %dma_wait3A_294 = arith.constant 0 : i32
      %dma_wait3A_295 = tpu.memref_slice %arg2[%dma_wait3A_293, %dma_wait3A_294] : memref<10000x128xf32, #tpu.memory_space<hbm>> -> memref<10000x128xf32, #tpu.memory_space<hbm>>
      tpu.wait_indirect_dma semaphore(%arg15 : memref<!tpu.dma_semaphore, #tpu.memory_space<semaphore_mem>>) src(%dma_wait3A_295 : memref<10000x128xf32, #tpu.memory_space<hbm>>) dst(%arg10 : memref<128x128xf32, #tpu.memory_space<vmem>>)
      %dma_start3A_296 = arith.constant 0 : i32
      %dma_start3A_297 = arith.constant 0 : i32
      %dma_start3A_298 = tpu.memref_slice %arg7[%dma_start3A_296, %dma_start3A_297] : memref<10000x128xf32, #tpu.memory_space<vmem_shared>> -> memref<10000x128xf32, #tpu.memory_space<vmem_shared>>
      tpu.enqueue_indirect_dma source(%arg10 : memref<128x128xf32, #tpu.memory_space<vmem>>) target(%dma_start3A_298 : memref<10000x128xf32, #tpu.memory_space<vmem_shared>>) offsets(%arg12 : memref<128xi32, #tpu.memory_space<vmem>>) semaphore(%arg15 : memref<!tpu.dma_semaphore, #tpu.memory_space<semaphore_mem>>) {add = true}
      %dma_wait3A_299 = tpu.memref_slice %arg8[%mul3A_287] : memref<2048xi32, #tpu.memory_space<vmem>> -> memref<128xi32, #tpu.memory_space<vmem>>
      %dma_wait3A_300 = arith.constant 0 : i32
      %dma_wait3A_301 = arith.constant 0 : i32
      %dma_wait3A_302 = tpu.memref_slice %arg2[%dma_wait3A_300, %dma_wait3A_301] : memref<10000x128xf32, #tpu.memory_space<hbm>> -> memref<10000x128xf32, #tpu.memory_space<hbm>>
      tpu.wait_indirect_dma semaphore(%arg16 : memref<!tpu.dma_semaphore, #tpu.memory_space<semaphore_mem>>) src(%dma_wait3A_302 : memref<10000x128xf32, #tpu.memory_space<hbm>>) dst(%arg11 : memref<128x128xf32, #tpu.memory_space<vmem>>)
      %dma_start3A_303 = arith.constant 0 : i32
      %dma_start3A_304 = arith.constant 0 : i32
      %dma_start3A_305 = tpu.memref_slice %arg7[%dma_start3A_303, %dma_start3A_304] : memref<10000x128xf32, #tpu.memory_space<vmem_shared>> -> memref<10000x128xf32, #tpu.memory_space<vmem_shared>>
      tpu.enqueue_indirect_dma source(%arg11 : memref<128x128xf32, #tpu.memory_space<vmem>>) target(%dma_start3A_305 : memref<10000x128xf32, #tpu.memory_space<vmem_shared>>) offsets(%arg13 : memref<128xi32, #tpu.memory_space<vmem>>) semaphore(%arg16 : memref<!tpu.dma_semaphore, #tpu.memory_space<semaphore_mem>>) {add = true}
      %dma_wait3A_306 = arith.constant 0 : i32
      %dma_wait3A_307 = arith.constant 0 : i32
      %dma_wait3A_308 = tpu.memref_slice %arg7[%dma_wait3A_306, %dma_wait3A_307] : memref<10000x128xf32, #tpu.memory_space<vmem_shared>> -> memref<10000x128xf32, #tpu.memory_space<vmem_shared>>
      tpu.wait_indirect_dma semaphore(%arg15 : memref<!tpu.dma_semaphore, #tpu.memory_space<semaphore_mem>>) src(%arg10 : memref<128x128xf32, #tpu.memory_space<vmem>>) dst(%dma_wait3A_308 : memref<10000x128xf32, #tpu.memory_space<vmem_shared>>)
      %dma_wait3A_309 = arith.constant 0 : i32
      %dma_wait3A_310 = arith.constant 0 : i32
      %dma_wait3A_311 = tpu.memref_slice %arg7[%dma_wait3A_309, %dma_wait3A_310] : memref<10000x128xf32, #tpu.memory_space<vmem_shared>> -> memref<10000x128xf32, #tpu.memory_space<vmem_shared>>
      tpu.wait_indirect_dma semaphore(%arg16 : memref<!tpu.dma_semaphore, #tpu.memory_space<semaphore_mem>>) src(%arg11 : memref<128x128xf32, #tpu.memory_space<vmem>>) dst(%dma_wait3A_311 : memref<10000x128xf32, #tpu.memory_space<vmem_shared>>)
      %scan3A_312 = arith.constant 0 : i32
      scf.yield %scan3A_312 : i32
    }
    %scan3A_22 = arith.constant 78 : i32
    %get3A = arith.constant 1536 : index
    %get3A_23 = tpu.vector_load %arg9[%get3A] {strides = array<i32>} : memref<2048xi32, #tpu.memory_space<vmem>>, vector<16xi32>,
    %get3A_24 = vector.shape_cast %get3A_23 : vector<16xi32> to vector<16xi32>
    %swap3A = arith.constant 0 : index
    %swap3A_25 = tpu.vector_load %arg14[%swap3A] {strides = array<i32>} : memref<32xi32, #tpu.memory_space<vmem>>, vector<16xi32>,
    %swap3A_26 = vector.shape_cast %swap3A_25 : vector<16xi32> to vector<16xi32>
    %swap3A_27 = vector.shape_cast %get3A_24 : vector<16xi32> to vector<16xi32>
    tpu.vector_store %arg14[%swap3A], %swap3A_27 {strides = array<i32>} : memref<32xi32, #tpu.memory_space<vmem>>, vector<16xi32>,
    %get3A_28 = arith.constant 1552 : index
    %get3A_29 = tpu.vector_load %arg9[%get3A_28] {strides = array<i32>} : memref<2048xi32, #tpu.memory_space<vmem>>, vector<16xi32>,
    %get3A_30 = vector.shape_cast %get3A_29 : vector<16xi32> to vector<16xi32>
    %swap3A_31 = arith.constant 16 : index
    %swap3A_32 = tpu.vector_load %arg14[%swap3A_31] {strides = array<i32>} : memref<32xi32, #tpu.memory_space<vmem>>, vector<16xi32>,
    %swap3A_33 = vector.shape_cast %swap3A_32 : vector<16xi32> to vector<16xi32>
    %swap3A_34 = vector.shape_cast %get3A_30 : vector<16xi32> to vector<16xi32>
    tpu.vector_store %arg14[%swap3A_31], %swap3A_34 {strides = array<i32>} : memref<32xi32, #tpu.memory_space<vmem>>, vector<16xi32>,
    %dma_start3A = arith.constant 0 : i32
    %dma_start3A_35 = arith.constant 0 : i32
    %dma_start3A_36 = tpu.memref_slice %arg10[%dma_start3A, %dma_start3A_35] : memref<128x128xf32, #tpu.memory_space<vmem>> -> memref<32x128xf32, #tpu.memory_space<vmem>>
    %dma_start3A_37 = arith.constant 1536 : i32
    %dma_start3A_38 = tpu.memref_slice %arg8[%dma_start3A_37] : memref<2048xi32, #tpu.memory_space<vmem>> -> memref<32xi32, #tpu.memory_space<vmem>>
    %dma_start3A_39 = arith.constant 0 : i32
    %dma_start3A_40 = arith.constant 0 : i32
    %dma_start3A_41 = tpu.memref_slice %arg2[%dma_start3A_39, %dma_start3A_40] : memref<10000x128xf32, #tpu.memory_space<hbm>> -> memref<10000x128xf32, #tpu.memory_space<hbm>>
    tpu.enqueue_indirect_dma source(%dma_start3A_41 : memref<10000x128xf32, #tpu.memory_space<hbm>>) target(%dma_start3A_36 : memref<32x128xf32, #tpu.memory_space<vmem>>) offsets(%dma_start3A_38 : memref<32xi32, #tpu.memory_space<vmem>>) semaphore(%arg15 : memref<!tpu.dma_semaphore, #tpu.memory_space<semaphore_mem>>)
    %dma_wait3A = arith.constant 0 : i32
    %dma_wait3A_42 = arith.constant 0 : i32
    %dma_wait3A_43 = tpu.memref_slice %arg10[%dma_wait3A, %dma_wait3A_42] : memref<128x128xf32, #tpu.memory_space<vmem>> -> memref<32x128xf32, #tpu.memory_space<vmem>>
    %dma_wait3A_44 = arith.constant 1536 : i32
    %dma_wait3A_45 = tpu.memref_slice %arg8[%dma_wait3A_44] : memref<2048xi32, #tpu.memory_space<vmem>> -> memref<32xi32, #tpu.memory_space<vmem>>
    %dma_wait3A_46 = arith.constant 0 : i32
    %dma_wait3A_47 = arith.constant 0 : i32
    %dma_wait3A_48 = tpu.memref_slice %arg2[%dma_wait3A_46, %dma_wait3A_47] : memref<10000x128xf32, #tpu.memory_space<hbm>> -> memref<10000x128xf32, #tpu.memory_space<hbm>>
    tpu.wait_indirect_dma semaphore(%arg15 : memref<!tpu.dma_semaphore, #tpu.memory_space<semaphore_mem>>) src(%dma_wait3A_48 : memref<10000x128xf32, #tpu.memory_space<hbm>>) dst(%dma_wait3A_43 : memref<32x128xf32, #tpu.memory_space<vmem>>)
    "tpu.region"() ({
      %run_scoped3A = tpu.sem_alloc : memref<!tpu.dma_semaphore, #tpu.memory_space<semaphore_mem>>
      %dma_start3A_57 = arith.constant 0 : i32
      %dma_start3A_58 = arith.constant 0 : i32
      %dma_start3A_59 = tpu.memref_slice %arg10[%dma_start3A_57, %dma_start3A_58] : memref<128x128xf32, #tpu.memory_space<vmem>> -> memref<32x128xf32, #tpu.memory_space<vmem>>
      %dma_start3A_60 = arith.constant 0 : i32
      %dma_start3A_61 = arith.constant 0 : i32
      %dma_start3A_62 = tpu.memref_slice %arg7[%dma_start3A_60, %dma_start3A_61] : memref<10000x128xf32, #tpu.memory_space<vmem_shared>> -> memref<10000x128xf32, #tpu.memory_space<vmem_shared>>
      tpu.enqueue_indirect_dma source(%dma_start3A_59 : memref<32x128xf32, #tpu.memory_space<vmem>>) target(%dma_start3A_62 : memref<10000x128xf32, #tpu.memory_space<vmem_shared>>) offsets(%arg14 : memref<32xi32, #tpu.memory_space<vmem>>) semaphore(%run_scoped3A : memref<!tpu.dma_semaphore, #tpu.memory_space<semaphore_mem>>) {add = true}
      %dma_wait3A_63 = arith.constant 0 : i32
      %dma_wait3A_64 = arith.constant 0 : i32
      %dma_wait3A_65 = tpu.memref_slice %arg10[%dma_wait3A_63, %dma_wait3A_64] : memref<128x128xf32, #tpu.memory_space<vmem>> -> memref<32x128xf32, #tpu.memory_space<vmem>>
      %dma_wait3A_66 = arith.constant 0 : i32
      %dma_wait3A_67 = arith.constant 0 : i32
      %dma_wait3A_68 = tpu.memref_slice %arg7[%dma_wait3A_66, %dma_wait3A_67] : memref<10000x128xf32, #tpu.memory_space<vmem_shared>> -> memref<10000x128xf32, #tpu.memory_space<vmem_shared>>
      tpu.wait_indirect_dma semaphore(%run_scoped3A : memref<!tpu.dma_semaphore, #tpu.memory_space<semaphore_mem>>) src(%dma_wait3A_65 : memref<32x128xf32, #tpu.memory_space<vmem>>) dst(%dma_wait3A_68 : memref<10000x128xf32, #tpu.memory_space<vmem_shared>>)
      tpu.yield
    }) : () -> ()
    %barrier3A_49 = arith.constant 0 : index
    tpu.barrier barrier_id(%barrier3A_49)
    %mul3A_50 = arith.constant 624 : i32
    %mul3A_51 = arith.muli %arg1, %mul3A_50 : i32
    "tpu.region"() ({
      %run_scoped3A = tpu.sem_alloc : memref<!tpu.dma_semaphore, #tpu.memory_space<semaphore_mem>>
      %dma_start3A_57 = arith.constant 0 : i32
      %dma_start3A_58 = tpu.memref_slice %arg6[%arg0, %mul3A_51, %dma_start3A_57] : memref<2x10000x128xf32, #tpu.memory_space<hbm>> -> memref<1x624x128xf32, #tpu.memory_space<hbm>>
      %dma_start3A_59 = tpu.memref_squeeze %dma_start3A_58 : memref<1x624x128xf32, #tpu.memory_space<hbm>> -> memref<624x128xf32, #tpu.memory_space<hbm>>
      %dma_start3A_60 = arith.constant 0 : i32
      %dma_start3A_61 = tpu.memref_slice %arg7[%mul3A_51, %dma_start3A_60] : memref<10000x128xf32, #tpu.memory_space<vmem_shared>> -> memref<624x128xf32, #tpu.memory_space<vmem_shared>>
      tpu.enqueue_dma source(%dma_start3A_61 : memref<624x128xf32, #tpu.memory_space<vmem_shared>>) target(%dma_start3A_59 : memref<624x128xf32, #tpu.memory_space<hbm>>) target_semaphore(%run_scoped3A : memref<!tpu.dma_semaphore, #tpu.memory_space<semaphore_mem>>)
      %dma_wait3A_62 = arith.constant 0 : i32
      %dma_wait3A_63 = tpu.memref_slice %arg6[%arg0, %mul3A_51, %dma_wait3A_62] : memref<2x10000x128xf32, #tpu.memory_space<hbm>> -> memref<1x624x128xf32, #tpu.memory_space<hbm>>
      %dma_wait3A_64 = tpu.memref_squeeze %dma_wait3A_63 : memref<1x624x128xf32, #tpu.memory_space<hbm>> -> memref<624x128xf32, #tpu.memory_space<hbm>>
      %dma_wait3A_65 = arith.constant 0 : i32
      %dma_wait3A_66 = tpu.memref_slice %arg7[%mul3A_51, %dma_wait3A_65] : memref<10000x128xf32, #tpu.memory_space<vmem_shared>> -> memref<624x128xf32, #tpu.memory_space<vmem_shared>>
      tpu.wait_dma2 semaphore(%run_scoped3A : memref<!tpu.dma_semaphore, #tpu.memory_space<semaphore_mem>>) src(%dma_wait3A_66 : memref<624x128xf32, #tpu.memory_space<vmem_shared>>) dst(%dma_wait3A_64 : memref<624x128xf32, #tpu.memory_space<hbm>>)
      tpu.yield
    }) : () -> ()
    %eq3A_52 = arith.constant 0 : i32
    %eq3A_53 = arith.cmpi eq, %arg1, %eq3A_52 : i32
    %convert_element_type3A_54 = arith.extui %eq3A_53 : i1 to i32
    %cond3A_55 = arith.constant 0 : i32
    %cond3A_56 = arith.cmpi ne, %convert_element_type3A_54, %cond3A_55 : i32
    scf.if %cond3A_56 {
      "tpu.region"() ({
        %run_scoped3A = tpu.sem_alloc : memref<!tpu.dma_semaphore, #tpu.memory_space<semaphore_mem>>
        %dma_start3A_57 = arith.constant 9984 : i32
        %dma_start3A_58 = arith.constant 0 : i32
        %dma_start3A_59 = tpu.memref_slice %arg6[%arg0, %dma_start3A_57, %dma_start3A_58] : memref<2x10000x128xf32, #tpu.memory_space<hbm>> -> memref<1x16x128xf32, #tpu.memory_space<hbm>>
        %dma_start3A_60 = tpu.memref_squeeze %dma_start3A_59 : memref<1x16x128xf32, #tpu.memory_space<hbm>> -> memref<16x128xf32, #tpu.memory_space<hbm>>
        %dma_start3A_61 = arith.constant 9984 : i32
        %dma_start3A_62 = arith.constant 0 : i32
        %dma_start3A_63 = tpu.memref_slice %arg7[%dma_start3A_61, %dma_start3A_62] : memref<10000x128xf32, #tpu.memory_space<vmem_shared>> -> memref<16x128xf32, #tpu.memory_space<vmem_shared>>
        tpu.enqueue_dma source(%dma_start3A_63 : memref<16x128xf32, #tpu.memory_space<vmem_shared>>) target(%dma_start3A_60 : memref<16x128xf32, #tpu.memory_space<hbm>>) target_semaphore(%run_scoped3A : memref<!tpu.dma_semaphore, #tpu.memory_space<semaphore_mem>>)
        %dma_wait3A_64 = arith.constant 9984 : i32
        %dma_wait3A_65 = arith.constant 0 : i32
        %dma_wait3A_66 = tpu.memref_slice %arg6[%arg0, %dma_wait3A_64, %dma_wait3A_65] : memref<2x10000x128xf32, #tpu.memory_space<hbm>> -> memref<1x16x128xf32, #tpu.memory_space<hbm>>
        %dma_wait3A_67 = tpu.memref_squeeze %dma_wait3A_66 : memref<1x16x128xf32, #tpu.memory_space<hbm>> -> memref<16x128xf32, #tpu.memory_space<hbm>>
        %dma_wait3A_68 = arith.constant 9984 : i32
        %dma_wait3A_69 = arith.constant 0 : i32
        %dma_wait3A_70 = tpu.memref_slice %arg7[%dma_wait3A_68, %dma_wait3A_69] : memref<10000x128xf32, #tpu.memory_space<vmem_shared>> -> memref<16x128xf32, #tpu.memory_space<vmem_shared>>
        tpu.wait_dma2 semaphore(%run_scoped3A : memref<!tpu.dma_semaphore, #tpu.memory_space<semaphore_mem>>) src(%dma_wait3A_70 : memref<16x128xf32, #tpu.memory_space<vmem_shared>>) dst(%dma_wait3A_67 : memref<16x128xf32, #tpu.memory_space<hbm>>)
        tpu.yield
      }) : () -> ()
    } else {
    }
    return
  }
}

module attributes {stable_mosaic.version = 14 : i64} {
  func.func @_mm_bias_body(%arg0: i32, %arg1: memref<1000x768xf32, #tpu.memory_space<vmem>>, %arg2: memref<768x1024xf32, #tpu.memory_space<vmem>>, %arg3: memref<1x1024xf32, #tpu.memory_space<vmem>>, %arg4: memref<1000x1024xf32, #tpu.memory_space<vmem>>) attributes {dimension_semantics = [#tpu.dimension_semantics<arbitrary>], iteration_bounds = array<i64: 10>, scalar_prefetch = 0 : i64, scratch_operands = 0 : i64, tpu.core_type = #tpu.core_type<tc>, window_params = [{transform_indices = @transform_0, window_bounds = array<i64: 1000, 768>}, {pipeline_mode = #tpu.pipeline_mode<synchronous>, transform_indices = @transform_1, window_bounds = array<i64: 768, 1024>}, {pipeline_mode = #tpu.pipeline_mode<synchronous>, transform_indices = @transform_2, window_bounds = array<i64: 1, 1024>}, {transform_indices = @transform_3, window_bounds = array<i64: 1000, 1024>}]} {
    %get3A = arith.constant 0 : index
    %get3A_0 = arith.constant 0 : index
    %get3A_1 = vector.load %arg1[%get3A, %get3A_0] : memref<1000x768xf32, #tpu.memory_space<vmem>>, vector<1000x768xf32>
    %get3A_2 = arith.constant 0 : index
    %get3A_3 = arith.constant 0 : index
    %get3A_4 = vector.load %arg2[%get3A_2, %get3A_3] : memref<768x1024xf32, #tpu.memory_space<vmem>>, vector<768x1024xf32>
    %dot_general3A = arith.constant dense<0.000000e+00> : vector<1000x1024xf32>
    %dot_general3A_5 = tpu.matmul %get3A_1, %get3A_4, %dot_general3A {dimension_numbers = #tpu.dot_dimension_numbers<[1], [0], [0], [1], [0, 0, 1, 1], [], []>, transpose_lhs_hint = false} : vector<1000x768xf32>, vector<768x1024xf32>, vector<1000x1024xf32> -> vector<1000x1024xf32>
    %get3A_6 = arith.constant 0 : index
    %get3A_7 = arith.constant 0 : index
    %get3A_8 = vector.load %arg3[%get3A_6, %get3A_7] : memref<1x1024xf32, #tpu.memory_space<vmem>>, vector<1x1024xf32>
    %add3A = vector.broadcast %get3A_8 : vector<1x1024xf32> to vector<1000x1024xf32>
    %add3A_9 = arith.addf %dot_general3A_5, %add3A : vector<1000x1024xf32>
    %swap3A = arith.constant 0 : index
    %swap3A_10 = arith.constant 0 : index
    %swap3A_11 = vector.load %arg4[%swap3A, %swap3A_10] : memref<1000x1024xf32, #tpu.memory_space<vmem>>, vector<1000x1024xf32>
    tpu.vector_store %arg4[%swap3A, %swap3A_10], %add3A_9 {strides = array<i32>} : memref<1000x1024xf32, #tpu.memory_space<vmem>>, vector<1000x1024xf32>,
    return
  }
  func.func @transform_0(%arg0: i32) -> (i32, i32) {
    %c0_i32 = arith.constant 0 : i32
    %c0_i32_0 = arith.constant 0 : i32
    return %arg0, %c0_i32 : i32, i32
  }
  func.func @transform_1(%arg0: i32) -> (i32, i32) {
    %c0_i32 = arith.constant 0 : i32
    %c0_i32_0 = arith.constant 0 : i32
    %c0_i32_1 = arith.constant 0 : i32
    return %c0_i32, %c0_i32_0 : i32, i32
  }
  func.func @transform_2(%arg0: i32) -> (i32, i32) {
    %c0_i32 = arith.constant 0 : i32
    %c0_i32_0 = arith.constant 0 : i32
    %c0_i32_1 = arith.constant 0 : i32
    return %c0_i32, %c0_i32_0 : i32, i32
  }
  func.func @transform_3(%arg0: i32) -> (i32, i32) {
    %c0_i32 = arith.constant 0 : i32
    %c0_i32_0 = arith.constant 0 : i32
    return %arg0, %c0_i32 : i32, i32
  }
}

module attributes {stable_mosaic.version = 14 : i64} {
  func.func @_lstm_pair_body(%arg0: i32, %arg1: memref<1000x512xf32, #tpu.memory_space<vmem>>, %arg2: memref<1000x512xf32, #tpu.memory_space<vmem>>, %arg3: memref<128x512xbf16, #tpu.memory_space<vmem>>, %arg4: memref<128x512xbf16, #tpu.memory_space<vmem>>, %arg5: memref<1000x128xf32, #tpu.memory_space<vmem>>, %arg6: memref<1000x128xf32, #tpu.memory_space<vmem>>, %arg7: memref<8x128xf32, #tpu.memory_space<vmem>>) attributes {dimension_semantics = [#tpu.dimension_semantics<arbitrary>], iteration_bounds = array<i64: 10>, scalar_prefetch = 0 : i64, scratch_operands = 1 : i64, tpu.core_type = #tpu.core_type<tc>, window_params = [{transform_indices = @transform_0, window_bounds = array<i64: 1000, 512>}, {transform_indices = @transform_1, window_bounds = array<i64: 1000, 512>}, {pipeline_mode = #tpu.pipeline_mode<synchronous>, transform_indices = @transform_2, window_bounds = array<i64: 128, 512>}, {pipeline_mode = #tpu.pipeline_mode<synchronous>, transform_indices = @transform_3, window_bounds = array<i64: 128, 512>}, {transform_indices = @transform_4, window_bounds = array<i64: 1000, 128>}, {transform_indices = @transform_5, window_bounds = array<i64: 1000, 128>}]} {
    %eq3A = arith.constant 0 : i32
    %eq3A_0 = arith.cmpi eq, %arg0, %eq3A : i32
    %convert_element_type3A = arith.extui %eq3A_0 : i1 to i32
    %cond3A = arith.constant 0 : i32
    %cond3A_1 = arith.cmpi ne, %convert_element_type3A, %cond3A : i32
    scf.if %cond3A_1 {
      %broadcast_in_dim3A = arith.constant 0.000000e+00 : f32
      %broadcast_in_dim3A_35 = vector.broadcast %broadcast_in_dim3A : f32 to vector<8x128xf32>
      %swap3A_36 = arith.constant 0 : index
      %swap3A_37 = arith.constant 0 : index
      %swap3A_38 = vector.load %arg7[%swap3A_36, %swap3A_37] : memref<8x128xf32, #tpu.memory_space<vmem>>, vector<8x128xf32>
      tpu.vector_store %arg7[%swap3A_36, %swap3A_37], %broadcast_in_dim3A_35 {strides = array<i32>} : memref<8x128xf32, #tpu.memory_space<vmem>>, vector<8x128xf32>,
    } else {
    }
    %get3A = arith.constant 0 : index
    %get3A_2 = arith.constant 0 : index
    %get3A_3 = vector.load %arg3[%get3A, %get3A_2] : memref<128x512xbf16, #tpu.memory_space<vmem>>, vector<128x512xbf16>
    %get3A_4 = arith.constant 0 : index
    %get3A_5 = arith.constant 0 : index
    %get3A_6 = vector.load %arg4[%get3A_4, %get3A_5] : memref<128x512xbf16, #tpu.memory_space<vmem>>, vector<128x512xbf16>
    %get3A_7 = arith.constant 0 : index
    %get3A_8 = arith.constant 0 : index
    %get3A_9 = vector.load %arg7[%get3A_7, %get3A_8] : memref<8x128xf32, #tpu.memory_space<vmem>>, vector<1x128xf32>
    %get3A_10 = arith.constant 1 : index
    %get3A_11 = arith.constant 0 : index
    %get3A_12 = vector.load %arg7[%get3A_10, %get3A_11] : memref<8x128xf32, #tpu.memory_space<vmem>>, vector<1x128xf32>
    %get3A_13 = arith.constant 2 : index
    %get3A_14 = arith.constant 0 : index
    %get3A_15 = vector.load %arg7[%get3A_13, %get3A_14] : memref<8x128xf32, #tpu.memory_space<vmem>>, vector<1x128xf32>
    %get3A_16 = arith.constant 3 : index
    %get3A_17 = arith.constant 0 : index
    %get3A_18 = vector.load %arg7[%get3A_16, %get3A_17] : memref<8x128xf32, #tpu.memory_space<vmem>>, vector<1x128xf32>
    %scan3A = arith.constant 0 : i32
    %scan3A_19 = arith.constant 1000 : i32
    %scan3A_20 = arith.addi %scan3A, %scan3A_19 : i32
    %scan3A_21 = arith.constant 1 : i32
    %scan3A_22:4 = scf.for %scan3A_35 = %scan3A to %scan3A_20 step %scan3A_21 iter_args(%scan3A_36 = %get3A_9, %scan3A_37 = %get3A_12, %scan3A_38 = %get3A_15, %scan3A_39 = %get3A_18) -> (vector<1x128xf32>, vector<1x128xf32>, vector<1x128xf32>, vector<1x128xf32>)  : i32 {
      %convert_element_type3A_40 = arith.truncf %scan3A_36 : vector<1x128xf32> to vector<1x128xbf16>
      %dot_general3A = arith.constant dense<0.000000e+00> : vector<1x512xf32>
      %dot_general3A_41 = tpu.matmul %convert_element_type3A_40, %get3A_3, %dot_general3A {dimension_numbers = #tpu.dot_dimension_numbers<[1], [0], [0], [1], [0, 0, 1, 1], [], []>, transpose_lhs_hint = false} : vector<1x128xbf16>, vector<128x512xbf16>, vector<1x512xf32> -> vector<1x512xf32>
      %get3A_42 = arith.index_cast %scan3A_35 : i32 to index
      %get3A_43 = arith.constant 0 : index
      %get3A_44 = vector.load %arg1[%get3A_42, %get3A_43] : memref<1000x512xf32, #tpu.memory_space<vmem>>, vector<1x512xf32>
      %add3A = arith.addf %dot_general3A_41, %get3A_44 : vector<1x512xf32>
      %convert_element_type3A_45 = arith.truncf %scan3A_38 : vector<1x128xf32> to vector<1x128xbf16>
      %dot_general3A_46 = arith.constant dense<0.000000e+00> : vector<1x512xf32>
      %dot_general3A_47 = tpu.matmul %convert_element_type3A_45, %get3A_6, %dot_general3A_46 {dimension_numbers = #tpu.dot_dimension_numbers<[1], [0], [0], [1], [0, 0, 1, 1], [], []>, transpose_lhs_hint = false} : vector<1x128xbf16>, vector<128x512xbf16>, vector<1x512xf32> -> vector<1x512xf32>
      %sub3A = arith.constant 999 : i32
      %sub3A_48 = arith.subi %sub3A, %scan3A_35 : i32
      %get3A_49 = arith.index_cast %sub3A_48 : i32 to index
      %get3A_50 = arith.constant 0 : index
      %get3A_51 = vector.load %arg2[%get3A_49, %get3A_50] : memref<1000x512xf32, #tpu.memory_space<vmem>>, vector<1x512xf32>
      %add3A_52 = arith.addf %dot_general3A_47, %get3A_51 : vector<1x512xf32>
      %slice3A = vector.extract_strided_slice %add3A {offsets = [0, 0], sizes = [1, 128], strides = [1, 1]} : vector<1x512xf32> to vector<1x128xf32>
      %logistic3A = arith.negf %slice3A : vector<1x128xf32>
      %logistic3A_53 = math.exp %logistic3A : vector<1x128xf32>
      %logistic3A_54 = arith.constant 1.000000e+00 : f32
      %logistic3A_55 = vector.broadcast %logistic3A_54 : f32 to vector<1x128xf32>
      %logistic3A_56 = arith.addf %logistic3A_55, %logistic3A_53 : vector<1x128xf32>
      %logistic3A_57 = arith.divf %logistic3A_55, %logistic3A_56 : vector<1x128xf32>
      %slice3A_58 = vector.extract_strided_slice %add3A {offsets = [0, 128], sizes = [1, 128], strides = [1, 1]} : vector<1x512xf32> to vector<1x128xf32>
      %logistic3A_59 = arith.negf %slice3A_58 : vector<1x128xf32>
      %logistic3A_60 = math.exp %logistic3A_59 : vector<1x128xf32>
      %logistic3A_61 = arith.constant 1.000000e+00 : f32
      %logistic3A_62 = vector.broadcast %logistic3A_61 : f32 to vector<1x128xf32>
      %logistic3A_63 = arith.addf %logistic3A_62, %logistic3A_60 : vector<1x128xf32>
      %logistic3A_64 = arith.divf %logistic3A_62, %logistic3A_63 : vector<1x128xf32>
      %slice3A_65 = vector.extract_strided_slice %add3A {offsets = [0, 256], sizes = [1, 128], strides = [1, 1]} : vector<1x512xf32> to vector<1x128xf32>
      %tanh3A = math.tanh %slice3A_65 : vector<1x128xf32>
      %slice3A_66 = vector.extract_strided_slice %add3A {offsets = [0, 384], sizes = [1, 128], strides = [1, 1]} : vector<1x512xf32> to vector<1x128xf32>
      %logistic3A_67 = arith.negf %slice3A_66 : vector<1x128xf32>
      %logistic3A_68 = math.exp %logistic3A_67 : vector<1x128xf32>
      %logistic3A_69 = arith.constant 1.000000e+00 : f32
      %logistic3A_70 = vector.broadcast %logistic3A_69 : f32 to vector<1x128xf32>
      %logistic3A_71 = arith.addf %logistic3A_70, %logistic3A_68 : vector<1x128xf32>
      %logistic3A_72 = arith.divf %logistic3A_70, %logistic3A_71 : vector<1x128xf32>
      %mul3A = arith.mulf %logistic3A_64, %scan3A_37 : vector<1x128xf32>
      %mul3A_73 = arith.mulf %logistic3A_57, %tanh3A : vector<1x128xf32>
      %add3A_74 = arith.addf %mul3A, %mul3A_73 : vector<1x128xf32>
      %tanh3A_75 = math.tanh %add3A_74 : vector<1x128xf32>
      %mul3A_76 = arith.mulf %logistic3A_72, %tanh3A_75 : vector<1x128xf32>
      %slice3A_77 = vector.extract_strided_slice %add3A_52 {offsets = [0, 0], sizes = [1, 128], strides = [1, 1]} : vector<1x512xf32> to vector<1x128xf32>
      %logistic3A_78 = arith.negf %slice3A_77 : vector<1x128xf32>
      %logistic3A_79 = math.exp %logistic3A_78 : vector<1x128xf32>
      %logistic3A_80 = arith.constant 1.000000e+00 : f32
      %logistic3A_81 = vector.broadcast %logistic3A_80 : f32 to vector<1x128xf32>
      %logistic3A_82 = arith.addf %logistic3A_81, %logistic3A_79 : vector<1x128xf32>
      %logistic3A_83 = arith.divf %logistic3A_81, %logistic3A_82 : vector<1x128xf32>
      %slice3A_84 = vector.extract_strided_slice %add3A_52 {offsets = [0, 128], sizes = [1, 128], strides = [1, 1]} : vector<1x512xf32> to vector<1x128xf32>
      %logistic3A_85 = arith.negf %slice3A_84 : vector<1x128xf32>
      %logistic3A_86 = math.exp %logistic3A_85 : vector<1x128xf32>
      %logistic3A_87 = arith.constant 1.000000e+00 : f32
      %logistic3A_88 = vector.broadcast %logistic3A_87 : f32 to vector<1x128xf32>
      %logistic3A_89 = arith.addf %logistic3A_88, %logistic3A_86 : vector<1x128xf32>
      %logistic3A_90 = arith.divf %logistic3A_88, %logistic3A_89 : vector<1x128xf32>
      %slice3A_91 = vector.extract_strided_slice %add3A_52 {offsets = [0, 256], sizes = [1, 128], strides = [1, 1]} : vector<1x512xf32> to vector<1x128xf32>
      %tanh3A_92 = math.tanh %slice3A_91 : vector<1x128xf32>
      %slice3A_93 = vector.extract_strided_slice %add3A_52 {offsets = [0, 384], sizes = [1, 128], strides = [1, 1]} : vector<1x512xf32> to vector<1x128xf32>
      %logistic3A_94 = arith.negf %slice3A_93 : vector<1x128xf32>
      %logistic3A_95 = math.exp %logistic3A_94 : vector<1x128xf32>
      %logistic3A_96 = arith.constant 1.000000e+00 : f32
      %logistic3A_97 = vector.broadcast %logistic3A_96 : f32 to vector<1x128xf32>
      %logistic3A_98 = arith.addf %logistic3A_97, %logistic3A_95 : vector<1x128xf32>
      %logistic3A_99 = arith.divf %logistic3A_97, %logistic3A_98 : vector<1x128xf32>
      %mul3A_100 = arith.mulf %logistic3A_90, %scan3A_39 : vector<1x128xf32>
      %mul3A_101 = arith.mulf %logistic3A_83, %tanh3A_92 : vector<1x128xf32>
      %add3A_102 = arith.addf %mul3A_100, %mul3A_101 : vector<1x128xf32>
      %tanh3A_103 = math.tanh %add3A_102 : vector<1x128xf32>
      %mul3A_104 = arith.mulf %logistic3A_99, %tanh3A_103 : vector<1x128xf32>
      %swap3A_105 = arith.index_cast %scan3A_35 : i32 to index
      %swap3A_106 = arith.constant 0 : index
      %swap3A_107 = vector.load %arg5[%swap3A_105, %swap3A_106] : memref<1000x128xf32, #tpu.memory_space<vmem>>, vector<1x128xf32>
      tpu.vector_store %arg5[%swap3A_105, %swap3A_106], %mul3A_76 {strides = array<i32>} : memref<1000x128xf32, #tpu.memory_space<vmem>>, vector<1x128xf32>,
      %sub3A_108 = arith.constant 999 : i32
      %sub3A_109 = arith.subi %sub3A_108, %scan3A_35 : i32
      %swap3A_110 = arith.index_cast %sub3A_109 : i32 to index
      %swap3A_111 = arith.constant 0 : index
      %swap3A_112 = vector.load %arg6[%swap3A_110, %swap3A_111] : memref<1000x128xf32, #tpu.memory_space<vmem>>, vector<1x128xf32>
      tpu.vector_store %arg6[%swap3A_110, %swap3A_111], %mul3A_104 {strides = array<i32>} : memref<1000x128xf32, #tpu.memory_space<vmem>>, vector<1x128xf32>,
      scf.yield %mul3A_76, %add3A_74, %mul3A_104, %add3A_102 : vector<1x128xf32>, vector<1x128xf32>, vector<1x128xf32>, vector<1x128xf32>
    }
    %scan3A_23 = arith.constant 1000 : i32
    %swap3A = arith.constant 0 : index
    %swap3A_24 = arith.constant 0 : index
    %swap3A_25 = vector.load %arg7[%swap3A, %swap3A_24] : memref<8x128xf32, #tpu.memory_space<vmem>>, vector<1x128xf32>
    tpu.vector_store %arg7[%swap3A, %swap3A_24], %scan3A_22#0 {strides = array<i32>} : memref<8x128xf32, #tpu.memory_space<vmem>>, vector<1x128xf32>,
    %swap3A_26 = arith.constant 1 : index
    %swap3A_27 = arith.constant 0 : index
    %swap3A_28 = vector.load %arg7[%swap3A_26, %swap3A_27] : memref<8x128xf32, #tpu.memory_space<vmem>>, vector<1x128xf32>
    tpu.vector_store %arg7[%swap3A_26, %swap3A_27], %scan3A_22#1 {strides = array<i32>} : memref<8x128xf32, #tpu.memory_space<vmem>>, vector<1x128xf32>,
    %swap3A_29 = arith.constant 2 : index
    %swap3A_30 = arith.constant 0 : index
    %swap3A_31 = vector.load %arg7[%swap3A_29, %swap3A_30] : memref<8x128xf32, #tpu.memory_space<vmem>>, vector<1x128xf32>
    tpu.vector_store %arg7[%swap3A_29, %swap3A_30], %scan3A_22#2 {strides = array<i32>} : memref<8x128xf32, #tpu.memory_space<vmem>>, vector<1x128xf32>,
    %swap3A_32 = arith.constant 3 : index
    %swap3A_33 = arith.constant 0 : index
    %swap3A_34 = vector.load %arg7[%swap3A_32, %swap3A_33] : memref<8x128xf32, #tpu.memory_space<vmem>>, vector<1x128xf32>
    tpu.vector_store %arg7[%swap3A_32, %swap3A_33], %scan3A_22#3 {strides = array<i32>} : memref<8x128xf32, #tpu.memory_space<vmem>>, vector<1x128xf32>,
    return
  }
  func.func @transform_0(%arg0: i32) -> (i32, i32) {
    %c0_i32 = arith.constant 0 : i32
    %c0_i32_0 = arith.constant 0 : i32
    return %arg0, %c0_i32 : i32, i32
  }
  func.func @transform_1(%arg0: i32) -> (i32, i32) {
    %sub3A = arith.constant 9 : i32
    %sub3A_0 = arith.subi %sub3A, %arg0 : i32
    %c1_i32 = arith.constant 1 : i32
    %c0_i32 = arith.constant 0 : i32
    return %sub3A_0, %c1_i32 : i32, i32
  }
  func.func @transform_2(%arg0: i32) -> (i32, i32) {
    %c0_i32 = arith.constant 0 : i32
    %c0_i32_0 = arith.constant 0 : i32
    %c0_i32_1 = arith.constant 0 : i32
    return %c0_i32, %c0_i32_0 : i32, i32
  }
  func.func @transform_3(%arg0: i32) -> (i32, i32) {
    %c0_i32 = arith.constant 0 : i32
    %c0_i32_0 = arith.constant 0 : i32
    %c0_i32_1 = arith.constant 0 : i32
    return %c0_i32, %c0_i32_0 : i32, i32
  }
  func.func @transform_4(%arg0: i32) -> (i32, i32) {
    %c0_i32 = arith.constant 0 : i32
    %c0_i32_0 = arith.constant 0 : i32
    return %arg0, %c0_i32 : i32, i32
  }
  func.func @transform_5(%arg0: i32) -> (i32, i32) {
    %sub3A = arith.constant 9 : i32
    %sub3A_0 = arith.subi %sub3A, %arg0 : i32
    %c0_i32 = arith.constant 0 : i32
    %c0_i32_1 = arith.constant 0 : i32
    return %sub3A_0, %c0_i32 : i32, i32
  }
}

module attributes {stable_mosaic.version = 14 : i64} {
  func.func @_mm2_bias_body(%arg0: i32, %arg1: memref<1000x128xf32, #tpu.memory_space<vmem>>, %arg2: memref<1000x128xf32, #tpu.memory_space<vmem>>, %arg3: memref<128x1024xf32, #tpu.memory_space<vmem>>, %arg4: memref<128x1024xf32, #tpu.memory_space<vmem>>, %arg5: memref<1x1024xf32, #tpu.memory_space<vmem>>, %arg6: memref<1000x1024xf32, #tpu.memory_space<vmem>>) attributes {dimension_semantics = [#tpu.dimension_semantics<arbitrary>], iteration_bounds = array<i64: 10>, scalar_prefetch = 0 : i64, scratch_operands = 0 : i64, tpu.core_type = #tpu.core_type<tc>, window_params = [{transform_indices = @transform_0, window_bounds = array<i64: 1000, 128>}, {transform_indices = @transform_1, window_bounds = array<i64: 1000, 128>}, {pipeline_mode = #tpu.pipeline_mode<synchronous>, transform_indices = @transform_2, window_bounds = array<i64: 128, 1024>}, {pipeline_mode = #tpu.pipeline_mode<synchronous>, transform_indices = @transform_3, window_bounds = array<i64: 128, 1024>}, {pipeline_mode = #tpu.pipeline_mode<synchronous>, transform_indices = @transform_4, window_bounds = array<i64: 1, 1024>}, {transform_indices = @transform_5, window_bounds = array<i64: 1000, 1024>}]} {
    %get3A = arith.constant 0 : index
    %get3A_0 = arith.constant 0 : index
    %get3A_1 = vector.load %arg1[%get3A, %get3A_0] : memref<1000x128xf32, #tpu.memory_space<vmem>>, vector<1000x128xf32>
    %get3A_2 = arith.constant 0 : index
    %get3A_3 = arith.constant 0 : index
    %get3A_4 = vector.load %arg3[%get3A_2, %get3A_3] : memref<128x1024xf32, #tpu.memory_space<vmem>>, vector<128x1024xf32>
    %dot_general3A = arith.constant dense<0.000000e+00> : vector<1000x1024xf32>
    %dot_general3A_5 = tpu.matmul %get3A_1, %get3A_4, %dot_general3A {dimension_numbers = #tpu.dot_dimension_numbers<[1], [0], [0], [1], [0, 0, 1, 1], [], []>, transpose_lhs_hint = false} : vector<1000x128xf32>, vector<128x1024xf32>, vector<1000x1024xf32> -> vector<1000x1024xf32>
    %get3A_6 = arith.constant 0 : index
    %get3A_7 = arith.constant 0 : index
    %get3A_8 = vector.load %arg2[%get3A_6, %get3A_7] : memref<1000x128xf32, #tpu.memory_space<vmem>>, vector<1000x128xf32>
    %get3A_9 = arith.constant 0 : index
    %get3A_10 = arith.constant 0 : index
    %get3A_11 = vector.load %arg4[%get3A_9, %get3A_10] : memref<128x1024xf32, #tpu.memory_space<vmem>>, vector<128x1024xf32>
    %dot_general3A_12 = arith.constant dense<0.000000e+00> : vector<1000x1024xf32>
    %dot_general3A_13 = tpu.matmul %get3A_8, %get3A_11, %dot_general3A_12 {dimension_numbers = #tpu.dot_dimension_numbers<[1], [0], [0], [1], [0, 0, 1, 1], [], []>, transpose_lhs_hint = false} : vector<1000x128xf32>, vector<128x1024xf32>, vector<1000x1024xf32> -> vector<1000x1024xf32>
    %add3A = arith.addf %dot_general3A_5, %dot_general3A_13 : vector<1000x1024xf32>
    %get3A_14 = arith.constant 0 : index
    %get3A_15 = arith.constant 0 : index
    %get3A_16 = vector.load %arg5[%get3A_14, %get3A_15] : memref<1x1024xf32, #tpu.memory_space<vmem>>, vector<1x1024xf32>
    %add3A_17 = vector.broadcast %get3A_16 : vector<1x1024xf32> to vector<1000x1024xf32>
    %add3A_18 = arith.addf %add3A, %add3A_17 : vector<1000x1024xf32>
    %swap3A = arith.constant 0 : index
    %swap3A_19 = arith.constant 0 : index
    %swap3A_20 = vector.load %arg6[%swap3A, %swap3A_19] : memref<1000x1024xf32, #tpu.memory_space<vmem>>, vector<1000x1024xf32>
    tpu.vector_store %arg6[%swap3A, %swap3A_19], %add3A_18 {strides = array<i32>} : memref<1000x1024xf32, #tpu.memory_space<vmem>>, vector<1000x1024xf32>,
    return
  }
  func.func @transform_0(%arg0: i32) -> (i32, i32) {
    %c0_i32 = arith.constant 0 : i32
    %c0_i32_0 = arith.constant 0 : i32
    return %arg0, %c0_i32 : i32, i32
  }
  func.func @transform_1(%arg0: i32) -> (i32, i32) {
    %c0_i32 = arith.constant 0 : i32
    %c0_i32_0 = arith.constant 0 : i32
    return %arg0, %c0_i32 : i32, i32
  }
  func.func @transform_2(%arg0: i32) -> (i32, i32) {
    %c0_i32 = arith.constant 0 : i32
    %c0_i32_0 = arith.constant 0 : i32
    %c0_i32_1 = arith.constant 0 : i32
    return %c0_i32, %c0_i32_0 : i32, i32
  }
  func.func @transform_3(%arg0: i32) -> (i32, i32) {
    %c0_i32 = arith.constant 0 : i32
    %c0_i32_0 = arith.constant 0 : i32
    %c0_i32_1 = arith.constant 0 : i32
    return %c0_i32, %c0_i32_0 : i32, i32
  }
  func.func @transform_4(%arg0: i32) -> (i32, i32) {
    %c0_i32 = arith.constant 0 : i32
    %c0_i32_0 = arith.constant 0 : i32
    %c0_i32_1 = arith.constant 0 : i32
    return %c0_i32, %c0_i32_0 : i32, i32
  }
  func.func @transform_5(%arg0: i32) -> (i32, i32) {
    %c0_i32 = arith.constant 0 : i32
    %c0_i32_0 = arith.constant 0 : i32
    return %arg0, %c0_i32 : i32, i32
  }
}

module attributes {stable_mosaic.version = 14 : i64} {
  func.func @_u1_body(%arg0: memref<10000x128xf32, #tpu.memory_space<vmem>>, %arg1: memref<10000x128xf32, #tpu.memory_space<vmem>>, %arg2: memref<2x10000x1xf32, #tpu.memory_space<vmem>>, %arg3: memref<128x128xf32, #tpu.memory_space<vmem>>, %arg4: memref<128x128xf32, #tpu.memory_space<vmem>>, %arg5: memref<10000x128xf32, #tpu.memory_space<vmem>>) attributes {dimension_semantics = [], scalar_prefetch = 0 : i64, scratch_operands = 0 : i64, tpu.core_type = #tpu.core_type<tc>} {
    %get3A = arith.constant 0 : index
    %get3A_0 = arith.constant 0 : index
    %get3A_1 = arith.constant 0 : index
    %get3A_2 = vector.load %arg2[%get3A, %get3A_0, %get3A_1] : memref<2x10000x1xf32, #tpu.memory_space<vmem>>, vector<1x10000x1xf32>
    %get3A_3 = vector.shape_cast %get3A_2 : vector<1x10000x1xf32> to vector<10000x1xf32>
    %get3A_4 = arith.constant 1 : index
    %get3A_5 = arith.constant 0 : index
    %get3A_6 = arith.constant 0 : index
    %get3A_7 = vector.load %arg2[%get3A_4, %get3A_5, %get3A_6] : memref<2x10000x1xf32, #tpu.memory_space<vmem>>, vector<1x10000x1xf32>
    %get3A_8 = vector.shape_cast %get3A_7 : vector<1x10000x1xf32> to vector<10000x1xf32>
    %add3A = arith.addf %get3A_3, %get3A_8 : vector<10000x1xf32>
    %gt3A = arith.constant 0.000000e+00 : f32
    %gt3A_9 = vector.broadcast %gt3A : f32 to vector<10000x1xf32>
    %gt3A_10 = arith.cmpf ogt, %add3A, %gt3A_9 : vector<10000x1xf32>
    %max3A = arith.constant 9.99999996E-13 : f32
    %max3A_11 = vector.broadcast %max3A : f32 to vector<10000x1xf32>
    %max3A_12 = arith.maximumf %add3A, %max3A_11 : vector<10000x1xf32>
    %rsqrt3A = math.rsqrt %max3A_12 : vector<10000x1xf32>
    %jit3A = arith.constant 0.000000e+00 : f32
    %broadcast_in_dim3A = vector.broadcast %jit3A : f32 to vector<10000x1xf32>
    %select_n3A = arith.select %gt3A_10, %rsqrt3A, %broadcast_in_dim3A : vector<10000x1xi1>, vector<10000x1xf32>
    %get3A_13 = arith.constant 0 : index
    %get3A_14 = arith.constant 0 : index
    %get3A_15 = vector.load %arg0[%get3A_13, %get3A_14] : memref<10000x128xf32, #tpu.memory_space<vmem>>, vector<10000x128xf32>
    %get3A_16 = arith.constant 0 : index
    %get3A_17 = arith.constant 0 : index
    %get3A_18 = vector.load %arg3[%get3A_16, %get3A_17] : memref<128x128xf32, #tpu.memory_space<vmem>>, vector<128x128xf32>
    %dot_general3A = arith.constant dense<0.000000e+00> : vector<10000x128xf32>
    %dot_general3A_19 = tpu.matmul %get3A_15, %get3A_18, %dot_general3A {dimension_numbers = #tpu.dot_dimension_numbers<[1], [0], [0], [1], [0, 0, 1, 1], [], []>, transpose_lhs_hint = false} : vector<10000x128xf32>, vector<128x128xf32>, vector<10000x128xf32> -> vector<10000x128xf32>
    %get3A_20 = arith.constant 0 : index
    %get3A_21 = arith.constant 0 : index
    %get3A_22 = vector.load %arg1[%get3A_20, %get3A_21] : memref<10000x128xf32, #tpu.memory_space<vmem>>, vector<10000x128xf32>
    %get3A_23 = arith.constant 0 : index
    %get3A_24 = arith.constant 0 : index
    %get3A_25 = vector.load %arg4[%get3A_23, %get3A_24] : memref<128x128xf32, #tpu.memory_space<vmem>>, vector<128x128xf32>
    %dot_general3A_26 = arith.constant dense<0.000000e+00> : vector<10000x128xf32>
    %dot_general3A_27 = tpu.matmul %get3A_22, %get3A_25, %dot_general3A_26 {dimension_numbers = #tpu.dot_dimension_numbers<[1], [0], [0], [1], [0, 0, 1, 1], [], []>, transpose_lhs_hint = false} : vector<10000x128xf32>, vector<128x128xf32>, vector<10000x128xf32> -> vector<10000x128xf32>
    %add3A_28 = arith.addf %dot_general3A_19, %dot_general3A_27 : vector<10000x128xf32>
    %mul3A = vector.broadcast %select_n3A : vector<10000x1xf32> to vector<10000x128xf32>
    %mul3A_29 = arith.mulf %add3A_28, %mul3A : vector<10000x128xf32>
    %swap3A = arith.constant 0 : index
    %swap3A_30 = arith.constant 0 : index
    %swap3A_31 = vector.load %arg5[%swap3A, %swap3A_30] : memref<10000x128xf32, #tpu.memory_space<vmem>>, vector<10000x128xf32>
    tpu.vector_store %arg5[%swap3A, %swap3A_30], %mul3A_29 {strides = array<i32>} : memref<10000x128xf32, #tpu.memory_space<vmem>>, vector<10000x128xf32>,
    return
  }
}

module attributes {stable_mosaic.version = 14 : i64} {
  func.func @_bn_next_scaled_body(%arg0: memref<2x10000x128xf32, #tpu.memory_space<vmem>>, %arg1: memref<2x10000x1xf32, #tpu.memory_space<vmem>>, %arg2: memref<1x128xf32, #tpu.memory_space<vmem>>, %arg3: memref<1x128xf32, #tpu.memory_space<vmem>>, %arg4: memref<1x128xf32, #tpu.memory_space<vmem>>, %arg5: memref<128x128xf32, #tpu.memory_space<vmem>>, %arg6: memref<1x128xf32, #tpu.memory_space<vmem>>, %arg7: memref<10000x128xf32, #tpu.memory_space<vmem>>) attributes {dimension_semantics = [], scalar_prefetch = 0 : i64, scratch_operands = 0 : i64, tpu.core_type = #tpu.core_type<tc>} {
    %get3A = arith.constant 0 : index
    %get3A_0 = arith.constant 0 : index
    %get3A_1 = arith.constant 0 : index
    %get3A_2 = vector.load %arg1[%get3A, %get3A_0, %get3A_1] : memref<2x10000x1xf32, #tpu.memory_space<vmem>>, vector<1x10000x1xf32>
    %get3A_3 = vector.shape_cast %get3A_2 : vector<1x10000x1xf32> to vector<10000x1xf32>
    %get3A_4 = arith.constant 1 : index
    %get3A_5 = arith.constant 0 : index
    %get3A_6 = arith.constant 0 : index
    %get3A_7 = vector.load %arg1[%get3A_4, %get3A_5, %get3A_6] : memref<2x10000x1xf32, #tpu.memory_space<vmem>>, vector<1x10000x1xf32>
    %get3A_8 = vector.shape_cast %get3A_7 : vector<1x10000x1xf32> to vector<10000x1xf32>
    %add3A = arith.addf %get3A_3, %get3A_8 : vector<10000x1xf32>
    %gt3A = arith.constant 0.000000e+00 : f32
    %gt3A_9 = vector.broadcast %gt3A : f32 to vector<10000x1xf32>
    %gt3A_10 = arith.cmpf ogt, %add3A, %gt3A_9 : vector<10000x1xf32>
    %max3A = arith.constant 9.99999996E-13 : f32
    %max3A_11 = vector.broadcast %max3A : f32 to vector<10000x1xf32>
    %max3A_12 = arith.maximumf %add3A, %max3A_11 : vector<10000x1xf32>
    %rsqrt3A = math.rsqrt %max3A_12 : vector<10000x1xf32>
    %jit3A = arith.constant 0.000000e+00 : f32
    %broadcast_in_dim3A = vector.broadcast %jit3A : f32 to vector<10000x1xf32>
    %select_n3A = arith.select %gt3A_10, %rsqrt3A, %broadcast_in_dim3A : vector<10000x1xi1>, vector<10000x1xf32>
    %get3A_13 = arith.constant 0 : index
    %get3A_14 = arith.constant 0 : index
    %get3A_15 = arith.constant 0 : index
    %get3A_16 = vector.load %arg0[%get3A_13, %get3A_14, %get3A_15] : memref<2x10000x128xf32, #tpu.memory_space<vmem>>, vector<1x10000x128xf32>
    %get3A_17 = vector.shape_cast %get3A_16 : vector<1x10000x128xf32> to vector<10000x128xf32>
    %get3A_18 = arith.constant 1 : index
    %get3A_19 = arith.constant 0 : index
    %get3A_20 = arith.constant 0 : index
    %get3A_21 = vector.load %arg0[%get3A_18, %get3A_19, %get3A_20] : memref<2x10000x128xf32, #tpu.memory_space<vmem>>, vector<1x10000x128xf32>
    %get3A_22 = vector.shape_cast %get3A_21 : vector<1x10000x128xf32> to vector<10000x128xf32>
    %add3A_23 = arith.addf %get3A_17, %get3A_22 : vector<10000x128xf32>
    %mul3A = vector.broadcast %select_n3A : vector<10000x1xf32> to vector<10000x128xf32>
    %mul3A_24 = arith.mulf %add3A_23, %mul3A : vector<10000x128xf32>
    %get3A_25 = arith.constant 0 : index
    %get3A_26 = arith.constant 0 : index
    %get3A_27 = vector.load %arg2[%get3A_25, %get3A_26] : memref<1x128xf32, #tpu.memory_space<vmem>>, vector<1x128xf32>
    %add3A_28 = vector.broadcast %get3A_27 : vector<1x128xf32> to vector<10000x128xf32>
    %add3A_29 = arith.addf %mul3A_24, %add3A_28 : vector<10000x128xf32>
    %reduce_sum3A = arith.constant dense<0.000000e+00> : vector<128xf32>
    %reduce_sum3A_30 = vector.multi_reduction <add>, %add3A_29, %reduce_sum3A [0] : vector<10000x128xf32> to vector<128xf32>
    %broadcast_in_dim3A_31 = vector.shape_cast %reduce_sum3A_30 : vector<128xf32> to vector<1x128xf32>
    %div3A = arith.constant 1.000000e+04 : f32
    %div3A_32 = vector.broadcast %div3A : f32 to vector<1x128xf32>
    %div3A_33 = arith.divf %broadcast_in_dim3A_31, %div3A_32 : vector<1x128xf32>
    %sub3A = vector.broadcast %div3A_33 : vector<1x128xf32> to vector<10000x128xf32>
    %sub3A_34 = arith.subf %add3A_29, %sub3A : vector<10000x128xf32>
    %mul3A_35 = arith.mulf %sub3A_34, %sub3A_34 : vector<10000x128xf32>
    %reduce_sum3A_36 = arith.constant dense<0.000000e+00> : vector<128xf32>
    %reduce_sum3A_37 = vector.multi_reduction <add>, %mul3A_35, %reduce_sum3A_36 [0] : vector<10000x128xf32> to vector<128xf32>
    %broadcast_in_dim3A_38 = vector.shape_cast %reduce_sum3A_37 : vector<128xf32> to vector<1x128xf32>
    %div3A_39 = arith.constant 1.000000e+04 : f32
    %div3A_40 = vector.broadcast %div3A_39 : f32 to vector<1x128xf32>
    %div3A_41 = arith.divf %broadcast_in_dim3A_38, %div3A_40 : vector<1x128xf32>
    %add3A_42 = arith.constant 9.99999974E-6 : f32
    %add3A_43 = vector.broadcast %add3A_42 : f32 to vector<1x128xf32>
    %add3A_44 = arith.addf %div3A_41, %add3A_43 : vector<1x128xf32>
    %rsqrt3A_45 = math.rsqrt %add3A_44 : vector<1x128xf32>
    %mul3A_46 = vector.broadcast %rsqrt3A_45 : vector<1x128xf32> to vector<10000x128xf32>
    %mul3A_47 = arith.mulf %sub3A_34, %mul3A_46 : vector<10000x128xf32>
    %get3A_48 = arith.constant 0 : index
    %get3A_49 = arith.constant 0 : index
    %get3A_50 = vector.load %arg3[%get3A_48, %get3A_49] : memref<1x128xf32, #tpu.memory_space<vmem>>, vector<1x128xf32>
    %mul3A_51 = vector.broadcast %get3A_50 : vector<1x128xf32> to vector<10000x128xf32>
    %mul3A_52 = arith.mulf %mul3A_47, %mul3A_51 : vector<10000x128xf32>
    %get3A_53 = arith.constant 0 : index
    %get3A_54 = arith.constant 0 : index
    %get3A_55 = vector.load %arg4[%get3A_53, %get3A_54] : memref<1x128xf32, #tpu.memory_space<vmem>>, vector<1x128xf32>
    %add3A_56 = vector.broadcast %get3A_55 : vector<1x128xf32> to vector<10000x128xf32>
    %add3A_57 = arith.addf %mul3A_52, %add3A_56 : vector<10000x128xf32>
    %max3A_58 = arith.constant 0.000000e+00 : f32
    %max3A_59 = vector.broadcast %max3A_58 : f32 to vector<10000x128xf32>
    %max3A_60 = arith.maximumf %add3A_57, %max3A_59 : vector<10000x128xf32>
    %get3A_61 = arith.constant 0 : index
    %get3A_62 = arith.constant 0 : index
    %get3A_63 = vector.load %arg5[%get3A_61, %get3A_62] : memref<128x128xf32, #tpu.memory_space<vmem>>, vector<128x128xf32>
    %dot_general3A = arith.constant dense<0.000000e+00> : vector<10000x128xf32>
    %dot_general3A_64 = tpu.matmul %max3A_60, %get3A_63, %dot_general3A {dimension_numbers = #tpu.dot_dimension_numbers<[1], [0], [0], [1], [0, 0, 1, 1], [], []>, transpose_lhs_hint = false} : vector<10000x128xf32>, vector<128x128xf32>, vector<10000x128xf32> -> vector<10000x128xf32>
    %get3A_65 = arith.constant 0 : index
    %get3A_66 = arith.constant 0 : index
    %get3A_67 = vector.load %arg6[%get3A_65, %get3A_66] : memref<1x128xf32, #tpu.memory_space<vmem>>, vector<1x128xf32>
    %add3A_68 = vector.broadcast %get3A_67 : vector<1x128xf32> to vector<10000x128xf32>
    %add3A_69 = arith.addf %dot_general3A_64, %add3A_68 : vector<10000x128xf32>
    %mul3A_70 = vector.broadcast %select_n3A : vector<10000x1xf32> to vector<10000x128xf32>
    %mul3A_71 = arith.mulf %add3A_69, %mul3A_70 : vector<10000x128xf32>
    %swap3A = arith.constant 0 : index
    %swap3A_72 = arith.constant 0 : index
    %swap3A_73 = vector.load %arg7[%swap3A, %swap3A_72] : memref<10000x128xf32, #tpu.memory_space<vmem>>, vector<10000x128xf32>
    tpu.vector_store %arg7[%swap3A, %swap3A_72], %mul3A_71 {strides = array<i32>} : memref<10000x128xf32, #tpu.memory_space<vmem>>, vector<10000x128xf32>,
    return
  }
}

module attributes {stable_mosaic.version = 14 : i64} {
  func.func @_bn_next_body(%arg0: memref<2x10000x128xf32, #tpu.memory_space<vmem>>, %arg1: memref<2x10000x1xf32, #tpu.memory_space<vmem>>, %arg2: memref<1x64xf32, #tpu.memory_space<vmem>>, %arg3: memref<1x64xf32, #tpu.memory_space<vmem>>, %arg4: memref<1x64xf32, #tpu.memory_space<vmem>>, %arg5: memref<64x128xf32, #tpu.memory_space<vmem>>, %arg6: memref<1x128xf32, #tpu.memory_space<vmem>>, %arg7: memref<10000x128xf32, #tpu.memory_space<vmem>>) attributes {dimension_semantics = [], scalar_prefetch = 0 : i64, scratch_operands = 0 : i64, tpu.core_type = #tpu.core_type<tc>} {
    %get3A = arith.constant 0 : index
    %get3A_0 = arith.constant 0 : index
    %get3A_1 = arith.constant 0 : index
    %get3A_2 = vector.load %arg1[%get3A, %get3A_0, %get3A_1] : memref<2x10000x1xf32, #tpu.memory_space<vmem>>, vector<1x10000x1xf32>
    %get3A_3 = vector.shape_cast %get3A_2 : vector<1x10000x1xf32> to vector<10000x1xf32>
    %get3A_4 = arith.constant 1 : index
    %get3A_5 = arith.constant 0 : index
    %get3A_6 = arith.constant 0 : index
    %get3A_7 = vector.load %arg1[%get3A_4, %get3A_5, %get3A_6] : memref<2x10000x1xf32, #tpu.memory_space<vmem>>, vector<1x10000x1xf32>
    %get3A_8 = vector.shape_cast %get3A_7 : vector<1x10000x1xf32> to vector<10000x1xf32>
    %add3A = arith.addf %get3A_3, %get3A_8 : vector<10000x1xf32>
    %gt3A = arith.constant 0.000000e+00 : f32
    %gt3A_9 = vector.broadcast %gt3A : f32 to vector<10000x1xf32>
    %gt3A_10 = arith.cmpf ogt, %add3A, %gt3A_9 : vector<10000x1xf32>
    %max3A = arith.constant 9.99999996E-13 : f32
    %max3A_11 = vector.broadcast %max3A : f32 to vector<10000x1xf32>
    %max3A_12 = arith.maximumf %add3A, %max3A_11 : vector<10000x1xf32>
    %rsqrt3A = math.rsqrt %max3A_12 : vector<10000x1xf32>
    %jit3A = arith.constant 0.000000e+00 : f32
    %broadcast_in_dim3A = vector.broadcast %jit3A : f32 to vector<10000x1xf32>
    %select_n3A = arith.select %gt3A_10, %rsqrt3A, %broadcast_in_dim3A : vector<10000x1xi1>, vector<10000x1xf32>
    %get3A_13 = arith.constant 0 : index
    %get3A_14 = arith.constant 0 : index
    %get3A_15 = arith.constant 0 : index
    %get3A_16 = vector.load %arg0[%get3A_13, %get3A_14, %get3A_15] : memref<2x10000x128xf32, #tpu.memory_space<vmem>>, vector<1x10000x64xf32>
    %get3A_17 = vector.shape_cast %get3A_16 : vector<1x10000x64xf32> to vector<10000x64xf32>
    %get3A_18 = arith.constant 1 : index
    %get3A_19 = arith.constant 0 : index
    %get3A_20 = arith.constant 0 : index
    %get3A_21 = vector.load %arg0[%get3A_18, %get3A_19, %get3A_20] : memref<2x10000x128xf32, #tpu.memory_space<vmem>>, vector<1x10000x64xf32>
    %get3A_22 = vector.shape_cast %get3A_21 : vector<1x10000x64xf32> to vector<10000x64xf32>
    %add3A_23 = arith.addf %get3A_17, %get3A_22 : vector<10000x64xf32>
    %mul3A = vector.broadcast %select_n3A : vector<10000x1xf32> to vector<10000x64xf32>
    %mul3A_24 = arith.mulf %add3A_23, %mul3A : vector<10000x64xf32>
    %get3A_25 = arith.constant 0 : index
    %get3A_26 = arith.constant 0 : index
    %get3A_27 = vector.load %arg2[%get3A_25, %get3A_26] : memref<1x64xf32, #tpu.memory_space<vmem>>, vector<1x64xf32>
    %add3A_28 = vector.broadcast %get3A_27 : vector<1x64xf32> to vector<10000x64xf32>
    %add3A_29 = arith.addf %mul3A_24, %add3A_28 : vector<10000x64xf32>
    %reduce_sum3A = arith.constant dense<0.000000e+00> : vector<64xf32>
    %reduce_sum3A_30 = vector.multi_reduction <add>, %add3A_29, %reduce_sum3A [0] : vector<10000x64xf32> to vector<64xf32>
    %broadcast_in_dim3A_31 = vector.shape_cast %reduce_sum3A_30 : vector<64xf32> to vector<1x64xf32>
    %div3A = arith.constant 1.000000e+04 : f32
    %div3A_32 = vector.broadcast %div3A : f32 to vector<1x64xf32>
    %div3A_33 = arith.divf %broadcast_in_dim3A_31, %div3A_32 : vector<1x64xf32>
    %sub3A = vector.broadcast %div3A_33 : vector<1x64xf32> to vector<10000x64xf32>
    %sub3A_34 = arith.subf %add3A_29, %sub3A : vector<10000x64xf32>
    %mul3A_35 = arith.mulf %sub3A_34, %sub3A_34 : vector<10000x64xf32>
    %reduce_sum3A_36 = arith.constant dense<0.000000e+00> : vector<64xf32>
    %reduce_sum3A_37 = vector.multi_reduction <add>, %mul3A_35, %reduce_sum3A_36 [0] : vector<10000x64xf32> to vector<64xf32>
    %broadcast_in_dim3A_38 = vector.shape_cast %reduce_sum3A_37 : vector<64xf32> to vector<1x64xf32>
    %div3A_39 = arith.constant 1.000000e+04 : f32
    %div3A_40 = vector.broadcast %div3A_39 : f32 to vector<1x64xf32>
    %div3A_41 = arith.divf %broadcast_in_dim3A_38, %div3A_40 : vector<1x64xf32>
    %add3A_42 = arith.constant 9.99999974E-6 : f32
    %add3A_43 = vector.broadcast %add3A_42 : f32 to vector<1x64xf32>
    %add3A_44 = arith.addf %div3A_41, %add3A_43 : vector<1x64xf32>
    %rsqrt3A_45 = math.rsqrt %add3A_44 : vector<1x64xf32>
    %mul3A_46 = vector.broadcast %rsqrt3A_45 : vector<1x64xf32> to vector<10000x64xf32>
    %mul3A_47 = arith.mulf %sub3A_34, %mul3A_46 : vector<10000x64xf32>
    %get3A_48 = arith.constant 0 : index
    %get3A_49 = arith.constant 0 : index
    %get3A_50 = vector.load %arg3[%get3A_48, %get3A_49] : memref<1x64xf32, #tpu.memory_space<vmem>>, vector<1x64xf32>
    %mul3A_51 = vector.broadcast %get3A_50 : vector<1x64xf32> to vector<10000x64xf32>
    %mul3A_52 = arith.mulf %mul3A_47, %mul3A_51 : vector<10000x64xf32>
    %get3A_53 = arith.constant 0 : index
    %get3A_54 = arith.constant 0 : index
    %get3A_55 = vector.load %arg4[%get3A_53, %get3A_54] : memref<1x64xf32, #tpu.memory_space<vmem>>, vector<1x64xf32>
    %add3A_56 = vector.broadcast %get3A_55 : vector<1x64xf32> to vector<10000x64xf32>
    %add3A_57 = arith.addf %mul3A_52, %add3A_56 : vector<10000x64xf32>
    %max3A_58 = arith.constant 0.000000e+00 : f32
    %max3A_59 = vector.broadcast %max3A_58 : f32 to vector<10000x64xf32>
    %max3A_60 = arith.maximumf %add3A_57, %max3A_59 : vector<10000x64xf32>
    %get3A_61 = arith.constant 0 : index
    %get3A_62 = arith.constant 0 : index
    %get3A_63 = vector.load %arg5[%get3A_61, %get3A_62] : memref<64x128xf32, #tpu.memory_space<vmem>>, vector<64x128xf32>
    %dot_general3A = arith.constant dense<0.000000e+00> : vector<10000x128xf32>
    %dot_general3A_64 = tpu.matmul %max3A_60, %get3A_63, %dot_general3A {dimension_numbers = #tpu.dot_dimension_numbers<[1], [0], [0], [1], [0, 0, 1, 1], [], []>, transpose_lhs_hint = false} : vector<10000x64xf32>, vector<64x128xf32>, vector<10000x128xf32> -> vector<10000x128xf32>
    %get3A_65 = arith.constant 0 : index
    %get3A_66 = arith.constant 0 : index
    %get3A_67 = vector.load %arg6[%get3A_65, %get3A_66] : memref<1x128xf32, #tpu.memory_space<vmem>>, vector<1x128xf32>
    %add3A_68 = vector.broadcast %get3A_67 : vector<1x128xf32> to vector<10000x128xf32>
    %add3A_69 = arith.addf %dot_general3A_64, %add3A_68 : vector<10000x128xf32>
    %swap3A = arith.constant 0 : index
    %swap3A_70 = arith.constant 0 : index
    %swap3A_71 = vector.load %arg7[%swap3A, %swap3A_70] : memref<10000x128xf32, #tpu.memory_space<vmem>>, vector<10000x128xf32>
    tpu.vector_store %arg7[%swap3A, %swap3A_70], %add3A_69 {strides = array<i32>} : memref<10000x128xf32, #tpu.memory_space<vmem>>, vector<10000x128xf32>,
    return
  }
}

</mosaic_0001>

<sc_bundles>
// kernel: kernel.13.cloned.1.call-start
scs
__scs_entry_jumppad:
0x0: {  	(pc) =	sbr.rel $0x88, $3  }
0x1: {  	(tag) =	ssettag $0x0;
	lr =	simm.s32 $0x1  }
0x2: {  	[smem:$0x3F85] =	sst lr;
	_ =	strace $0xD0000000  }
0x3: {  	_ = 	snop  }
0x4: {  	_ = 	snop  }
0x5: {  	_ = 	snop  }
0x6: {  	_ = 	snop  }
0x7: {  	_ = 	snop  }
__scs_overlays_trampoline_lowered:
0x8: {  	[smem:$0x3F94] =	sst s0  }
0x9: {  	[smem:$0x3F95] =	sst s1  }
0xa: {  	[smem:$0x3F96] =	sst s2  }
0xb: {  	[smem:$0x3F97] =	sst s3  }
0xc: {  	[smem:$0x3F98] =	sst s4  }
0xd: {  	[smem:$0x3F99] =	sst s5  }
0xe: {  	[smem:$0x3F9A] =	sst s6  }
0xf: {  	[smem:$0x3F9B] =	sst s7  }
0x10: {  	[smem:$0x3F9C] =	sst s8  }
0x11: {  	[smem:$0x3F9D] =	sst s9;
	s0 =	simm.s32 @!p0 $0x0  }
0x12: {  	s1 =	sld [smem:$0x3F83];
	s0 =	simm.s32 @p0 $0x1  }
0x13: {  	[smem:$0x3F9E] =	sst s0;
	s0 =	simm.s32 @!p1 $0x0  }
0x14: {  	s2 =	sld [smem:$0x3F82];
	s0 =	simm.s32 @p1 $0x1  }
0x15: {  	[smem:$0x3F9F] =	sst s0;
	s0 =	simm.s32 @!p2 $0x0  }
0x16: {  	s3 =	sld [smem:$0x3FDB];
	s0 =	simm.s32 @p2 $0x1  }
0x17: {  	s4 =	simm.s32 $0x1BF5;
	[smem:$0x3FA1] =	sst s0  }
0x18: {  	s0 =	sld [smem:$0x3F84];
	_ =	swait.ge [sflag:s4], $0x0  }
0x19: {  	s7 =	sld [smem:$0x3F85]  }
0x1a: {  	s8 =	sadd.s32 $0xFFFFE003, lr  }
0x1b: {  	s9 =	sadd.s32 $0xFFFFFEF7, lr;
	s5 =	simm.s32 $0xFFFFFFFF;
	p2 =	slt.u32 s8, $0xFFFFF086  }
0x1c: {  	p1 =	slt.u32 s9, $0xF7A;
	s5 =	simm.s32 @!p2 $0x0  }
0x1d: {  	s5 =	simm.s32 @p1 $0x1;
	p0 =	seq.s32 s7, s2  }
0x1e: {  	s7 =	smul.u32 @!p0 $0xF7A, s2;
	p2 =	seq.s32 @!p0 s5, $0x0  }
0x1f: {  	s9 =	smul.u32 $0xF7A, s1;
	s8 =	simm.s32 @!p0 $0x1BF5;
	p2 =	por !p2, p0  }
0x20: {  	[sflag:s8] =	ssyncset.s32 @!p0 $0xFFFFF086;
	s6 =	sadd.s32 @!p0 s3, s7;
	s7 =	simm.s32 @!p0 $0x108  }
0x21: {  	s3 =	sadd.s32 s3, s9;
	s6 =	sadd.s32 @!p0 $0x88, s6;
	s7 =	simm.s32 @p2 $0x1082  }
0x22: {  	[simem:s7], [sflag:s8] =	dma.local @!p0 [hbm:s6], $0xF7A  }
0x23: {  	s9 =	sor.u32 $0xD0000000, s2;
	s6 =	simm.s32 $0x108;
	_ =	swait.ge @!p0 [sflag:s8], $0x0  }
0x24: {  	s3 =	sadd.s32 $0x88, s3;
	s6 =	simm.s32 @!p1 $0x1082;
	[sflag:s4] =	ssyncset.s32 $0xFFFFF086  }
0x25: {  	[simem:s6], [sflag:s4] =	dma.local [hbm:s3], $0xF7A  }
0x26: {  	[smem:$0x3F85] =	sst s1;
	(tag) =	ssettag s2;
	_ =	strace s9  }
0x27: {  	s1 =	sld [smem:$0x3F95]  }
0x28: {  	s2 =	sld [smem:$0x3F96]  }
0x29: {  	s4 =	sld [smem:$0x3F98]  }
0x2a: {  	p0 =	seq.s32 s5, $0x0;
	s5 =	sld [smem:$0x3F99]  }
0x2b: {  	s6 =	sld [smem:$0x3F9A]  }
0x2c: {  	s7 =	sld [smem:$0x3F9B]  }
0x2d: {  	s3 =	simm.s32 $0x108;
	s8 =	sld [smem:$0x3F9C]  }
0x2e: {  	s3 =	simm.s32 @!p0 $0x1082;
	s9 =	sld [smem:$0x3F9D]  }
0x2f: {  	lr =	sadd.s32 s0, s3;
	s0 =	sld [smem:$0x3F94]  }
0x30: {  	s3 =	sld [smem:$0x3F97]  }
0x31: {  	[smem:$0x3FA0] =	sst s10  }
0x32: {  	s10 =	sld [smem:$0x3F9E];
	_ =	sdelay $0x3  }
0x33: {  	p0 =	seq.s32 s10, $0x1;
	s10 =	sld [smem:$0x3FA0];
	_ =	sdelay $0x3  }
0x34: {  	[smem:$0x3FA0] =	sst s10  }
0x35: {  	s10 =	sld [smem:$0x3F9F];
	_ =	sdelay $0x3  }
0x36: {  	p1 =	seq.s32 s10, $0x1;
	s10 =	sld [smem:$0x3FA0];
	_ =	sdelay $0x3  }
0x37: {  	[smem:$0x3FA0] =	sst s10  }
0x38: {  	s10 =	sld [smem:$0x3FA1]  }
0x39: {  	_ = 	snop;
	(pc) =	sbr.ind lr, $3  }
0x3a: {  	_ = 	snop  }
0x3b: {  	_ = 	snop  }
0x3c: {  	p2 =	seq.s32 s10, $0x1;
	s10 =	sld [smem:$0x3FA0]  }
0x3d: {  	_ =	shalt  }
0x3e: {  	_ =	shalt  }
0x3f: {  	_ =	shalt  }
0x40: {  	_ =	shalt  }
0x41: {  	_ =	shalt  }
0x42: {  	_ =	shalt  }
0x43: {  	_ =	shalt  }
0x44: {  	_ =	shalt  }
0x45: {  	_ =	shalt  }
0x46: {  	_ =	shalt  }
0x47: {  	_ =	shalt  }
0x48: {  	_ =	shalt  }
0x49: {  	_ =	shalt  }
0x4a: {  	_ =	shalt  }
0x4b: {  	_ =	shalt  }
0x4c: {  	_ =	shalt  }
0x4d: {  	_ =	shalt  }
0x4e: {  	_ =	shalt  }
0x4f: {  	_ =	shalt  }
0x50: {  	_ =	shalt  }
0x51: {  	_ =	shalt  }
0x52: {  	_ =	shalt  }
0x53: {  	_ =	shalt  }
0x54: {  	_ =	shalt  }
0x55: {  	_ =	shalt  }
0x56: {  	_ =	shalt  }
0x57: {  	_ =	shalt  }
0x58: {  	_ =	shalt  }
0x59: {  	_ =	shalt  }
0x5a: {  	_ =	shalt  }
0x5b: {  	_ =	shalt  }
0x5c: {  	_ =	shalt  }
0x5d: {  	_ =	shalt  }
0x5e: {  	_ =	shalt  }
0x5f: {  	_ =	shalt  }
0x60: {  	_ =	shalt  }
0x61: {  	_ =	shalt  }
0x62: {  	_ =	shalt  }
0x63: {  	_ =	shalt  }
0x64: {  	_ =	shalt  }
0x65: {  	_ =	shalt  }
0x66: {  	_ =	shalt  }
0x67: {  	_ =	shalt  }
0x68: {  	_ =	shalt  }
0x69: {  	_ =	shalt  }
0x6a: {  	_ =	shalt  }
0x6b: {  	_ =	shalt  }
0x6c: {  	_ =	shalt  }
0x6d: {  	_ =	shalt  }
0x6e: {  	_ =	shalt  }
0x6f: {  	_ =	shalt  }
0x70: {  	_ =	shalt  }
0x71: {  	_ =	shalt  }
0x72: {  	_ =	shalt  }
0x73: {  	_ =	shalt  }
0x74: {  	_ =	shalt  }
0x75: {  	_ =	shalt  }
0x76: {  	_ =	shalt  }
0x77: {  	_ =	shalt  }
0x78: {  	_ =	shalt  }
0x79: {  	_ =	shalt  }
0x7a: {  	_ =	shalt  }
0x7b: {  	_ =	shalt  }
0x7c: {  	_ =	shalt  }
0x7d: {  	_ =	shalt  }
0x7e: {  	_ =	shalt  }
0x7f: {  	_ =	shalt  }
0x80: {  	_ =	shalt  }
0x81: {  	_ =	shalt  }
0x82: {  	_ =	shalt  }
0x83: {  	_ =	shalt  }
0x84: {  	_ =	shalt  }
0x85: {  	_ =	shalt  }
0x86: {  	_ =	shalt  }
0x87: {  	_ =	shalt  }
.Lfunc_end0:
.L_simem_size_0:
called_computation_lowered:
.L_overlay_start_0:
0x88: {  	s2 =	sld [smem:$0x3FD9]  }
0x89: {  	s3 =	sld [smem:$0x3FFE];
	_ =	sdelay $0x1  }
0x8a: {  	s1 =	srdreg.scid  }
0x8b: {  	s0 =	sand.u32 $0x1, s1  }
0x8c: {  	s17 =	sshll.u32 s0, $0xA;
	s2 =	sadd.s32 s3, s2  }
0x8d: {  	s2 =	sadd.s32 s2, s17  }
0x8e: {  	[smem:$0x3FAC] =	sst s2  }
0x8f: {  	_ = 	snop  }
0x90: {  	s2 =	sld [smem:$0x3FD0];
	(tm) =	ssettm $0x1  }
0x91: {  	s18 =	sld [smem:$0x3FFB];
	_ =	sdelay $0x3  }
0x92: {  	_ =	strace s18  }
0x93: {  	s3 =	sld [smem:$0x3FFC];
	_ =	sdelay $0x3  }
0x94: {  	_ =	strace s3  }
0x95: {  	s3 =	sld [smem:$0x3FFD];
	_ =	sdelay $0x3  }
0x96: {  	_ =	strace s3  }
0x97: {  	_ =	strace $0x8FFFFFFF  }
0x98: {  	s19 =	sld [smem:$0x3FDB];
	_ =	sdelay $0x1  }
0x99: {  	s4 =	simm.s32 $_scs_section_size  }
0x9a: {  	s5 =	simm.s32 $_size__tile_overlayer_lowered;
	s6 =	simm.s32 $_tile_overlayer_lowered  }
0x9b: {  	s22 =	simm.s32 $0x1BFF;
	s21 =	sshll.u32 s6, $0x1;
	s3 =	sadd.s32 s4, s19  }
0x9c: {  	s7 =	simm.s32 $0x0;
	s20 =	sshll.u32 s5, $0x1;
	s5 =	sadd.s32 s21, s3  }
0x9d: {  	[timem:s7], [sflag:s22] =	dma.local [hbm:s5], s20  }
0x9e: {  	_ =	swait.ge [sflag:s22], s20  }
0x9f: {  	s4 =	ssub.s32 $0x0, s20;
	[sflag:s22] =	ssyncset.done $0x0  }
0xa0: {  	[sflag:s22] =	ssyncadd.s32 s4;
	_ =	sdelay $0x1  }
0xa1: {  	s23 =	simm.s32 $0x1B8B  }
0xa2: {  	_ =	swait.ge [sflag:s23], $0x1  }
0xa3: {  	[sflag:s23] =	ssyncset.done $0x0  }
0xa4: {  	s25 =	simm.s32 $0x1B8E;
	s24 =	sld [smem:$0x3FFE];
	[sflag:s23] =	ssyncadd.s32 $0xFFFFFFFF  }
0xa5: {  	s26 =	simm.s32 $execute0_lowered;
	[smem:$0x3FD2] =	sst s25  }
0xa6: {  	s5 =	sshll.u32 s26, $0x1;
	_ =	strace $0x80000046;
	[dreg:$0x1] =	wrdreg $0xFFFFFFFF  }
0xa7: {  	s28 =	simm.s32 $_size_execute0_lowered;
	s3 =	sadd.s32 s3, s5;
	[dreg:$0x0] =	wrdreg $0x0  }
0xa8: {  	s5 =	sshll.u32 s28, $0x1;
	[dreg:$0x2] =	wrdreg s3  }
0xa9: {  	[dreg:$0x3] =	wrdreg s5  }
0xaa: {  	[dreg:$0x4] =	wrdreg $0xC0  }
0xab: {  	_ =	task [dreg:s7], $0x5FFFF  }
0xac: {  	[dreg:$0x1] =	wrdreg $0xFFFFFFFF  }
0xad: {  	[dreg:$0x0] =	wrdreg $0x60  }
0xae: {  	[dreg:$0x2] =	wrdreg s24  }
0xaf: {  	[dreg:$0x3] =	wrdreg s2  }
0xb0: {  	[dreg:$0x4] =	wrdreg $0x38000  }
0xb1: {  	[dreg:$0x5] =	wrdreg $0x9  }
0xb2: {  	_ =	task.clear_ibuf [dreg:s7], $0x6FFFF;
	_ =	strace $0x90000046  }
0xb3: {  	s29 =	simm.s32 $0x9;
	_ =	strace $0x80000048  }
0xb4: {  	_ =	swait.ge [sflag:s29], $0x1  }
0xb5: {  	[sflag:s29] =	ssyncadd.s32 $0xFFFFFFFF  }
0xb6: {  	_ =	strace $0x90000048  }
0xb7: {  	_ =	sfence  }
0xb8: {  	s30 =	sld [smem:$0x0];
	_ =	sdelay $0x2  }
0xb9: {  	s31 =	sshll.u32 s1, $0xD;
	s1 =	sshrl.u32 s1, $0x2  }
0xba: {  	s3 =	sand.u32 $0x4000, s31;
	s1 =	sadd.s32 s1, s30  }
0xbb: {  	s0 =	sor.u32 s3, s0;
	s1 =	sshll.u32 s1, $0x11  }
0xbc: {  	s0 =	sor.u32 s1, s0  }
0xbd: {  	s0 =	sadd.s32 $0x8F2B, s0  }
0xbe: {  	[sflag:s0] =	ssyncadd.remote.s32 $0x1  }
0xbf: {  	_ =	sfence.sel $0xFFFF  }
0xc0: {  	[dreg:$0x0] =	wrdreg $0xFFFFFFFF;
	(pc) =	sbr.abs _section_cstart, $3  }
0xc1: {  	[dreg:$0x1] =	wrdreg $0xFFFFFFFF  }
0xc2: {  	_ =	task.clear_ibuf [dreg:s7], $0x2FFFF;
	_ =	strace $0x9FFFFFFF  }
0xc3: {  	(tm) =	ssettm $0x7FFFFFFF  }
tec
execute0_lowered:
.L_overlay_start_1:
0x0: {  	(tag) =	ssettag $0x1  }
0x1: {  	s0 =	rddreg [dreg:$0x0]  }
0x2: {  	s1 =	rddreg [dreg:$0x1];
	s2 =	srdreg.scid  }
0x3: {  	s11 =	stileid.u32;
	s3 =	rddreg [dreg:$0x2]  }
0x4: {  	s28 =	simm.s32 $0x2800;
	s29 =	simm.s32 $0x1;
	s30 =	simm.s32 $0x80  }
0x5: {  	s31 =	simm.s32 $0x400;
	s4 =	sand.u32 $0x1, s2;
	s23 =	sshll.u32 s11, $0x1  }
0x6: {  	s2 =	simm.s32 $0x0;
	s6 =	sshrl.u32 s11, $0x3;
	s8 =	smul.u32 $0x5000, s11  }
0x7: {  	s9 =	sshll.u32 s11, $0x7;
	s15 =	smul.u32 $0x500, s11;
	s5 =	sor.u32 s4, s23  }
0x8: {  	[smem:$0x7FF] =	sst s2;
	s6 =	smul.u32 $0x50000, s6;
	s7 =	ssub.s32 $0x2, s4  }
0x9: {  	s9 =	sand.u32 $0x380, s9;
	s4 =	sshll.u32 s4, $0x7;
	s5 =	smul.u32 $0x4E20, s5  }
0xa: {  	_ =	strace $0x80000047;
	s24 =	sshrl.u32 s7, $0x1;
	s4 =	sor.u32 s4, s15  }
0xb: {  	s8 =	sshrl.u32 s8, $0x2;
	s6 =	sshrl.u32 s6, $0x2;
	s4 =	sshrl.u32 s4, $0x3  }
0xc: {  	s5 =	sshrl.u32 s5, $0x3;
	s6 =	sadd.s32 s6, s3;
	s3 =	sadd.s32 s8, s3  }
0xd: {  	s19 =	sadd.s32 s1, s4;
	s1 =	simm.s32 $0x6000;
	s0 =	sadd.s32 s5, s0  }
0xe: {  	s5 =	ssub.s32 s7, s24;
	s6 =	sadd.s32 s9, s6;
	s25 =	sadd.s32 $0x80, s3  }
0xf: {  	s26 =	sadd.s32 $0x100, s3;
	s7 =	sadd.s32 $0x180, s3;
	s8 =	sadd.s32 $0x200, s3  }
0x10: {  	s9 =	sadd.s32 $0x280, s3;
	s10 =	sadd.s32 $0x300, s3;
	s11 =	sadd.s32 $0x380, s3  }
0x11: {  	s12 =	sadd.s32 $0x14000, s3;
	s13 =	sadd.s32 $0x14080, s3;
	s14 =	sadd.s32 $0x14100, s3  }
0x12: {  	s15 =	sadd.s32 $0x14180, s3;
	s16 =	sadd.s32 $0x14200, s3;
	[dreg:$0x4] =	wrdreg s6  }
0x13: {  	s17 =	sadd.s32 $0x14280, s3;
	s18 =	sadd.s32 $0x14300, s3;
	[dreg:$0x5] =	wrdreg s25  }
0x14: {  	[dreg:$0x6] =	wrdreg s26;
	s20 =	smax.u32 s5, $0x1;
	s21 =	sadd.s32 $0x18800, s0  }
0x15: {  	s22 =	sadd.s32 $0x189F4, s0;
	s23 =	sadd.s32 $0x18BE8, s0;
	s24 =	sadd.s32 $0x18DDC, s0  }
0x16: {  	v0 =	vimm.f32 $0.0e+00;
	v1 =	vimm.f32 $1.000000000e+00;
	s25 =	sadd.s32 $0x18FD0, s0;
	s26 =	sadd.s32 $0x14380, s3;
	s0 =	simm.s32 $0x0  }
.LBB2_1:
0x17: {  	s4 =	simm.s32 $0x40;
	s5 =	simm.s32 $0x0  }
.LBB2_2:
0x18: {  	p0 =	sne.s32 s4, $0x9FC0;
	[tilespmem:s5+$0x0] =	vst v0;
	s5 =	smov.u32 s4;
	s4 =	sadd.s32 $0x40, s4  }
.Ltmp0:
0x19: {  	(pc) =	sbr.rel @p0 .LBB2_2-.Ltmp0, $2  }
0x1a: {  	_ =	sdelay $0x2  }
0x1b: {  	s5 =	sshra.s32 s5, $0x2  }
0x1c: {  	[tilespmem:s5+$0x0] =	vst v0;
	s4 =	simm.s32 $0x0  }
0x1d: {  	[tilespmem:s28], [sflag:$0x1] =	stream.linear.gather [hbm4b:s21+s4], $0xFA0, $0x38;
	[tilespmem:$0x6500] =	vst v63  }
0x1e: {  	_ =	swait.ge [sflag:s29], $0xFA0  }
0x1f: {  	[sflag:s29] =	ssyncset.done $0x0  }
0x20: {  	s5 =	simm.s32 $0x0;
	s4 =	simm.s32 $0x40;
	[sflag:s29] =	ssyncadd.s32 $0xFFFFF060  }
.LBB2_4:
0x21: {  	p0 =	sne.s32 s4, $0x3E40;
	v2 =	vld [tilespmem:s5+$0x2800];
	_ =	sdelay $0x3  }
.Ltmp1:
0x22: {  	(pc) =	sbr.rel @p0 .LBB2_4-.Ltmp1, $2  }
0x23: {  	_ =	sdelay $0x2  }
0x24: {  	s5 =	sshra.s32 s4, $0x2;
	s4 =	sadd.s32 $0x40, s4;
	[tilespmem:v2+s2+$0x0] =	vst.idx.add.f32.msk $0xffff, v1  }
0x25: {  	v2 =	vld [tilespmem:s5+$0x2800];
	_ =	sdelay $0x7  }
0x26: {  	s4 =	simm.s32 $0x0;
	[tilespmem:v2+s2+$0x0] =	vst.idx.add.f32.msk $0xffff, v1  }
0x27: {  	[tilespmem:s28], [sflag:$0x1] =	stream.linear.gather [hbm4b:s22+s4], $0xFA0, $0x38;
	[tilespmem:$0x6500] =	vst v63  }
0x28: {  	_ =	swait.ge [sflag:s29], $0xFA0  }
0x29: {  	[sflag:s29] =	ssyncset.done $0x0  }
0x2a: {  	s5 =	simm.s32 $0x0;
	s4 =	simm.s32 $0x40;
	[sflag:s29] =	ssyncadd.s32 $0xFFFFF060  }
.LBB2_6:
0x2b: {  	p0 =	sne.s32 s4, $0x3E40;
	v2 =	vld [tilespmem:s5+$0x2800];
	_ =	sdelay $0x3  }
.Ltmp2:
0x2c: {  	(pc) =	sbr.rel @p0 .LBB2_6-.Ltmp2, $2  }
0x2d: {  	_ =	sdelay $0x2  }
0x2e: {  	s5 =	sshra.s32 s4, $0x2;
	s4 =	sadd.s32 $0x40, s4;
	[tilespmem:v2+s2+$0x0] =	vst.idx.add.f32.msk $0xffff, v1  }
0x2f: {  	v2 =	vld [tilespmem:s5+$0x2800];
	_ =	sdelay $0x7  }
0x30: {  	s4 =	simm.s32 $0x0;
	[tilespmem:v2+s2+$0x0] =	vst.idx.add.f32.msk $0xffff, v1  }
0x31: {  	[tilespmem:s28], [sflag:$0x1] =	stream.linear.gather [hbm4b:s23+s4], $0xFA0, $0x38;
	[tilespmem:$0x6500] =	vst v63  }
0x32: {  	_ =	swait.ge [sflag:s29], $0xFA0  }
0x33: {  	[sflag:s29] =	ssyncset.done $0x0  }
0x34: {  	s5 =	simm.s32 $0x0;
	s4 =	simm.s32 $0x40;
	[sflag:s29] =	ssyncadd.s32 $0xFFFFF060  }
.LBB2_8:
0x35: {  	p0 =	sne.s32 s4, $0x3E40;
	v2 =	vld [tilespmem:s5+$0x2800];
	_ =	sdelay $0x3  }
.Ltmp3:
0x36: {  	(pc) =	sbr.rel @p0 .LBB2_8-.Ltmp3, $2  }
0x37: {  	_ =	sdelay $0x2  }
0x38: {  	s5 =	sshra.s32 s4, $0x2;
	s4 =	sadd.s32 $0x40, s4;
	[tilespmem:v2+s2+$0x0] =	vst.idx.add.f32.msk $0xffff, v1  }
0x39: {  	v2 =	vld [tilespmem:s5+$0x2800];
	_ =	sdelay $0x7  }
0x3a: {  	s4 =	simm.s32 $0x0;
	[tilespmem:v2+s2+$0x0] =	vst.idx.add.f32.msk $0xffff, v1  }
0x3b: {  	[tilespmem:s28], [sflag:$0x1] =	stream.linear.gather [hbm4b:s24+s4], $0xFA0, $0x38;
	[tilespmem:$0x6500] =	vst v63  }
0x3c: {  	_ =	swait.ge [sflag:s29], $0xFA0  }
0x3d: {  	[sflag:s29] =	ssyncset.done $0x0  }
0x3e: {  	s5 =	simm.s32 $0x0;
	s4 =	simm.s32 $0x40;
	[sflag:s29] =	ssyncadd.s32 $0xFFFFF060  }
.LBB2_10:
0x3f: {  	p0 =	sne.s32 s4, $0x3E40;
	v2 =	vld [tilespmem:s5+$0x2800];
	_ =	sdelay $0x3  }
.Ltmp4:
0x40: {  	(pc) =	sbr.rel @p0 .LBB2_10-.Ltmp4, $2  }
0x41: {  	_ =	sdelay $0x2  }
0x42: {  	s5 =	sshra.s32 s4, $0x2;
	s4 =	sadd.s32 $0x40, s4;
	[tilespmem:v2+s2+$0x0] =	vst.idx.add.f32.msk $0xffff, v1  }
0x43: {  	v2 =	vld [tilespmem:s5+$0x2800];
	_ =	sdelay $0x7  }
0x44: {  	s4 =	simm.s32 $0x0;
	[tilespmem:v2+s2+$0x0] =	vst.idx.add.f32.msk $0xffff, v1  }
0x45: {  	[tilespmem:s28], [sflag:$0x1] =	stream.linear.gather [hbm4b:s25+s4], $0xFA0, $0x38;
	[tilespmem:$0x6500] =	vst v63  }
0x46: {  	_ =	swait.ge [sflag:s29], $0xFA0  }
0x47: {  	[sflag:s29] =	ssyncset.done $0x0  }
0x48: {  	s5 =	simm.s32 $0x0;
	s4 =	simm.s32 $0x40;
	[sflag:s29] =	ssyncadd.s32 $0xFFFFF060  }
.LBB2_12:
0x49: {  	p0 =	sne.s32 s4, $0x3E40;
	v2 =	vld [tilespmem:s5+$0x2800];
	_ =	sdelay $0x3  }
.Ltmp5:
0x4a: {  	(pc) =	sbr.rel @p0 .LBB2_12-.Ltmp5, $2  }
0x4b: {  	_ =	sdelay $0x2  }
0x4c: {  	s5 =	sshra.s32 s4, $0x2;
	s4 =	sadd.s32 $0x40, s4;
	[tilespmem:v2+s2+$0x0] =	vst.idx.add.f32.msk $0xffff, v1  }
0x4d: {  	v2 =	vld [tilespmem:s5+$0x2800];
	_ =	sdelay $0x7  }
0x4e: {  	s4 =	simm.s32 $0x0;
	s6 =	rddreg [dreg:$0x4];
	[tilespmem:v2+s2+$0x0] =	vst.idx.add.f32.msk $0xffff, v1  }
0x4f: {  	[spmem:s6] =	stream.strided.scatter [tilespmem:s4], [sflag:$0x1], $0x2800, s31, s30, $0x38;
	[tilespmem:$0x6500] =	vst v63  }
0x50: {  	_ =	swait.ge [sflag:s29], $0x2800  }
0x51: {  	[sflag:s29] =	ssyncset.done $0x0  }
0x52: {  	[sflag:s29] =	ssyncadd.s32 $0xFFFFD800  }
0x53: {  	[bflag:$0x0] =	sbarrier.arrive $0xFFFF  }
0x54: {  	[tilespmem:$0x6280] =	vst v0  }
0x55: {  	[tilespmem:$0x6290] =	vst v0  }
0x56: {  	[tilespmem:$0x62A0] =	vst v0  }
0x57: {  	[tilespmem:$0x62B0] =	vst v0  }
0x58: {  	[tilespmem:$0x62C0] =	vst v0  }
0x59: {  	[tilespmem:$0x62D0] =	vst v0  }
0x5a: {  	[tilespmem:$0x62E0] =	vst v0  }
0x5b: {  	[tilespmem:$0x62F0] =	vst v0  }
0x5c: {  	[tilespmem:$0x6300] =	vst v0  }
0x5d: {  	[tilespmem:$0x6310] =	vst v0  }
0x5e: {  	[tilespmem:$0x6320] =	vst v0  }
0x5f: {  	[tilespmem:$0x6330] =	vst v0  }
0x60: {  	[tilespmem:$0x6340] =	vst v0  }
0x61: {  	[tilespmem:$0x6350] =	vst v0  }
0x62: {  	[tilespmem:$0x6360] =	vst v0  }
0x63: {  	[tilespmem:$0x6370] =	vst v0  }
0x64: {  	[tilespmem:$0x6380] =	vst v0  }
0x65: {  	[tilespmem:$0x6390] =	vst v0  }
0x66: {  	[tilespmem:$0x63A0] =	vst v0  }
0x67: {  	[tilespmem:$0x63B0] =	vst v0  }
0x68: {  	[tilespmem:$0x63C0] =	vst v0  }
0x69: {  	[tilespmem:$0x63D0] =	vst v0  }
0x6a: {  	[tilespmem:$0x63E0] =	vst v0  }
0x6b: {  	[tilespmem:$0x63F0] =	vst v0  }
0x6c: {  	[tilespmem:$0x6400] =	vst v0  }
0x6d: {  	[tilespmem:$0x6410] =	vst v0  }
0x6e: {  	[tilespmem:$0x6420] =	vst v0  }
0x6f: {  	[tilespmem:$0x6430] =	vst v0  }
0x70: {  	[tilespmem:$0x6440] =	vst v0  }
0x71: {  	[tilespmem:$0x6450] =	vst v0  }
0x72: {  	[tilespmem:$0x6460] =	vst v0  }
0x73: {  	[tilespmem:$0x6470] =	vst v0  }
0x74: {  	[tilespmem:$0x6480] =	vst v0  }
0x75: {  	[tilespmem:$0x6490] =	vst v0  }
0x76: {  	[tilespmem:$0x64A0] =	vst v0  }
0x77: {  	[tilespmem:$0x64B0] =	vst v0  }
0x78: {  	[tilespmem:$0x64C0] =	vst v0  }
0x79: {  	[tilespmem:$0x64D0] =	vst v0  }
0x7a: {  	[tilespmem:$0x64E0] =	vst v0  }
0x7b: {  	[tilespmem:$0x64F0] =	vst v0  }
0x7c: {  	[tilespmem:s1], [sflag:$0x1] =	stream.strided.gather [spmem:s3], $0x280, s31, s30, $0x38;
	[tilespmem:$0x6500] =	vst v63  }
0x7d: {  	_ =	swait.ge [sflag:s29], $0x280  }
0x7e: {  	[sflag:s29] =	ssyncset.done $0x0  }
0x7f: {  	s4 =	simm.s32 $0x0;
	[sflag:s29] =	ssyncadd.s32 $0xFFFFFD80  }
0x80: {  	s5 =	simm.s32 $0x40;
	v2 =	vld [tilespmem:s4+$0x6000]  }
.LBB2_14:
0x81: {  	p0 =	sne.s32 s5, $0x9C0;
	v3 =	vld [tilespmem:s4+$0x6280];
	_ =	sdelay $0x2  }
.Ltmp6:
0x82: {  	(pc) =	sbr.rel @p0 .LBB2_14-.Ltmp6, $4  }
0x83: {  	_ = 	snop  }
0x84: {  	v3 =	vadd.f32 v2, v3  }
0x85: {  	s6 =	sshra.s32 s5, $0x2  }
0x86: {  	s5 =	sadd.s32 $0x40, s5;
	v2 =	vld [tilespmem:s6+$0x6000];
	[tilespmem:s4+$0x6280] =	vst v3;
	s4 =	smov.u32 s6  }
0x87: {  	v3 =	vld [tilespmem:s4+$0x6280];
	_ =	sdelay $0x4  }
0x88: {  	v2 =	vadd.f32 v2, v3;
	_ =	sdelay $0x1  }
0x89: {  	s6 =	rddreg [dreg:$0x5];
	[tilespmem:s4+$0x6280] =	vst v2  }
0x8a: {  	[tilespmem:s1], [sflag:$0x1] =	stream.strided.gather [spmem:s6], $0x280, s31, s30, $0x38;
	[tilespmem:$0x6500] =	vst v63  }
0x8b: {  	_ =	swait.ge [sflag:s29], $0x280  }
0x8c: {  	[sflag:s29] =	ssyncset.done $0x0  }
0x8d: {  	s4 =	simm.s32 $0x0;
	[sflag:s29] =	ssyncadd.s32 $0xFFFFFD80  }
0x8e: {  	s5 =	simm.s32 $0x40;
	v2 =	vld [tilespmem:s4+$0x6000]  }
.LBB2_16:
0x8f: {  	p0 =	sne.s32 s5, $0x9C0;
	v3 =	vld [tilespmem:s4+$0x6280];
	_ =	sdelay $0x2  }
.Ltmp7:
0x90: {  	(pc) =	sbr.rel @p0 .LBB2_16-.Ltmp7, $4  }
0x91: {  	_ = 	snop  }
0x92: {  	v3 =	vadd.f32 v2, v3  }
0x93: {  	s6 =	sshra.s32 s5, $0x2  }
0x94: {  	s5 =	sadd.s32 $0x40, s5;
	v2 =	vld [tilespmem:s6+$0x6000];
	[tilespmem:s4+$0x6280] =	vst v3;
	s4 =	smov.u32 s6  }
0x95: {  	v3 =	vld [tilespmem:s4+$0x6280];
	_ =	sdelay $0x4  }
0x96: {  	v2 =	vadd.f32 v2, v3;
	_ =	sdelay $0x1  }
0x97: {  	s6 =	rddreg [dreg:$0x6];
	[tilespmem:s4+$0x6280] =	vst v2  }
0x98: {  	[tilespmem:s1], [sflag:$0x1] =	stream.strided.gather [spmem:s6], $0x280, s31, s30, $0x38;
	[tilespmem:$0x6500] =	vst v63  }
0x99: {  	_ =	swait.ge [sflag:s29], $0x280  }
0x9a: {  	[sflag:s29] =	ssyncset.done $0x0  }
0x9b: {  	s4 =	simm.s32 $0x0;
	[sflag:s29] =	ssyncadd.s32 $0xFFFFFD80  }
0x9c: {  	s5 =	simm.s32 $0x40;
	v2 =	vld [tilespmem:s4+$0x6000]  }
.LBB2_18:
0x9d: {  	p0 =	sne.s32 s5, $0x9C0;
	v3 =	vld [tilespmem:s4+$0x6280];
	_ =	sdelay $0x2  }
.Ltmp8:
0x9e: {  	(pc) =	sbr.rel @p0 .LBB2_18-.Ltmp8, $4  }
0x9f: {  	_ = 	snop  }
0xa0: {  	v3 =	vadd.f32 v2, v3  }
0xa1: {  	s6 =	sshra.s32 s5, $0x2  }
0xa2: {  	s5 =	sadd.s32 $0x40, s5;
	v2 =	vld [tilespmem:s6+$0x6000];
	[tilespmem:s4+$0x6280] =	vst v3;
	s4 =	smov.u32 s6  }
0xa3: {  	v3 =	vld [tilespmem:s4+$0x6280];
	_ =	sdelay $0x4  }
0xa4: {  	v2 =	vadd.f32 v2, v3;
	_ =	sdelay $0x1  }
0xa5: {  	[tilespmem:s4+$0x6280] =	vst v2  }
0xa6: {  	[tilespmem:s1], [sflag:$0x1] =	stream.strided.gather [spmem:s7], $0x280, s31, s30, $0x38;
	[tilespmem:$0x6500] =	vst v63  }
0xa7: {  	_ =	swait.ge [sflag:s29], $0x280  }
0xa8: {  	[sflag:s29] =	ssyncset.done $0x0  }
0xa9: {  	s4 =	simm.s32 $0x0;
	[sflag:s29] =	ssyncadd.s32 $0xFFFFFD80  }
0xaa: {  	s5 =	simm.s32 $0x40;
	v2 =	vld [tilespmem:s4+$0x6000]  }
.LBB2_20:
0xab: {  	p0 =	sne.s32 s5, $0x9C0;
	v3 =	vld [tilespmem:s4+$0x6280];
	_ =	sdelay $0x2  }
.Ltmp9:
0xac: {  	(pc) =	sbr.rel @p0 .LBB2_20-.Ltmp9, $4  }
0xad: {  	_ = 	snop  }
0xae: {  	v3 =	vadd.f32 v2, v3  }
0xaf: {  	s6 =	sshra.s32 s5, $0x2  }
0xb0: {  	s5 =	sadd.s32 $0x40, s5;
	v2 =	vld [tilespmem:s6+$0x6000];
	[tilespmem:s4+$0x6280] =	vst v3;
	s4 =	smov.u32 s6  }
0xb1: {  	v3 =	vld [tilespmem:s4+$0x6280];
	_ =	sdelay $0x4  }
0xb2: {  	v2 =	vadd.f32 v2, v3;
	_ =	sdelay $0x1  }
0xb3: {  	[tilespmem:s4+$0x6280] =	vst v2  }
0xb4: {  	[tilespmem:s1], [sflag:$0x1] =	stream.strided.gather [spmem:s8], $0x280, s31, s30, $0x38;
	[tilespmem:$0x6500] =	vst v63  }
0xb5: {  	_ =	swait.ge [sflag:s29], $0x280  }
0xb6: {  	[sflag:s29] =	ssyncset.done $0x0  }
0xb7: {  	s4 =	simm.s32 $0x0;
	[sflag:s29] =	ssyncadd.s32 $0xFFFFFD80  }
0xb8: {  	s5 =	simm.s32 $0x40;
	v2 =	vld [tilespmem:s4+$0x6000]  }
.LBB2_22:
0xb9: {  	p0 =	sne.s32 s5, $0x9C0;
	v3 =	vld [tilespmem:s4+$0x6280];
	_ =	sdelay $0x2  }
.Ltmp10:
0xba: {  	(pc) =	sbr.rel @p0 .LBB2_22-.Ltmp10, $4  }
0xbb: {  	_ = 	snop  }
0xbc: {  	v3 =	vadd.f32 v2, v3  }
0xbd: {  	s6 =	sshra.s32 s5, $0x2  }
0xbe: {  	s5 =	sadd.s32 $0x40, s5;
	v2 =	vld [tilespmem:s6+$0x6000];
	[tilespmem:s4+$0x6280] =	vst v3;
	s4 =	smov.u32 s6  }
0xbf: {  	v3 =	vld [tilespmem:s4+$0x6280];
	_ =	sdelay $0x4  }
0xc0: {  	v2 =	vadd.f32 v2, v3;
	_ =	sdelay $0x1  }
0xc1: {  	[tilespmem:s4+$0x6280] =	vst v2  }
0xc2: {  	[tilespmem:s1], [sflag:$0x1] =	stream.strided.gather [spmem:s9], $0x280, s31, s30, $0x38;
	[tilespmem:$0x6500] =	vst v63  }
0xc3: {  	_ =	swait.ge [sflag:s29], $0x280  }
0xc4: {  	[sflag:s29] =	ssyncset.done $0x0  }
0xc5: {  	s4 =	simm.s32 $0x0;
	[sflag:s29] =	ssyncadd.s32 $0xFFFFFD80  }
0xc6: {  	s5 =	simm.s32 $0x40;
	v2 =	vld [tilespmem:s4+$0x6000]  }
.LBB2_24:
0xc7: {  	p0 =	sne.s32 s5, $0x9C0;
	v3 =	vld [tilespmem:s4+$0x6280];
	_ =	sdelay $0x2  }
.Ltmp11:
0xc8: {  	(pc) =	sbr.rel @p0 .LBB2_24-.Ltmp11, $4  }
0xc9: {  	_ = 	snop  }
0xca: {  	v3 =	vadd.f32 v2, v3  }
0xcb: {  	s6 =	sshra.s32 s5, $0x2  }
0xcc: {  	s5 =	sadd.s32 $0x40, s5;
	v2 =	vld [tilespmem:s6+$0x6000];
	[tilespmem:s4+$0x6280] =	vst v3;
	s4 =	smov.u32 s6  }
0xcd: {  	v3 =	vld [tilespmem:s4+$0x6280];
	_ =	sdelay $0x4  }
0xce: {  	v2 =	vadd.f32 v2, v3;
	_ =	sdelay $0x1  }
0xcf: {  	[tilespmem:s4+$0x6280] =	vst v2  }
0xd0: {  	[tilespmem:s1], [sflag:$0x1] =	stream.strided.gather [spmem:s10], $0x280, s31, s30, $0x38;
	[tilespmem:$0x6500] =	vst v63  }
0xd1: {  	_ =	swait.ge [sflag:s29], $0x280  }
0xd2: {  	[sflag:s29] =	ssyncset.done $0x0  }
0xd3: {  	s4 =	simm.s32 $0x0;
	[sflag:s29] =	ssyncadd.s32 $0xFFFFFD80  }
0xd4: {  	s5 =	simm.s32 $0x40;
	v2 =	vld [tilespmem:s4+$0x6000]  }
.LBB2_26:
0xd5: {  	p0 =	sne.s32 s5, $0x9C0;
	v3 =	vld [tilespmem:s4+$0x6280];
	_ =	sdelay $0x2  }
.Ltmp12:
0xd6: {  	(pc) =	sbr.rel @p0 .LBB2_26-.Ltmp12, $4  }
0xd7: {  	_ = 	snop  }
0xd8: {  	v3 =	vadd.f32 v2, v3  }
0xd9: {  	s6 =	sshra.s32 s5, $0x2  }
0xda: {  	s5 =	sadd.s32 $0x40, s5;
	v2 =	vld [tilespmem:s6+$0x6000];
	[tilespmem:s4+$0x6280] =	vst v3;
	s4 =	smov.u32 s6  }
0xdb: {  	v3 =	vld [tilespmem:s4+$0x6280];
	_ =	sdelay $0x4  }
0xdc: {  	v2 =	vadd.f32 v2, v3;
	_ =	sdelay $0x1  }
0xdd: {  	[tilespmem:s4+$0x6280] =	vst v2  }
0xde: {  	[tilespmem:s1], [sflag:$0x1] =	stream.strided.gather [spmem:s11], $0x280, s31, s30, $0x38;
	[tilespmem:$0x6500] =	vst v63  }
0xdf: {  	_ =	swait.ge [sflag:s29], $0x280  }
0xe0: {  	[sflag:s29] =	ssyncset.done $0x0  }
0xe1: {  	s4 =	simm.s32 $0x0;
	[sflag:s29] =	ssyncadd.s32 $0xFFFFFD80  }
0xe2: {  	s5 =	simm.s32 $0x40;
	v2 =	vld [tilespmem:s4+$0x6000]  }
.LBB2_28:
0xe3: {  	p0 =	sne.s32 s5, $0x9C0;
	v3 =	vld [tilespmem:s4+$0x6280];
	_ =	sdelay $0x2  }
.Ltmp13:
0xe4: {  	(pc) =	sbr.rel @p0 .LBB2_28-.Ltmp13, $4  }
0xe5: {  	_ = 	snop  }
0xe6: {  	v3 =	vadd.f32 v2, v3  }
0xe7: {  	s6 =	sshra.s32 s5, $0x2  }
0xe8: {  	s5 =	sadd.s32 $0x40, s5;
	v2 =	vld [tilespmem:s6+$0x6000];
	[tilespmem:s4+$0x6280] =	vst v3;
	s4 =	smov.u32 s6  }
0xe9: {  	v3 =	vld [tilespmem:s4+$0x6280];
	_ =	sdelay $0x4  }
0xea: {  	v2 =	vadd.f32 v2, v3;
	_ =	sdelay $0x1  }
0xeb: {  	[tilespmem:s4+$0x6280] =	vst v2  }
0xec: {  	[tilespmem:s1], [sflag:$0x1] =	stream.strided.gather [spmem:s12], $0x280, s31, s30, $0x38;
	[tilespmem:$0x6500] =	vst v63  }
0xed: {  	_ =	swait.ge [sflag:s29], $0x280  }
0xee: {  	[sflag:s29] =	ssyncset.done $0x0  }
0xef: {  	s4 =	simm.s32 $0x0;
	[sflag:s29] =	ssyncadd.s32 $0xFFFFFD80  }
0xf0: {  	s5 =	simm.s32 $0x40;
	v2 =	vld [tilespmem:s4+$0x6000]  }
.LBB2_30:
0xf1: {  	p0 =	sne.s32 s5, $0x9C0;
	v3 =	vld [tilespmem:s4+$0x6280];
	_ =	sdelay $0x2  }
.Ltmp14:
0xf2: {  	(pc) =	sbr.rel @p0 .LBB2_30-.Ltmp14, $4  }
0xf3: {  	_ = 	snop  }
0xf4: {  	v3 =	vadd.f32 v2, v3  }
0xf5: {  	s6 =	sshra.s32 s5, $0x2  }
0xf6: {  	s5 =	sadd.s32 $0x40, s5;
	v2 =	vld [tilespmem:s6+$0x6000];
	[tilespmem:s4+$0x6280] =	vst v3;
	s4 =	smov.u32 s6  }
0xf7: {  	v3 =	vld [tilespmem:s4+$0x6280];
	_ =	sdelay $0x4  }
0xf8: {  	v2 =	vadd.f32 v2, v3;
	_ =	sdelay $0x1  }
0xf9: {  	[tilespmem:s4+$0x6280] =	vst v2  }
0xfa: {  	[tilespmem:s1], [sflag:$0x1] =	stream.strided.gather [spmem:s13], $0x280, s31, s30, $0x38;
	[tilespmem:$0x6500] =	vst v63  }
0xfb: {  	_ =	swait.ge [sflag:s29], $0x280  }
0xfc: {  	[sflag:s29] =	ssyncset.done $0x0  }
0xfd: {  	s4 =	simm.s32 $0x0;
	[sflag:s29] =	ssyncadd.s32 $0xFFFFFD80  }
0xfe: {  	s5 =	simm.s32 $0x40;
	v2 =	vld [tilespmem:s4+$0x6000]  }
.LBB2_32:
0xff: {  	p0 =	sne.s32 s5, $0x9C0;
	v3 =	vld [tilespmem:s4+$0x6280];
	_ =	sdelay $0x2  }
.Ltmp15:
0x100: {  	(pc) =	sbr.rel @p0 .LBB2_32-.Ltmp15, $4  }
0x101: {  	_ = 	snop  }
0x102: {  	v3 =	vadd.f32 v2, v3  }
0x103: {  	s6 =	sshra.s32 s5, $0x2  }
0x104: {  	s5 =	sadd.s32 $0x40, s5;
	v2 =	vld [tilespmem:s6+$0x6000];
	[tilespmem:s4+$0x6280] =	vst v3;
	s4 =	smov.u32 s6  }
0x105: {  	v3 =	vld [tilespmem:s4+$0x6280];
	_ =	sdelay $0x4  }
0x106: {  	v2 =	vadd.f32 v2, v3;
	_ =	sdelay $0x1  }
0x107: {  	[tilespmem:s4+$0x6280] =	vst v2  }
0x108: {  	[tilespmem:s1], [sflag:$0x1] =	stream.strided.gather [spmem:s14], $0x280, s31, s30, $0x38;
	[tilespmem:$0x6500] =	vst v63  }
0x109: {  	_ =	swait.ge [sflag:s29], $0x280  }
0x10a: {  	[sflag:s29] =	ssyncset.done $0x0  }
0x10b: {  	s4 =	simm.s32 $0x0;
	[sflag:s29] =	ssyncadd.s32 $0xFFFFFD80  }
0x10c: {  	s5 =	simm.s32 $0x40;
	v2 =	vld [tilespmem:s4+$0x6000]  }
.LBB2_34:
0x10d: {  	p0 =	sne.s32 s5, $0x9C0;
	v3 =	vld [tilespmem:s4+$0x6280];
	_ =	sdelay $0x2  }
.Ltmp16:
0x10e: {  	(pc) =	sbr.rel @p0 .LBB2_34-.Ltmp16, $4  }
0x10f: {  	_ = 	snop  }
0x110: {  	v3 =	vadd.f32 v2, v3  }
0x111: {  	s6 =	sshra.s32 s5, $0x2  }
0x112: {  	s5 =	sadd.s32 $0x40, s5;
	v2 =	vld [tilespmem:s6+$0x6000];
	[tilespmem:s4+$0x6280] =	vst v3;
	s4 =	smov.u32 s6  }
0x113: {  	v3 =	vld [tilespmem:s4+$0x6280];
	_ =	sdelay $0x4  }
0x114: {  	v2 =	vadd.f32 v2, v3;
	_ =	sdelay $0x1  }
0x115: {  	[tilespmem:s4+$0x6280] =	vst v2  }
0x116: {  	[tilespmem:s1], [sflag:$0x1] =	stream.strided.gather [spmem:s15], $0x280, s31, s30, $0x38;
	[tilespmem:$0x6500] =	vst v63  }
0x117: {  	_ =	swait.ge [sflag:s29], $0x280  }
0x118: {  	[sflag:s29] =	ssyncset.done $0x0  }
0x119: {  	s4 =	simm.s32 $0x0;
	[sflag:s29] =	ssyncadd.s32 $0xFFFFFD80  }
0x11a: {  	s5 =	simm.s32 $0x40;
	v2 =	vld [tilespmem:s4+$0x6000]  }
.LBB2_36:
0x11b: {  	p0 =	sne.s32 s5, $0x9C0;
	v3 =	vld [tilespmem:s4+$0x6280];
	_ =	sdelay $0x2  }
.Ltmp17:
0x11c: {  	(pc) =	sbr.rel @p0 .LBB2_36-.Ltmp17, $4  }
0x11d: {  	_ = 	snop  }
0x11e: {  	v3 =	vadd.f32 v2, v3  }
0x11f: {  	s6 =	sshra.s32 s5, $0x2  }
0x120: {  	s5 =	sadd.s32 $0x40, s5;
	v2 =	vld [tilespmem:s6+$0x6000];
	[tilespmem:s4+$0x6280] =	vst v3;
	s4 =	smov.u32 s6  }
0x121: {  	v3 =	vld [tilespmem:s4+$0x6280];
	_ =	sdelay $0x4  }
0x122: {  	v2 =	vadd.f32 v2, v3;
	_ =	sdelay $0x1  }
0x123: {  	[tilespmem:s4+$0x6280] =	vst v2  }
0x124: {  	[tilespmem:s1], [sflag:$0x1] =	stream.strided.gather [spmem:s16], $0x280, s31, s30, $0x38;
	[tilespmem:$0x6500] =	vst v63  }
0x125: {  	_ =	swait.ge [sflag:s29], $0x280  }
0x126: {  	[sflag:s29] =	ssyncset.done $0x0  }
0x127: {  	s4 =	simm.s32 $0x0;
	[sflag:s29] =	ssyncadd.s32 $0xFFFFFD80  }
0x128: {  	s5 =	simm.s32 $0x40;
	v2 =	vld [tilespmem:s4+$0x6000]  }
.LBB2_38:
0x129: {  	p0 =	sne.s32 s5, $0x9C0;
	v3 =	vld [tilespmem:s4+$0x6280];
	_ =	sdelay $0x2  }
.Ltmp18:
0x12a: {  	(pc) =	sbr.rel @p0 .LBB2_38-.Ltmp18, $4  }
0x12b: {  	_ = 	snop  }
0x12c: {  	v3 =	vadd.f32 v2, v3  }
0x12d: {  	s6 =	sshra.s32 s5, $0x2  }
0x12e: {  	s5 =	sadd.s32 $0x40, s5;
	v2 =	vld [tilespmem:s6+$0x6000];
	[tilespmem:s4+$0x6280] =	vst v3;
	s4 =	smov.u32 s6  }
0x12f: {  	v3 =	vld [tilespmem:s4+$0x6280];
	_ =	sdelay $0x4  }
0x130: {  	v2 =	vadd.f32 v2, v3;
	_ =	sdelay $0x1  }
0x131: {  	[tilespmem:s4+$0x6280] =	vst v2  }
0x132: {  	[tilespmem:s1], [sflag:$0x1] =	stream.strided.gather [spmem:s17], $0x280, s31, s30, $0x38;
	[tilespmem:$0x6500] =	vst v63  }
0x133: {  	_ =	swait.ge [sflag:s29], $0x280  }
0x134: {  	[sflag:s29] =	ssyncset.done $0x0  }
0x135: {  	s4 =	simm.s32 $0x0;
	[sflag:s29] =	ssyncadd.s32 $0xFFFFFD80  }
0x136: {  	s5 =	simm.s32 $0x40;
	v2 =	vld [tilespmem:s4+$0x6000]  }
.LBB2_40:
0x137: {  	p0 =	sne.s32 s5, $0x9C0;
	v3 =	vld [tilespmem:s4+$0x6280];
	_ =	sdelay $0x2  }
.Ltmp19:
0x138: {  	(pc) =	sbr.rel @p0 .LBB2_40-.Ltmp19, $4  }
0x139: {  	_ = 	snop  }
0x13a: {  	v3 =	vadd.f32 v2, v3  }
0x13b: {  	s6 =	sshra.s32 s5, $0x2  }
0x13c: {  	s5 =	sadd.s32 $0x40, s5;
	v2 =	vld [tilespmem:s6+$0x6000];
	[tilespmem:s4+$0x6280] =	vst v3;
	s4 =	smov.u32 s6  }
0x13d: {  	v3 =	vld [tilespmem:s4+$0x6280];
	_ =	sdelay $0x4  }
0x13e: {  	v2 =	vadd.f32 v2, v3;
	_ =	sdelay $0x1  }
0x13f: {  	[tilespmem:s4+$0x6280] =	vst v2  }
0x140: {  	[tilespmem:s1], [sflag:$0x1] =	stream.strided.gather [spmem:s18], $0x280, s31, s30, $0x38;
	[tilespmem:$0x6500] =	vst v63  }
0x141: {  	_ =	swait.ge [sflag:s29], $0x280  }
0x142: {  	[sflag:s29] =	ssyncset.done $0x0  }
0x143: {  	s4 =	simm.s32 $0x0;
	[sflag:s29] =	ssyncadd.s32 $0xFFFFFD80  }
0x144: {  	s5 =	simm.s32 $0x40;
	v2 =	vld [tilespmem:s4+$0x6000]  }
.LBB2_42:
0x145: {  	p0 =	sne.s32 s5, $0x9C0;
	v3 =	vld [tilespmem:s4+$0x6280];
	_ =	sdelay $0x2  }
.Ltmp20:
0x146: {  	(pc) =	sbr.rel @p0 .LBB2_42-.Ltmp20, $4  }
0x147: {  	_ = 	snop  }
0x148: {  	v3 =	vadd.f32 v2, v3  }
0x149: {  	s6 =	sshra.s32 s5, $0x2  }
0x14a: {  	s5 =	sadd.s32 $0x40, s5;
	v2 =	vld [tilespmem:s6+$0x6000];
	[tilespmem:s4+$0x6280] =	vst v3;
	s4 =	smov.u32 s6  }
0x14b: {  	v3 =	vld [tilespmem:s4+$0x6280];
	_ =	sdelay $0x4  }
0x14c: {  	v2 =	vadd.f32 v2, v3;
	_ =	sdelay $0x1  }
0x14d: {  	[tilespmem:s4+$0x6280] =	vst v2  }
0x14e: {  	[tilespmem:s1], [sflag:$0x1] =	stream.strided.gather [spmem:s26], $0x280, s31, s30, $0x38;
	[tilespmem:$0x6500] =	vst v63  }
0x14f: {  	_ =	swait.ge [sflag:s29], $0x280  }
0x150: {  	[sflag:s29] =	ssyncset.done $0x0  }
0x151: {  	s4 =	simm.s32 $0x0;
	[sflag:s29] =	ssyncadd.s32 $0xFFFFFD80  }
0x152: {  	s5 =	simm.s32 $0x40;
	v2 =	vld [tilespmem:s4+$0x6000]  }
.LBB2_44:
0x153: {  	p0 =	sne.s32 s5, $0x9C0;
	v3 =	vld [tilespmem:s4+$0x6280];
	_ =	sdelay $0x2  }
.Ltmp21:
0x154: {  	(pc) =	sbr.rel @p0 .LBB2_44-.Ltmp21, $4  }
0x155: {  	_ = 	snop  }
0x156: {  	v3 =	vadd.f32 v2, v3  }
0x157: {  	s6 =	sshra.s32 s5, $0x2  }
0x158: {  	s5 =	sadd.s32 $0x40, s5;
	v2 =	vld [tilespmem:s6+$0x6000];
	[tilespmem:s4+$0x6280] =	vst v3;
	s4 =	smov.u32 s6  }
0x159: {  	v3 =	vld [tilespmem:s4+$0x6280];
	_ =	sdelay $0x4  }
0x15a: {  	s0 =	sadd.s32 $0x1, s0;
	v2 =	vadd.f32 v2, v3  }
0x15b: {  	p0 =	sne.s32 s0, s20  }
.Ltmp22:
0x15c: {  	s6 =	simm.s32 $0x100;
	s5 =	simm.s32 $0x6280;
	[tilespmem:s4+$0x6280] =	vst v2;
	(pc) =	sbr.rel @p0 .LBB2_1-.Ltmp22, $4  }
0x15d: {  	[hbm4b:s19+s30] =	stream.strided.scatter [tilespmem:s5], [sflag:$0x1], $0x280, s6, s30, $0x38;
	[tilespmem:$0x6500] =	vst v63  }
0x15e: {  	_ =	swait.ge [sflag:s29], $0x280  }
0x15f: {  	[sflag:s29] =	ssyncset.done $0x0  }
0x160: {  	[sflag:s29] =	ssyncadd.s32 $0xFFFFFD80  }
0x161: {  	_ =	sfence.sel $0x180000  }
0x162: {  	[bflag:$0x0] =	sbarrier.arrive $0xFFFF  }
0x163: {  	_ =	strace $0x90000047  }
0x164: {  	s0 =	stileid.u32;
	[bflag:$0x2] =	sbarrier.arrive $0xFFFF  }
0x165: {  	p0 =	sne.s32 s0, $0x0;
	s0 =	rddreg [dreg:$0x3]  }
0x166: {  	s0 =	sadd.s32 @!p0 $0x100000, s0  }
0x167: {  	[sflag:s0] =	ssyncadd.tile.s32 @!p0 $0x1;
	_ =	shalt  }
.Lfunc_end2:
_tile_overlayer_lowered:
.L_overlay_start_2:
0x168: {  	(tag) =	ssettag $0x2  }
0x169: {  	s0 =	rddreg [dreg:$0x0];
	s2 =	stileid.u32  }
0x16a: {  	s1 =	rddreg [dreg:$0x1];
	p0 =	sne.s32 s2, $0x0  }
0x16b: {  	s3 =	rddreg [dreg:$0x2];
	[bflag:$0x3] =	sbarrier.arrive $0xFFFF;
	s2 =	simm.s32 @!p0 $0x1C01  }
0x16c: {  	[timem:s3], [sflag:s2] =	dma.local @!p0 [hbm:s0], s1  }
0x16d: {  	s0 =	simm.s32 @!p0 $0x1  }
0x16e: {  	_ =	swait.ge @!p0 [sflag:s0], s1  }
0x16f: {  	s1 =	ssub.s32 @!p0 $0x0, s1;
	[sflag:s0] =	ssyncset.done @!p0 $0x0  }
0x170: {  	[sflag:s0] =	ssyncadd.s32 @!p0 s1  }
0x171: {  	[bflag:$0x3] =	sbarrier.arrive $0xFFFF  }
0x172: {  	_ =	shalt  }

// kernel: kernel.16.cloned.1.call-start
scs
__scs_entry_jumppad:
0x0: {  	(pc) =	sbr.rel $0x88, $3  }
0x1: {  	(tag) =	ssettag $0x0;
	lr =	simm.s32 $0x1  }
0x2: {  	[smem:$0x3F85] =	sst lr;
	_ =	strace $0xD0000000  }
0x3: {  	_ = 	snop  }
0x4: {  	_ = 	snop  }
0x5: {  	_ = 	snop  }
0x6: {  	_ = 	snop  }
0x7: {  	_ = 	snop  }
__scs_overlays_trampoline_lowered:
0x8: {  	[smem:$0x3F94] =	sst s0  }
0x9: {  	[smem:$0x3F95] =	sst s1  }
0xa: {  	[smem:$0x3F96] =	sst s2  }
0xb: {  	[smem:$0x3F97] =	sst s3  }
0xc: {  	[smem:$0x3F98] =	sst s4  }
0xd: {  	[smem:$0x3F99] =	sst s5  }
0xe: {  	[smem:$0x3F9A] =	sst s6  }
0xf: {  	[smem:$0x3F9B] =	sst s7  }
0x10: {  	[smem:$0x3F9C] =	sst s8  }
0x11: {  	[smem:$0x3F9D] =	sst s9;
	s0 =	simm.s32 @!p0 $0x0  }
0x12: {  	s1 =	sld [smem:$0x3F83];
	s0 =	simm.s32 @p0 $0x1  }
0x13: {  	[smem:$0x3F9E] =	sst s0;
	s0 =	simm.s32 @!p1 $0x0  }
0x14: {  	s2 =	sld [smem:$0x3F82];
	s0 =	simm.s32 @p1 $0x1  }
0x15: {  	[smem:$0x3F9F] =	sst s0;
	s0 =	simm.s32 @!p2 $0x0  }
0x16: {  	s3 =	sld [smem:$0x3FDB];
	s0 =	simm.s32 @p2 $0x1  }
0x17: {  	s4 =	simm.s32 $0x1BF5;
	[smem:$0x3FA1] =	sst s0  }
0x18: {  	s0 =	sld [smem:$0x3F84];
	_ =	swait.ge [sflag:s4], $0x0  }
0x19: {  	s7 =	sld [smem:$0x3F85]  }
0x1a: {  	s8 =	sadd.s32 $0xFFFFE003, lr  }
0x1b: {  	s9 =	sadd.s32 $0xFFFFFEF7, lr;
	s5 =	simm.s32 $0xFFFFFFFF;
	p2 =	slt.u32 s8, $0xFFFFF086  }
0x1c: {  	p1 =	slt.u32 s9, $0xF7A;
	s5 =	simm.s32 @!p2 $0x0  }
0x1d: {  	s5 =	simm.s32 @p1 $0x1;
	p0 =	seq.s32 s7, s2  }
0x1e: {  	s7 =	smul.u32 @!p0 $0xF7A, s2;
	p2 =	seq.s32 @!p0 s5, $0x0  }
0x1f: {  	s9 =	smul.u32 $0xF7A, s1;
	s8 =	simm.s32 @!p0 $0x1BF5;
	p2 =	por !p2, p0  }
0x20: {  	[sflag:s8] =	ssyncset.s32 @!p0 $0xFFFFF086;
	s6 =	sadd.s32 @!p0 s3, s7;
	s7 =	simm.s32 @!p0 $0x108  }
0x21: {  	s3 =	sadd.s32 s3, s9;
	s6 =	sadd.s32 @!p0 $0x88, s6;
	s7 =	simm.s32 @p2 $0x1082  }
0x22: {  	[simem:s7], [sflag:s8] =	dma.local @!p0 [hbm:s6], $0xF7A  }
0x23: {  	s9 =	sor.u32 $0xD0000000, s2;
	s6 =	simm.s32 $0x108;
	_ =	swait.ge @!p0 [sflag:s8], $0x0  }
0x24: {  	s3 =	sadd.s32 $0x88, s3;
	s6 =	simm.s32 @!p1 $0x1082;
	[sflag:s4] =	ssyncset.s32 $0xFFFFF086  }
0x25: {  	[simem:s6], [sflag:s4] =	dma.local [hbm:s3], $0xF7A  }
0x26: {  	[smem:$0x3F85] =	sst s1;
	(tag) =	ssettag s2;
	_ =	strace s9  }
0x27: {  	s1 =	sld [smem:$0x3F95]  }
0x28: {  	s2 =	sld [smem:$0x3F96]  }
0x29: {  	s4 =	sld [smem:$0x3F98]  }
0x2a: {  	p0 =	seq.s32 s5, $0x0;
	s5 =	sld [smem:$0x3F99]  }
0x2b: {  	s6 =	sld [smem:$0x3F9A]  }
0x2c: {  	s7 =	sld [smem:$0x3F9B]  }
0x2d: {  	s3 =	simm.s32 $0x108;
	s8 =	sld [smem:$0x3F9C]  }
0x2e: {  	s3 =	simm.s32 @!p0 $0x1082;
	s9 =	sld [smem:$0x3F9D]  }
0x2f: {  	lr =	sadd.s32 s0, s3;
	s0 =	sld [smem:$0x3F94]  }
0x30: {  	s3 =	sld [smem:$0x3F97]  }
0x31: {  	[smem:$0x3FA0] =	sst s10  }
0x32: {  	s10 =	sld [smem:$0x3F9E];
	_ =	sdelay $0x3  }
0x33: {  	p0 =	seq.s32 s10, $0x1;
	s10 =	sld [smem:$0x3FA0];
	_ =	sdelay $0x3  }
0x34: {  	[smem:$0x3FA0] =	sst s10  }
0x35: {  	s10 =	sld [smem:$0x3F9F];
	_ =	sdelay $0x3  }
0x36: {  	p1 =	seq.s32 s10, $0x1;
	s10 =	sld [smem:$0x3FA0];
	_ =	sdelay $0x3  }
0x37: {  	[smem:$0x3FA0] =	sst s10  }
0x38: {  	s10 =	sld [smem:$0x3FA1]  }
0x39: {  	_ = 	snop;
	(pc) =	sbr.ind lr, $3  }
0x3a: {  	_ = 	snop  }
0x3b: {  	_ = 	snop  }
0x3c: {  	p2 =	seq.s32 s10, $0x1;
	s10 =	sld [smem:$0x3FA0]  }
0x3d: {  	_ =	shalt  }
0x3e: {  	_ =	shalt  }
0x3f: {  	_ =	shalt  }
0x40: {  	_ =	shalt  }
0x41: {  	_ =	shalt  }
0x42: {  	_ =	shalt  }
0x43: {  	_ =	shalt  }
0x44: {  	_ =	shalt  }
0x45: {  	_ =	shalt  }
0x46: {  	_ =	shalt  }
0x47: {  	_ =	shalt  }
0x48: {  	_ =	shalt  }
0x49: {  	_ =	shalt  }
0x4a: {  	_ =	shalt  }
0x4b: {  	_ =	shalt  }
0x4c: {  	_ =	shalt  }
0x4d: {  	_ =	shalt  }
0x4e: {  	_ =	shalt  }
0x4f: {  	_ =	shalt  }
0x50: {  	_ =	shalt  }
0x51: {  	_ =	shalt  }
0x52: {  	_ =	shalt  }
0x53: {  	_ =	shalt  }
0x54: {  	_ =	shalt  }
0x55: {  	_ =	shalt  }
0x56: {  	_ =	shalt  }
0x57: {  	_ =	shalt  }
0x58: {  	_ =	shalt  }
0x59: {  	_ =	shalt  }
0x5a: {  	_ =	shalt  }
0x5b: {  	_ =	shalt  }
0x5c: {  	_ =	shalt  }
0x5d: {  	_ =	shalt  }
0x5e: {  	_ =	shalt  }
0x5f: {  	_ =	shalt  }
0x60: {  	_ =	shalt  }
0x61: {  	_ =	shalt  }
0x62: {  	_ =	shalt  }
0x63: {  	_ =	shalt  }
0x64: {  	_ =	shalt  }
0x65: {  	_ =	shalt  }
0x66: {  	_ =	shalt  }
0x67: {  	_ =	shalt  }
0x68: {  	_ =	shalt  }
0x69: {  	_ =	shalt  }
0x6a: {  	_ =	shalt  }
0x6b: {  	_ =	shalt  }
0x6c: {  	_ =	shalt  }
0x6d: {  	_ =	shalt  }
0x6e: {  	_ =	shalt  }
0x6f: {  	_ =	shalt  }
0x70: {  	_ =	shalt  }
0x71: {  	_ =	shalt  }
0x72: {  	_ =	shalt  }
0x73: {  	_ =	shalt  }
0x74: {  	_ =	shalt  }
0x75: {  	_ =	shalt  }
0x76: {  	_ =	shalt  }
0x77: {  	_ =	shalt  }
0x78: {  	_ =	shalt  }
0x79: {  	_ =	shalt  }
0x7a: {  	_ =	shalt  }
0x7b: {  	_ =	shalt  }
0x7c: {  	_ =	shalt  }
0x7d: {  	_ =	shalt  }
0x7e: {  	_ =	shalt  }
0x7f: {  	_ =	shalt  }
0x80: {  	_ =	shalt  }
0x81: {  	_ =	shalt  }
0x82: {  	_ =	shalt  }
0x83: {  	_ =	shalt  }
0x84: {  	_ =	shalt  }
0x85: {  	_ =	shalt  }
0x86: {  	_ =	shalt  }
0x87: {  	_ =	shalt  }
.Lfunc_end0:
.L_simem_size_0:
called_computation.1_lowered:
.L_overlay_start_0:
0x88: {  	s2 =	sld [smem:$0x3FD9]  }
0x89: {  	s3 =	sld [smem:$0x3FFE];
	_ =	sdelay $0x1  }
0x8a: {  	s1 =	srdreg.scid  }
0x8b: {  	s0 =	sand.u32 $0x1, s1  }
0x8c: {  	s17 =	sshll.u32 s0, $0xA;
	s2 =	sadd.s32 s3, s2  }
0x8d: {  	s2 =	sadd.s32 s2, s17  }
0x8e: {  	[smem:$0x3FAC] =	sst s2  }
0x8f: {  	_ = 	snop  }
0x90: {  	s2 =	sld [smem:$0x3FD0];
	(tm) =	ssettm $0x1  }
0x91: {  	s18 =	sld [smem:$0x3FFB];
	_ =	sdelay $0x3  }
0x92: {  	_ =	strace s18  }
0x93: {  	s3 =	sld [smem:$0x3FFC];
	_ =	sdelay $0x3  }
0x94: {  	_ =	strace s3  }
0x95: {  	s3 =	sld [smem:$0x3FFD];
	_ =	sdelay $0x3  }
0x96: {  	_ =	strace s3  }
0x97: {  	_ =	strace $0x8FFFFFFF  }
0x98: {  	s19 =	sld [smem:$0x3FDB];
	_ =	sdelay $0x1  }
0x99: {  	s4 =	simm.s32 $_scs_section_size  }
0x9a: {  	s5 =	simm.s32 $_size__tile_overlayer_lowered;
	s6 =	simm.s32 $_tile_overlayer_lowered  }
0x9b: {  	s22 =	simm.s32 $0x1BFF;
	s21 =	sshll.u32 s6, $0x1;
	s3 =	sadd.s32 s4, s19  }
0x9c: {  	s7 =	simm.s32 $0x0;
	s20 =	sshll.u32 s5, $0x1;
	s5 =	sadd.s32 s21, s3  }
0x9d: {  	[timem:s7], [sflag:s22] =	dma.local [hbm:s5], s20  }
0x9e: {  	_ =	swait.ge [sflag:s22], s20  }
0x9f: {  	s4 =	ssub.s32 $0x0, s20;
	[sflag:s22] =	ssyncset.done $0x0  }
0xa0: {  	[sflag:s22] =	ssyncadd.s32 s4;
	_ =	sdelay $0x1  }
0xa1: {  	s23 =	simm.s32 $0x1B8B  }
0xa2: {  	_ =	swait.ge [sflag:s23], $0x1  }
0xa3: {  	[sflag:s23] =	ssyncset.done $0x0  }
0xa4: {  	s25 =	simm.s32 $0x1B8E;
	s24 =	sld [smem:$0x3FFE];
	[sflag:s23] =	ssyncadd.s32 $0xFFFFFFFF  }
0xa5: {  	s26 =	simm.s32 $execute0_lowered;
	[smem:$0x3FD2] =	sst s25  }
0xa6: {  	s5 =	sshll.u32 s26, $0x1;
	_ =	strace $0x80000049;
	[dreg:$0x1] =	wrdreg $0xFFFFFFFF  }
0xa7: {  	s28 =	simm.s32 $_size_execute0_lowered;
	s3 =	sadd.s32 s3, s5;
	[dreg:$0x0] =	wrdreg $0x0  }
0xa8: {  	s5 =	sshll.u32 s28, $0x1;
	[dreg:$0x2] =	wrdreg s3  }
0xa9: {  	[dreg:$0x3] =	wrdreg s5  }
0xaa: {  	[dreg:$0x4] =	wrdreg $0xC0  }
0xab: {  	_ =	task [dreg:s7], $0x5FFFF  }
0xac: {  	[dreg:$0x1] =	wrdreg $0xFFFFFFFF  }
0xad: {  	[dreg:$0x0] =	wrdreg $0x60  }
0xae: {  	[dreg:$0x2] =	wrdreg s2  }
0xaf: {  	[dreg:$0x3] =	wrdreg s24  }
0xb0: {  	[dreg:$0x4] =	wrdreg $0x0  }
0xb1: {  	[dreg:$0x5] =	wrdreg $0x9  }
0xb2: {  	_ =	task.clear_ibuf [dreg:s7], $0x6FFFF;
	_ =	strace $0x90000049  }
0xb3: {  	s29 =	simm.s32 $0x9;
	_ =	strace $0x8000004B  }
0xb4: {  	_ =	swait.ge [sflag:s29], $0x1  }
0xb5: {  	[sflag:s29] =	ssyncadd.s32 $0xFFFFFFFF  }
0xb6: {  	_ =	strace $0x9000004B  }
0xb7: {  	_ =	sfence  }
0xb8: {  	s30 =	sld [smem:$0x0];
	_ =	sdelay $0x2  }
0xb9: {  	s31 =	sshll.u32 s1, $0xD;
	s1 =	sshrl.u32 s1, $0x2  }
0xba: {  	s3 =	sand.u32 $0x4000, s31;
	s1 =	sadd.s32 s1, s30  }
0xbb: {  	s0 =	sor.u32 s3, s0;
	s1 =	sshll.u32 s1, $0x11  }
0xbc: {  	s0 =	sor.u32 s1, s0  }
0xbd: {  	s0 =	sadd.s32 $0x8F2B, s0  }
0xbe: {  	[sflag:s0] =	ssyncadd.remote.s32 $0x1  }
0xbf: {  	_ =	sfence.sel $0xFFFF  }
0xc0: {  	[dreg:$0x0] =	wrdreg $0xFFFFFFFF;
	(pc) =	sbr.abs _section_cstart, $3  }
0xc1: {  	[dreg:$0x1] =	wrdreg $0xFFFFFFFF  }
0xc2: {  	_ =	task.clear_ibuf [dreg:s7], $0x2FFFF;
	_ =	strace $0x9FFFFFFF  }
0xc3: {  	(tm) =	ssettm $0x7FFFFFFF  }
tec
execute0_lowered:
.L_overlay_start_1:
0x0: {  	(tag) =	ssettag $0x1  }
0x1: {  	s1 =	rddreg [dreg:$0x0]  }
0x2: {  	s0 =	rddreg [dreg:$0x1]  }
0x3: {  	s2 =	rddreg [dreg:$0x2];
	s3 =	simm.s32 $0x0;
	s4 =	srdreg.scid  }
0x4: {  	s10 =	stileid.u32;
	s28 =	simm.s32 $0x2;
	s29 =	simm.s32 $0x1C900  }
0x5: {  	s30 =	simm.s32 $0x20;
	s31 =	simm.s32 $0x0;
	[smem:$0x7FF] =	sst s3  }
0x6: {  	s6 =	sadd.s32 $0x4E00, s0;
	s9 =	sadd.s32 $0x18800, s0;
	s7 =	sand.u32 $0x1, s4  }
0x7: {  	s4 =	sadd.s32 $0x7A400, s0;
	s8 =	smul.u32 $0x4E000, s10;
	s0 =	sadd.s32 $0x7AC00, s0  }
0x8: {  	s12 =	sshll.u32 s10, $0x1;
	s26 =	sshll.u32 s10, $0x6;
	s15 =	smul.u32 $0x13800, s10  }
0x9: {  	s21 =	smul.u32 $0x9C40, s10;
	s20 =	sadd.s32 $0x138000, s2;
	p0 =	sne.s32 s10, $0x0  }
0xa: {  	_ =	strace $0x8000004A;
	s5 =	ssub.s32 $0x2, s7;
	s14 =	smul.u32 $0x138800, s7  }
0xb: {  	s25 =	sor.u32 s7, s12;
	[dreg:$0x4] =	wrdreg s20;
	s22 =	smul.u32 $0x4E20, s7  }
0xc: {  	s20 =	simm.s32 $0x13880;
	s11 =	sshrl.u32 s5, $0x1;
	s8 =	sshrl.u32 s8, $0x2  }
0xd: {  	s13 =	smul.u32 $0x4E20, s25;
	s11 =	ssub.s32 s5, s11;
	s12 =	sadd.s32 s8, s2  }
0xe: {  	s5 =	sor.u32 $0x1C03, s26;
	s15 =	sadd.s32 s15, s14;
	s14 =	sshrl.u32 s14, $0x3  }
0xf: {  	s16 =	sadd.s32 $0x4000, s12;
	s17 =	sadd.s32 $0x8000, s12;
	s18 =	sadd.s32 $0xC000, s12  }
0x10: {  	s19 =	sadd.s32 $0x10000, s12;
	s13 =	sshrl.u32 s13, $0x3;
	s15 =	sshrl.u32 s15, $0x3  }
0x11: {  	s23 =	smax.u32 s11, $0x1;
	s8 =	sadd.s32 $0x900, s13;
	s13 =	sadd.s32 s22, s21  }
0x12: {  	s15 =	sadd.s32 s0, s15;
	s0 =	sadd.s32 s0, s14;
	[dreg:$0x7] =	wrdreg s23  }
0x13: {  	s14 =	sshrl.u32 s12, $0x3;
	s26 =	sshrl.u32 s16, $0x3;
	s17 =	sshrl.u32 s17, $0x3  }
0x14: {  	s18 =	sshrl.u32 s18, $0x3;
	s19 =	sshrl.u32 s19, $0x3;
	s21 =	simm.s32 $0x14080  }
0x15: {  	s22 =	simm.s32 $0x80;
	s23 =	simm.s32 $0x14880;
	s7 =	sadd.s32 s6, s8  }
.Ltmp0:
0x16: {  	s8 =	sadd.s32 s9, s8;
	[dreg:$0x5] =	wrdreg s15;
	(pc) =	sbr.rel .LBB2_1-.Ltmp0, $4  }
0x17: {  	s13 =	sshrl.u32 s13, $0x3;
	s0 =	sadd.s32 $0x27000, s0;
	[dreg:$0xa] =	wrdreg s26  }
0x18: {  	s15 =	simm.s32 $0x3;
	[dreg:$0x6] =	wrdreg s0;
	s24 =	sadd.s32 s13, s9  }
0x19: {  	s26 =	simm.s32 $0x1C880;
	s25 =	sadd.s32 s13, s6;
	[dreg:$0x8] =	wrdreg s24  }
0x1a: {  	[dreg:$0x9] =	wrdreg s25;
	s24 =	simm.s32 $0x18880;
	s25 =	simm.s32 $0x1  }
.LBB2_6:
0x1b: {  	v0 =	vld [tilespmem:$0x14680]  }
0x1c: {  	v1 =	vld [tilespmem:$0x14690];
	_ =	sdelay $0x3  }
0x1d: {  	[tilespmem:$0x1C980] =	vst v0  }
0x1e: {  	s6 =	simm.s32 $0x13E80;
	[tilespmem:$0x1C990] =	vst v1  }
0x1f: {  	[tilespmem:s23], [sflag:$0x1] =	stream.indirect.gather [hbm4b:s1+s30], $0x80, s6, s30, $0xb8;
	[tilespmem:$0x1CA00] =	vst v63  }
0x20: {  	_ =	swait.ge [sflag:s25], $0x1000  }
0x21: {  	[sflag:s25] =	ssyncset.done $0x0  }
0x22: {  	s12 =	simm.s32 $0x1C980;
	[sflag:s25] =	ssyncadd.s32 $0xFFFFF000  }
0x23: {  	[spmem:s2] =	stream.indirect.scatter.add.f32 [tilespmem:s23], [sflag:$0x3], $0x80, s12, s30, $0xb8;
	[tilespmem:$0x1CA00] =	vst v63  }
0x24: {  	_ =	swait.ge [sflag:s15], $0x1000  }
0x25: {  	[sflag:s15] =	ssyncset.done $0x0  }
0x26: {  	[sflag:s15] =	ssyncadd.s32 $0xFFFFF000  }
0x27: {  	[bflag:$0x0] =	sbarrier.arrive $0xFFFF  }
0x28: {  	s13 =	rddreg [dreg:$0x5]  }
0x29: {  	[hbm:s13], [sflag:s5] =	dma.local [spmem:s14], $0x2700  }
0x2a: {  	_ =	swait.ge [sflag:s15], $0x2700  }
0x2b: {  	[sflag:s15] =	ssyncset.done $0x0  }
0x2c: {  	s6 =	rddreg [dreg:$0x6];
	[sflag:s15] =	ssyncadd.s32 $0xFFFFD900  }
0x2d: {  	[hbm:s6], [sflag:s5] =	dma.local @!p0 [spmem:s0], $0x100  }
0x2e: {  	s0 =	simm.s32 @!p0 $0x3  }
0x2f: {  	_ =	swait.ge @!p0 [sflag:s0], $0x100  }
0x30: {  	s31 =	sadd.s32 $0x1, s31;
	s16 =	rddreg [dreg:$0x7]  }
0x31: {  	p1 =	sne.s32 s31, s16  }
.Ltmp1:
0x32: {  	_ = 	snop;
	(pc) =	sbr.rel @!p1 .LBB2_7-.Ltmp1, $3  }
0x33: {  	_ =	sdelay $0x1  }
0x34: {  	[sflag:s0] =	ssyncset.done @!p0 $0x0  }
0x35: {  	[sflag:s0] =	ssyncadd.s32 @!p0 $0xFFFFFF00  }
.LBB2_1:
0x36: {  	[spmem:s14], [sflag:s5] =	dma.local [hbm:s4], $0x800  }
0x37: {  	_ =	swait.ge [sflag:s15], $0x800  }
0x38: {  	[sflag:s15] =	ssyncset.done $0x0  }
0x39: {  	s0 =	rddreg [dreg:$0xa];
	[sflag:s15] =	ssyncadd.s32 $0xFFFFF800  }
0x3a: {  	[spmem:s0], [sflag:s5] =	dma.local [hbm:s4], $0x800  }
0x3b: {  	_ =	swait.ge [sflag:s15], $0x800  }
0x3c: {  	[sflag:s15] =	ssyncset.done $0x0  }
0x3d: {  	[sflag:s15] =	ssyncadd.s32 $0xFFFFF800  }
0x3e: {  	[spmem:s17], [sflag:s5] =	dma.local [hbm:s4], $0x800  }
0x3f: {  	_ =	swait.ge [sflag:s15], $0x800  }
0x40: {  	[sflag:s15] =	ssyncset.done $0x0  }
0x41: {  	[sflag:s15] =	ssyncadd.s32 $0xFFFFF800  }
0x42: {  	[spmem:s18], [sflag:s5] =	dma.local [hbm:s4], $0x800  }
0x43: {  	_ =	swait.ge [sflag:s15], $0x800  }
0x44: {  	[sflag:s15] =	ssyncset.done $0x0  }
0x45: {  	[sflag:s15] =	ssyncadd.s32 $0xFFFFF800  }
0x46: {  	[spmem:s19], [sflag:s5] =	dma.local [hbm:s4], $0x700  }
0x47: {  	_ =	swait.ge [sflag:s15], $0x700  }
0x48: {  	[sflag:s15] =	ssyncset.done $0x0;
	s0 =	rddreg [dreg:$0x4]  }
0x49: {  	s10 =	simm.s32 @!p0 $0x3;
	[sflag:s15] =	ssyncadd.s32 $0xFFFFF900;
	s0 =	sshrl.u32 @!p0 s0, $0x3  }
0x4a: {  	[spmem:s0], [sflag:s5] =	dma.local @!p0 [hbm:s4], $0x100  }
0x4b: {  	_ =	swait.ge @!p0 [sflag:s10], $0x100  }
.Ltmp2:
0x4c: {  	[sflag:s10] =	ssyncset.done @!p0 $0x0;
	(pc) =	sbr.rel .LBB2_2-.Ltmp2, $4  }
0x4d: {  	[sflag:s10] =	ssyncadd.s32 @!p0 $0xFFFFFF00  }
0x4e: {  	[bflag:$0x0] =	sbarrier.arrive $0xFFFF  }
0x4f: {  	s13 =	rddreg [dreg:$0x9]  }
0x50: {  	s10 =	simm.s32 $0x0;
	s12 =	rddreg [dreg:$0x8]  }
.LBB2_4:
0x51: {  	p1 =	sne.s32 s10, $0x48  }
0x52: {  	s9 =	simm.s32 @!p1 $0x0;
	s6 =	simm.s32 @!p1 $0x13880  }
0x53: {  	[tilespmem:s6], [sflag:$0x3] =	stream.linear.gather @!p1 [hbm4b:s7+s9], $0x620, $0x38;
	[tilespmem:$0x1CA00] =	vst v63  }
0x54: {  	s6 =	simm.s32 @!p1 $0x3  }
0x55: {  	_ =	swait.ge @!p1 [sflag:s6], $0x620  }
0x56: {  	[sflag:s6] =	ssyncset.done @!p1 $0x0  }
0x57: {  	s16 =	simm.s32 @!p1 $0x14080;
	[sflag:s6] =	ssyncadd.s32 @!p1 $0xFFFFF9E0  }
0x58: {  	[tilespmem:s16], [sflag:$0x3] =	stream.linear.gather @!p1 [hbm4b:s8+s9], $0x620, $0x38;
	[tilespmem:$0x1CA00] =	vst v63  }
0x59: {  	_ =	swait.ge @!p1 [sflag:s6], $0x620  }
0x5a: {  	[sflag:s6] =	ssyncset.done @!p1 $0x0  }
0x5b: {  	[sflag:s6] =	ssyncadd.s32 @!p1 $0xFFFFF9E0  }
.LBB2_5:
0x5c: {  	s6 =	sshll.u32 s11, $0x8  }
0x5d: {  	v0 =	vld [tilespmem:s6+$0x14080];
	_ =	sdelay $0x4  }
0x5e: {  	[tilespmem:$0x1C880] =	vst v0  }
0x5f: {  	v0 =	vld [tilespmem:s6+$0x14090];
	_ =	sdelay $0x4  }
0x60: {  	[tilespmem:$0x1C890] =	vst v0  }
0x61: {  	v0 =	vld [tilespmem:s6+$0x140A0];
	_ =	sdelay $0x4  }
0x62: {  	[tilespmem:$0x1C8A0] =	vst v0  }
0x63: {  	v0 =	vld [tilespmem:s6+$0x140B0];
	_ =	sdelay $0x4  }
0x64: {  	[tilespmem:$0x1C8B0] =	vst v0  }
0x65: {  	v0 =	vld [tilespmem:s6+$0x140C0];
	_ =	sdelay $0x4  }
0x66: {  	[tilespmem:$0x1C8C0] =	vst v0  }
0x67: {  	v0 =	vld [tilespmem:s6+$0x140D0];
	_ =	sdelay $0x4  }
0x68: {  	[tilespmem:$0x1C8D0] =	vst v0  }
0x69: {  	v0 =	vld [tilespmem:s6+$0x140E0];
	_ =	sdelay $0x4  }
0x6a: {  	[tilespmem:$0x1C8E0] =	vst v0  }
0x6b: {  	v0 =	vld [tilespmem:s6+$0x140F0];
	_ =	sdelay $0x4  }
0x6c: {  	s9 =	sor.u32 $0x13880, s6;
	[tilespmem:$0x1C8F0] =	vst v0  }
0x6d: {  	[tilespmem:s23], [sflag:$0x1] =	stream.indirect.gather [hbm4b:s1+s22], $0x80, s9, s22, $0xb8;
	[tilespmem:$0x1CA00] =	vst v63  }
0x6e: {  	v0 =	vld [tilespmem:s6+$0x14100];
	_ =	sdelay $0x4  }
0x6f: {  	[tilespmem:$0x1C900] =	vst v0  }
0x70: {  	v0 =	vld [tilespmem:s6+$0x14110];
	_ =	sdelay $0x4  }
0x71: {  	[tilespmem:$0x1C910] =	vst v0  }
0x72: {  	v0 =	vld [tilespmem:s6+$0x14120];
	_ =	sdelay $0x4  }
0x73: {  	[tilespmem:$0x1C920] =	vst v0  }
0x74: {  	v0 =	vld [tilespmem:s6+$0x14130];
	_ =	sdelay $0x4  }
0x75: {  	[tilespmem:$0x1C930] =	vst v0  }
0x76: {  	v0 =	vld [tilespmem:s6+$0x14140];
	_ =	sdelay $0x4  }
0x77: {  	[tilespmem:$0x1C940] =	vst v0  }
0x78: {  	v0 =	vld [tilespmem:s6+$0x14150];
	_ =	sdelay $0x4  }
0x79: {  	[tilespmem:$0x1C950] =	vst v0  }
0x7a: {  	v0 =	vld [tilespmem:s6+$0x14160];
	_ =	sdelay $0x4  }
0x7b: {  	[tilespmem:$0x1C960] =	vst v0  }
0x7c: {  	v0 =	vld [tilespmem:s6+$0x14170];
	_ =	sdelay $0x4  }
0x7d: {  	s6 =	sadd.s32 $0x13900, s6;
	[tilespmem:$0x1C970] =	vst v0  }
0x7e: {  	[tilespmem:s24], [sflag:$0x2] =	stream.indirect.gather [hbm4b:s1+s22], $0x80, s6, s22, $0xb8;
	[tilespmem:$0x1CA00] =	vst v63  }
0x7f: {  	_ =	swait.ge [sflag:s25], $0x4000  }
0x80: {  	[sflag:s25] =	ssyncset.done $0x0  }
0x81: {  	[sflag:s25] =	ssyncadd.s32 $0xFFFFC000  }
0x82: {  	[spmem:s2] =	stream.indirect.scatter.add.f32 [tilespmem:s23], [sflag:$0x1], $0x80, s26, s22, $0xb8;
	[tilespmem:$0x1CA00] =	vst v63  }
0x83: {  	_ =	swait.ge [sflag:s28], $0x4000  }
0x84: {  	[sflag:s28] =	ssyncset.done $0x0  }
0x85: {  	s10 =	sadd.s32 $0x1, s10;
	[sflag:s28] =	ssyncadd.s32 $0xFFFFC000  }
0x86: {  	[spmem:s2] =	stream.indirect.scatter.add.f32 [tilespmem:s24], [sflag:$0x2], $0x80, s29, s22, $0xb8;
	[tilespmem:$0x1CA00] =	vst v63  }
0x87: {  	p1 =	sne.s32 s10, $0x4E;
	_ =	swait.ge [sflag:s25], $0x4000  }
.Ltmp3:
0x88: {  	[sflag:s25] =	ssyncset.done $0x0;
	(pc) =	sbr.rel @!p1 .LBB2_6-.Ltmp3, $4  }
0x89: {  	[sflag:s25] =	ssyncadd.s32 $0xFFFFC000  }
0x8a: {  	_ =	swait.ge [sflag:s28], $0x4000  }
0x8b: {  	[sflag:s28] =	ssyncset.done $0x0  }
0x8c: {  	s12 =	sadd.s32 $0x20, s12;
	s13 =	sadd.s32 $0x20, s13;
	[sflag:s28] =	ssyncadd.s32 $0xFFFFC000  }
.LBB2_2:
0x8d: {  	s11 =	sand.u32 $0x7, s10;
	p1 =	sgt.u32 s10, $0x47  }
0x8e: {  	p2 =	sne.s32 @!p1 s11, $0x0  }
0x8f: {  	p1 =	por p1, p2  }
.Ltmp4:
0x90: {  	_ = 	snop;
	(pc) =	sbr.rel @p1 .LBB2_4-.Ltmp4, $1  }
0x91: {  	_ =	sdelay $0x3  }
0x92: {  	[tilespmem:s20], [sflag:$0x3] =	stream.linear.gather [hbm4b:s13+s3], $0x800, $0x38;
	[tilespmem:$0x1CA00] =	vst v63  }
0x93: {  	_ =	swait.ge [sflag:s15], $0x800  }
0x94: {  	[sflag:s15] =	ssyncset.done $0x0  }
.Ltmp5:
0x95: {  	[sflag:s15] =	ssyncadd.s32 $0xFFFFF800;
	(pc) =	sbr.rel .LBB2_5-.Ltmp5, $4  }
0x96: {  	[tilespmem:s21], [sflag:$0x3] =	stream.linear.gather [hbm4b:s12+s3], $0x800, $0x38;
	[tilespmem:$0x1CA00] =	vst v63  }
0x97: {  	_ =	swait.ge [sflag:s15], $0x800  }
0x98: {  	[sflag:s15] =	ssyncset.done $0x0  }
0x99: {  	[sflag:s15] =	ssyncadd.s32 $0xFFFFF800  }
.LBB2_7:
0x9a: {  	_ =	sfence.sel $0x180000  }
0x9b: {  	[bflag:$0x0] =	sbarrier.arrive $0xFFFF  }
0x9c: {  	_ =	strace $0x9000004A  }
0x9d: {  	[bflag:$0x2] =	sbarrier.arrive $0xFFFF  }
0x9e: {  	s0 =	rddreg [dreg:$0x3]  }
0x9f: {  	s0 =	sadd.s32 @!p0 $0x100000, s0  }
0xa0: {  	[sflag:s0] =	ssyncadd.tile.s32 @!p0 $0x1;
	_ =	shalt  }
.Lfunc_end2:
_tile_overlayer_lowered:
.L_overlay_start_2:
0xa1: {  	(tag) =	ssettag $0x2  }
0xa2: {  	s0 =	rddreg [dreg:$0x0];
	s2 =	stileid.u32  }
0xa3: {  	s1 =	rddreg [dreg:$0x1];
	p0 =	sne.s32 s2, $0x0  }
0xa4: {  	s3 =	rddreg [dreg:$0x2];
	[bflag:$0x3] =	sbarrier.arrive $0xFFFF;
	s2 =	simm.s32 @!p0 $0x1C03  }
0xa5: {  	[timem:s3], [sflag:s2] =	dma.local @!p0 [hbm:s0], s1  }
0xa6: {  	s0 =	simm.s32 @!p0 $0x3  }
0xa7: {  	_ =	swait.ge @!p0 [sflag:s0], s1  }
0xa8: {  	s1 =	ssub.s32 @!p0 $0x0, s1;
	[sflag:s0] =	ssyncset.done @!p0 $0x0  }
0xa9: {  	[sflag:s0] =	ssyncadd.s32 @!p0 s1  }
0xaa: {  	[bflag:$0x3] =	sbarrier.arrive $0xFFFF  }
0xab: {  	_ =	shalt  }

// kernel: kernel.19.cloned.1.call-start
scs
__scs_entry_jumppad:
0x0: {  	(pc) =	sbr.rel $0x88, $3  }
0x1: {  	(tag) =	ssettag $0x0;
	lr =	simm.s32 $0x1  }
0x2: {  	[smem:$0x3F85] =	sst lr;
	_ =	strace $0xD0000000  }
0x3: {  	_ = 	snop  }
0x4: {  	_ = 	snop  }
0x5: {  	_ = 	snop  }
0x6: {  	_ = 	snop  }
0x7: {  	_ = 	snop  }
__scs_overlays_trampoline_lowered:
0x8: {  	[smem:$0x3F94] =	sst s0  }
0x9: {  	[smem:$0x3F95] =	sst s1  }
0xa: {  	[smem:$0x3F96] =	sst s2  }
0xb: {  	[smem:$0x3F97] =	sst s3  }
0xc: {  	[smem:$0x3F98] =	sst s4  }
0xd: {  	[smem:$0x3F99] =	sst s5  }
0xe: {  	[smem:$0x3F9A] =	sst s6  }
0xf: {  	[smem:$0x3F9B] =	sst s7  }
0x10: {  	[smem:$0x3F9C] =	sst s8  }
0x11: {  	[smem:$0x3F9D] =	sst s9;
	s0 =	simm.s32 @!p0 $0x0  }
0x12: {  	s1 =	sld [smem:$0x3F83];
	s0 =	simm.s32 @p0 $0x1  }
0x13: {  	[smem:$0x3F9E] =	sst s0;
	s0 =	simm.s32 @!p1 $0x0  }
0x14: {  	s2 =	sld [smem:$0x3F82];
	s0 =	simm.s32 @p1 $0x1  }
0x15: {  	[smem:$0x3F9F] =	sst s0;
	s0 =	simm.s32 @!p2 $0x0  }
0x16: {  	s3 =	sld [smem:$0x3FDB];
	s0 =	simm.s32 @p2 $0x1  }
0x17: {  	s4 =	simm.s32 $0x1BF5;
	[smem:$0x3FA1] =	sst s0  }
0x18: {  	s0 =	sld [smem:$0x3F84];
	_ =	swait.ge [sflag:s4], $0x0  }
0x19: {  	s7 =	sld [smem:$0x3F85]  }
0x1a: {  	s8 =	sadd.s32 $0xFFFFE003, lr  }
0x1b: {  	s9 =	sadd.s32 $0xFFFFFEF7, lr;
	s5 =	simm.s32 $0xFFFFFFFF;
	p2 =	slt.u32 s8, $0xFFFFF086  }
0x1c: {  	p1 =	slt.u32 s9, $0xF7A;
	s5 =	simm.s32 @!p2 $0x0  }
0x1d: {  	s5 =	simm.s32 @p1 $0x1;
	p0 =	seq.s32 s7, s2  }
0x1e: {  	s7 =	smul.u32 @!p0 $0xF7A, s2;
	p2 =	seq.s32 @!p0 s5, $0x0  }
0x1f: {  	s9 =	smul.u32 $0xF7A, s1;
	s8 =	simm.s32 @!p0 $0x1BF5;
	p2 =	por !p2, p0  }
0x20: {  	[sflag:s8] =	ssyncset.s32 @!p0 $0xFFFFF086;
	s6 =	sadd.s32 @!p0 s3, s7;
	s7 =	simm.s32 @!p0 $0x108  }
0x21: {  	s3 =	sadd.s32 s3, s9;
	s6 =	sadd.s32 @!p0 $0x88, s6;
	s7 =	simm.s32 @p2 $0x1082  }
0x22: {  	[simem:s7], [sflag:s8] =	dma.local @!p0 [hbm:s6], $0xF7A  }
0x23: {  	s9 =	sor.u32 $0xD0000000, s2;
	s6 =	simm.s32 $0x108;
	_ =	swait.ge @!p0 [sflag:s8], $0x0  }
0x24: {  	s3 =	sadd.s32 $0x88, s3;
	s6 =	simm.s32 @!p1 $0x1082;
	[sflag:s4] =	ssyncset.s32 $0xFFFFF086  }
0x25: {  	[simem:s6], [sflag:s4] =	dma.local [hbm:s3], $0xF7A  }
0x26: {  	[smem:$0x3F85] =	sst s1;
	(tag) =	ssettag s2;
	_ =	strace s9  }
0x27: {  	s1 =	sld [smem:$0x3F95]  }
0x28: {  	s2 =	sld [smem:$0x3F96]  }
0x29: {  	s4 =	sld [smem:$0x3F98]  }
0x2a: {  	p0 =	seq.s32 s5, $0x0;
	s5 =	sld [smem:$0x3F99]  }
0x2b: {  	s6 =	sld [smem:$0x3F9A]  }
0x2c: {  	s7 =	sld [smem:$0x3F9B]  }
0x2d: {  	s3 =	simm.s32 $0x108;
	s8 =	sld [smem:$0x3F9C]  }
0x2e: {  	s3 =	simm.s32 @!p0 $0x1082;
	s9 =	sld [smem:$0x3F9D]  }
0x2f: {  	lr =	sadd.s32 s0, s3;
	s0 =	sld [smem:$0x3F94]  }
0x30: {  	s3 =	sld [smem:$0x3F97]  }
0x31: {  	[smem:$0x3FA0] =	sst s10  }
0x32: {  	s10 =	sld [smem:$0x3F9E];
	_ =	sdelay $0x3  }
0x33: {  	p0 =	seq.s32 s10, $0x1;
	s10 =	sld [smem:$0x3FA0];
	_ =	sdelay $0x3  }
0x34: {  	[smem:$0x3FA0] =	sst s10  }
0x35: {  	s10 =	sld [smem:$0x3F9F];
	_ =	sdelay $0x3  }
0x36: {  	p1 =	seq.s32 s10, $0x1;
	s10 =	sld [smem:$0x3FA0];
	_ =	sdelay $0x3  }
0x37: {  	[smem:$0x3FA0] =	sst s10  }
0x38: {  	s10 =	sld [smem:$0x3FA1]  }
0x39: {  	_ = 	snop;
	(pc) =	sbr.ind lr, $3  }
0x3a: {  	_ = 	snop  }
0x3b: {  	_ = 	snop  }
0x3c: {  	p2 =	seq.s32 s10, $0x1;
	s10 =	sld [smem:$0x3FA0]  }
0x3d: {  	_ =	shalt  }
0x3e: {  	_ =	shalt  }
0x3f: {  	_ =	shalt  }
0x40: {  	_ =	shalt  }
0x41: {  	_ =	shalt  }
0x42: {  	_ =	shalt  }
0x43: {  	_ =	shalt  }
0x44: {  	_ =	shalt  }
0x45: {  	_ =	shalt  }
0x46: {  	_ =	shalt  }
0x47: {  	_ =	shalt  }
0x48: {  	_ =	shalt  }
0x49: {  	_ =	shalt  }
0x4a: {  	_ =	shalt  }
0x4b: {  	_ =	shalt  }
0x4c: {  	_ =	shalt  }
0x4d: {  	_ =	shalt  }
0x4e: {  	_ =	shalt  }
0x4f: {  	_ =	shalt  }
0x50: {  	_ =	shalt  }
0x51: {  	_ =	shalt  }
0x52: {  	_ =	shalt  }
0x53: {  	_ =	shalt  }
0x54: {  	_ =	shalt  }
0x55: {  	_ =	shalt  }
0x56: {  	_ =	shalt  }
0x57: {  	_ =	shalt  }
0x58: {  	_ =	shalt  }
0x59: {  	_ =	shalt  }
0x5a: {  	_ =	shalt  }
0x5b: {  	_ =	shalt  }
0x5c: {  	_ =	shalt  }
0x5d: {  	_ =	shalt  }
0x5e: {  	_ =	shalt  }
0x5f: {  	_ =	shalt  }
0x60: {  	_ =	shalt  }
0x61: {  	_ =	shalt  }
0x62: {  	_ =	shalt  }
0x63: {  	_ =	shalt  }
0x64: {  	_ =	shalt  }
0x65: {  	_ =	shalt  }
0x66: {  	_ =	shalt  }
0x67: {  	_ =	shalt  }
0x68: {  	_ =	shalt  }
0x69: {  	_ =	shalt  }
0x6a: {  	_ =	shalt  }
0x6b: {  	_ =	shalt  }
0x6c: {  	_ =	shalt  }
0x6d: {  	_ =	shalt  }
0x6e: {  	_ =	shalt  }
0x6f: {  	_ =	shalt  }
0x70: {  	_ =	shalt  }
0x71: {  	_ =	shalt  }
0x72: {  	_ =	shalt  }
0x73: {  	_ =	shalt  }
0x74: {  	_ =	shalt  }
0x75: {  	_ =	shalt  }
0x76: {  	_ =	shalt  }
0x77: {  	_ =	shalt  }
0x78: {  	_ =	shalt  }
0x79: {  	_ =	shalt  }
0x7a: {  	_ =	shalt  }
0x7b: {  	_ =	shalt  }
0x7c: {  	_ =	shalt  }
0x7d: {  	_ =	shalt  }
0x7e: {  	_ =	shalt  }
0x7f: {  	_ =	shalt  }
0x80: {  	_ =	shalt  }
0x81: {  	_ =	shalt  }
0x82: {  	_ =	shalt  }
0x83: {  	_ =	shalt  }
0x84: {  	_ =	shalt  }
0x85: {  	_ =	shalt  }
0x86: {  	_ =	shalt  }
0x87: {  	_ =	shalt  }
.Lfunc_end0:
.L_simem_size_0:
called_computation.2_lowered:
.L_overlay_start_0:
0x88: {  	s2 =	sld [smem:$0x3FD9]  }
0x89: {  	s3 =	sld [smem:$0x3FFE];
	_ =	sdelay $0x1  }
0x8a: {  	s1 =	srdreg.scid  }
0x8b: {  	s0 =	sand.u32 $0x1, s1  }
0x8c: {  	s17 =	sshll.u32 s0, $0xA;
	s2 =	sadd.s32 s3, s2  }
0x8d: {  	s2 =	sadd.s32 s2, s17  }
0x8e: {  	[smem:$0x3FAC] =	sst s2  }
0x8f: {  	_ = 	snop  }
0x90: {  	s2 =	sld [smem:$0x3FD0];
	(tm) =	ssettm $0x1  }
0x91: {  	s18 =	sld [smem:$0x3FFB];
	_ =	sdelay $0x3  }
0x92: {  	_ =	strace s18  }
0x93: {  	s3 =	sld [smem:$0x3FFC];
	_ =	sdelay $0x3  }
0x94: {  	_ =	strace s3  }
0x95: {  	s3 =	sld [smem:$0x3FFD];
	_ =	sdelay $0x3  }
0x96: {  	_ =	strace s3  }
0x97: {  	_ =	strace $0x8FFFFFFF  }
0x98: {  	s19 =	sld [smem:$0x3FDB];
	_ =	sdelay $0x1  }
0x99: {  	s4 =	simm.s32 $_scs_section_size  }
0x9a: {  	s5 =	simm.s32 $_size__tile_overlayer_lowered;
	s6 =	simm.s32 $_tile_overlayer_lowered  }
0x9b: {  	s22 =	simm.s32 $0x1BFF;
	s21 =	sshll.u32 s6, $0x1;
	s3 =	sadd.s32 s4, s19  }
0x9c: {  	s7 =	simm.s32 $0x0;
	s20 =	sshll.u32 s5, $0x1;
	s5 =	sadd.s32 s21, s3  }
0x9d: {  	[timem:s7], [sflag:s22] =	dma.local [hbm:s5], s20  }
0x9e: {  	_ =	swait.ge [sflag:s22], s20  }
0x9f: {  	s4 =	ssub.s32 $0x0, s20;
	[sflag:s22] =	ssyncset.done $0x0  }
0xa0: {  	[sflag:s22] =	ssyncadd.s32 s4;
	_ =	sdelay $0x1  }
0xa1: {  	s23 =	simm.s32 $0x1B8B  }
0xa2: {  	_ =	swait.ge [sflag:s23], $0x1  }
0xa3: {  	[sflag:s23] =	ssyncset.done $0x0  }
0xa4: {  	s25 =	simm.s32 $0x1B8E;
	s24 =	sld [smem:$0x3FFE];
	[sflag:s23] =	ssyncadd.s32 $0xFFFFFFFF  }
0xa5: {  	s26 =	simm.s32 $execute0_lowered;
	[smem:$0x3FD2] =	sst s25  }
0xa6: {  	s5 =	sshll.u32 s26, $0x1;
	_ =	strace $0x8000004C;
	[dreg:$0x1] =	wrdreg $0xFFFFFFFF  }
0xa7: {  	s28 =	simm.s32 $_size_execute0_lowered;
	s3 =	sadd.s32 s3, s5;
	[dreg:$0x0] =	wrdreg $0x0  }
0xa8: {  	s5 =	sshll.u32 s28, $0x1;
	[dreg:$0x2] =	wrdreg s3  }
0xa9: {  	[dreg:$0x3] =	wrdreg s5  }
0xaa: {  	[dreg:$0x4] =	wrdreg $0xC0  }
0xab: {  	_ =	task [dreg:s7], $0x5FFFF  }
0xac: {  	[dreg:$0x1] =	wrdreg $0xFFFFFFFF  }
0xad: {  	[dreg:$0x0] =	wrdreg $0x60  }
0xae: {  	[dreg:$0x2] =	wrdreg s2  }
0xaf: {  	[dreg:$0x3] =	wrdreg s24  }
0xb0: {  	[dreg:$0x4] =	wrdreg $0x0  }
0xb1: {  	[dreg:$0x5] =	wrdreg $0x9  }
0xb2: {  	_ =	task.clear_ibuf [dreg:s7], $0x6FFFF;
	_ =	strace $0x9000004C  }
0xb3: {  	s29 =	simm.s32 $0x9;
	_ =	strace $0x8000004E  }
0xb4: {  	_ =	swait.ge [sflag:s29], $0x1  }
0xb5: {  	[sflag:s29] =	ssyncadd.s32 $0xFFFFFFFF  }
0xb6: {  	_ =	strace $0x9000004E  }
0xb7: {  	_ =	sfence  }
0xb8: {  	s30 =	sld [smem:$0x0];
	_ =	sdelay $0x2  }
0xb9: {  	s31 =	sshll.u32 s1, $0xD;
	s1 =	sshrl.u32 s1, $0x2  }
0xba: {  	s3 =	sand.u32 $0x4000, s31;
	s1 =	sadd.s32 s1, s30  }
0xbb: {  	s0 =	sor.u32 s3, s0;
	s1 =	sshll.u32 s1, $0x11  }
0xbc: {  	s0 =	sor.u32 s1, s0  }
0xbd: {  	s0 =	sadd.s32 $0x8F2B, s0  }
0xbe: {  	[sflag:s0] =	ssyncadd.remote.s32 $0x1  }
0xbf: {  	_ =	sfence.sel $0xFFFF  }
0xc0: {  	[dreg:$0x0] =	wrdreg $0xFFFFFFFF;
	(pc) =	sbr.abs _section_cstart, $3  }
0xc1: {  	[dreg:$0x1] =	wrdreg $0xFFFFFFFF  }
0xc2: {  	_ =	task.clear_ibuf [dreg:s7], $0x2FFFF;
	_ =	strace $0x9FFFFFFF  }
0xc3: {  	(tm) =	ssettm $0x7FFFFFFF  }
tec
execute0_lowered:
.L_overlay_start_1:
0x0: {  	(tag) =	ssettag $0x1  }
0x1: {  	s1 =	rddreg [dreg:$0x0]  }
0x2: {  	s0 =	rddreg [dreg:$0x1]  }
0x3: {  	s2 =	rddreg [dreg:$0x2];
	s3 =	simm.s32 $0x0;
	s4 =	srdreg.scid  }
0x4: {  	s10 =	stileid.u32;
	s28 =	simm.s32 $0x2;
	s29 =	simm.s32 $0x1C900  }
0x5: {  	s30 =	simm.s32 $0x20;
	s31 =	simm.s32 $0x0;
	[smem:$0x7FF] =	sst s3  }
0x6: {  	s6 =	sadd.s32 $0x4E00, s0;
	s9 =	sadd.s32 $0x18800, s0;
	s7 =	sand.u32 $0x1, s4  }
0x7: {  	s4 =	sadd.s32 $0x7A400, s0;
	s8 =	smul.u32 $0x4E000, s10;
	s0 =	sadd.s32 $0x7AC00, s0  }
0x8: {  	s12 =	sshll.u32 s10, $0x1;
	s26 =	sshll.u32 s10, $0x6;
	s15 =	smul.u32 $0x13800, s10  }
0x9: {  	s21 =	smul.u32 $0x9C40, s10;
	s20 =	sadd.s32 $0x138000, s2;
	p0 =	sne.s32 s10, $0x0  }
0xa: {  	_ =	strace $0x8000004D;
	s5 =	ssub.s32 $0x2, s7;
	s14 =	smul.u32 $0x138800, s7  }
0xb: {  	s25 =	sor.u32 s7, s12;
	[dreg:$0x4] =	wrdreg s20;
	s22 =	smul.u32 $0x4E20, s7  }
0xc: {  	s20 =	simm.s32 $0x13880;
	s11 =	sshrl.u32 s5, $0x1;
	s8 =	sshrl.u32 s8, $0x2  }
0xd: {  	s13 =	smul.u32 $0x4E20, s25;
	s11 =	ssub.s32 s5, s11;
	s12 =	sadd.s32 s8, s2  }
0xe: {  	s5 =	sor.u32 $0x1C03, s26;
	s15 =	sadd.s32 s15, s14;
	s14 =	sshrl.u32 s14, $0x3  }
0xf: {  	s16 =	sadd.s32 $0x4000, s12;
	s17 =	sadd.s32 $0x8000, s12;
	s18 =	sadd.s32 $0xC000, s12  }
0x10: {  	s19 =	sadd.s32 $0x10000, s12;
	s13 =	sshrl.u32 s13, $0x3;
	s15 =	sshrl.u32 s15, $0x3  }
0x11: {  	s23 =	smax.u32 s11, $0x1;
	s8 =	sadd.s32 $0x900, s13;
	s13 =	sadd.s32 s22, s21  }
0x12: {  	s15 =	sadd.s32 s0, s15;
	s0 =	sadd.s32 s0, s14;
	[dreg:$0x7] =	wrdreg s23  }
0x13: {  	s14 =	sshrl.u32 s12, $0x3;
	s26 =	sshrl.u32 s16, $0x3;
	s17 =	sshrl.u32 s17, $0x3  }
0x14: {  	s18 =	sshrl.u32 s18, $0x3;
	s19 =	sshrl.u32 s19, $0x3;
	s21 =	simm.s32 $0x14080  }
0x15: {  	s22 =	simm.s32 $0x80;
	s23 =	simm.s32 $0x14880;
	s7 =	sadd.s32 s6, s8  }
.Ltmp0:
0x16: {  	s8 =	sadd.s32 s9, s8;
	[dreg:$0x5] =	wrdreg s15;
	(pc) =	sbr.rel .LBB2_1-.Ltmp0, $4  }
0x17: {  	s13 =	sshrl.u32 s13, $0x3;
	s0 =	sadd.s32 $0x27000, s0;
	[dreg:$0xa] =	wrdreg s26  }
0x18: {  	s15 =	simm.s32 $0x3;
	[dreg:$0x6] =	wrdreg s0;
	s24 =	sadd.s32 s13, s9  }
0x19: {  	s26 =	simm.s32 $0x1C880;
	s25 =	sadd.s32 s13, s6;
	[dreg:$0x8] =	wrdreg s24  }
0x1a: {  	[dreg:$0x9] =	wrdreg s25;
	s24 =	simm.s32 $0x18880;
	s25 =	simm.s32 $0x1  }
.LBB2_6:
0x1b: {  	v0 =	vld [tilespmem:$0x14680]  }
0x1c: {  	v1 =	vld [tilespmem:$0x14690];
	_ =	sdelay $0x3  }
0x1d: {  	[tilespmem:$0x1C980] =	vst v0  }
0x1e: {  	s6 =	simm.s32 $0x13E80;
	[tilespmem:$0x1C990] =	vst v1  }
0x1f: {  	[tilespmem:s23], [sflag:$0x1] =	stream.indirect.gather [hbm4b:s1+s30], $0x80, s6, s30, $0xb8;
	[tilespmem:$0x1CA00] =	vst v63  }
0x20: {  	_ =	swait.ge [sflag:s25], $0x1000  }
0x21: {  	[sflag:s25] =	ssyncset.done $0x0  }
0x22: {  	s12 =	simm.s32 $0x1C980;
	[sflag:s25] =	ssyncadd.s32 $0xFFFFF000  }
0x23: {  	[spmem:s2] =	stream.indirect.scatter.add.f32 [tilespmem:s23], [sflag:$0x3], $0x80, s12, s30, $0xb8;
	[tilespmem:$0x1CA00] =	vst v63  }
0x24: {  	_ =	swait.ge [sflag:s15], $0x1000  }
0x25: {  	[sflag:s15] =	ssyncset.done $0x0  }
0x26: {  	[sflag:s15] =	ssyncadd.s32 $0xFFFFF000  }
0x27: {  	[bflag:$0x0] =	sbarrier.arrive $0xFFFF  }
0x28: {  	s13 =	rddreg [dreg:$0x5]  }
0x29: {  	[hbm:s13], [sflag:s5] =	dma.local [spmem:s14], $0x2700  }
0x2a: {  	_ =	swait.ge [sflag:s15], $0x2700  }
0x2b: {  	[sflag:s15] =	ssyncset.done $0x0  }
0x2c: {  	s6 =	rddreg [dreg:$0x6];
	[sflag:s15] =	ssyncadd.s32 $0xFFFFD900  }
0x2d: {  	[hbm:s6], [sflag:s5] =	dma.local @!p0 [spmem:s0], $0x100  }
0x2e: {  	s0 =	simm.s32 @!p0 $0x3  }
0x2f: {  	_ =	swait.ge @!p0 [sflag:s0], $0x100  }
0x30: {  	s31 =	sadd.s32 $0x1, s31;
	s16 =	rddreg [dreg:$0x7]  }
0x31: {  	p1 =	sne.s32 s31, s16  }
.Ltmp1:
0x32: {  	_ = 	snop;
	(pc) =	sbr.rel @!p1 .LBB2_7-.Ltmp1, $3  }
0x33: {  	_ =	sdelay $0x1  }
0x34: {  	[sflag:s0] =	ssyncset.done @!p0 $0x0  }
0x35: {  	[sflag:s0] =	ssyncadd.s32 @!p0 $0xFFFFFF00  }
.LBB2_1:
0x36: {  	[spmem:s14], [sflag:s5] =	dma.local [hbm:s4], $0x800  }
0x37: {  	_ =	swait.ge [sflag:s15], $0x800  }
0x38: {  	[sflag:s15] =	ssyncset.done $0x0  }
0x39: {  	s0 =	rddreg [dreg:$0xa];
	[sflag:s15] =	ssyncadd.s32 $0xFFFFF800  }
0x3a: {  	[spmem:s0], [sflag:s5] =	dma.local [hbm:s4], $0x800  }
0x3b: {  	_ =	swait.ge [sflag:s15], $0x800  }
0x3c: {  	[sflag:s15] =	ssyncset.done $0x0  }
0x3d: {  	[sflag:s15] =	ssyncadd.s32 $0xFFFFF800  }
0x3e: {  	[spmem:s17], [sflag:s5] =	dma.local [hbm:s4], $0x800  }
0x3f: {  	_ =	swait.ge [sflag:s15], $0x800  }
0x40: {  	[sflag:s15] =	ssyncset.done $0x0  }
0x41: {  	[sflag:s15] =	ssyncadd.s32 $0xFFFFF800  }
0x42: {  	[spmem:s18], [sflag:s5] =	dma.local [hbm:s4], $0x800  }
0x43: {  	_ =	swait.ge [sflag:s15], $0x800  }
0x44: {  	[sflag:s15] =	ssyncset.done $0x0  }
0x45: {  	[sflag:s15] =	ssyncadd.s32 $0xFFFFF800  }
0x46: {  	[spmem:s19], [sflag:s5] =	dma.local [hbm:s4], $0x700  }
0x47: {  	_ =	swait.ge [sflag:s15], $0x700  }
0x48: {  	[sflag:s15] =	ssyncset.done $0x0;
	s0 =	rddreg [dreg:$0x4]  }
0x49: {  	s10 =	simm.s32 @!p0 $0x3;
	[sflag:s15] =	ssyncadd.s32 $0xFFFFF900;
	s0 =	sshrl.u32 @!p0 s0, $0x3  }
0x4a: {  	[spmem:s0], [sflag:s5] =	dma.local @!p0 [hbm:s4], $0x100  }
0x4b: {  	_ =	swait.ge @!p0 [sflag:s10], $0x100  }
.Ltmp2:
0x4c: {  	[sflag:s10] =	ssyncset.done @!p0 $0x0;
	(pc) =	sbr.rel .LBB2_2-.Ltmp2, $4  }
0x4d: {  	[sflag:s10] =	ssyncadd.s32 @!p0 $0xFFFFFF00  }
0x4e: {  	[bflag:$0x0] =	sbarrier.arrive $0xFFFF  }
0x4f: {  	s13 =	rddreg [dreg:$0x9]  }
0x50: {  	s10 =	simm.s32 $0x0;
	s12 =	rddreg [dreg:$0x8]  }
.LBB2_4:
0x51: {  	p1 =	sne.s32 s10, $0x48  }
0x52: {  	s9 =	simm.s32 @!p1 $0x0;
	s6 =	simm.s32 @!p1 $0x13880  }
0x53: {  	[tilespmem:s6], [sflag:$0x3] =	stream.linear.gather @!p1 [hbm4b:s7+s9], $0x620, $0x38;
	[tilespmem:$0x1CA00] =	vst v63  }
0x54: {  	s6 =	simm.s32 @!p1 $0x3  }
0x55: {  	_ =	swait.ge @!p1 [sflag:s6], $0x620  }
0x56: {  	[sflag:s6] =	ssyncset.done @!p1 $0x0  }
0x57: {  	s16 =	simm.s32 @!p1 $0x14080;
	[sflag:s6] =	ssyncadd.s32 @!p1 $0xFFFFF9E0  }
0x58: {  	[tilespmem:s16], [sflag:$0x3] =	stream.linear.gather @!p1 [hbm4b:s8+s9], $0x620, $0x38;
	[tilespmem:$0x1CA00] =	vst v63  }
0x59: {  	_ =	swait.ge @!p1 [sflag:s6], $0x620  }
0x5a: {  	[sflag:s6] =	ssyncset.done @!p1 $0x0  }
0x5b: {  	[sflag:s6] =	ssyncadd.s32 @!p1 $0xFFFFF9E0  }
.LBB2_5:
0x5c: {  	s6 =	sshll.u32 s11, $0x8  }
0x5d: {  	v0 =	vld [tilespmem:s6+$0x14080];
	_ =	sdelay $0x4  }
0x5e: {  	[tilespmem:$0x1C880] =	vst v0  }
0x5f: {  	v0 =	vld [tilespmem:s6+$0x14090];
	_ =	sdelay $0x4  }
0x60: {  	[tilespmem:$0x1C890] =	vst v0  }
0x61: {  	v0 =	vld [tilespmem:s6+$0x140A0];
	_ =	sdelay $0x4  }
0x62: {  	[tilespmem:$0x1C8A0] =	vst v0  }
0x63: {  	v0 =	vld [tilespmem:s6+$0x140B0];
	_ =	sdelay $0x4  }
0x64: {  	[tilespmem:$0x1C8B0] =	vst v0  }
0x65: {  	v0 =	vld [tilespmem:s6+$0x140C0];
	_ =	sdelay $0x4  }
0x66: {  	[tilespmem:$0x1C8C0] =	vst v0  }
0x67: {  	v0 =	vld [tilespmem:s6+$0x140D0];
	_ =	sdelay $0x4  }
0x68: {  	[tilespmem:$0x1C8D0] =	vst v0  }
0x69: {  	v0 =	vld [tilespmem:s6+$0x140E0];
	_ =	sdelay $0x4  }
0x6a: {  	[tilespmem:$0x1C8E0] =	vst v0  }
0x6b: {  	v0 =	vld [tilespmem:s6+$0x140F0];
	_ =	sdelay $0x4  }
0x6c: {  	s9 =	sor.u32 $0x13880, s6;
	[tilespmem:$0x1C8F0] =	vst v0  }
0x6d: {  	[tilespmem:s23], [sflag:$0x1] =	stream.indirect.gather [hbm4b:s1+s22], $0x80, s9, s22, $0xb8;
	[tilespmem:$0x1CA00] =	vst v63  }
0x6e: {  	v0 =	vld [tilespmem:s6+$0x14100];
	_ =	sdelay $0x4  }
0x6f: {  	[tilespmem:$0x1C900] =	vst v0  }
0x70: {  	v0 =	vld [tilespmem:s6+$0x14110];
	_ =	sdelay $0x4  }
0x71: {  	[tilespmem:$0x1C910] =	vst v0  }
0x72: {  	v0 =	vld [tilespmem:s6+$0x14120];
	_ =	sdelay $0x4  }
0x73: {  	[tilespmem:$0x1C920] =	vst v0  }
0x74: {  	v0 =	vld [tilespmem:s6+$0x14130];
	_ =	sdelay $0x4  }
0x75: {  	[tilespmem:$0x1C930] =	vst v0  }
0x76: {  	v0 =	vld [tilespmem:s6+$0x14140];
	_ =	sdelay $0x4  }
0x77: {  	[tilespmem:$0x1C940] =	vst v0  }
0x78: {  	v0 =	vld [tilespmem:s6+$0x14150];
	_ =	sdelay $0x4  }
0x79: {  	[tilespmem:$0x1C950] =	vst v0  }
0x7a: {  	v0 =	vld [tilespmem:s6+$0x14160];
	_ =	sdelay $0x4  }
0x7b: {  	[tilespmem:$0x1C960] =	vst v0  }
0x7c: {  	v0 =	vld [tilespmem:s6+$0x14170];
	_ =	sdelay $0x4  }
0x7d: {  	s6 =	sadd.s32 $0x13900, s6;
	[tilespmem:$0x1C970] =	vst v0  }
0x7e: {  	[tilespmem:s24], [sflag:$0x2] =	stream.indirect.gather [hbm4b:s1+s22], $0x80, s6, s22, $0xb8;
	[tilespmem:$0x1CA00] =	vst v63  }
0x7f: {  	_ =	swait.ge [sflag:s25], $0x4000  }
0x80: {  	[sflag:s25] =	ssyncset.done $0x0  }
0x81: {  	[sflag:s25] =	ssyncadd.s32 $0xFFFFC000  }
0x82: {  	[spmem:s2] =	stream.indirect.scatter.add.f32 [tilespmem:s23], [sflag:$0x1], $0x80, s26, s22, $0xb8;
	[tilespmem:$0x1CA00] =	vst v63  }
0x83: {  	_ =	swait.ge [sflag:s28], $0x4000  }
0x84: {  	[sflag:s28] =	ssyncset.done $0x0  }
0x85: {  	s10 =	sadd.s32 $0x1, s10;
	[sflag:s28] =	ssyncadd.s32 $0xFFFFC000  }
0x86: {  	[spmem:s2] =	stream.indirect.scatter.add.f32 [tilespmem:s24], [sflag:$0x2], $0x80, s29, s22, $0xb8;
	[tilespmem:$0x1CA00] =	vst v63  }
0x87: {  	p1 =	sne.s32 s10, $0x4E;
	_ =	swait.ge [sflag:s25], $0x4000  }
.Ltmp3:
0x88: {  	[sflag:s25] =	ssyncset.done $0x0;
	(pc) =	sbr.rel @!p1 .LBB2_6-.Ltmp3, $4  }
0x89: {  	[sflag:s25] =	ssyncadd.s32 $0xFFFFC000  }
0x8a: {  	_ =	swait.ge [sflag:s28], $0x4000  }
0x8b: {  	[sflag:s28] =	ssyncset.done $0x0  }
0x8c: {  	s12 =	sadd.s32 $0x20, s12;
	s13 =	sadd.s32 $0x20, s13;
	[sflag:s28] =	ssyncadd.s32 $0xFFFFC000  }
.LBB2_2:
0x8d: {  	s11 =	sand.u32 $0x7, s10;
	p1 =	sgt.u32 s10, $0x47  }
0x8e: {  	p2 =	sne.s32 @!p1 s11, $0x0  }
0x8f: {  	p1 =	por p1, p2  }
.Ltmp4:
0x90: {  	_ = 	snop;
	(pc) =	sbr.rel @p1 .LBB2_4-.Ltmp4, $1  }
0x91: {  	_ =	sdelay $0x3  }
0x92: {  	[tilespmem:s20], [sflag:$0x3] =	stream.linear.gather [hbm4b:s13+s3], $0x800, $0x38;
	[tilespmem:$0x1CA00] =	vst v63  }
0x93: {  	_ =	swait.ge [sflag:s15], $0x800  }
0x94: {  	[sflag:s15] =	ssyncset.done $0x0  }
.Ltmp5:
0x95: {  	[sflag:s15] =	ssyncadd.s32 $0xFFFFF800;
	(pc) =	sbr.rel .LBB2_5-.Ltmp5, $4  }
0x96: {  	[tilespmem:s21], [sflag:$0x3] =	stream.linear.gather [hbm4b:s12+s3], $0x800, $0x38;
	[tilespmem:$0x1CA00] =	vst v63  }
0x97: {  	_ =	swait.ge [sflag:s15], $0x800  }
0x98: {  	[sflag:s15] =	ssyncset.done $0x0  }
0x99: {  	[sflag:s15] =	ssyncadd.s32 $0xFFFFF800  }
.LBB2_7:
0x9a: {  	_ =	sfence.sel $0x180000  }
0x9b: {  	[bflag:$0x0] =	sbarrier.arrive $0xFFFF  }
0x9c: {  	_ =	strace $0x9000004D  }
0x9d: {  	[bflag:$0x2] =	sbarrier.arrive $0xFFFF  }
0x9e: {  	s0 =	rddreg [dreg:$0x3]  }
0x9f: {  	s0 =	sadd.s32 @!p0 $0x100000, s0  }
0xa0: {  	[sflag:s0] =	ssyncadd.tile.s32 @!p0 $0x1;
	_ =	shalt  }
.Lfunc_end2:
_tile_overlayer_lowered:
.L_overlay_start_2:
0xa1: {  	(tag) =	ssettag $0x2  }
0xa2: {  	s0 =	rddreg [dreg:$0x0];
	s2 =	stileid.u32  }
0xa3: {  	s1 =	rddreg [dreg:$0x1];
	p0 =	sne.s32 s2, $0x0  }
0xa4: {  	s3 =	rddreg [dreg:$0x2];
	[bflag:$0x3] =	sbarrier.arrive $0xFFFF;
	s2 =	simm.s32 @!p0 $0x1C03  }
0xa5: {  	[timem:s3], [sflag:s2] =	dma.local @!p0 [hbm:s0], s1  }
0xa6: {  	s0 =	simm.s32 @!p0 $0x3  }
0xa7: {  	_ =	swait.ge @!p0 [sflag:s0], s1  }
0xa8: {  	s1 =	ssub.s32 @!p0 $0x0, s1;
	[sflag:s0] =	ssyncset.done @!p0 $0x0  }
0xa9: {  	[sflag:s0] =	ssyncadd.s32 @!p0 s1  }
0xaa: {  	[bflag:$0x3] =	sbarrier.arrive $0xFFFF  }
0xab: {  	_ =	shalt  }

// kernel: kernel.22.cloned.1.call-start
scs
__scs_entry_jumppad:
0x0: {  	(pc) =	sbr.rel $0x88, $3  }
0x1: {  	(tag) =	ssettag $0x0;
	lr =	simm.s32 $0x1  }
0x2: {  	[smem:$0x3F85] =	sst lr;
	_ =	strace $0xD0000000  }
0x3: {  	_ = 	snop  }
0x4: {  	_ = 	snop  }
0x5: {  	_ = 	snop  }
0x6: {  	_ = 	snop  }
0x7: {  	_ = 	snop  }
__scs_overlays_trampoline_lowered:
0x8: {  	[smem:$0x3F94] =	sst s0  }
0x9: {  	[smem:$0x3F95] =	sst s1  }
0xa: {  	[smem:$0x3F96] =	sst s2  }
0xb: {  	[smem:$0x3F97] =	sst s3  }
0xc: {  	[smem:$0x3F98] =	sst s4  }
0xd: {  	[smem:$0x3F99] =	sst s5  }
0xe: {  	[smem:$0x3F9A] =	sst s6  }
0xf: {  	[smem:$0x3F9B] =	sst s7  }
0x10: {  	[smem:$0x3F9C] =	sst s8  }
0x11: {  	[smem:$0x3F9D] =	sst s9;
	s0 =	simm.s32 @!p0 $0x0  }
0x12: {  	s1 =	sld [smem:$0x3F83];
	s0 =	simm.s32 @p0 $0x1  }
0x13: {  	[smem:$0x3F9E] =	sst s0;
	s0 =	simm.s32 @!p1 $0x0  }
0x14: {  	s2 =	sld [smem:$0x3F82];
	s0 =	simm.s32 @p1 $0x1  }
0x15: {  	[smem:$0x3F9F] =	sst s0;
	s0 =	simm.s32 @!p2 $0x0  }
0x16: {  	s3 =	sld [smem:$0x3FDB];
	s0 =	simm.s32 @p2 $0x1  }
0x17: {  	s4 =	simm.s32 $0x1BF5;
	[smem:$0x3FA1] =	sst s0  }
0x18: {  	s0 =	sld [smem:$0x3F84];
	_ =	swait.ge [sflag:s4], $0x0  }
0x19: {  	s7 =	sld [smem:$0x3F85]  }
0x1a: {  	s8 =	sadd.s32 $0xFFFFE003, lr  }
0x1b: {  	s9 =	sadd.s32 $0xFFFFFEF7, lr;
	s5 =	simm.s32 $0xFFFFFFFF;
	p2 =	slt.u32 s8, $0xFFFFF086  }
0x1c: {  	p1 =	slt.u32 s9, $0xF7A;
	s5 =	simm.s32 @!p2 $0x0  }
0x1d: {  	s5 =	simm.s32 @p1 $0x1;
	p0 =	seq.s32 s7, s2  }
0x1e: {  	s7 =	smul.u32 @!p0 $0xF7A, s2;
	p2 =	seq.s32 @!p0 s5, $0x0  }
0x1f: {  	s9 =	smul.u32 $0xF7A, s1;
	s8 =	simm.s32 @!p0 $0x1BF5;
	p2 =	por !p2, p0  }
0x20: {  	[sflag:s8] =	ssyncset.s32 @!p0 $0xFFFFF086;
	s6 =	sadd.s32 @!p0 s3, s7;
	s7 =	simm.s32 @!p0 $0x108  }
0x21: {  	s3 =	sadd.s32 s3, s9;
	s6 =	sadd.s32 @!p0 $0x88, s6;
	s7 =	simm.s32 @p2 $0x1082  }
0x22: {  	[simem:s7], [sflag:s8] =	dma.local @!p0 [hbm:s6], $0xF7A  }
0x23: {  	s9 =	sor.u32 $0xD0000000, s2;
	s6 =	simm.s32 $0x108;
	_ =	swait.ge @!p0 [sflag:s8], $0x0  }
0x24: {  	s3 =	sadd.s32 $0x88, s3;
	s6 =	simm.s32 @!p1 $0x1082;
	[sflag:s4] =	ssyncset.s32 $0xFFFFF086  }
0x25: {  	[simem:s6], [sflag:s4] =	dma.local [hbm:s3], $0xF7A  }
0x26: {  	[smem:$0x3F85] =	sst s1;
	(tag) =	ssettag s2;
	_ =	strace s9  }
0x27: {  	s1 =	sld [smem:$0x3F95]  }
0x28: {  	s2 =	sld [smem:$0x3F96]  }
0x29: {  	s4 =	sld [smem:$0x3F98]  }
0x2a: {  	p0 =	seq.s32 s5, $0x0;
	s5 =	sld [smem:$0x3F99]  }
0x2b: {  	s6 =	sld [smem:$0x3F9A]  }
0x2c: {  	s7 =	sld [smem:$0x3F9B]  }
0x2d: {  	s3 =	simm.s32 $0x108;
	s8 =	sld [smem:$0x3F9C]  }
0x2e: {  	s3 =	simm.s32 @!p0 $0x1082;
	s9 =	sld [smem:$0x3F9D]  }
0x2f: {  	lr =	sadd.s32 s0, s3;
	s0 =	sld [smem:$0x3F94]  }
0x30: {  	s3 =	sld [smem:$0x3F97]  }
0x31: {  	[smem:$0x3FA0] =	sst s10  }
0x32: {  	s10 =	sld [smem:$0x3F9E];
	_ =	sdelay $0x3  }
0x33: {  	p0 =	seq.s32 s10, $0x1;
	s10 =	sld [smem:$0x3FA0];
	_ =	sdelay $0x3  }
0x34: {  	[smem:$0x3FA0] =	sst s10  }
0x35: {  	s10 =	sld [smem:$0x3F9F];
	_ =	sdelay $0x3  }
0x36: {  	p1 =	seq.s32 s10, $0x1;
	s10 =	sld [smem:$0x3FA0];
	_ =	sdelay $0x3  }
0x37: {  	[smem:$0x3FA0] =	sst s10  }
0x38: {  	s10 =	sld [smem:$0x3FA1]  }
0x39: {  	_ = 	snop;
	(pc) =	sbr.ind lr, $3  }
0x3a: {  	_ = 	snop  }
0x3b: {  	_ = 	snop  }
0x3c: {  	p2 =	seq.s32 s10, $0x1;
	s10 =	sld [smem:$0x3FA0]  }
0x3d: {  	_ =	shalt  }
0x3e: {  	_ =	shalt  }
0x3f: {  	_ =	shalt  }
0x40: {  	_ =	shalt  }
0x41: {  	_ =	shalt  }
0x42: {  	_ =	shalt  }
0x43: {  	_ =	shalt  }
0x44: {  	_ =	shalt  }
0x45: {  	_ =	shalt  }
0x46: {  	_ =	shalt  }
0x47: {  	_ =	shalt  }
0x48: {  	_ =	shalt  }
0x49: {  	_ =	shalt  }
0x4a: {  	_ =	shalt  }
0x4b: {  	_ =	shalt  }
0x4c: {  	_ =	shalt  }
0x4d: {  	_ =	shalt  }
0x4e: {  	_ =	shalt  }
0x4f: {  	_ =	shalt  }
0x50: {  	_ =	shalt  }
0x51: {  	_ =	shalt  }
0x52: {  	_ =	shalt  }
0x53: {  	_ =	shalt  }
0x54: {  	_ =	shalt  }
0x55: {  	_ =	shalt  }
0x56: {  	_ =	shalt  }
0x57: {  	_ =	shalt  }
0x58: {  	_ =	shalt  }
0x59: {  	_ =	shalt  }
0x5a: {  	_ =	shalt  }
0x5b: {  	_ =	shalt  }
0x5c: {  	_ =	shalt  }
0x5d: {  	_ =	shalt  }
0x5e: {  	_ =	shalt  }
0x5f: {  	_ =	shalt  }
0x60: {  	_ =	shalt  }
0x61: {  	_ =	shalt  }
0x62: {  	_ =	shalt  }
0x63: {  	_ =	shalt  }
0x64: {  	_ =	shalt  }
0x65: {  	_ =	shalt  }
0x66: {  	_ =	shalt  }
0x67: {  	_ =	shalt  }
0x68: {  	_ =	shalt  }
0x69: {  	_ =	shalt  }
0x6a: {  	_ =	shalt  }
0x6b: {  	_ =	shalt  }
0x6c: {  	_ =	shalt  }
0x6d: {  	_ =	shalt  }
0x6e: {  	_ =	shalt  }
0x6f: {  	_ =	shalt  }
0x70: {  	_ =	shalt  }
0x71: {  	_ =	shalt  }
0x72: {  	_ =	shalt  }
0x73: {  	_ =	shalt  }
0x74: {  	_ =	shalt  }
0x75: {  	_ =	shalt  }
0x76: {  	_ =	shalt  }
0x77: {  	_ =	shalt  }
0x78: {  	_ =	shalt  }
0x79: {  	_ =	shalt  }
0x7a: {  	_ =	shalt  }
0x7b: {  	_ =	shalt  }
0x7c: {  	_ =	shalt  }
0x7d: {  	_ =	shalt  }
0x7e: {  	_ =	shalt  }
0x7f: {  	_ =	shalt  }
0x80: {  	_ =	shalt  }
0x81: {  	_ =	shalt  }
0x82: {  	_ =	shalt  }
0x83: {  	_ =	shalt  }
0x84: {  	_ =	shalt  }
0x85: {  	_ =	shalt  }
0x86: {  	_ =	shalt  }
0x87: {  	_ =	shalt  }
.Lfunc_end0:
.L_simem_size_0:
called_computation.3_lowered:
.L_overlay_start_0:
0x88: {  	s2 =	sld [smem:$0x3FD9]  }
0x89: {  	s3 =	sld [smem:$0x3FFE];
	_ =	sdelay $0x1  }
0x8a: {  	s1 =	srdreg.scid  }
0x8b: {  	s0 =	sand.u32 $0x1, s1  }
0x8c: {  	s17 =	sshll.u32 s0, $0xA;
	s2 =	sadd.s32 s3, s2  }
0x8d: {  	s2 =	sadd.s32 s2, s17  }
0x8e: {  	[smem:$0x3FAC] =	sst s2  }
0x8f: {  	_ = 	snop  }
0x90: {  	s2 =	sld [smem:$0x3FD0];
	(tm) =	ssettm $0x1  }
0x91: {  	s18 =	sld [smem:$0x3FFB];
	_ =	sdelay $0x3  }
0x92: {  	_ =	strace s18  }
0x93: {  	s3 =	sld [smem:$0x3FFC];
	_ =	sdelay $0x3  }
0x94: {  	_ =	strace s3  }
0x95: {  	s3 =	sld [smem:$0x3FFD];
	_ =	sdelay $0x3  }
0x96: {  	_ =	strace s3  }
0x97: {  	_ =	strace $0x8FFFFFFF  }
0x98: {  	s19 =	sld [smem:$0x3FDB];
	_ =	sdelay $0x1  }
0x99: {  	s4 =	simm.s32 $_scs_section_size  }
0x9a: {  	s5 =	simm.s32 $_size__tile_overlayer_lowered;
	s6 =	simm.s32 $_tile_overlayer_lowered  }
0x9b: {  	s22 =	simm.s32 $0x1BFF;
	s21 =	sshll.u32 s6, $0x1;
	s3 =	sadd.s32 s4, s19  }
0x9c: {  	s7 =	simm.s32 $0x0;
	s20 =	sshll.u32 s5, $0x1;
	s5 =	sadd.s32 s21, s3  }
0x9d: {  	[timem:s7], [sflag:s22] =	dma.local [hbm:s5], s20  }
0x9e: {  	_ =	swait.ge [sflag:s22], s20  }
0x9f: {  	s4 =	ssub.s32 $0x0, s20;
	[sflag:s22] =	ssyncset.done $0x0  }
0xa0: {  	[sflag:s22] =	ssyncadd.s32 s4;
	_ =	sdelay $0x1  }
0xa1: {  	s23 =	simm.s32 $0x1B8B  }
0xa2: {  	_ =	swait.ge [sflag:s23], $0x1  }
0xa3: {  	[sflag:s23] =	ssyncset.done $0x0  }
0xa4: {  	s25 =	simm.s32 $0x1B8E;
	s24 =	sld [smem:$0x3FFE];
	[sflag:s23] =	ssyncadd.s32 $0xFFFFFFFF  }
0xa5: {  	s26 =	simm.s32 $execute0_lowered;
	[smem:$0x3FD2] =	sst s25  }
0xa6: {  	s5 =	sshll.u32 s26, $0x1;
	_ =	strace $0x8000004F;
	[dreg:$0x1] =	wrdreg $0xFFFFFFFF  }
0xa7: {  	s28 =	simm.s32 $_size_execute0_lowered;
	s3 =	sadd.s32 s3, s5;
	[dreg:$0x0] =	wrdreg $0x0  }
0xa8: {  	s5 =	sshll.u32 s28, $0x1;
	[dreg:$0x2] =	wrdreg s3  }
0xa9: {  	[dreg:$0x3] =	wrdreg s5  }
0xaa: {  	[dreg:$0x4] =	wrdreg $0xC0  }
0xab: {  	_ =	task [dreg:s7], $0x5FFFF  }
0xac: {  	[dreg:$0x1] =	wrdreg $0xFFFFFFFF  }
0xad: {  	[dreg:$0x0] =	wrdreg $0x60  }
0xae: {  	[dreg:$0x2] =	wrdreg s2  }
0xaf: {  	[dreg:$0x3] =	wrdreg s24  }
0xb0: {  	[dreg:$0x4] =	wrdreg $0x9  }
0xb1: {  	_ =	task.clear_ibuf [dreg:s7], $0x5FFFF;
	_ =	strace $0x9000004F  }
0xb2: {  	s29 =	simm.s32 $0x9;
	_ =	strace $0x80000051  }
0xb3: {  	_ =	swait.ge [sflag:s29], $0x1  }
0xb4: {  	[sflag:s29] =	ssyncadd.s32 $0xFFFFFFFF  }
0xb5: {  	_ =	strace $0x90000051  }
0xb6: {  	_ =	sfence  }
0xb7: {  	s30 =	sld [smem:$0x0];
	_ =	sdelay $0x2  }
0xb8: {  	s31 =	sshll.u32 s1, $0xD;
	s1 =	sshrl.u32 s1, $0x2  }
0xb9: {  	s3 =	sand.u32 $0x4000, s31;
	s1 =	sadd.s32 s1, s30  }
0xba: {  	s0 =	sor.u32 s3, s0;
	s1 =	sshll.u32 s1, $0x11  }
0xbb: {  	s0 =	sor.u32 s1, s0  }
0xbc: {  	s0 =	sadd.s32 $0x8F2B, s0  }
0xbd: {  	[sflag:s0] =	ssyncadd.remote.s32 $0x1  }
0xbe: {  	_ =	sfence.sel $0xFFFF  }
0xbf: {  	[dreg:$0x0] =	wrdreg $0xFFFFFFFF;
	(pc) =	sbr.abs _section_cstart, $3  }
0xc0: {  	[dreg:$0x1] =	wrdreg $0xFFFFFFFF  }
0xc1: {  	_ =	task.clear_ibuf [dreg:s7], $0x2FFFF;
	_ =	strace $0x9FFFFFFF  }
0xc2: {  	(tm) =	ssettm $0x7FFFFFFF  }
0xc3: {  	_ =	shalt  }
tec
execute0_lowered:
.L_overlay_start_1:
0x0: {  	(tag) =	ssettag $0x1  }
0x1: {  	s1 =	rddreg [dreg:$0x0]  }
0x2: {  	s8 =	rddreg [dreg:$0x1]  }
0x3: {  	s0 =	rddreg [dreg:$0x2];
	s2 =	simm.s32 $0x0  }
0x4: {  	s3 =	srdreg.scid;
	s13 =	simm.s32 $0x9D00;
	s14 =	simm.s32 $0xAD00  }
0x5: {  	s15 =	simm.s32 $0xBD00;
	s16 =	simm.s32 $0xCD00;
	s17 =	simm.s32 $0x0  }
0x6: {  	[smem:$0x7FF] =	sst s2;
	s4 =	sadd.s32 $0x2C200, s8;
	s5 =	sadd.s32 $0x4E00, s8  }
0x7: {  	s9 =	sand.u32 $0x1, s3;
	s6 =	sadd.s32 $0x18800, s8;
	s3 =	stileid.u32  }
0x8: {  	s7 =	sadd.s32 $0x2CC00, s8;
	s8 =	sadd.s32 $0x40600, s8;
	s10 =	ssub.s32 $0x2, s9  }
0x9: {  	_ =	strace $0x80000050;
	s12 =	sshll.u32 s3, $0x1;
	s11 =	sshrl.u32 s10, $0x1  }
0xa: {  	s9 =	sor.u32 s9, s12;
	s12 =	simm.s32 $0x4E80;
	s10 =	ssub.s32 s10, s11  }
0xb: {  	s9 =	smul.u32 $0x4E20, s9;
	s11 =	simm.s32 $0x1;
	s10 =	smax.u32 s10, $0x1  }
.LBB2_1:
0xc: {  	[tilespmem:s2], [sflag:$0x1] =	stream.linear.gather [hbm4b:s1+s2], $0x4E80, $0x38;
	[tilespmem:$0xDD00] =	vst v63  }
0xd: {  	_ =	swait.ge [sflag:s11], $0x4E80  }
0xe: {  	[sflag:s11] =	ssyncset.done $0x0  }
0xf: {  	[sflag:s11] =	ssyncadd.s32 $0xFFFFB180  }
0x10: {  	[tilespmem:s12], [sflag:$0x1] =	stream.linear.gather [hbm4b:s4+s2], $0x4E80, $0x38;
	[tilespmem:$0xDD00] =	vst v63  }
0x11: {  	_ =	swait.ge [sflag:s11], $0x4E80  }
0x12: {  	[sflag:s11] =	ssyncset.done $0x0  }
0x13: {  	s18 =	simm.s32 $0x0;
	[sflag:s11] =	ssyncadd.s32 $0xFFFFB180  }
.LBB2_2:
0x14: {  	s19 =	smul.u32 $0xFA0, s18;
	_ =	sdelay $0x1  }
0x15: {  	s19 =	sadd.s32 s9, s19  }
0x16: {  	s19 =	sshrl.u32 s19, $0x3  }
0x17: {  	s21 =	simm.s32 $0x0;
	s20 =	sadd.s32 s5, s19  }
0x18: {  	[tilespmem:s13], [sflag:$0x1] =	stream.linear.gather [hbm4b:s20+s21], $0xFA0, $0x38;
	[tilespmem:$0xDD00] =	vst v63  }
0x19: {  	_ =	swait.ge [sflag:s11], $0xFA0  }
0x1a: {  	[sflag:s11] =	ssyncset.done $0x0  }
0x1b: {  	s31 =	sadd.s32 s6, s19;
	[sflag:s11] =	ssyncadd.s32 $0xFFFFF060  }
0x1c: {  	[tilespmem:s14], [sflag:$0x1] =	stream.linear.gather [hbm4b:s31+s21], $0xFA0, $0x38;
	[tilespmem:$0xDD00] =	vst v63  }
0x1d: {  	_ =	swait.ge [sflag:s11], $0xFA0  }
0x1e: {  	[sflag:s11] =	ssyncset.done $0x0  }
0x1f: {  	s21 =	simm.s32 $0x0;
	[sflag:s11] =	ssyncadd.s32 $0xFFFFF060  }
0x20: {  	v0 =	vld [tilespmem:s21+$0xAD00]  }
0x21: {  	v1 =	vld [tilespmem:s21+$0x9D00];
	_ =	sdelay $0x3  }
0x22: {  	v2 =	vshll.u32 v0, $0x1  }
0x23: {  	v3 =	vshll.u32 v1, $0x1  }
0x24: {  	v0 =	vor.u32 $0x1, v2  }
0x25: {  	s20 =	simm.s32 $0x10;
	v5 =	vor.u32 $0x1, v3  }
0x26: {  	v1 =	vld [tilespmem:s20+$0xAD00]  }
0x27: {  	v2 =	vld.idx.msk [tilespmem:v2+s12+$0x0], $0xffff  }
0x28: {  	v4 =	vld.idx.msk [tilespmem:v3+s2+$0x0], $0xffff  }
0x29: {  	v0 =	vld.idx.msk [tilespmem:v0+s12+$0x0], $0xffff  }
0x2a: {  	v3 =	vld.idx.msk [tilespmem:v5+s2+$0x0], $0xffff  }
0x2b: {  	s22 =	simm.s32 $0x80;
	v5 =	vld [tilespmem:s20+$0x9D00]  }
.LBB2_3:
0x2c: {  	_ = 	snop  }
0x2d: {  	p0 =	sne.s32 s22, $0x3E40;
	v6 =	vshll.u32 v1, $0x1;
	s23 =	smov.u32 s22;
	s22 =	sadd.s32 $0x40, s22  }
0x2e: {  	v7 =	vor.u32 $0x1, v6  }
0x2f: {  	v1 =	vadd.f32 v2, v4  }
0x30: {  	v0 =	vadd.f32 v0, v3;
	v4 =	vshll.u32 v5, $0x1  }
0x31: {  	s23 =	sshra.s32 s23, $0x2;
	v3 =	vor.u32 $0x1, v4;
	[tilespmem:s21+$0xBD00] =	vst v1  }
0x32: {  	v1 =	vld [tilespmem:s23+$0xAD00];
	[tilespmem:s21+$0xCD00] =	vst v0;
	s21 =	smov.u32 s20;
	s20 =	smov.u32 s23  }
.Ltmp0:
0x33: {  	v0 =	vld.idx.msk [tilespmem:v7+s12+$0x0], $0xffff;
	(pc) =	sbr.rel @p0 .LBB2_3-.Ltmp0, $4  }
0x34: {  	v2 =	vld.idx.msk [tilespmem:v6+s12+$0x0], $0xffff  }
0x35: {  	v4 =	vld.idx.msk [tilespmem:v4+s2+$0x0], $0xffff  }
0x36: {  	v3 =	vld.idx.msk [tilespmem:v3+s2+$0x0], $0xffff  }
0x37: {  	v5 =	vld [tilespmem:s20+$0x9D00]  }
0x38: {  	_ = 	snop  }
0x39: {  	v1 =	vshll.u32 v1, $0x1  }
0x3a: {  	v6 =	vor.u32 $0x1, v1  }
0x3b: {  	v2 =	vadd.f32 v2, v4  }
0x3c: {  	v0 =	vadd.f32 v0, v3;
	v62 =	vshll.u32 v5, $0x1  }
0x3d: {  	[tilespmem:s21+$0xBD00] =	vst v2;
	v63 =	vor.u32 $0x1, v62  }
0x3e: {  	[tilespmem:s21+$0xCD00] =	vst v0  }
0x3f: {  	v0 =	vld.idx.msk [tilespmem:v6+s12+$0x0], $0xffff  }
0x40: {  	v1 =	vld.idx.msk [tilespmem:v1+s12+$0x0], $0xffff  }
0x41: {  	v2 =	vld.idx.msk [tilespmem:v62+s2+$0x0], $0xffff  }
0x42: {  	v3 =	vld.idx.msk [tilespmem:v63+s2+$0x0], $0xffff;
	_ =	sdelay $0x3  }
0x43: {  	v1 =	vadd.f32 v1, v2  }
0x44: {  	v0 =	vadd.f32 v0, v3  }
0x45: {  	[tilespmem:s20+$0xBD00] =	vst v1  }
0x46: {  	s30 =	sadd.s32 s7, s19;
	[tilespmem:s20+$0xCD00] =	vst v0  }
0x47: {  	[hbm4b:s30+s2] =	stream.linear.scatter [tilespmem:s15], [sflag:$0x1], $0xFA0, $0x38;
	[tilespmem:$0xDD00] =	vst v63  }
0x48: {  	s18 =	sadd.s32 $0x1, s18;
	_ =	swait.ge [sflag:s11], $0xFA0  }
0x49: {  	p0 =	sne.s32 s18, $0x5;
	[sflag:s11] =	ssyncset.done $0x0  }
.Ltmp1:
0x4a: {  	s31 =	sadd.s32 s8, s19;
	[sflag:s11] =	ssyncadd.s32 $0xFFFFF060;
	(pc) =	sbr.rel @p0 .LBB2_2-.Ltmp1, $4  }
0x4b: {  	[hbm4b:s31+s2] =	stream.linear.scatter [tilespmem:s16], [sflag:$0x1], $0xFA0, $0x38;
	[tilespmem:$0xDD00] =	vst v63  }
0x4c: {  	_ =	swait.ge [sflag:s11], $0xFA0  }
0x4d: {  	[sflag:s11] =	ssyncset.done $0x0  }
0x4e: {  	[sflag:s11] =	ssyncadd.s32 $0xFFFFF060  }
0x4f: {  	s17 =	sadd.s32 $0x1, s17  }
0x50: {  	p0 =	sne.s32 s17, s10  }
.Ltmp2:
0x51: {  	_ = 	snop;
	(pc) =	sbr.rel @p0 .LBB2_1-.Ltmp2, $1  }
0x52: {  	_ =	sdelay $0x3  }
0x53: {  	_ =	sfence.sel $0x180000  }
0x54: {  	[bflag:$0x0] =	sbarrier.arrive $0xFFFF  }
0x55: {  	p0 =	sne.s32 s3, $0x0;
	_ =	strace $0x90000050  }
0x56: {  	s0 =	sadd.s32 @!p0 $0x100000, s0;
	[bflag:$0x2] =	sbarrier.arrive $0xFFFF  }
0x57: {  	[sflag:s0] =	ssyncadd.tile.s32 @!p0 $0x1;
	_ =	shalt  }
.Lfunc_end2:
_tile_overlayer_lowered:
.L_overlay_start_2:
0x58: {  	(tag) =	ssettag $0x2  }
0x59: {  	s0 =	rddreg [dreg:$0x0];
	s2 =	stileid.u32  }
0x5a: {  	s1 =	rddreg [dreg:$0x1];
	p0 =	sne.s32 s2, $0x0  }
0x5b: {  	s3 =	rddreg [dreg:$0x2];
	[bflag:$0x3] =	sbarrier.arrive $0xFFFF;
	s2 =	simm.s32 @!p0 $0x1C01  }
0x5c: {  	[timem:s3], [sflag:s2] =	dma.local @!p0 [hbm:s0], s1  }
0x5d: {  	s0 =	simm.s32 @!p0 $0x1  }
0x5e: {  	_ =	swait.ge @!p0 [sflag:s0], s1  }
0x5f: {  	s1 =	ssub.s32 @!p0 $0x0, s1;
	[sflag:s0] =	ssyncset.done @!p0 $0x0  }
0x60: {  	[sflag:s0] =	ssyncadd.s32 @!p0 s1  }
0x61: {  	[bflag:$0x3] =	sbarrier.arrive $0xFFFF  }
0x62: {  	_ =	shalt  }

</sc_bundles>
